<compile_context>
chip_gen: v7x
topology: tpu7x:2x2x1
jax: 0.10.2.dev20260603
libtpu: 0.0.44.dev20260713+nightly
codegen_flags: <defaults>
</compile_context>

<pallas_src>
import functools

import jax
import jax.numpy as jnp
from jax import lax
from jax.experimental import pallas as pl
from jax.experimental.pallas import tpu as pltpu
from jax.experimental.pallas import tpu_sc as plsc

_B = 128
_LANES = 16


def _matmul1_body(x_ref, w_ref, o_ref):
    h = jnp.dot(x_ref[...], w_ref[...], preferred_element_type=jnp.float32)
    o_ref[0, :, :] = h[:, :32]
    o_ref[1, :, :] = h[:, 32:]


def _mid_body(g_ref, b_ref, w_ref, o_ref):
    h = jnp.concatenate([g_ref[0, :, :], g_ref[1, :, :]], axis=1) + b_ref[...]
    h = jnp.where(h >= 0, h, 0.2 * h)
    nrm = jnp.sqrt(jnp.sum(h * h, axis=1, keepdims=True))
    y = h / jnp.maximum(nrm, 1e-12)
    h2 = jnp.dot(y, w_ref[...], preferred_element_type=jnp.float32)
    o_ref[0, :, :] = h2[:, :32]
    o_ref[1, :, :] = h2[:, 32:]


def _final_body(g_ref, b_ref, o_ref):
    h = jnp.concatenate([g_ref[0, :, :], g_ref[1, :, :]], axis=1) + b_ref[...]
    h = jnp.where(h >= 0, h, 0.2 * h)
    nrm = jnp.sqrt(jnp.sum(h * h, axis=1, keepdims=True))
    o_ref[...] = h / jnp.maximum(nrm, 1e-12)


_SBK = 8
_SBE = _SBK * _B
_PF = 2 * _SBE


def _make_sc_agg(n, npad, ept, nsb):
    zr = npad // _LANES
    wr_hi = -(-(n // _LANES) // 8) * 8
    wr_lo = n - (_LANES - 1) * wr_hi
    assert wr_lo > 0 and wr_lo % 8 == 0
    assert nsb % 2 == 0
    half = _LANES * ept + _PF
    mesh = plsc.VectorSubcoreMesh(core_axis_name="c", subcore_axis_name="s")

    @functools.partial(
        pl.kernel,
        out_type=jax.ShapeDtypeStruct((2 * n, 32), jnp.float32),
        mesh=mesh,
        scratch_types=[
            pltpu.VMEM((_SBE,), jnp.int32),
            pltpu.VMEM((_SBE,), jnp.int32),
            pltpu.VMEM((_SBE,), jnp.int32),
            pltpu.VMEM((_SBE,), jnp.int32),
            pltpu.VMEM((_B,), jnp.int32),
            pltpu.VMEM((_B,), jnp.int32),
            pltpu.VMEM((_B, 32), jnp.float32),
            pltpu.VMEM((_B, 32), jnp.float32),
            pltpu.VMEM_SHARED((npad, 32), jnp.float32),
            pltpu.SemaphoreType.DMA,
            pltpu.SemaphoreType.DMA,
            pltpu.SemaphoreType.DMA,
            pltpu.SemaphoreType.DMA,
            pltpu.SemaphoreType.DMA,
            pltpu.SemaphoreType.DMA,
            pltpu.SemaphoreType.DMA,
            pltpu.SemaphoreType.DMA,
        ],
        compiler_params=pltpu.CompilerParams(use_tc_tiling_on_sc=False),
    )
    def agg(h_hbm, srcoff_hbm, dst_hbm, zeros_hbm, out_hbm,
            sa0, sa1, da0, da1, ix0, ix1, r0, r1, acc,
            qs0, qs1, qd0, qd1, g0, g1, t0, t1):
        c = lax.axis_index("c")
        s = lax.axis_index("s")
        SA, DA, IX, R = [sa0, sa1], [da0, da1], [ix0, ix1], [r0, r1]
        QS, QD, G, T = [qs0, qs1], [qd0, qd1], [g0, g1], [t0, t1]
        sbase = c * half + s * ept
        dbase = s * ept

        def stage_issue(sb, hb):
            pltpu.async_copy(srcoff_hbm.at[pl.ds(sbase + sb * _SBE, _SBE)],
                             SA[hb], QS[hb])
            pltpu.async_copy(dst_hbm.at[pl.ds(dbase + sb * _SBE, _SBE)],
                             DA[hb], QD[hb])

        def stage_wait(hb):
            pltpu.make_async_copy(srcoff_hbm.at[pl.ds(sbase, _SBE)],
                                  SA[hb], QS[hb]).wait()
            pltpu.make_async_copy(dst_hbm.at[pl.ds(dbase, _SBE)],
                                  DA[hb], QD[hb]).wait()

        def gather_issue(hb, k, p):
            pltpu.async_copy(h_hbm.at[SA[hb].at[pl.ds(k * _B, _B)]], R[p], G[p])

        def gather_wait(p):
            pltpu.make_async_copy(h_hbm.at[SA[0].at[pl.ds(0, _B)]],
                                  R[p], G[p]).wait()

        def scatter_issue(p):
            pltpu.async_copy(R[p], acc.at[IX[p]], T[p], add=True)

        def scatter_wait(p):
            pltpu.make_async_copy(R[p], acc.at[IX[p]], T[p]).wait()

        def prep(hb, k, q):
            for j in range(_B // _LANES):
                IX[q][pl.ds(j * _LANES, _LANES)] = (
                    DA[hb][pl.ds(k * _B + j * _LANES, _LANES)])

        pltpu.sync_copy(zeros_hbm, acc.at[pl.ds(s * zr, zr)])
        plsc.subcore_barrier()

        stage_issue(0, 0)
        stage_issue(1, 1)
        trash = jnp.full((_LANES,), n, jnp.int32)
        for j in range(_B // _LANES):
            IX[1][pl.ds(j * _LANES, _LANES)] = trash
        scatter_issue(1)
        stage_wait(0)
        prep(0, 0, 0)
        gather_issue(0, 0, 0)

        def slot(sb, k, hb):
            p = k % 2
            q = 1 - p
            nk = (k + 1) % _SBK
            nh = hb if k < _SBK - 1 else 1 - hb
            gather_wait(p)
            scatter_issue(p)
            if k == _SBK - 1:
                stage_wait(nh)
            scatter_wait(q)
            prep(nh, nk, q)
            if k == _SBK - 1:
                stage_issue(sb + 2, hb)
            gather_issue(nh, nk, q)

        def pair_body(pair, carry):
            for hb in (0, 1):
                for k in range(_SBK):
                    slot(2 * pair + hb, k, hb)
            return carry

        lax.fori_loop(0, nsb // 2, pair_body, 0)

        gather_wait(0)
        scatter_wait(1)
        stage_wait(1)

        plsc.subcore_barrier()

        @pl.when(s < _LANES - 1)
        def _():
            pltpu.sync_copy(acc.at[pl.ds(s * wr_hi, wr_hi)],
                            out_hbm.at[pl.ds(c * n + s * wr_hi, wr_hi)])

        @pl.when(s == _LANES - 1)
        def _():
            base = (_LANES - 1) * wr_hi
            pltpu.sync_copy(acc.at[pl.ds(base, wr_lo)],
                            out_hbm.at[pl.ds(c * n + base, wr_lo)])

    return agg


def _make_sc_label_gather(n, lpad):
    lt = lpad // _LANES
    mesh = plsc.VectorSubcoreMesh(core_axis_name="c", subcore_axis_name="s")

    @functools.partial(
        pl.kernel,
        out_type=jax.ShapeDtypeStruct((2 * lpad, 32), jnp.float32),
        mesh=mesh,
        scratch_types=[
            pltpu.VMEM((lt,), jnp.int32),
            pltpu.VMEM((lt, 32), jnp.float32),
            pltpu.SemaphoreType.DMA,
        ],
        compiler_params=pltpu.CompilerParams(use_tc_tiling_on_sc=False),
    )
    def gather(agg_hbm, lab_hbm, out_hbm, labv, lrows, sem):
        c = lax.axis_index("c")
        s = lax.axis_index("s")
        off = s * lt
        pltpu.sync_copy(lab_hbm.at[pl.ds(off, lt)], labv)
        coff = c * n
        for j in range(lt // _LANES):
            sl = pl.ds(j * _LANES, _LANES)
            labv[sl] = labv[sl] + coff
        pltpu.async_copy(agg_hbm.at[labv], lrows, sem).wait()
        pltpu.sync_copy(lrows, out_hbm.at[pl.ds(c * lpad + off, lt)])

    return gather


def kernel(feat, edges, label_idx, w1, b1, w2, b2):
    n, d_in = feat.shape
    e = edges.shape[0]
    l = label_idx.shape[0]
    d_h = w1.shape[1]
    assert d_h == 64 and n % _LANES == 0

    nsb = 2 * -(-e // (_LANES * _SBE * 2))
    ept = nsb * _SBE
    epad = _LANES * ept
    npad = -(-(n + 1) // _LANES) * _LANES
    src = jnp.concatenate([edges[:, 0], jnp.zeros((epad - e,), jnp.int32)])
    dst = jnp.concatenate([edges[:, 1], jnp.full((epad - e,), n, jnp.int32),
                           jnp.full((_PF,), n, jnp.int32)])
    srcoff = jnp.concatenate([src, jnp.zeros((_PF,), jnp.int32),
                              src + n, jnp.zeros((_PF,), jnp.int32)])
    zeros_blk = jnp.zeros((npad // _LANES, 32), jnp.float32)

    lpad = -(-l // (_LANES * _LANES)) * _LANES * _LANES
    lab = jnp.concatenate([label_idx, jnp.zeros((lpad - l,), jnp.int32)])

    bm = 400
    h1 = pl.pallas_call(
        _matmul1_body,
        grid=(n // bm,),
        in_specs=[
            pl.BlockSpec((bm, d_in), lambda i: (i, 0)),
            pl.BlockSpec((d_in, d_h), lambda i: (0, 0)),
        ],
        out_specs=pl.BlockSpec((2, bm, 32), lambda i: (0, i, 0)),
        out_shape=jax.ShapeDtypeStruct((2, n, 32), jnp.float32),
    )(feat, w1).reshape(2 * n, 32)

    agg_fn = _make_sc_agg(n, npad, ept, nsb)
    agg1 = agg_fn(h1, srcoff, dst, zeros_blk)

    h2 = pl.pallas_call(
        _mid_body,
        grid=(n // bm,),
        in_specs=[
            pl.BlockSpec((2, bm, 32), lambda i: (0, i, 0)),
            pl.BlockSpec((1, d_h), lambda i: (0, 0)),
            pl.BlockSpec((d_h, d_h), lambda i: (0, 0)),
        ],
        out_specs=pl.BlockSpec((2, bm, 32), lambda i: (0, i, 0)),
        out_shape=jax.ShapeDtypeStruct((2, n, 32), jnp.float32),
    )(agg1.reshape(2, n, 32), b1.reshape(1, d_h), w2).reshape(2 * n, 32)

    agg2 = agg_fn(h2, srcoff, dst, zeros_blk)

    gat = _make_sc_label_gather(n, lpad)(agg2, lab)

    out = pl.pallas_call(
        _final_body,
        grid=(1,),
        in_specs=[
            pl.BlockSpec((2, lpad, 32), lambda i: (0, 0, 0)),
            pl.BlockSpec((1, d_h), lambda i: (0, 0)),
        ],
        out_specs=pl.BlockSpec((lpad, d_h), lambda i: (0, 0)),
        out_shape=jax.ShapeDtypeStruct((lpad, d_h), jnp.float32),
    )(gat.reshape(2, lpad, 32), b2.reshape(1, d_h))

    return out[:l]

# --- scband reference (transcript-rebuilt; emitter-appended) ---
"""Pipeline reference for scband-sgcn-23072564314739 (READ-ONLY COPY).

The authoritative reference and input builder live on the scoring server;
editing this copy changes nothing except your own understanding.
"""

import jax, jax.numpy as jnp
import numpy as np

N = 50000
E = 800000
L = 1000
D_IN = 300
D_H = 64


def setup_inputs(seed: int = 0) -> dict:
    key = jax.random.key(seed)
    k1, k2, k3, k4, k5 = jax.random.split(key, 5)
    feat = jax.random.normal(k1, (N, D_IN), dtype=jnp.float32)
    edges = jax.random.randint(k2, (E, 2), 0, N, dtype=jnp.int32)
    label_idx = jax.random.randint(k3, (L,), 0, N, dtype=jnp.int32)
    # xavier_uniform_ init for GraphConv weights
    bound1 = float(np.sqrt(6.0 / (D_IN + D_H)))
    bound2 = float(np.sqrt(6.0 / (D_H + D_H)))
    w1 = jax.random.uniform(k4, (D_IN, D_H), dtype=jnp.float32, minval=-bound1, maxval=bound1)
    w2 = jax.random.uniform(k5, (D_H, D_H), dtype=jnp.float32, minval=-bound2, maxval=bound2)
    b1 = jnp.zeros((D_H,), dtype=jnp.float32)
    b2 = jnp.zeros((D_H,), dtype=jnp.float32)
    return {"feat": feat, "edges": edges, "label_idx": label_idx, "w1": w1, "b1": b1, "w2": w2, "b2": b2}


def reference(feat, edges, label_idx, w1, b1, w2, b2):
    # adj = coo((ones, (edges[:,0], edges[:,1])), (n, n)); normt_spm(adj, 'in')
    # method='in': adj = adj.T, then row-normalize by rowsum (= in-degree of original graph).
    # So (adj @ H)[dst] = sum_{(src,dst) in edges} H[src] / in_deg[dst]
    src = edges[:, 0]
    dst = edges[:, 1]
    deg = jax.ops.segment_sum(jnp.ones((E,), dtype=jnp.float32), dst, num_segments=N)
    d = deg[dst]
    vals = jnp.where(d > 0, 1.0 / jnp.maximum(d, 1.0), 0.0)

    def conv(x, w, b):
        h = x @ w
        h = jax.ops.segment_sum(h[src] * vals[:, None], dst, num_segments=N) + b
        # LeakyReLU(0.2)
        h = jnp.where(h >= 0, h, 0.2 * h)
        # F.normalize (L2, dim=1, eps=1e-12)
        nrm = jnp.sqrt(jnp.sum(h * h, axis=1, keepdims=True))
        return h / jnp.maximum(nrm, 1e-12)

    x = conv(feat, w1, b1)   # dropout disabled (eval mode)
    x = conv(x, w2, b2)
    return x[label_idx]

if __name__ == "__main__":
    import jax
    _d = setup_inputs()
    print(jax.jit(kernel)(*tuple(_d.values())))

</pallas_src>

<mosaic_0001>
#map = affine_map<(d0, d1) -> (0, 0)>
#map1 = affine_map<(d0, d1) -> (0)>
module attributes {stable_mosaic.version = 14 : i64} {
  func.func @gather(%arg0: i32, %arg1: i32, %arg2: memref<100000x32xf32, #tpu.memory_space<hbm>>, %arg3: memref<1024xi32, #tpu.memory_space<hbm>>, %arg4: memref<2048x32xf32, #tpu.memory_space<hbm>>, %arg5: memref<64xi32, #tpu.memory_space<vmem>>, %arg6: memref<64x32xf32, #tpu.memory_space<vmem>>, %arg7: memref<!tpu.dma_semaphore, #tpu.memory_space<semaphore_mem>>) attributes {dimension_semantics = [#tpu.dimension_semantics<core_parallel>, #tpu.dimension_semantics<subcore_parallel>], iteration_bounds = array<i64: 2, 16>, scalar_prefetch = 0 : i64, scratch_operands = 3 : i64, tpu.core_type = #tpu.core_type<sc_vector_subcore>, window_params = [{transform_indices = #map}, {transform_indices = #map1}, {transform_indices = #map}]} {
    %mul3A = arith.constant 64 : i32
    %mul3A_0 = arith.muli %arg1, %mul3A : i32
    "tpu.region"() ({
      %run_scoped3A = tpu.sem_alloc : memref<!tpu.dma_semaphore, #tpu.memory_space<semaphore_mem>>
      %dma_start3A_43 = tpu.memref_slice %arg3[%mul3A_0] : memref<1024xi32, #tpu.memory_space<hbm>> -> memref<64xi32, #tpu.memory_space<hbm>>
      %dma_start3A_44 = tpu.memref_slice %arg3[%mul3A_0] : memref<1024xi32, #tpu.memory_space<hbm>> -> memref<64xi32, #tpu.memory_space<hbm>>
      tpu.enqueue_dma source(%dma_start3A_44 : memref<64xi32, #tpu.memory_space<hbm>>) target(%arg5 : memref<64xi32, #tpu.memory_space<vmem>>) target_semaphore(%run_scoped3A : memref<!tpu.dma_semaphore, #tpu.memory_space<semaphore_mem>>)
      %dma_wait3A_45 = tpu.memref_slice %arg3[%mul3A_0] : memref<1024xi32, #tpu.memory_space<hbm>> -> memref<64xi32, #tpu.memory_space<hbm>>
      %dma_wait3A_46 = tpu.memref_slice %arg3[%mul3A_0] : memref<1024xi32, #tpu.memory_space<hbm>> -> memref<64xi32, #tpu.memory_space<hbm>>
      tpu.wait_dma2 semaphore(%run_scoped3A : memref<!tpu.dma_semaphore, #tpu.memory_space<semaphore_mem>>) src(%dma_wait3A_46 : memref<64xi32, #tpu.memory_space<hbm>>) dst(%arg5 : memref<64xi32, #tpu.memory_space<vmem>>)
      tpu.yield
    }) : () -> ()
    %mul3A_1 = arith.constant 50000 : i32
    %mul3A_2 = arith.muli %arg0, %mul3A_1 : i32
    %get3A = arith.constant 0 : index
    %get3A_3 = tpu.vector_load %arg5[%get3A] {strides = array<i32>} : memref<64xi32, #tpu.memory_space<vmem>>, vector<16xi32>,
    %get3A_4 = vector.shape_cast %get3A_3 : vector<16xi32> to vector<16xi32>
    %add3A = vector.broadcast %mul3A_2 : i32 to vector<16xi32>
    %add3A_5 = arith.addi %get3A_4, %add3A : vector<16xi32>
    %swap3A = arith.constant 0 : index
    %swap3A_6 = tpu.vector_load %arg5[%swap3A] {strides = array<i32>} : memref<64xi32, #tpu.memory_space<vmem>>, vector<16xi32>,
    %swap3A_7 = vector.shape_cast %swap3A_6 : vector<16xi32> to vector<16xi32>
    %swap3A_8 = vector.shape_cast %add3A_5 : vector<16xi32> to vector<16xi32>
    tpu.vector_store %arg5[%swap3A], %swap3A_8 {strides = array<i32>} : memref<64xi32, #tpu.memory_space<vmem>>, vector<16xi32>,
    %get3A_9 = arith.constant 16 : index
    %get3A_10 = tpu.vector_load %arg5[%get3A_9] {strides = array<i32>} : memref<64xi32, #tpu.memory_space<vmem>>, vector<16xi32>,
    %get3A_11 = vector.shape_cast %get3A_10 : vector<16xi32> to vector<16xi32>
    %add3A_12 = vector.broadcast %mul3A_2 : i32 to vector<16xi32>
    %add3A_13 = arith.addi %get3A_11, %add3A_12 : vector<16xi32>
    %swap3A_14 = arith.constant 16 : index
    %swap3A_15 = tpu.vector_load %arg5[%swap3A_14] {strides = array<i32>} : memref<64xi32, #tpu.memory_space<vmem>>, vector<16xi32>,
    %swap3A_16 = vector.shape_cast %swap3A_15 : vector<16xi32> to vector<16xi32>
    %swap3A_17 = vector.shape_cast %add3A_13 : vector<16xi32> to vector<16xi32>
    tpu.vector_store %arg5[%swap3A_14], %swap3A_17 {strides = array<i32>} : memref<64xi32, #tpu.memory_space<vmem>>, vector<16xi32>,
    %get3A_18 = arith.constant 32 : index
    %get3A_19 = tpu.vector_load %arg5[%get3A_18] {strides = array<i32>} : memref<64xi32, #tpu.memory_space<vmem>>, vector<16xi32>,
    %get3A_20 = vector.shape_cast %get3A_19 : vector<16xi32> to vector<16xi32>
    %add3A_21 = vector.broadcast %mul3A_2 : i32 to vector<16xi32>
    %add3A_22 = arith.addi %get3A_20, %add3A_21 : vector<16xi32>
    %swap3A_23 = arith.constant 32 : index
    %swap3A_24 = tpu.vector_load %arg5[%swap3A_23] {strides = array<i32>} : memref<64xi32, #tpu.memory_space<vmem>>, vector<16xi32>,
    %swap3A_25 = vector.shape_cast %swap3A_24 : vector<16xi32> to vector<16xi32>
    %swap3A_26 = vector.shape_cast %add3A_22 : vector<16xi32> to vector<16xi32>
    tpu.vector_store %arg5[%swap3A_23], %swap3A_26 {strides = array<i32>} : memref<64xi32, #tpu.memory_space<vmem>>, vector<16xi32>,
    %get3A_27 = arith.constant 48 : index
    %get3A_28 = tpu.vector_load %arg5[%get3A_27] {strides = array<i32>} : memref<64xi32, #tpu.memory_space<vmem>>, vector<16xi32>,
    %get3A_29 = vector.shape_cast %get3A_28 : vector<16xi32> to vector<16xi32>
    %add3A_30 = vector.broadcast %mul3A_2 : i32 to vector<16xi32>
    %add3A_31 = arith.addi %get3A_29, %add3A_30 : vector<16xi32>
    %swap3A_32 = arith.constant 48 : index
    %swap3A_33 = tpu.vector_load %arg5[%swap3A_32] {strides = array<i32>} : memref<64xi32, #tpu.memory_space<vmem>>, vector<16xi32>,
    %swap3A_34 = vector.shape_cast %swap3A_33 : vector<16xi32> to vector<16xi32>
    %swap3A_35 = vector.shape_cast %add3A_31 : vector<16xi32> to vector<16xi32>
    tpu.vector_store %arg5[%swap3A_32], %swap3A_35 {strides = array<i32>} : memref<64xi32, #tpu.memory_space<vmem>>, vector<16xi32>,
    %dma_start3A = arith.constant 0 : i32
    %dma_start3A_36 = arith.constant 0 : i32
    %dma_start3A_37 = tpu.memref_slice %arg2[%dma_start3A, %dma_start3A_36] : memref<100000x32xf32, #tpu.memory_space<hbm>> -> memref<100000x32xf32, #tpu.memory_space<hbm>>
    tpu.enqueue_indirect_dma source(%dma_start3A_37 : memref<100000x32xf32, #tpu.memory_space<hbm>>) target(%arg6 : memref<64x32xf32, #tpu.memory_space<vmem>>) offsets(%arg5 : memref<64xi32, #tpu.memory_space<vmem>>) semaphore(%arg7 : memref<!tpu.dma_semaphore, #tpu.memory_space<semaphore_mem>>)
    %dma_wait3A = arith.constant 0 : i32
    %dma_wait3A_38 = arith.constant 0 : i32
    %dma_wait3A_39 = tpu.memref_slice %arg2[%dma_wait3A, %dma_wait3A_38] : memref<100000x32xf32, #tpu.memory_space<hbm>> -> memref<100000x32xf32, #tpu.memory_space<hbm>>
    tpu.wait_indirect_dma semaphore(%arg7 : memref<!tpu.dma_semaphore, #tpu.memory_space<semaphore_mem>>) src(%dma_wait3A_39 : memref<100000x32xf32, #tpu.memory_space<hbm>>) dst(%arg6 : memref<64x32xf32, #tpu.memory_space<vmem>>)
    %mul3A_40 = arith.constant 1024 : i32
    %mul3A_41 = arith.muli %arg0, %mul3A_40 : i32
    %add3A_42 = arith.addi %mul3A_41, %mul3A_0 : i32
    "tpu.region"() ({
      %run_scoped3A = tpu.sem_alloc : memref<!tpu.dma_semaphore, #tpu.memory_space<semaphore_mem>>
      %dma_start3A_43 = arith.constant 0 : i32
      %dma_start3A_44 = tpu.memref_slice %arg4[%add3A_42, %dma_start3A_43] : memref<2048x32xf32, #tpu.memory_space<hbm>> -> memref<64x32xf32, #tpu.memory_space<hbm>>
      %dma_start3A_45 = arith.constant 0 : i32
      %dma_start3A_46 = tpu.memref_slice %arg4[%add3A_42, %dma_start3A_45] : memref<2048x32xf32, #tpu.memory_space<hbm>> -> memref<64x32xf32, #tpu.memory_space<hbm>>
      tpu.enqueue_dma source(%arg6 : memref<64x32xf32, #tpu.memory_space<vmem>>) target(%dma_start3A_46 : memref<64x32xf32, #tpu.memory_space<hbm>>) target_semaphore(%run_scoped3A : memref<!tpu.dma_semaphore, #tpu.memory_space<semaphore_mem>>)
      %dma_wait3A_47 = arith.constant 0 : i32
      %dma_wait3A_48 = tpu.memref_slice %arg4[%add3A_42, %dma_wait3A_47] : memref<2048x32xf32, #tpu.memory_space<hbm>> -> memref<64x32xf32, #tpu.memory_space<hbm>>
      %dma_wait3A_49 = arith.constant 0 : i32
      %dma_wait3A_50 = tpu.memref_slice %arg4[%add3A_42, %dma_wait3A_49] : memref<2048x32xf32, #tpu.memory_space<hbm>> -> memref<64x32xf32, #tpu.memory_space<hbm>>
      tpu.wait_dma2 semaphore(%run_scoped3A : memref<!tpu.dma_semaphore, #tpu.memory_space<semaphore_mem>>) src(%arg6 : memref<64x32xf32, #tpu.memory_space<vmem>>) dst(%dma_wait3A_50 : memref<64x32xf32, #tpu.memory_space<hbm>>)
      tpu.yield
    }) : () -> ()
    return
  }
}

#map = affine_map<(d0, d1) -> (0, 0)>
#map1 = affine_map<(d0, d1) -> (0)>
module attributes {stable_mosaic.version = 14 : i64} {
  func.func @agg(%arg0: i32, %arg1: i32, %arg2: memref<100000x32xf32, #tpu.memory_space<hbm>>, %arg3: memref<1642496xi32, #tpu.memory_space<hbm>>, %arg4: memref<821248xi32, #tpu.memory_space<hbm>>, %arg5: memref<3126x32xf32, #tpu.memory_space<hbm>>, %arg6: memref<100000x32xf32, #tpu.memory_space<hbm>>, %arg7: memref<1024xi32, #tpu.memory_space<vmem>>, %arg8: memref<1024xi32, #tpu.memory_space<vmem>>, %arg9: memref<1024xi32, #tpu.memory_space<vmem>>, %arg10: memref<1024xi32, #tpu.memory_space<vmem>>, %arg11: memref<128xi32, #tpu.memory_space<vmem>>, %arg12: memref<128xi32, #tpu.memory_space<vmem>>, %arg13: memref<128x32xf32, #tpu.memory_space<vmem>>, %arg14: memref<128x32xf32, #tpu.memory_space<vmem>>, %arg15: memref<50016x32xf32, #tpu.memory_space<vmem_shared>>, %arg16: memref<!tpu.dma_semaphore, #tpu.memory_space<semaphore_mem>>, %arg17: memref<!tpu.dma_semaphore, #tpu.memory_space<semaphore_mem>>, %arg18: memref<!tpu.dma_semaphore, #tpu.memory_space<semaphore_mem>>, %arg19: memref<!tpu.dma_semaphore, #tpu.memory_space<semaphore_mem>>, %arg20: memref<!tpu.dma_semaphore, #tpu.memory_space<semaphore_mem>>, %arg21: memref<!tpu.dma_semaphore, #tpu.memory_space<semaphore_mem>>, %arg22: memref<!tpu.dma_semaphore, #tpu.memory_space<semaphore_mem>>, %arg23: memref<!tpu.dma_semaphore, #tpu.memory_space<semaphore_mem>>) attributes {dimension_semantics = [#tpu.dimension_semantics<core_parallel>, #tpu.dimension_semantics<subcore_parallel>], iteration_bounds = array<i64: 2, 16>, scalar_prefetch = 0 : i64, scratch_operands = 17 : i64, tpu.core_type = #tpu.core_type<sc_vector_subcore>, window_params = [{transform_indices = #map}, {transform_indices = #map1}, {transform_indices = #map1}, {transform_indices = #map}, {transform_indices = #map}]} {
    %mul3A = arith.constant 821248 : i32
    %mul3A_0 = arith.muli %arg0, %mul3A : i32
    %mul3A_1 = arith.constant 51200 : i32
    %mul3A_2 = arith.muli %arg1, %mul3A_1 : i32
    %add3A = arith.addi %mul3A_0, %mul3A_2 : i32
    %mul3A_3 = arith.constant 51200 : i32
    %mul3A_4 = arith.muli %arg1, %mul3A_3 : i32
    %mul3A_5 = arith.constant 3126 : i32
    %mul3A_6 = arith.muli %arg1, %mul3A_5 : i32
    "tpu.region"() ({
      %run_scoped3A = tpu.sem_alloc : memref<!tpu.dma_semaphore, #tpu.memory_space<semaphore_mem>>
      %dma_start3A_144 = arith.constant 0 : i32
      %dma_start3A_145 = tpu.memref_slice %arg15[%mul3A_6, %dma_start3A_144] : memref<50016x32xf32, #tpu.memory_space<vmem_shared>> -> memref<3126x32xf32, #tpu.memory_space<vmem_shared>>
      tpu.enqueue_dma source(%arg5 : memref<3126x32xf32, #tpu.memory_space<hbm>>) target(%dma_start3A_145 : memref<3126x32xf32, #tpu.memory_space<vmem_shared>>) target_semaphore(%run_scoped3A : memref<!tpu.dma_semaphore, #tpu.memory_space<semaphore_mem>>)
      %dma_wait3A_146 = arith.constant 0 : i32
      %dma_wait3A_147 = tpu.memref_slice %arg15[%mul3A_6, %dma_wait3A_146] : memref<50016x32xf32, #tpu.memory_space<vmem_shared>> -> memref<3126x32xf32, #tpu.memory_space<vmem_shared>>
      tpu.wait_dma2 semaphore(%run_scoped3A : memref<!tpu.dma_semaphore, #tpu.memory_space<semaphore_mem>>) src(%arg5 : memref<3126x32xf32, #tpu.memory_space<hbm>>) dst(%dma_wait3A_147 : memref<3126x32xf32, #tpu.memory_space<vmem_shared>>)
      tpu.yield
    }) : () -> ()
    %barrier3A = arith.constant 0 : index
    tpu.barrier barrier_id(%barrier3A)
    %add3A_7 = arith.constant 0 : i32
    %add3A_8 = arith.addi %add3A, %add3A_7 : i32
    %dma_start3A = tpu.memref_slice %arg3[%add3A_8] : memref<1642496xi32, #tpu.memory_space<hbm>> -> memref<1024xi32, #tpu.memory_space<hbm>>
    %dma_start3A_9 = tpu.memref_slice %arg3[%add3A_8] : memref<1642496xi32, #tpu.memory_space<hbm>> -> memref<1024xi32, #tpu.memory_space<hbm>>
    tpu.enqueue_dma source(%dma_start3A_9 : memref<1024xi32, #tpu.memory_space<hbm>>) target(%arg7 : memref<1024xi32, #tpu.memory_space<vmem>>) target_semaphore(%arg16 : memref<!tpu.dma_semaphore, #tpu.memory_space<semaphore_mem>>)
    %add3A_10 = arith.constant 0 : i32
    %add3A_11 = arith.addi %mul3A_4, %add3A_10 : i32
    %dma_start3A_12 = tpu.memref_slice %arg4[%add3A_11] : memref<821248xi32, #tpu.memory_space<hbm>> -> memref<1024xi32, #tpu.memory_space<hbm>>
    %dma_start3A_13 = tpu.memref_slice %arg4[%add3A_11] : memref<821248xi32, #tpu.memory_space<hbm>> -> memref<1024xi32, #tpu.memory_space<hbm>>
    tpu.enqueue_dma source(%dma_start3A_13 : memref<1024xi32, #tpu.memory_space<hbm>>) target(%arg9 : memref<1024xi32, #tpu.memory_space<vmem>>) target_semaphore(%arg18 : memref<!tpu.dma_semaphore, #tpu.memory_space<semaphore_mem>>)
    %add3A_14 = arith.constant 1024 : i32
    %add3A_15 = arith.addi %add3A, %add3A_14 : i32
    %dma_start3A_16 = tpu.memref_slice %arg3[%add3A_15] : memref<1642496xi32, #tpu.memory_space<hbm>> -> memref<1024xi32, #tpu.memory_space<hbm>>
    %dma_start3A_17 = tpu.memref_slice %arg3[%add3A_15] : memref<1642496xi32, #tpu.memory_space<hbm>> -> memref<1024xi32, #tpu.memory_space<hbm>>
    tpu.enqueue_dma source(%dma_start3A_17 : memref<1024xi32, #tpu.memory_space<hbm>>) target(%arg8 : memref<1024xi32, #tpu.memory_space<vmem>>) target_semaphore(%arg17 : memref<!tpu.dma_semaphore, #tpu.memory_space<semaphore_mem>>)
    %add3A_18 = arith.constant 1024 : i32
    %add3A_19 = arith.addi %mul3A_4, %add3A_18 : i32
    %dma_start3A_20 = tpu.memref_slice %arg4[%add3A_19] : memref<821248xi32, #tpu.memory_space<hbm>> -> memref<1024xi32, #tpu.memory_space<hbm>>
    %dma_start3A_21 = tpu.memref_slice %arg4[%add3A_19] : memref<821248xi32, #tpu.memory_space<hbm>> -> memref<1024xi32, #tpu.memory_space<hbm>>
    tpu.enqueue_dma source(%dma_start3A_21 : memref<1024xi32, #tpu.memory_space<hbm>>) target(%arg10 : memref<1024xi32, #tpu.memory_space<vmem>>) target_semaphore(%arg19 : memref<!tpu.dma_semaphore, #tpu.memory_space<semaphore_mem>>)
    %broadcast_in_dim3A = arith.constant 50000 : i32
    %broadcast_in_dim3A_22 = vector.broadcast %broadcast_in_dim3A : i32 to vector<16xi32>
    %swap3A = arith.constant 0 : index
    %swap3A_23 = tpu.vector_load %arg12[%swap3A] {strides = array<i32>} : memref<128xi32, #tpu.memory_space<vmem>>, vector<16xi32>,
    %swap3A_24 = vector.shape_cast %swap3A_23 : vector<16xi32> to vector<16xi32>
    %swap3A_25 = vector.shape_cast %broadcast_in_dim3A_22 : vector<16xi32> to vector<16xi32>
    tpu.vector_store %arg12[%swap3A], %swap3A_25 {strides = array<i32>} : memref<128xi32, #tpu.memory_space<vmem>>, vector<16xi32>,
    %swap3A_26 = arith.constant 16 : index
    %swap3A_27 = tpu.vector_load %arg12[%swap3A_26] {strides = array<i32>} : memref<128xi32, #tpu.memory_space<vmem>>, vector<16xi32>,
    %swap3A_28 = vector.shape_cast %swap3A_27 : vector<16xi32> to vector<16xi32>
    %swap3A_29 = vector.shape_cast %broadcast_in_dim3A_22 : vector<16xi32> to vector<16xi32>
    tpu.vector_store %arg12[%swap3A_26], %swap3A_29 {strides = array<i32>} : memref<128xi32, #tpu.memory_space<vmem>>, vector<16xi32>,
    %swap3A_30 = arith.constant 32 : index
    %swap3A_31 = tpu.vector_load %arg12[%swap3A_30] {strides = array<i32>} : memref<128xi32, #tpu.memory_space<vmem>>, vector<16xi32>,
    %swap3A_32 = vector.shape_cast %swap3A_31 : vector<16xi32> to vector<16xi32>
    %swap3A_33 = vector.shape_cast %broadcast_in_dim3A_22 : vector<16xi32> to vector<16xi32>
    tpu.vector_store %arg12[%swap3A_30], %swap3A_33 {strides = array<i32>} : memref<128xi32, #tpu.memory_space<vmem>>, vector<16xi32>,
    %swap3A_34 = arith.constant 48 : index
    %swap3A_35 = tpu.vector_load %arg12[%swap3A_34] {strides = array<i32>} : memref<128xi32, #tpu.memory_space<vmem>>, vector<16xi32>,
    %swap3A_36 = vector.shape_cast %swap3A_35 : vector<16xi32> to vector<16xi32>
    %swap3A_37 = vector.shape_cast %broadcast_in_dim3A_22 : vector<16xi32> to vector<16xi32>
    tpu.vector_store %arg12[%swap3A_34], %swap3A_37 {strides = array<i32>} : memref<128xi32, #tpu.memory_space<vmem>>, vector<16xi32>,
    %swap3A_38 = arith.constant 64 : index
    %swap3A_39 = tpu.vector_load %arg12[%swap3A_38] {strides = array<i32>} : memref<128xi32, #tpu.memory_space<vmem>>, vector<16xi32>,
    %swap3A_40 = vector.shape_cast %swap3A_39 : vector<16xi32> to vector<16xi32>
    %swap3A_41 = vector.shape_cast %broadcast_in_dim3A_22 : vector<16xi32> to vector<16xi32>
    tpu.vector_store %arg12[%swap3A_38], %swap3A_41 {strides = array<i32>} : memref<128xi32, #tpu.memory_space<vmem>>, vector<16xi32>,
    %swap3A_42 = arith.constant 80 : index
    %swap3A_43 = tpu.vector_load %arg12[%swap3A_42] {strides = array<i32>} : memref<128xi32, #tpu.memory_space<vmem>>, vector<16xi32>,
    %swap3A_44 = vector.shape_cast %swap3A_43 : vector<16xi32> to vector<16xi32>
    %swap3A_45 = vector.shape_cast %broadcast_in_dim3A_22 : vector<16xi32> to vector<16xi32>
    tpu.vector_store %arg12[%swap3A_42], %swap3A_45 {strides = array<i32>} : memref<128xi32, #tpu.memory_space<vmem>>, vector<16xi32>,
    %swap3A_46 = arith.constant 96 : index
    %swap3A_47 = tpu.vector_load %arg12[%swap3A_46] {strides = array<i32>} : memref<128xi32, #tpu.memory_space<vmem>>, vector<16xi32>,
    %swap3A_48 = vector.shape_cast %swap3A_47 : vector<16xi32> to vector<16xi32>
    %swap3A_49 = vector.shape_cast %broadcast_in_dim3A_22 : vector<16xi32> to vector<16xi32>
    tpu.vector_store %arg12[%swap3A_46], %swap3A_49 {strides = array<i32>} : memref<128xi32, #tpu.memory_space<vmem>>, vector<16xi32>,
    %swap3A_50 = arith.constant 112 : index
    %swap3A_51 = tpu.vector_load %arg12[%swap3A_50] {strides = array<i32>} : memref<128xi32, #tpu.memory_space<vmem>>, vector<16xi32>,
    %swap3A_52 = vector.shape_cast %swap3A_51 : vector<16xi32> to vector<16xi32>
    %swap3A_53 = vector.shape_cast %broadcast_in_dim3A_22 : vector<16xi32> to vector<16xi32>
    tpu.vector_store %arg12[%swap3A_50], %swap3A_53 {strides = array<i32>} : memref<128xi32, #tpu.memory_space<vmem>>, vector<16xi32>,
    %dma_start3A_54 = arith.constant 0 : i32
    %dma_start3A_55 = arith.constant 0 : i32
    %dma_start3A_56 = tpu.memref_slice %arg15[%dma_start3A_54, %dma_start3A_55] : memref<50016x32xf32, #tpu.memory_space<vmem_shared>> -> memref<50016x32xf32, #tpu.memory_space<vmem_shared>>
    tpu.enqueue_indirect_dma source(%arg14 : memref<128x32xf32, #tpu.memory_space<vmem>>) target(%dma_start3A_56 : memref<50016x32xf32, #tpu.memory_space<vmem_shared>>) offsets(%arg12 : memref<128xi32, #tpu.memory_space<vmem>>) semaphore(%arg23 : memref<!tpu.dma_semaphore, #tpu.memory_space<semaphore_mem>>) {add = true}
    %dma_wait3A = tpu.memref_slice %arg3[%add3A] : memref<1642496xi32, #tpu.memory_space<hbm>> -> memref<1024xi32, #tpu.memory_space<hbm>>
    %dma_wait3A_57 = tpu.memref_slice %arg3[%add3A] : memref<1642496xi32, #tpu.memory_space<hbm>> -> memref<1024xi32, #tpu.memory_space<hbm>>
    tpu.wait_dma2 semaphore(%arg16 : memref<!tpu.dma_semaphore, #tpu.memory_space<semaphore_mem>>) src(%dma_wait3A_57 : memref<1024xi32, #tpu.memory_space<hbm>>) dst(%arg7 : memref<1024xi32, #tpu.memory_space<vmem>>)
    %dma_wait3A_58 = tpu.memref_slice %arg4[%mul3A_4] : memref<821248xi32, #tpu.memory_space<hbm>> -> memref<1024xi32, #tpu.memory_space<hbm>>
    %dma_wait3A_59 = tpu.memref_slice %arg4[%mul3A_4] : memref<821248xi32, #tpu.memory_space<hbm>> -> memref<1024xi32, #tpu.memory_space<hbm>>
    tpu.wait_dma2 semaphore(%arg18 : memref<!tpu.dma_semaphore, #tpu.memory_space<semaphore_mem>>) src(%dma_wait3A_59 : memref<1024xi32, #tpu.memory_space<hbm>>) dst(%arg9 : memref<1024xi32, #tpu.memory_space<vmem>>)
    %get3A = arith.constant 0 : index
    %get3A_60 = tpu.vector_load %arg9[%get3A] {strides = array<i32>} : memref<1024xi32, #tpu.memory_space<vmem>>, vector<16xi32>,
    %get3A_61 = vector.shape_cast %get3A_60 : vector<16xi32> to vector<16xi32>
    %swap3A_62 = arith.constant 0 : index
    %swap3A_63 = tpu.vector_load %arg11[%swap3A_62] {strides = array<i32>} : memref<128xi32, #tpu.memory_space<vmem>>, vector<16xi32>,
    %swap3A_64 = vector.shape_cast %swap3A_63 : vector<16xi32> to vector<16xi32>
    %swap3A_65 = vector.shape_cast %get3A_61 : vector<16xi32> to vector<16xi32>
    tpu.vector_store %arg11[%swap3A_62], %swap3A_65 {strides = array<i32>} : memref<128xi32, #tpu.memory_space<vmem>>, vector<16xi32>,
    %get3A_66 = arith.constant 16 : index
    %get3A_67 = tpu.vector_load %arg9[%get3A_66] {strides = array<i32>} : memref<1024xi32, #tpu.memory_space<vmem>>, vector<16xi32>,
    %get3A_68 = vector.shape_cast %get3A_67 : vector<16xi32> to vector<16xi32>
    %swap3A_69 = arith.constant 16 : index
    %swap3A_70 = tpu.vector_load %arg11[%swap3A_69] {strides = array<i32>} : memref<128xi32, #tpu.memory_space<vmem>>, vector<16xi32>,
    %swap3A_71 = vector.shape_cast %swap3A_70 : vector<16xi32> to vector<16xi32>
    %swap3A_72 = vector.shape_cast %get3A_68 : vector<16xi32> to vector<16xi32>
    tpu.vector_store %arg11[%swap3A_69], %swap3A_72 {strides = array<i32>} : memref<128xi32, #tpu.memory_space<vmem>>, vector<16xi32>,
    %get3A_73 = arith.constant 32 : index
    %get3A_74 = tpu.vector_load %arg9[%get3A_73] {strides = array<i32>} : memref<1024xi32, #tpu.memory_space<vmem>>, vector<16xi32>,
    %get3A_75 = vector.shape_cast %get3A_74 : vector<16xi32> to vector<16xi32>
    %swap3A_76 = arith.constant 32 : index
    %swap3A_77 = tpu.vector_load %arg11[%swap3A_76] {strides = array<i32>} : memref<128xi32, #tpu.memory_space<vmem>>, vector<16xi32>,
    %swap3A_78 = vector.shape_cast %swap3A_77 : vector<16xi32> to vector<16xi32>
    %swap3A_79 = vector.shape_cast %get3A_75 : vector<16xi32> to vector<16xi32>
    tpu.vector_store %arg11[%swap3A_76], %swap3A_79 {strides = array<i32>} : memref<128xi32, #tpu.memory_space<vmem>>, vector<16xi32>,
    %get3A_80 = arith.constant 48 : index
    %get3A_81 = tpu.vector_load %arg9[%get3A_80] {strides = array<i32>} : memref<1024xi32, #tpu.memory_space<vmem>>, vector<16xi32>,
    %get3A_82 = vector.shape_cast %get3A_81 : vector<16xi32> to vector<16xi32>
    %swap3A_83 = arith.constant 48 : index
    %swap3A_84 = tpu.vector_load %arg11[%swap3A_83] {strides = array<i32>} : memref<128xi32, #tpu.memory_space<vmem>>, vector<16xi32>,
    %swap3A_85 = vector.shape_cast %swap3A_84 : vector<16xi32> to vector<16xi32>
    %swap3A_86 = vector.shape_cast %get3A_82 : vector<16xi32> to vector<16xi32>
    tpu.vector_store %arg11[%swap3A_83], %swap3A_86 {strides = array<i32>} : memref<128xi32, #tpu.memory_space<vmem>>, vector<16xi32>,
    %get3A_87 = arith.constant 64 : index
    %get3A_88 = tpu.vector_load %arg9[%get3A_87] {strides = array<i32>} : memref<1024xi32, #tpu.memory_space<vmem>>, vector<16xi32>,
    %get3A_89 = vector.shape_cast %get3A_88 : vector<16xi32> to vector<16xi32>
    %swap3A_90 = arith.constant 64 : index
    %swap3A_91 = tpu.vector_load %arg11[%swap3A_90] {strides = array<i32>} : memref<128xi32, #tpu.memory_space<vmem>>, vector<16xi32>,
    %swap3A_92 = vector.shape_cast %swap3A_91 : vector<16xi32> to vector<16xi32>
    %swap3A_93 = vector.shape_cast %get3A_89 : vector<16xi32> to vector<16xi32>
    tpu.vector_store %arg11[%swap3A_90], %swap3A_93 {strides = array<i32>} : memref<128xi32, #tpu.memory_space<vmem>>, vector<16xi32>,
    %get3A_94 = arith.constant 80 : index
    %get3A_95 = tpu.vector_load %arg9[%get3A_94] {strides = array<i32>} : memref<1024xi32, #tpu.memory_space<vmem>>, vector<16xi32>,
    %get3A_96 = vector.shape_cast %get3A_95 : vector<16xi32> to vector<16xi32>
    %swap3A_97 = arith.constant 80 : index
    %swap3A_98 = tpu.vector_load %arg11[%swap3A_97] {strides = array<i32>} : memref<128xi32, #tpu.memory_space<vmem>>, vector<16xi32>,
    %swap3A_99 = vector.shape_cast %swap3A_98 : vector<16xi32> to vector<16xi32>
    %swap3A_100 = vector.shape_cast %get3A_96 : vector<16xi32> to vector<16xi32>
    tpu.vector_store %arg11[%swap3A_97], %swap3A_100 {strides = array<i32>} : memref<128xi32, #tpu.memory_space<vmem>>, vector<16xi32>,
    %get3A_101 = arith.constant 96 : index
    %get3A_102 = tpu.vector_load %arg9[%get3A_101] {strides = array<i32>} : memref<1024xi32, #tpu.memory_space<vmem>>, vector<16xi32>,
    %get3A_103 = vector.shape_cast %get3A_102 : vector<16xi32> to vector<16xi32>
    %swap3A_104 = arith.constant 96 : index
    %swap3A_105 = tpu.vector_load %arg11[%swap3A_104] {strides = array<i32>} : memref<128xi32, #tpu.memory_space<vmem>>, vector<16xi32>,
    %swap3A_106 = vector.shape_cast %swap3A_105 : vector<16xi32> to vector<16xi32>
    %swap3A_107 = vector.shape_cast %get3A_103 : vector<16xi32> to vector<16xi32>
    tpu.vector_store %arg11[%swap3A_104], %swap3A_107 {strides = array<i32>} : memref<128xi32, #tpu.memory_space<vmem>>, vector<16xi32>,
    %get3A_108 = arith.constant 112 : index
    %get3A_109 = tpu.vector_load %arg9[%get3A_108] {strides = array<i32>} : memref<1024xi32, #tpu.memory_space<vmem>>, vector<16xi32>,
    %get3A_110 = vector.shape_cast %get3A_109 : vector<16xi32> to vector<16xi32>
    %swap3A_111 = arith.constant 112 : index
    %swap3A_112 = tpu.vector_load %arg11[%swap3A_111] {strides = array<i32>} : memref<128xi32, #tpu.memory_space<vmem>>, vector<16xi32>,
    %swap3A_113 = vector.shape_cast %swap3A_112 : vector<16xi32> to vector<16xi32>
    %swap3A_114 = vector.shape_cast %get3A_110 : vector<16xi32> to vector<16xi32>
    tpu.vector_store %arg11[%swap3A_111], %swap3A_114 {strides = array<i32>} : memref<128xi32, #tpu.memory_space<vmem>>, vector<16xi32>,
    %dma_start3A_115 = arith.constant 0 : i32
    %dma_start3A_116 = tpu.memref_slice %arg7[%dma_start3A_115] : memref<1024xi32, #tpu.memory_space<vmem>> -> memref<128xi32, #tpu.memory_space<vmem>>
    %dma_start3A_117 = arith.constant 0 : i32
    %dma_start3A_118 = arith.constant 0 : i32
    %dma_start3A_119 = tpu.memref_slice %arg2[%dma_start3A_117, %dma_start3A_118] : memref<100000x32xf32, #tpu.memory_space<hbm>> -> memref<100000x32xf32, #tpu.memory_space<hbm>>
    tpu.enqueue_indirect_dma source(%dma_start3A_119 : memref<100000x32xf32, #tpu.memory_space<hbm>>) target(%arg13 : memref<128x32xf32, #tpu.memory_space<vmem>>) offsets(%dma_start3A_116 : memref<128xi32, #tpu.memory_space<vmem>>) semaphore(%arg20 : memref<!tpu.dma_semaphore, #tpu.memory_space<semaphore_mem>>)
    %scan3A = arith.constant 0 : i32
    %scan3A_120 = arith.constant 0 : i32
    %scan3A_121 = arith.constant 25 : i32
    %scan3A_122 = arith.addi %scan3A_120, %scan3A_121 : i32
    %scan3A_123 = arith.constant 1 : i32
    scf.for %scan3A_144 = %scan3A_120 to %scan3A_122 step %scan3A_123  : i32 {
      %mul3A_145 = arith.constant 2 : i32
      %mul3A_146 = arith.muli %mul3A_145, %scan3A_144 : i32
      %add3A_147 = arith.constant 0 : i32
      %add3A_148 = arith.addi %mul3A_146, %add3A_147 : i32
      %dma_wait3A_149 = arith.constant 0 : i32
      %dma_wait3A_150 = tpu.memref_slice %arg7[%dma_wait3A_149] : memref<1024xi32, #tpu.memory_space<vmem>> -> memref<128xi32, #tpu.memory_space<vmem>>
      %dma_wait3A_151 = arith.constant 0 : i32
      %dma_wait3A_152 = arith.constant 0 : i32
      %dma_wait3A_153 = tpu.memref_slice %arg2[%dma_wait3A_151, %dma_wait3A_152] : memref<100000x32xf32, #tpu.memory_space<hbm>> -> memref<100000x32xf32, #tpu.memory_space<hbm>>
      tpu.wait_indirect_dma semaphore(%arg20 : memref<!tpu.dma_semaphore, #tpu.memory_space<semaphore_mem>>) src(%dma_wait3A_153 : memref<100000x32xf32, #tpu.memory_space<hbm>>) dst(%arg13 : memref<128x32xf32, #tpu.memory_space<vmem>>)
      %dma_start3A_154 = arith.constant 0 : i32
      %dma_start3A_155 = arith.constant 0 : i32
      %dma_start3A_156 = tpu.memref_slice %arg15[%dma_start3A_154, %dma_start3A_155] : memref<50016x32xf32, #tpu.memory_space<vmem_shared>> -> memref<50016x32xf32, #tpu.memory_space<vmem_shared>>
      tpu.enqueue_indirect_dma source(%arg13 : memref<128x32xf32, #tpu.memory_space<vmem>>) target(%dma_start3A_156 : memref<50016x32xf32, #tpu.memory_space<vmem_shared>>) offsets(%arg11 : memref<128xi32, #tpu.memory_space<vmem>>) semaphore(%arg22 : memref<!tpu.dma_semaphore, #tpu.memory_space<semaphore_mem>>) {add = true}
      %dma_wait3A_157 = arith.constant 0 : i32
      %dma_wait3A_158 = arith.constant 0 : i32
      %dma_wait3A_159 = tpu.memref_slice %arg15[%dma_wait3A_157, %dma_wait3A_158] : memref<50016x32xf32, #tpu.memory_space<vmem_shared>> -> memref<50016x32xf32, #tpu.memory_space<vmem_shared>>
      tpu.wait_indirect_dma semaphore(%arg23 : memref<!tpu.dma_semaphore, #tpu.memory_space<semaphore_mem>>) src(%arg14 : memref<128x32xf32, #tpu.memory_space<vmem>>) dst(%dma_wait3A_159 : memref<50016x32xf32, #tpu.memory_space<vmem_shared>>)
      %get3A_160 = arith.constant 128 : index
      %get3A_161 = tpu.vector_load %arg9[%get3A_160] {strides = array<i32>} : memref<1024xi32, #tpu.memory_space<vmem>>, vector<16xi32>,
      %get3A_162 = vector.shape_cast %get3A_161 : vector<16xi32> to vector<16xi32>
      %swap3A_163 = arith.constant 0 : index
      %swap3A_164 = tpu.vector_load %arg12[%swap3A_163] {strides = array<i32>} : memref<128xi32, #tpu.memory_space<vmem>>, vector<16xi32>,
      %swap3A_165 = vector.shape_cast %swap3A_164 : vector<16xi32> to vector<16xi32>
      %swap3A_166 = vector.shape_cast %get3A_162 : vector<16xi32> to vector<16xi32>
      tpu.vector_store %arg12[%swap3A_163], %swap3A_166 {strides = array<i32>} : memref<128xi32, #tpu.memory_space<vmem>>, vector<16xi32>,
      %get3A_167 = arith.constant 144 : index
      %get3A_168 = tpu.vector_load %arg9[%get3A_167] {strides = array<i32>} : memref<1024xi32, #tpu.memory_space<vmem>>, vector<16xi32>,
      %get3A_169 = vector.shape_cast %get3A_168 : vector<16xi32> to vector<16xi32>
      %swap3A_170 = arith.constant 16 : index
      %swap3A_171 = tpu.vector_load %arg12[%swap3A_170] {strides = array<i32>} : memref<128xi32, #tpu.memory_space<vmem>>, vector<16xi32>,
      %swap3A_172 = vector.shape_cast %swap3A_171 : vector<16xi32> to vector<16xi32>
      %swap3A_173 = vector.shape_cast %get3A_169 : vector<16xi32> to vector<16xi32>
      tpu.vector_store %arg12[%swap3A_170], %swap3A_173 {strides = array<i32>} : memref<128xi32, #tpu.memory_space<vmem>>, vector<16xi32>,
      %get3A_174 = arith.constant 160 : index
      %get3A_175 = tpu.vector_load %arg9[%get3A_174] {strides = array<i32>} : memref<1024xi32, #tpu.memory_space<vmem>>, vector<16xi32>,
      %get3A_176 = vector.shape_cast %get3A_175 : vector<16xi32> to vector<16xi32>
      %swap3A_177 = arith.constant 32 : index
      %swap3A_178 = tpu.vector_load %arg12[%swap3A_177] {strides = array<i32>} : memref<128xi32, #tpu.memory_space<vmem>>, vector<16xi32>,
      %swap3A_179 = vector.shape_cast %swap3A_178 : vector<16xi32> to vector<16xi32>
      %swap3A_180 = vector.shape_cast %get3A_176 : vector<16xi32> to vector<16xi32>
      tpu.vector_store %arg12[%swap3A_177], %swap3A_180 {strides = array<i32>} : memref<128xi32, #tpu.memory_space<vmem>>, vector<16xi32>,
      %get3A_181 = arith.constant 176 : index
      %get3A_182 = tpu.vector_load %arg9[%get3A_181] {strides = array<i32>} : memref<1024xi32, #tpu.memory_space<vmem>>, vector<16xi32>,
      %get3A_183 = vector.shape_cast %get3A_182 : vector<16xi32> to vector<16xi32>
      %swap3A_184 = arith.constant 48 : index
      %swap3A_185 = tpu.vector_load %arg12[%swap3A_184] {strides = array<i32>} : memref<128xi32, #tpu.memory_space<vmem>>, vector<16xi32>,
      %swap3A_186 = vector.shape_cast %swap3A_185 : vector<16xi32> to vector<16xi32>
      %swap3A_187 = vector.shape_cast %get3A_183 : vector<16xi32> to vector<16xi32>
      tpu.vector_store %arg12[%swap3A_184], %swap3A_187 {strides = array<i32>} : memref<128xi32, #tpu.memory_space<vmem>>, vector<16xi32>,
      %get3A_188 = arith.constant 192 : index
      %get3A_189 = tpu.vector_load %arg9[%get3A_188] {strides = array<i32>} : memref<1024xi32, #tpu.memory_space<vmem>>, vector<16xi32>,
      %get3A_190 = vector.shape_cast %get3A_189 : vector<16xi32> to vector<16xi32>
      %swap3A_191 = arith.constant 64 : index
      %swap3A_192 = tpu.vector_load %arg12[%swap3A_191] {strides = array<i32>} : memref<128xi32, #tpu.memory_space<vmem>>, vector<16xi32>,
      %swap3A_193 = vector.shape_cast %swap3A_192 : vector<16xi32> to vector<16xi32>
      %swap3A_194 = vector.shape_cast %get3A_190 : vector<16xi32> to vector<16xi32>
      tpu.vector_store %arg12[%swap3A_191], %swap3A_194 {strides = array<i32>} : memref<128xi32, #tpu.memory_space<vmem>>, vector<16xi32>,
      %get3A_195 = arith.constant 208 : index
      %get3A_196 = tpu.vector_load %arg9[%get3A_195] {strides = array<i32>} : memref<1024xi32, #tpu.memory_space<vmem>>, vector<16xi32>,
      %get3A_197 = vector.shape_cast %get3A_196 : vector<16xi32> to vector<16xi32>
      %swap3A_198 = arith.constant 80 : index
      %swap3A_199 = tpu.vector_load %arg12[%swap3A_198] {strides = array<i32>} : memref<128xi32, #tpu.memory_space<vmem>>, vector<16xi32>,
      %swap3A_200 = vector.shape_cast %swap3A_199 : vector<16xi32> to vector<16xi32>
      %swap3A_201 = vector.shape_cast %get3A_197 : vector<16xi32> to vector<16xi32>
      tpu.vector_store %arg12[%swap3A_198], %swap3A_201 {strides = array<i32>} : memref<128xi32, #tpu.memory_space<vmem>>, vector<16xi32>,
      %get3A_202 = arith.constant 224 : index
      %get3A_203 = tpu.vector_load %arg9[%get3A_202] {strides = array<i32>} : memref<1024xi32, #tpu.memory_space<vmem>>, vector<16xi32>,
      %get3A_204 = vector.shape_cast %get3A_203 : vector<16xi32> to vector<16xi32>
      %swap3A_205 = arith.constant 96 : index
      %swap3A_206 = tpu.vector_load %arg12[%swap3A_205] {strides = array<i32>} : memref<128xi32, #tpu.memory_space<vmem>>, vector<16xi32>,
      %swap3A_207 = vector.shape_cast %swap3A_206 : vector<16xi32> to vector<16xi32>
      %swap3A_208 = vector.shape_cast %get3A_204 : vector<16xi32> to vector<16xi32>
      tpu.vector_store %arg12[%swap3A_205], %swap3A_208 {strides = array<i32>} : memref<128xi32, #tpu.memory_space<vmem>>, vector<16xi32>,
      %get3A_209 = arith.constant 240 : index
      %get3A_210 = tpu.vector_load %arg9[%get3A_209] {strides = array<i32>} : memref<1024xi32, #tpu.memory_space<vmem>>, vector<16xi32>,
      %get3A_211 = vector.shape_cast %get3A_210 : vector<16xi32> to vector<16xi32>
      %swap3A_212 = arith.constant 112 : index
      %swap3A_213 = tpu.vector_load %arg12[%swap3A_212] {strides = array<i32>} : memref<128xi32, #tpu.memory_space<vmem>>, vector<16xi32>,
      %swap3A_214 = vector.shape_cast %swap3A_213 : vector<16xi32> to vector<16xi32>
      %swap3A_215 = vector.shape_cast %get3A_211 : vector<16xi32> to vector<16xi32>
      tpu.vector_store %arg12[%swap3A_212], %swap3A_215 {strides = array<i32>} : memref<128xi32, #tpu.memory_space<vmem>>, vector<16xi32>,
      %dma_start3A_216 = arith.constant 128 : i32
      %dma_start3A_217 = tpu.memref_slice %arg7[%dma_start3A_216] : memref<1024xi32, #tpu.memory_space<vmem>> -> memref<128xi32, #tpu.memory_space<vmem>>
      %dma_start3A_218 = arith.constant 0 : i32
      %dma_start3A_219 = arith.constant 0 : i32
      %dma_start3A_220 = tpu.memref_slice %arg2[%dma_start3A_218, %dma_start3A_219] : memref<100000x32xf32, #tpu.memory_space<hbm>> -> memref<100000x32xf32, #tpu.memory_space<hbm>>
      tpu.enqueue_indirect_dma source(%dma_start3A_220 : memref<100000x32xf32, #tpu.memory_space<hbm>>) target(%arg14 : memref<128x32xf32, #tpu.memory_space<vmem>>) offsets(%dma_start3A_217 : memref<128xi32, #tpu.memory_space<vmem>>) semaphore(%arg21 : memref<!tpu.dma_semaphore, #tpu.memory_space<semaphore_mem>>)
      %mul3A_221 = arith.constant 2 : i32
      %mul3A_222 = arith.muli %mul3A_221, %scan3A_144 : i32
      %add3A_223 = arith.constant 0 : i32
      %add3A_224 = arith.addi %mul3A_222, %add3A_223 : i32
      %dma_wait3A_225 = arith.constant 0 : i32
      %dma_wait3A_226 = tpu.memref_slice %arg7[%dma_wait3A_225] : memref<1024xi32, #tpu.memory_space<vmem>> -> memref<128xi32, #tpu.memory_space<vmem>>
      %dma_wait3A_227 = arith.constant 0 : i32
      %dma_wait3A_228 = arith.constant 0 : i32
      %dma_wait3A_229 = tpu.memref_slice %arg2[%dma_wait3A_227, %dma_wait3A_228] : memref<100000x32xf32, #tpu.memory_space<hbm>> -> memref<100000x32xf32, #tpu.memory_space<hbm>>
      tpu.wait_indirect_dma semaphore(%arg21 : memref<!tpu.dma_semaphore, #tpu.memory_space<semaphore_mem>>) src(%dma_wait3A_229 : memref<100000x32xf32, #tpu.memory_space<hbm>>) dst(%arg14 : memref<128x32xf32, #tpu.memory_space<vmem>>)
      %dma_start3A_230 = arith.constant 0 : i32
      %dma_start3A_231 = arith.constant 0 : i32
      %dma_start3A_232 = tpu.memref_slice %arg15[%dma_start3A_230, %dma_start3A_231] : memref<50016x32xf32, #tpu.memory_space<vmem_shared>> -> memref<50016x32xf32, #tpu.memory_space<vmem_shared>>
      tpu.enqueue_indirect_dma source(%arg14 : memref<128x32xf32, #tpu.memory_space<vmem>>) target(%dma_start3A_232 : memref<50016x32xf32, #tpu.memory_space<vmem_shared>>) offsets(%arg12 : memref<128xi32, #tpu.memory_space<vmem>>) semaphore(%arg23 : memref<!tpu.dma_semaphore, #tpu.memory_space<semaphore_mem>>) {add = true}
      %dma_wait3A_233 = arith.constant 0 : i32
      %dma_wait3A_234 = arith.constant 0 : i32
      %dma_wait3A_235 = tpu.memref_slice %arg15[%dma_wait3A_233, %dma_wait3A_234] : memref<50016x32xf32, #tpu.memory_space<vmem_shared>> -> memref<50016x32xf32, #tpu.memory_space<vmem_shared>>
      tpu.wait_indirect_dma semaphore(%arg22 : memref<!tpu.dma_semaphore, #tpu.memory_space<semaphore_mem>>) src(%arg13 : memref<128x32xf32, #tpu.memory_space<vmem>>) dst(%dma_wait3A_235 : memref<50016x32xf32, #tpu.memory_space<vmem_shared>>)
      %get3A_236 = arith.constant 256 : index
      %get3A_237 = tpu.vector_load %arg9[%get3A_236] {strides = array<i32>} : memref<1024xi32, #tpu.memory_space<vmem>>, vector<16xi32>,
      %get3A_238 = vector.shape_cast %get3A_237 : vector<16xi32> to vector<16xi32>
      %swap3A_239 = arith.constant 0 : index
      %swap3A_240 = tpu.vector_load %arg11[%swap3A_239] {strides = array<i32>} : memref<128xi32, #tpu.memory_space<vmem>>, vector<16xi32>,
      %swap3A_241 = vector.shape_cast %swap3A_240 : vector<16xi32> to vector<16xi32>
      %swap3A_242 = vector.shape_cast %get3A_238 : vector<16xi32> to vector<16xi32>
      tpu.vector_store %arg11[%swap3A_239], %swap3A_242 {strides = array<i32>} : memref<128xi32, #tpu.memory_space<vmem>>, vector<16xi32>,
      %get3A_243 = arith.constant 272 : index
      %get3A_244 = tpu.vector_load %arg9[%get3A_243] {strides = array<i32>} : memref<1024xi32, #tpu.memory_space<vmem>>, vector<16xi32>,
      %get3A_245 = vector.shape_cast %get3A_244 : vector<16xi32> to vector<16xi32>
      %swap3A_246 = arith.constant 16 : index
      %swap3A_247 = tpu.vector_load %arg11[%swap3A_246] {strides = array<i32>} : memref<128xi32, #tpu.memory_space<vmem>>, vector<16xi32>,
      %swap3A_248 = vector.shape_cast %swap3A_247 : vector<16xi32> to vector<16xi32>
      %swap3A_249 = vector.shape_cast %get3A_245 : vector<16xi32> to vector<16xi32>
      tpu.vector_store %arg11[%swap3A_246], %swap3A_249 {strides = array<i32>} : memref<128xi32, #tpu.memory_space<vmem>>, vector<16xi32>,
      %get3A_250 = arith.constant 288 : index
      %get3A_251 = tpu.vector_load %arg9[%get3A_250] {strides = array<i32>} : memref<1024xi32, #tpu.memory_space<vmem>>, vector<16xi32>,
      %get3A_252 = vector.shape_cast %get3A_251 : vector<16xi32> to vector<16xi32>
      %swap3A_253 = arith.constant 32 : index
      %swap3A_254 = tpu.vector_load %arg11[%swap3A_253] {strides = array<i32>} : memref<128xi32, #tpu.memory_space<vmem>>, vector<16xi32>,
      %swap3A_255 = vector.shape_cast %swap3A_254 : vector<16xi32> to vector<16xi32>
      %swap3A_256 = vector.shape_cast %get3A_252 : vector<16xi32> to vector<16xi32>
      tpu.vector_store %arg11[%swap3A_253], %swap3A_256 {strides = array<i32>} : memref<128xi32, #tpu.memory_space<vmem>>, vector<16xi32>,
      %get3A_257 = arith.constant 304 : index
      %get3A_258 = tpu.vector_load %arg9[%get3A_257] {strides = array<i32>} : memref<1024xi32, #tpu.memory_space<vmem>>, vector<16xi32>,
      %get3A_259 = vector.shape_cast %get3A_258 : vector<16xi32> to vector<16xi32>
      %swap3A_260 = arith.constant 48 : index
      %swap3A_261 = tpu.vector_load %arg11[%swap3A_260] {strides = array<i32>} : memref<128xi32, #tpu.memory_space<vmem>>, vector<16xi32>,
      %swap3A_262 = vector.shape_cast %swap3A_261 : vector<16xi32> to vector<16xi32>
      %swap3A_263 = vector.shape_cast %get3A_259 : vector<16xi32> to vector<16xi32>
      tpu.vector_store %arg11[%swap3A_260], %swap3A_263 {strides = array<i32>} : memref<128xi32, #tpu.memory_space<vmem>>, vector<16xi32>,
      %get3A_264 = arith.constant 320 : index
      %get3A_265 = tpu.vector_load %arg9[%get3A_264] {strides = array<i32>} : memref<1024xi32, #tpu.memory_space<vmem>>, vector<16xi32>,
      %get3A_266 = vector.shape_cast %get3A_265 : vector<16xi32> to vector<16xi32>
      %swap3A_267 = arith.constant 64 : index
      %swap3A_268 = tpu.vector_load %arg11[%swap3A_267] {strides = array<i32>} : memref<128xi32, #tpu.memory_space<vmem>>, vector<16xi32>,
      %swap3A_269 = vector.shape_cast %swap3A_268 : vector<16xi32> to vector<16xi32>
      %swap3A_270 = vector.shape_cast %get3A_266 : vector<16xi32> to vector<16xi32>
      tpu.vector_store %arg11[%swap3A_267], %swap3A_270 {strides = array<i32>} : memref<128xi32, #tpu.memory_space<vmem>>, vector<16xi32>,
      %get3A_271 = arith.constant 336 : index
      %get3A_272 = tpu.vector_load %arg9[%get3A_271] {strides = array<i32>} : memref<1024xi32, #tpu.memory_space<vmem>>, vector<16xi32>,
      %get3A_273 = vector.shape_cast %get3A_272 : vector<16xi32> to vector<16xi32>
      %swap3A_274 = arith.constant 80 : index
      %swap3A_275 = tpu.vector_load %arg11[%swap3A_274] {strides = array<i32>} : memref<128xi32, #tpu.memory_space<vmem>>, vector<16xi32>,
      %swap3A_276 = vector.shape_cast %swap3A_275 : vector<16xi32> to vector<16xi32>
      %swap3A_277 = vector.shape_cast %get3A_273 : vector<16xi32> to vector<16xi32>
      tpu.vector_store %arg11[%swap3A_274], %swap3A_277 {strides = array<i32>} : memref<128xi32, #tpu.memory_space<vmem>>, vector<16xi32>,
      %get3A_278 = arith.constant 352 : index
      %get3A_279 = tpu.vector_load %arg9[%get3A_278] {strides = array<i32>} : memref<1024xi32, #tpu.memory_space<vmem>>, vector<16xi32>,
      %get3A_280 = vector.shape_cast %get3A_279 : vector<16xi32> to vector<16xi32>
      %swap3A_281 = arith.constant 96 : index
      %swap3A_282 = tpu.vector_load %arg11[%swap3A_281] {strides = array<i32>} : memref<128xi32, #tpu.memory_space<vmem>>, vector<16xi32>,
      %swap3A_283 = vector.shape_cast %swap3A_282 : vector<16xi32> to vector<16xi32>
      %swap3A_284 = vector.shape_cast %get3A_280 : vector<16xi32> to vector<16xi32>
      tpu.vector_store %arg11[%swap3A_281], %swap3A_284 {strides = array<i32>} : memref<128xi32, #tpu.memory_space<vmem>>, vector<16xi32>,
      %get3A_285 = arith.constant 368 : index
      %get3A_286 = tpu.vector_load %arg9[%get3A_285] {strides = array<i32>} : memref<1024xi32, #tpu.memory_space<vmem>>, vector<16xi32>,
      %get3A_287 = vector.shape_cast %get3A_286 : vector<16xi32> to vector<16xi32>
      %swap3A_288 = arith.constant 112 : index
      %swap3A_289 = tpu.vector_load %arg11[%swap3A_288] {strides = array<i32>} : memref<128xi32, #tpu.memory_space<vmem>>, vector<16xi32>,
      %swap3A_290 = vector.shape_cast %swap3A_289 : vector<16xi32> to vector<16xi32>
      %swap3A_291 = vector.shape_cast %get3A_287 : vector<16xi32> to vector<16xi32>
      tpu.vector_store %arg11[%swap3A_288], %swap3A_291 {strides = array<i32>} : memref<128xi32, #tpu.memory_space<vmem>>, vector<16xi32>,
      %dma_start3A_292 = arith.constant 256 : i32
      %dma_start3A_293 = tpu.memref_slice %arg7[%dma_start3A_292] : memref<1024xi32, #tpu.memory_space<vmem>> -> memref<128xi32, #tpu.memory_space<vmem>>
      %dma_start3A_294 = arith.constant 0 : i32
      %dma_start3A_295 = arith.constant 0 : i32
      %dma_start3A_296 = tpu.memref_slice %arg2[%dma_start3A_294, %dma_start3A_295] : memref<100000x32xf32, #tpu.memory_space<hbm>> -> memref<100000x32xf32, #tpu.memory_space<hbm>>
      tpu.enqueue_indirect_dma source(%dma_start3A_296 : memref<100000x32xf32, #tpu.memory_space<hbm>>) target(%arg13 : memref<128x32xf32, #tpu.memory_space<vmem>>) offsets(%dma_start3A_293 : memref<128xi32, #tpu.memory_space<vmem>>) semaphore(%arg20 : memref<!tpu.dma_semaphore, #tpu.memory_space<semaphore_mem>>)
      %mul3A_297 = arith.constant 2 : i32
      %mul3A_298 = arith.muli %mul3A_297, %scan3A_144 : i32
      %add3A_299 = arith.constant 0 : i32
      %add3A_300 = arith.addi %mul3A_298, %add3A_299 : i32
      %dma_wait3A_301 = arith.constant 0 : i32
      %dma_wait3A_302 = tpu.memref_slice %arg7[%dma_wait3A_301] : memref<1024xi32, #tpu.memory_space<vmem>> -> memref<128xi32, #tpu.memory_space<vmem>>
      %dma_wait3A_303 = arith.constant 0 : i32
      %dma_wait3A_304 = arith.constant 0 : i32
      %dma_wait3A_305 = tpu.memref_slice %arg2[%dma_wait3A_303, %dma_wait3A_304] : memref<100000x32xf32, #tpu.memory_space<hbm>> -> memref<100000x32xf32, #tpu.memory_space<hbm>>
      tpu.wait_indirect_dma semaphore(%arg20 : memref<!tpu.dma_semaphore, #tpu.memory_space<semaphore_mem>>) src(%dma_wait3A_305 : memref<100000x32xf32, #tpu.memory_space<hbm>>) dst(%arg13 : memref<128x32xf32, #tpu.memory_space<vmem>>)
      %dma_start3A_306 = arith.constant 0 : i32
      %dma_start3A_307 = arith.constant 0 : i32
      %dma_start3A_308 = tpu.memref_slice %arg15[%dma_start3A_306, %dma_start3A_307] : memref<50016x32xf32, #tpu.memory_space<vmem_shared>> -> memref<50016x32xf32, #tpu.memory_space<vmem_shared>>
      tpu.enqueue_indirect_dma source(%arg13 : memref<128x32xf32, #tpu.memory_space<vmem>>) target(%dma_start3A_308 : memref<50016x32xf32, #tpu.memory_space<vmem_shared>>) offsets(%arg11 : memref<128xi32, #tpu.memory_space<vmem>>) semaphore(%arg22 : memref<!tpu.dma_semaphore, #tpu.memory_space<semaphore_mem>>) {add = true}
      %dma_wait3A_309 = arith.constant 0 : i32
      %dma_wait3A_310 = arith.constant 0 : i32
      %dma_wait3A_311 = tpu.memref_slice %arg15[%dma_wait3A_309, %dma_wait3A_310] : memref<50016x32xf32, #tpu.memory_space<vmem_shared>> -> memref<50016x32xf32, #tpu.memory_space<vmem_shared>>
      tpu.wait_indirect_dma semaphore(%arg23 : memref<!tpu.dma_semaphore, #tpu.memory_space<semaphore_mem>>) src(%arg14 : memref<128x32xf32, #tpu.memory_space<vmem>>) dst(%dma_wait3A_311 : memref<50016x32xf32, #tpu.memory_space<vmem_shared>>)
      %get3A_312 = arith.constant 384 : index
      %get3A_313 = tpu.vector_load %arg9[%get3A_312] {strides = array<i32>} : memref<1024xi32, #tpu.memory_space<vmem>>, vector<16xi32>,
      %get3A_314 = vector.shape_cast %get3A_313 : vector<16xi32> to vector<16xi32>
      %swap3A_315 = arith.constant 0 : index
      %swap3A_316 = tpu.vector_load %arg12[%swap3A_315] {strides = array<i32>} : memref<128xi32, #tpu.memory_space<vmem>>, vector<16xi32>,
      %swap3A_317 = vector.shape_cast %swap3A_316 : vector<16xi32> to vector<16xi32>
      %swap3A_318 = vector.shape_cast %get3A_314 : vector<16xi32> to vector<16xi32>
      tpu.vector_store %arg12[%swap3A_315], %swap3A_318 {strides = array<i32>} : memref<128xi32, #tpu.memory_space<vmem>>, vector<16xi32>,
      %get3A_319 = arith.constant 400 : index
      %get3A_320 = tpu.vector_load %arg9[%get3A_319] {strides = array<i32>} : memref<1024xi32, #tpu.memory_space<vmem>>, vector<16xi32>,
      %get3A_321 = vector.shape_cast %get3A_320 : vector<16xi32> to vector<16xi32>
      %swap3A_322 = arith.constant 16 : index
      %swap3A_323 = tpu.vector_load %arg12[%swap3A_322] {strides = array<i32>} : memref<128xi32, #tpu.memory_space<vmem>>, vector<16xi32>,
      %swap3A_324 = vector.shape_cast %swap3A_323 : vector<16xi32> to vector<16xi32>
      %swap3A_325 = vector.shape_cast %get3A_321 : vector<16xi32> to vector<16xi32>
      tpu.vector_store %arg12[%swap3A_322], %swap3A_325 {strides = array<i32>} : memref<128xi32, #tpu.memory_space<vmem>>, vector<16xi32>,
      %get3A_326 = arith.constant 416 : index
      %get3A_327 = tpu.vector_load %arg9[%get3A_326] {strides = array<i32>} : memref<1024xi32, #tpu.memory_space<vmem>>, vector<16xi32>,
      %get3A_328 = vector.shape_cast %get3A_327 : vector<16xi32> to vector<16xi32>
      %swap3A_329 = arith.constant 32 : index
      %swap3A_330 = tpu.vector_load %arg12[%swap3A_329] {strides = array<i32>} : memref<128xi32, #tpu.memory_space<vmem>>, vector<16xi32>,
      %swap3A_331 = vector.shape_cast %swap3A_330 : vector<16xi32> to vector<16xi32>
      %swap3A_332 = vector.shape_cast %get3A_328 : vector<16xi32> to vector<16xi32>
      tpu.vector_store %arg12[%swap3A_329], %swap3A_332 {strides = array<i32>} : memref<128xi32, #tpu.memory_space<vmem>>, vector<16xi32>,
      %get3A_333 = arith.constant 432 : index
      %get3A_334 = tpu.vector_load %arg9[%get3A_333] {strides = array<i32>} : memref<1024xi32, #tpu.memory_space<vmem>>, vector<16xi32>,
      %get3A_335 = vector.shape_cast %get3A_334 : vector<16xi32> to vector<16xi32>
      %swap3A_336 = arith.constant 48 : index
      %swap3A_337 = tpu.vector_load %arg12[%swap3A_336] {strides = array<i32>} : memref<128xi32, #tpu.memory_space<vmem>>, vector<16xi32>,
      %swap3A_338 = vector.shape_cast %swap3A_337 : vector<16xi32> to vector<16xi32>
      %swap3A_339 = vector.shape_cast %get3A_335 : vector<16xi32> to vector<16xi32>
      tpu.vector_store %arg12[%swap3A_336], %swap3A_339 {strides = array<i32>} : memref<128xi32, #tpu.memory_space<vmem>>, vector<16xi32>,
      %get3A_340 = arith.constant 448 : index
      %get3A_341 = tpu.vector_load %arg9[%get3A_340] {strides = array<i32>} : memref<1024xi32, #tpu.memory_space<vmem>>, vector<16xi32>,
      %get3A_342 = vector.shape_cast %get3A_341 : vector<16xi32> to vector<16xi32>
      %swap3A_343 = arith.constant 64 : index
      %swap3A_344 = tpu.vector_load %arg12[%swap3A_343] {strides = array<i32>} : memref<128xi32, #tpu.memory_space<vmem>>, vector<16xi32>,
      %swap3A_345 = vector.shape_cast %swap3A_344 : vector<16xi32> to vector<16xi32>
      %swap3A_346 = vector.shape_cast %get3A_342 : vector<16xi32> to vector<16xi32>
      tpu.vector_store %arg12[%swap3A_343], %swap3A_346 {strides = array<i32>} : memref<128xi32, #tpu.memory_space<vmem>>, vector<16xi32>,
      %get3A_347 = arith.constant 464 : index
      %get3A_348 = tpu.vector_load %arg9[%get3A_347] {strides = array<i32>} : memref<1024xi32, #tpu.memory_space<vmem>>, vector<16xi32>,
      %get3A_349 = vector.shape_cast %get3A_348 : vector<16xi32> to vector<16xi32>
      %swap3A_350 = arith.constant 80 : index
      %swap3A_351 = tpu.vector_load %arg12[%swap3A_350] {strides = array<i32>} : memref<128xi32, #tpu.memory_space<vmem>>, vector<16xi32>,
      %swap3A_352 = vector.shape_cast %swap3A_351 : vector<16xi32> to vector<16xi32>
      %swap3A_353 = vector.shape_cast %get3A_349 : vector<16xi32> to vector<16xi32>
      tpu.vector_store %arg12[%swap3A_350], %swap3A_353 {strides = array<i32>} : memref<128xi32, #tpu.memory_space<vmem>>, vector<16xi32>,
      %get3A_354 = arith.constant 480 : index
      %get3A_355 = tpu.vector_load %arg9[%get3A_354] {strides = array<i32>} : memref<1024xi32, #tpu.memory_space<vmem>>, vector<16xi32>,
      %get3A_356 = vector.shape_cast %get3A_355 : vector<16xi32> to vector<16xi32>
      %swap3A_357 = arith.constant 96 : index
      %swap3A_358 = tpu.vector_load %arg12[%swap3A_357] {strides = array<i32>} : memref<128xi32, #tpu.memory_space<vmem>>, vector<16xi32>,
      %swap3A_359 = vector.shape_cast %swap3A_358 : vector<16xi32> to vector<16xi32>
      %swap3A_360 = vector.shape_cast %get3A_356 : vector<16xi32> to vector<16xi32>
      tpu.vector_store %arg12[%swap3A_357], %swap3A_360 {strides = array<i32>} : memref<128xi32, #tpu.memory_space<vmem>>, vector<16xi32>,
      %get3A_361 = arith.constant 496 : index
      %get3A_362 = tpu.vector_load %arg9[%get3A_361] {strides = array<i32>} : memref<1024xi32, #tpu.memory_space<vmem>>, vector<16xi32>,
      %get3A_363 = vector.shape_cast %get3A_362 : vector<16xi32> to vector<16xi32>
      %swap3A_364 = arith.constant 112 : index
      %swap3A_365 = tpu.vector_load %arg12[%swap3A_364] {strides = array<i32>} : memref<128xi32, #tpu.memory_space<vmem>>, vector<16xi32>,
      %swap3A_366 = vector.shape_cast %swap3A_365 : vector<16xi32> to vector<16xi32>
      %swap3A_367 = vector.shape_cast %get3A_363 : vector<16xi32> to vector<16xi32>
      tpu.vector_store %arg12[%swap3A_364], %swap3A_367 {strides = array<i32>} : memref<128xi32, #tpu.memory_space<vmem>>, vector<16xi32>,
      %dma_start3A_368 = arith.constant 384 : i32
      %dma_start3A_369 = tpu.memref_slice %arg7[%dma_start3A_368] : memref<1024xi32, #tpu.memory_space<vmem>> -> memref<128xi32, #tpu.memory_space<vmem>>
      %dma_start3A_370 = arith.constant 0 : i32
      %dma_start3A_371 = arith.constant 0 : i32
      %dma_start3A_372 = tpu.memref_slice %arg2[%dma_start3A_370, %dma_start3A_371] : memref<100000x32xf32, #tpu.memory_space<hbm>> -> memref<100000x32xf32, #tpu.memory_space<hbm>>
      tpu.enqueue_indirect_dma source(%dma_start3A_372 : memref<100000x32xf32, #tpu.memory_space<hbm>>) target(%arg14 : memref<128x32xf32, #tpu.memory_space<vmem>>) offsets(%dma_start3A_369 : memref<128xi32, #tpu.memory_space<vmem>>) semaphore(%arg21 : memref<!tpu.dma_semaphore, #tpu.memory_space<semaphore_mem>>)
      %mul3A_373 = arith.constant 2 : i32
      %mul3A_374 = arith.muli %mul3A_373, %scan3A_144 : i32
      %add3A_375 = arith.constant 0 : i32
      %add3A_376 = arith.addi %mul3A_374, %add3A_375 : i32
      %dma_wait3A_377 = arith.constant 0 : i32
      %dma_wait3A_378 = tpu.memref_slice %arg7[%dma_wait3A_377] : memref<1024xi32, #tpu.memory_space<vmem>> -> memref<128xi32, #tpu.memory_space<vmem>>
      %dma_wait3A_379 = arith.constant 0 : i32
      %dma_wait3A_380 = arith.constant 0 : i32
      %dma_wait3A_381 = tpu.memref_slice %arg2[%dma_wait3A_379, %dma_wait3A_380] : memref<100000x32xf32, #tpu.memory_space<hbm>> -> memref<100000x32xf32, #tpu.memory_space<hbm>>
      tpu.wait_indirect_dma semaphore(%arg21 : memref<!tpu.dma_semaphore, #tpu.memory_space<semaphore_mem>>) src(%dma_wait3A_381 : memref<100000x32xf32, #tpu.memory_space<hbm>>) dst(%arg14 : memref<128x32xf32, #tpu.memory_space<vmem>>)
      %dma_start3A_382 = arith.constant 0 : i32
      %dma_start3A_383 = arith.constant 0 : i32
      %dma_start3A_384 = tpu.memref_slice %arg15[%dma_start3A_382, %dma_start3A_383] : memref<50016x32xf32, #tpu.memory_space<vmem_shared>> -> memref<50016x32xf32, #tpu.memory_space<vmem_shared>>
      tpu.enqueue_indirect_dma source(%arg14 : memref<128x32xf32, #tpu.memory_space<vmem>>) target(%dma_start3A_384 : memref<50016x32xf32, #tpu.memory_space<vmem_shared>>) offsets(%arg12 : memref<128xi32, #tpu.memory_space<vmem>>) semaphore(%arg23 : memref<!tpu.dma_semaphore, #tpu.memory_space<semaphore_mem>>) {add = true}
      %dma_wait3A_385 = arith.constant 0 : i32
      %dma_wait3A_386 = arith.constant 0 : i32
      %dma_wait3A_387 = tpu.memref_slice %arg15[%dma_wait3A_385, %dma_wait3A_386] : memref<50016x32xf32, #tpu.memory_space<vmem_shared>> -> memref<50016x32xf32, #tpu.memory_space<vmem_shared>>
      tpu.wait_indirect_dma semaphore(%arg22 : memref<!tpu.dma_semaphore, #tpu.memory_space<semaphore_mem>>) src(%arg13 : memref<128x32xf32, #tpu.memory_space<vmem>>) dst(%dma_wait3A_387 : memref<50016x32xf32, #tpu.memory_space<vmem_shared>>)
      %get3A_388 = arith.constant 512 : index
      %get3A_389 = tpu.vector_load %arg9[%get3A_388] {strides = array<i32>} : memref<1024xi32, #tpu.memory_space<vmem>>, vector<16xi32>,
      %get3A_390 = vector.shape_cast %get3A_389 : vector<16xi32> to vector<16xi32>
      %swap3A_391 = arith.constant 0 : index
      %swap3A_392 = tpu.vector_load %arg11[%swap3A_391] {strides = array<i32>} : memref<128xi32, #tpu.memory_space<vmem>>, vector<16xi32>,
      %swap3A_393 = vector.shape_cast %swap3A_392 : vector<16xi32> to vector<16xi32>
      %swap3A_394 = vector.shape_cast %get3A_390 : vector<16xi32> to vector<16xi32>
      tpu.vector_store %arg11[%swap3A_391], %swap3A_394 {strides = array<i32>} : memref<128xi32, #tpu.memory_space<vmem>>, vector<16xi32>,
      %get3A_395 = arith.constant 528 : index
      %get3A_396 = tpu.vector_load %arg9[%get3A_395] {strides = array<i32>} : memref<1024xi32, #tpu.memory_space<vmem>>, vector<16xi32>,
      %get3A_397 = vector.shape_cast %get3A_396 : vector<16xi32> to vector<16xi32>
      %swap3A_398 = arith.constant 16 : index
      %swap3A_399 = tpu.vector_load %arg11[%swap3A_398] {strides = array<i32>} : memref<128xi32, #tpu.memory_space<vmem>>, vector<16xi32>,
      %swap3A_400 = vector.shape_cast %swap3A_399 : vector<16xi32> to vector<16xi32>
      %swap3A_401 = vector.shape_cast %get3A_397 : vector<16xi32> to vector<16xi32>
      tpu.vector_store %arg11[%swap3A_398], %swap3A_401 {strides = array<i32>} : memref<128xi32, #tpu.memory_space<vmem>>, vector<16xi32>,
      %get3A_402 = arith.constant 544 : index
      %get3A_403 = tpu.vector_load %arg9[%get3A_402] {strides = array<i32>} : memref<1024xi32, #tpu.memory_space<vmem>>, vector<16xi32>,
      %get3A_404 = vector.shape_cast %get3A_403 : vector<16xi32> to vector<16xi32>
      %swap3A_405 = arith.constant 32 : index
      %swap3A_406 = tpu.vector_load %arg11[%swap3A_405] {strides = array<i32>} : memref<128xi32, #tpu.memory_space<vmem>>, vector<16xi32>,
      %swap3A_407 = vector.shape_cast %swap3A_406 : vector<16xi32> to vector<16xi32>
      %swap3A_408 = vector.shape_cast %get3A_404 : vector<16xi32> to vector<16xi32>
      tpu.vector_store %arg11[%swap3A_405], %swap3A_408 {strides = array<i32>} : memref<128xi32, #tpu.memory_space<vmem>>, vector<16xi32>,
      %get3A_409 = arith.constant 560 : index
      %get3A_410 = tpu.vector_load %arg9[%get3A_409] {strides = array<i32>} : memref<1024xi32, #tpu.memory_space<vmem>>, vector<16xi32>,
      %get3A_411 = vector.shape_cast %get3A_410 : vector<16xi32> to vector<16xi32>
      %swap3A_412 = arith.constant 48 : index
      %swap3A_413 = tpu.vector_load %arg11[%swap3A_412] {strides = array<i32>} : memref<128xi32, #tpu.memory_space<vmem>>, vector<16xi32>,
      %swap3A_414 = vector.shape_cast %swap3A_413 : vector<16xi32> to vector<16xi32>
      %swap3A_415 = vector.shape_cast %get3A_411 : vector<16xi32> to vector<16xi32>
      tpu.vector_store %arg11[%swap3A_412], %swap3A_415 {strides = array<i32>} : memref<128xi32, #tpu.memory_space<vmem>>, vector<16xi32>,
      %get3A_416 = arith.constant 576 : index
      %get3A_417 = tpu.vector_load %arg9[%get3A_416] {strides = array<i32>} : memref<1024xi32, #tpu.memory_space<vmem>>, vector<16xi32>,
      %get3A_418 = vector.shape_cast %get3A_417 : vector<16xi32> to vector<16xi32>
      %swap3A_419 = arith.constant 64 : index
      %swap3A_420 = tpu.vector_load %arg11[%swap3A_419] {strides = array<i32>} : memref<128xi32, #tpu.memory_space<vmem>>, vector<16xi32>,
      %swap3A_421 = vector.shape_cast %swap3A_420 : vector<16xi32> to vector<16xi32>
      %swap3A_422 = vector.shape_cast %get3A_418 : vector<16xi32> to vector<16xi32>
      tpu.vector_store %arg11[%swap3A_419], %swap3A_422 {strides = array<i32>} : memref<128xi32, #tpu.memory_space<vmem>>, vector<16xi32>,
      %get3A_423 = arith.constant 592 : index
      %get3A_424 = tpu.vector_load %arg9[%get3A_423] {strides = array<i32>} : memref<1024xi32, #tpu.memory_space<vmem>>, vector<16xi32>,
      %get3A_425 = vector.shape_cast %get3A_424 : vector<16xi32> to vector<16xi32>
      %swap3A_426 = arith.constant 80 : index
      %swap3A_427 = tpu.vector_load %arg11[%swap3A_426] {strides = array<i32>} : memref<128xi32, #tpu.memory_space<vmem>>, vector<16xi32>,
      %swap3A_428 = vector.shape_cast %swap3A_427 : vector<16xi32> to vector<16xi32>
      %swap3A_429 = vector.shape_cast %get3A_425 : vector<16xi32> to vector<16xi32>
      tpu.vector_store %arg11[%swap3A_426], %swap3A_429 {strides = array<i32>} : memref<128xi32, #tpu.memory_space<vmem>>, vector<16xi32>,
      %get3A_430 = arith.constant 608 : index
      %get3A_431 = tpu.vector_load %arg9[%get3A_430] {strides = array<i32>} : memref<1024xi32, #tpu.memory_space<vmem>>, vector<16xi32>,
      %get3A_432 = vector.shape_cast %get3A_431 : vector<16xi32> to vector<16xi32>
      %swap3A_433 = arith.constant 96 : index
      %swap3A_434 = tpu.vector_load %arg11[%swap3A_433] {strides = array<i32>} : memref<128xi32, #tpu.memory_space<vmem>>, vector<16xi32>,
      %swap3A_435 = vector.shape_cast %swap3A_434 : vector<16xi32> to vector<16xi32>
      %swap3A_436 = vector.shape_cast %get3A_432 : vector<16xi32> to vector<16xi32>
      tpu.vector_store %arg11[%swap3A_433], %swap3A_436 {strides = array<i32>} : memref<128xi32, #tpu.memory_space<vmem>>, vector<16xi32>,
      %get3A_437 = arith.constant 624 : index
      %get3A_438 = tpu.vector_load %arg9[%get3A_437] {strides = array<i32>} : memref<1024xi32, #tpu.memory_space<vmem>>, vector<16xi32>,
      %get3A_439 = vector.shape_cast %get3A_438 : vector<16xi32> to vector<16xi32>
      %swap3A_440 = arith.constant 112 : index
      %swap3A_441 = tpu.vector_load %arg11[%swap3A_440] {strides = array<i32>} : memref<128xi32, #tpu.memory_space<vmem>>, vector<16xi32>,
      %swap3A_442 = vector.shape_cast %swap3A_441 : vector<16xi32> to vector<16xi32>
      %swap3A_443 = vector.shape_cast %get3A_439 : vector<16xi32> to vector<16xi32>
      tpu.vector_store %arg11[%swap3A_440], %swap3A_443 {strides = array<i32>} : memref<128xi32, #tpu.memory_space<vmem>>, vector<16xi32>,
      %dma_start3A_444 = arith.constant 512 : i32
      %dma_start3A_445 = tpu.memref_slice %arg7[%dma_start3A_444] : memref<1024xi32, #tpu.memory_space<vmem>> -> memref<128xi32, #tpu.memory_space<vmem>>
      %dma_start3A_446 = arith.constant 0 : i32
      %dma_start3A_447 = arith.constant 0 : i32
      %dma_start3A_448 = tpu.memref_slice %arg2[%dma_start3A_446, %dma_start3A_447] : memref<100000x32xf32, #tpu.memory_space<hbm>> -> memref<100000x32xf32, #tpu.memory_space<hbm>>
      tpu.enqueue_indirect_dma source(%dma_start3A_448 : memref<100000x32xf32, #tpu.memory_space<hbm>>) target(%arg13 : memref<128x32xf32, #tpu.memory_space<vmem>>) offsets(%dma_start3A_445 : memref<128xi32, #tpu.memory_space<vmem>>) semaphore(%arg20 : memref<!tpu.dma_semaphore, #tpu.memory_space<semaphore_mem>>)
      %mul3A_449 = arith.constant 2 : i32
      %mul3A_450 = arith.muli %mul3A_449, %scan3A_144 : i32
      %add3A_451 = arith.constant 0 : i32
      %add3A_452 = arith.addi %mul3A_450, %add3A_451 : i32
      %dma_wait3A_453 = arith.constant 0 : i32
      %dma_wait3A_454 = tpu.memref_slice %arg7[%dma_wait3A_453] : memref<1024xi32, #tpu.memory_space<vmem>> -> memref<128xi32, #tpu.memory_space<vmem>>
      %dma_wait3A_455 = arith.constant 0 : i32
      %dma_wait3A_456 = arith.constant 0 : i32
      %dma_wait3A_457 = tpu.memref_slice %arg2[%dma_wait3A_455, %dma_wait3A_456] : memref<100000x32xf32, #tpu.memory_space<hbm>> -> memref<100000x32xf32, #tpu.memory_space<hbm>>
      tpu.wait_indirect_dma semaphore(%arg20 : memref<!tpu.dma_semaphore, #tpu.memory_space<semaphore_mem>>) src(%dma_wait3A_457 : memref<100000x32xf32, #tpu.memory_space<hbm>>) dst(%arg13 : memref<128x32xf32, #tpu.memory_space<vmem>>)
      %dma_start3A_458 = arith.constant 0 : i32
      %dma_start3A_459 = arith.constant 0 : i32
      %dma_start3A_460 = tpu.memref_slice %arg15[%dma_start3A_458, %dma_start3A_459] : memref<50016x32xf32, #tpu.memory_space<vmem_shared>> -> memref<50016x32xf32, #tpu.memory_space<vmem_shared>>
      tpu.enqueue_indirect_dma source(%arg13 : memref<128x32xf32, #tpu.memory_space<vmem>>) target(%dma_start3A_460 : memref<50016x32xf32, #tpu.memory_space<vmem_shared>>) offsets(%arg11 : memref<128xi32, #tpu.memory_space<vmem>>) semaphore(%arg22 : memref<!tpu.dma_semaphore, #tpu.memory_space<semaphore_mem>>) {add = true}
      %dma_wait3A_461 = arith.constant 0 : i32
      %dma_wait3A_462 = arith.constant 0 : i32
      %dma_wait3A_463 = tpu.memref_slice %arg15[%dma_wait3A_461, %dma_wait3A_462] : memref<50016x32xf32, #tpu.memory_space<vmem_shared>> -> memref<50016x32xf32, #tpu.memory_space<vmem_shared>>
      tpu.wait_indirect_dma semaphore(%arg23 : memref<!tpu.dma_semaphore, #tpu.memory_space<semaphore_mem>>) src(%arg14 : memref<128x32xf32, #tpu.memory_space<vmem>>) dst(%dma_wait3A_463 : memref<50016x32xf32, #tpu.memory_space<vmem_shared>>)
      %get3A_464 = arith.constant 640 : index
      %get3A_465 = tpu.vector_load %arg9[%get3A_464] {strides = array<i32>} : memref<1024xi32, #tpu.memory_space<vmem>>, vector<16xi32>,
      %get3A_466 = vector.shape_cast %get3A_465 : vector<16xi32> to vector<16xi32>
      %swap3A_467 = arith.constant 0 : index
      %swap3A_468 = tpu.vector_load %arg12[%swap3A_467] {strides = array<i32>} : memref<128xi32, #tpu.memory_space<vmem>>, vector<16xi32>,
      %swap3A_469 = vector.shape_cast %swap3A_468 : vector<16xi32> to vector<16xi32>
      %swap3A_470 = vector.shape_cast %get3A_466 : vector<16xi32> to vector<16xi32>
      tpu.vector_store %arg12[%swap3A_467], %swap3A_470 {strides = array<i32>} : memref<128xi32, #tpu.memory_space<vmem>>, vector<16xi32>,
      %get3A_471 = arith.constant 656 : index
      %get3A_472 = tpu.vector_load %arg9[%get3A_471] {strides = array<i32>} : memref<1024xi32, #tpu.memory_space<vmem>>, vector<16xi32>,
      %get3A_473 = vector.shape_cast %get3A_472 : vector<16xi32> to vector<16xi32>
      %swap3A_474 = arith.constant 16 : index
      %swap3A_475 = tpu.vector_load %arg12[%swap3A_474] {strides = array<i32>} : memref<128xi32, #tpu.memory_space<vmem>>, vector<16xi32>,
      %swap3A_476 = vector.shape_cast %swap3A_475 : vector<16xi32> to vector<16xi32>
      %swap3A_477 = vector.shape_cast %get3A_473 : vector<16xi32> to vector<16xi32>
      tpu.vector_store %arg12[%swap3A_474], %swap3A_477 {strides = array<i32>} : memref<128xi32, #tpu.memory_space<vmem>>, vector<16xi32>,
      %get3A_478 = arith.constant 672 : index
      %get3A_479 = tpu.vector_load %arg9[%get3A_478] {strides = array<i32>} : memref<1024xi32, #tpu.memory_space<vmem>>, vector<16xi32>,
      %get3A_480 = vector.shape_cast %get3A_479 : vector<16xi32> to vector<16xi32>
      %swap3A_481 = arith.constant 32 : index
      %swap3A_482 = tpu.vector_load %arg12[%swap3A_481] {strides = array<i32>} : memref<128xi32, #tpu.memory_space<vmem>>, vector<16xi32>,
      %swap3A_483 = vector.shape_cast %swap3A_482 : vector<16xi32> to vector<16xi32>
      %swap3A_484 = vector.shape_cast %get3A_480 : vector<16xi32> to vector<16xi32>
      tpu.vector_store %arg12[%swap3A_481], %swap3A_484 {strides = array<i32>} : memref<128xi32, #tpu.memory_space<vmem>>, vector<16xi32>,
      %get3A_485 = arith.constant 688 : index
      %get3A_486 = tpu.vector_load %arg9[%get3A_485] {strides = array<i32>} : memref<1024xi32, #tpu.memory_space<vmem>>, vector<16xi32>,
      %get3A_487 = vector.shape_cast %get3A_486 : vector<16xi32> to vector<16xi32>
      %swap3A_488 = arith.constant 48 : index
      %swap3A_489 = tpu.vector_load %arg12[%swap3A_488] {strides = array<i32>} : memref<128xi32, #tpu.memory_space<vmem>>, vector<16xi32>,
      %swap3A_490 = vector.shape_cast %swap3A_489 : vector<16xi32> to vector<16xi32>
      %swap3A_491 = vector.shape_cast %get3A_487 : vector<16xi32> to vector<16xi32>
      tpu.vector_store %arg12[%swap3A_488], %swap3A_491 {strides = array<i32>} : memref<128xi32, #tpu.memory_space<vmem>>, vector<16xi32>,
      %get3A_492 = arith.constant 704 : index
      %get3A_493 = tpu.vector_load %arg9[%get3A_492] {strides = array<i32>} : memref<1024xi32, #tpu.memory_space<vmem>>, vector<16xi32>,
      %get3A_494 = vector.shape_cast %get3A_493 : vector<16xi32> to vector<16xi32>
      %swap3A_495 = arith.constant 64 : index
      %swap3A_496 = tpu.vector_load %arg12[%swap3A_495] {strides = array<i32>} : memref<128xi32, #tpu.memory_space<vmem>>, vector<16xi32>,
      %swap3A_497 = vector.shape_cast %swap3A_496 : vector<16xi32> to vector<16xi32>
      %swap3A_498 = vector.shape_cast %get3A_494 : vector<16xi32> to vector<16xi32>
      tpu.vector_store %arg12[%swap3A_495], %swap3A_498 {strides = array<i32>} : memref<128xi32, #tpu.memory_space<vmem>>, vector<16xi32>,
      %get3A_499 = arith.constant 720 : index
      %get3A_500 = tpu.vector_load %arg9[%get3A_499] {strides = array<i32>} : memref<1024xi32, #tpu.memory_space<vmem>>, vector<16xi32>,
      %get3A_501 = vector.shape_cast %get3A_500 : vector<16xi32> to vector<16xi32>
      %swap3A_502 = arith.constant 80 : index
      %swap3A_503 = tpu.vector_load %arg12[%swap3A_502] {strides = array<i32>} : memref<128xi32, #tpu.memory_space<vmem>>, vector<16xi32>,
      %swap3A_504 = vector.shape_cast %swap3A_503 : vector<16xi32> to vector<16xi32>
      %swap3A_505 = vector.shape_cast %get3A_501 : vector<16xi32> to vector<16xi32>
      tpu.vector_store %arg12[%swap3A_502], %swap3A_505 {strides = array<i32>} : memref<128xi32, #tpu.memory_space<vmem>>, vector<16xi32>,
      %get3A_506 = arith.constant 736 : index
      %get3A_507 = tpu.vector_load %arg9[%get3A_506] {strides = array<i32>} : memref<1024xi32, #tpu.memory_space<vmem>>, vector<16xi32>,
      %get3A_508 = vector.shape_cast %get3A_507 : vector<16xi32> to vector<16xi32>
      %swap3A_509 = arith.constant 96 : index
      %swap3A_510 = tpu.vector_load %arg12[%swap3A_509] {strides = array<i32>} : memref<128xi32, #tpu.memory_space<vmem>>, vector<16xi32>,
      %swap3A_511 = vector.shape_cast %swap3A_510 : vector<16xi32> to vector<16xi32>
      %swap3A_512 = vector.shape_cast %get3A_508 : vector<16xi32> to vector<16xi32>
      tpu.vector_store %arg12[%swap3A_509], %swap3A_512 {strides = array<i32>} : memref<128xi32, #tpu.memory_space<vmem>>, vector<16xi32>,
      %get3A_513 = arith.constant 752 : index
      %get3A_514 = tpu.vector_load %arg9[%get3A_513] {strides = array<i32>} : memref<1024xi32, #tpu.memory_space<vmem>>, vector<16xi32>,
      %get3A_515 = vector.shape_cast %get3A_514 : vector<16xi32> to vector<16xi32>
      %swap3A_516 = arith.constant 112 : index
      %swap3A_517 = tpu.vector_load %arg12[%swap3A_516] {strides = array<i32>} : memref<128xi32, #tpu.memory_space<vmem>>, vector<16xi32>,
      %swap3A_518 = vector.shape_cast %swap3A_517 : vector<16xi32> to vector<16xi32>
      %swap3A_519 = vector.shape_cast %get3A_515 : vector<16xi32> to vector<16xi32>
      tpu.vector_store %arg12[%swap3A_516], %swap3A_519 {strides = array<i32>} : memref<128xi32, #tpu.memory_space<vmem>>, vector<16xi32>,
      %dma_start3A_520 = arith.constant 640 : i32
      %dma_start3A_521 = tpu.memref_slice %arg7[%dma_start3A_520] : memref<1024xi32, #tpu.memory_space<vmem>> -> memref<128xi32, #tpu.memory_space<vmem>>
      %dma_start3A_522 = arith.constant 0 : i32
      %dma_start3A_523 = arith.constant 0 : i32
      %dma_start3A_524 = tpu.memref_slice %arg2[%dma_start3A_522, %dma_start3A_523] : memref<100000x32xf32, #tpu.memory_space<hbm>> -> memref<100000x32xf32, #tpu.memory_space<hbm>>
      tpu.enqueue_indirect_dma source(%dma_start3A_524 : memref<100000x32xf32, #tpu.memory_space<hbm>>) target(%arg14 : memref<128x32xf32, #tpu.memory_space<vmem>>) offsets(%dma_start3A_521 : memref<128xi32, #tpu.memory_space<vmem>>) semaphore(%arg21 : memref<!tpu.dma_semaphore, #tpu.memory_space<semaphore_mem>>)
      %mul3A_525 = arith.constant 2 : i32
      %mul3A_526 = arith.muli %mul3A_525, %scan3A_144 : i32
      %add3A_527 = arith.constant 0 : i32
      %add3A_528 = arith.addi %mul3A_526, %add3A_527 : i32
      %dma_wait3A_529 = arith.constant 0 : i32
      %dma_wait3A_530 = tpu.memref_slice %arg7[%dma_wait3A_529] : memref<1024xi32, #tpu.memory_space<vmem>> -> memref<128xi32, #tpu.memory_space<vmem>>
      %dma_wait3A_531 = arith.constant 0 : i32
      %dma_wait3A_532 = arith.constant 0 : i32
      %dma_wait3A_533 = tpu.memref_slice %arg2[%dma_wait3A_531, %dma_wait3A_532] : memref<100000x32xf32, #tpu.memory_space<hbm>> -> memref<100000x32xf32, #tpu.memory_space<hbm>>
      tpu.wait_indirect_dma semaphore(%arg21 : memref<!tpu.dma_semaphore, #tpu.memory_space<semaphore_mem>>) src(%dma_wait3A_533 : memref<100000x32xf32, #tpu.memory_space<hbm>>) dst(%arg14 : memref<128x32xf32, #tpu.memory_space<vmem>>)
      %dma_start3A_534 = arith.constant 0 : i32
      %dma_start3A_535 = arith.constant 0 : i32
      %dma_start3A_536 = tpu.memref_slice %arg15[%dma_start3A_534, %dma_start3A_535] : memref<50016x32xf32, #tpu.memory_space<vmem_shared>> -> memref<50016x32xf32, #tpu.memory_space<vmem_shared>>
      tpu.enqueue_indirect_dma source(%arg14 : memref<128x32xf32, #tpu.memory_space<vmem>>) target(%dma_start3A_536 : memref<50016x32xf32, #tpu.memory_space<vmem_shared>>) offsets(%arg12 : memref<128xi32, #tpu.memory_space<vmem>>) semaphore(%arg23 : memref<!tpu.dma_semaphore, #tpu.memory_space<semaphore_mem>>) {add = true}
      %dma_wait3A_537 = arith.constant 0 : i32
      %dma_wait3A_538 = arith.constant 0 : i32
      %dma_wait3A_539 = tpu.memref_slice %arg15[%dma_wait3A_537, %dma_wait3A_538] : memref<50016x32xf32, #tpu.memory_space<vmem_shared>> -> memref<50016x32xf32, #tpu.memory_space<vmem_shared>>
      tpu.wait_indirect_dma semaphore(%arg22 : memref<!tpu.dma_semaphore, #tpu.memory_space<semaphore_mem>>) src(%arg13 : memref<128x32xf32, #tpu.memory_space<vmem>>) dst(%dma_wait3A_539 : memref<50016x32xf32, #tpu.memory_space<vmem_shared>>)
      %get3A_540 = arith.constant 768 : index
      %get3A_541 = tpu.vector_load %arg9[%get3A_540] {strides = array<i32>} : memref<1024xi32, #tpu.memory_space<vmem>>, vector<16xi32>,
      %get3A_542 = vector.shape_cast %get3A_541 : vector<16xi32> to vector<16xi32>
      %swap3A_543 = arith.constant 0 : index
      %swap3A_544 = tpu.vector_load %arg11[%swap3A_543] {strides = array<i32>} : memref<128xi32, #tpu.memory_space<vmem>>, vector<16xi32>,
      %swap3A_545 = vector.shape_cast %swap3A_544 : vector<16xi32> to vector<16xi32>
      %swap3A_546 = vector.shape_cast %get3A_542 : vector<16xi32> to vector<16xi32>
      tpu.vector_store %arg11[%swap3A_543], %swap3A_546 {strides = array<i32>} : memref<128xi32, #tpu.memory_space<vmem>>, vector<16xi32>,
      %get3A_547 = arith.constant 784 : index
      %get3A_548 = tpu.vector_load %arg9[%get3A_547] {strides = array<i32>} : memref<1024xi32, #tpu.memory_space<vmem>>, vector<16xi32>,
      %get3A_549 = vector.shape_cast %get3A_548 : vector<16xi32> to vector<16xi32>
      %swap3A_550 = arith.constant 16 : index
      %swap3A_551 = tpu.vector_load %arg11[%swap3A_550] {strides = array<i32>} : memref<128xi32, #tpu.memory_space<vmem>>, vector<16xi32>,
      %swap3A_552 = vector.shape_cast %swap3A_551 : vector<16xi32> to vector<16xi32>
      %swap3A_553 = vector.shape_cast %get3A_549 : vector<16xi32> to vector<16xi32>
      tpu.vector_store %arg11[%swap3A_550], %swap3A_553 {strides = array<i32>} : memref<128xi32, #tpu.memory_space<vmem>>, vector<16xi32>,
      %get3A_554 = arith.constant 800 : index
      %get3A_555 = tpu.vector_load %arg9[%get3A_554] {strides = array<i32>} : memref<1024xi32, #tpu.memory_space<vmem>>, vector<16xi32>,
      %get3A_556 = vector.shape_cast %get3A_555 : vector<16xi32> to vector<16xi32>
      %swap3A_557 = arith.constant 32 : index
      %swap3A_558 = tpu.vector_load %arg11[%swap3A_557] {strides = array<i32>} : memref<128xi32, #tpu.memory_space<vmem>>, vector<16xi32>,
      %swap3A_559 = vector.shape_cast %swap3A_558 : vector<16xi32> to vector<16xi32>
      %swap3A_560 = vector.shape_cast %get3A_556 : vector<16xi32> to vector<16xi32>
      tpu.vector_store %arg11[%swap3A_557], %swap3A_560 {strides = array<i32>} : memref<128xi32, #tpu.memory_space<vmem>>, vector<16xi32>,
      %get3A_561 = arith.constant 816 : index
      %get3A_562 = tpu.vector_load %arg9[%get3A_561] {strides = array<i32>} : memref<1024xi32, #tpu.memory_space<vmem>>, vector<16xi32>,
      %get3A_563 = vector.shape_cast %get3A_562 : vector<16xi32> to vector<16xi32>
      %swap3A_564 = arith.constant 48 : index
      %swap3A_565 = tpu.vector_load %arg11[%swap3A_564] {strides = array<i32>} : memref<128xi32, #tpu.memory_space<vmem>>, vector<16xi32>,
      %swap3A_566 = vector.shape_cast %swap3A_565 : vector<16xi32> to vector<16xi32>
      %swap3A_567 = vector.shape_cast %get3A_563 : vector<16xi32> to vector<16xi32>
      tpu.vector_store %arg11[%swap3A_564], %swap3A_567 {strides = array<i32>} : memref<128xi32, #tpu.memory_space<vmem>>, vector<16xi32>,
      %get3A_568 = arith.constant 832 : index
      %get3A_569 = tpu.vector_load %arg9[%get3A_568] {strides = array<i32>} : memref<1024xi32, #tpu.memory_space<vmem>>, vector<16xi32>,
      %get3A_570 = vector.shape_cast %get3A_569 : vector<16xi32> to vector<16xi32>
      %swap3A_571 = arith.constant 64 : index
      %swap3A_572 = tpu.vector_load %arg11[%swap3A_571] {strides = array<i32>} : memref<128xi32, #tpu.memory_space<vmem>>, vector<16xi32>,
      %swap3A_573 = vector.shape_cast %swap3A_572 : vector<16xi32> to vector<16xi32>
      %swap3A_574 = vector.shape_cast %get3A_570 : vector<16xi32> to vector<16xi32>
      tpu.vector_store %arg11[%swap3A_571], %swap3A_574 {strides = array<i32>} : memref<128xi32, #tpu.memory_space<vmem>>, vector<16xi32>,
      %get3A_575 = arith.constant 848 : index
      %get3A_576 = tpu.vector_load %arg9[%get3A_575] {strides = array<i32>} : memref<1024xi32, #tpu.memory_space<vmem>>, vector<16xi32>,
      %get3A_577 = vector.shape_cast %get3A_576 : vector<16xi32> to vector<16xi32>
      %swap3A_578 = arith.constant 80 : index
      %swap3A_579 = tpu.vector_load %arg11[%swap3A_578] {strides = array<i32>} : memref<128xi32, #tpu.memory_space<vmem>>, vector<16xi32>,
      %swap3A_580 = vector.shape_cast %swap3A_579 : vector<16xi32> to vector<16xi32>
      %swap3A_581 = vector.shape_cast %get3A_577 : vector<16xi32> to vector<16xi32>
      tpu.vector_store %arg11[%swap3A_578], %swap3A_581 {strides = array<i32>} : memref<128xi32, #tpu.memory_space<vmem>>, vector<16xi32>,
      %get3A_582 = arith.constant 864 : index
      %get3A_583 = tpu.vector_load %arg9[%get3A_582] {strides = array<i32>} : memref<1024xi32, #tpu.memory_space<vmem>>, vector<16xi32>,
      %get3A_584 = vector.shape_cast %get3A_583 : vector<16xi32> to vector<16xi32>
      %swap3A_585 = arith.constant 96 : index
      %swap3A_586 = tpu.vector_load %arg11[%swap3A_585] {strides = array<i32>} : memref<128xi32, #tpu.memory_space<vmem>>, vector<16xi32>,
      %swap3A_587 = vector.shape_cast %swap3A_586 : vector<16xi32> to vector<16xi32>
      %swap3A_588 = vector.shape_cast %get3A_584 : vector<16xi32> to vector<16xi32>
      tpu.vector_store %arg11[%swap3A_585], %swap3A_588 {strides = array<i32>} : memref<128xi32, #tpu.memory_space<vmem>>, vector<16xi32>,
      %get3A_589 = arith.constant 880 : index
      %get3A_590 = tpu.vector_load %arg9[%get3A_589] {strides = array<i32>} : memref<1024xi32, #tpu.memory_space<vmem>>, vector<16xi32>,
      %get3A_591 = vector.shape_cast %get3A_590 : vector<16xi32> to vector<16xi32>
      %swap3A_592 = arith.constant 112 : index
      %swap3A_593 = tpu.vector_load %arg11[%swap3A_592] {strides = array<i32>} : memref<128xi32, #tpu.memory_space<vmem>>, vector<16xi32>,
      %swap3A_594 = vector.shape_cast %swap3A_593 : vector<16xi32> to vector<16xi32>
      %swap3A_595 = vector.shape_cast %get3A_591 : vector<16xi32> to vector<16xi32>
      tpu.vector_store %arg11[%swap3A_592], %swap3A_595 {strides = array<i32>} : memref<128xi32, #tpu.memory_space<vmem>>, vector<16xi32>,
      %dma_start3A_596 = arith.constant 768 : i32
      %dma_start3A_597 = tpu.memref_slice %arg7[%dma_start3A_596] : memref<1024xi32, #tpu.memory_space<vmem>> -> memref<128xi32, #tpu.memory_space<vmem>>
      %dma_start3A_598 = arith.constant 0 : i32
      %dma_start3A_599 = arith.constant 0 : i32
      %dma_start3A_600 = tpu.memref_slice %arg2[%dma_start3A_598, %dma_start3A_599] : memref<100000x32xf32, #tpu.memory_space<hbm>> -> memref<100000x32xf32, #tpu.memory_space<hbm>>
      tpu.enqueue_indirect_dma source(%dma_start3A_600 : memref<100000x32xf32, #tpu.memory_space<hbm>>) target(%arg13 : memref<128x32xf32, #tpu.memory_space<vmem>>) offsets(%dma_start3A_597 : memref<128xi32, #tpu.memory_space<vmem>>) semaphore(%arg20 : memref<!tpu.dma_semaphore, #tpu.memory_space<semaphore_mem>>)
      %mul3A_601 = arith.constant 2 : i32
      %mul3A_602 = arith.muli %mul3A_601, %scan3A_144 : i32
      %add3A_603 = arith.constant 0 : i32
      %add3A_604 = arith.addi %mul3A_602, %add3A_603 : i32
      %dma_wait3A_605 = arith.constant 0 : i32
      %dma_wait3A_606 = tpu.memref_slice %arg7[%dma_wait3A_605] : memref<1024xi32, #tpu.memory_space<vmem>> -> memref<128xi32, #tpu.memory_space<vmem>>
      %dma_wait3A_607 = arith.constant 0 : i32
      %dma_wait3A_608 = arith.constant 0 : i32
      %dma_wait3A_609 = tpu.memref_slice %arg2[%dma_wait3A_607, %dma_wait3A_608] : memref<100000x32xf32, #tpu.memory_space<hbm>> -> memref<100000x32xf32, #tpu.memory_space<hbm>>
      tpu.wait_indirect_dma semaphore(%arg20 : memref<!tpu.dma_semaphore, #tpu.memory_space<semaphore_mem>>) src(%dma_wait3A_609 : memref<100000x32xf32, #tpu.memory_space<hbm>>) dst(%arg13 : memref<128x32xf32, #tpu.memory_space<vmem>>)
      %dma_start3A_610 = arith.constant 0 : i32
      %dma_start3A_611 = arith.constant 0 : i32
      %dma_start3A_612 = tpu.memref_slice %arg15[%dma_start3A_610, %dma_start3A_611] : memref<50016x32xf32, #tpu.memory_space<vmem_shared>> -> memref<50016x32xf32, #tpu.memory_space<vmem_shared>>
      tpu.enqueue_indirect_dma source(%arg13 : memref<128x32xf32, #tpu.memory_space<vmem>>) target(%dma_start3A_612 : memref<50016x32xf32, #tpu.memory_space<vmem_shared>>) offsets(%arg11 : memref<128xi32, #tpu.memory_space<vmem>>) semaphore(%arg22 : memref<!tpu.dma_semaphore, #tpu.memory_space<semaphore_mem>>) {add = true}
      %dma_wait3A_613 = arith.constant 0 : i32
      %dma_wait3A_614 = arith.constant 0 : i32
      %dma_wait3A_615 = tpu.memref_slice %arg15[%dma_wait3A_613, %dma_wait3A_614] : memref<50016x32xf32, #tpu.memory_space<vmem_shared>> -> memref<50016x32xf32, #tpu.memory_space<vmem_shared>>
      tpu.wait_indirect_dma semaphore(%arg23 : memref<!tpu.dma_semaphore, #tpu.memory_space<semaphore_mem>>) src(%arg14 : memref<128x32xf32, #tpu.memory_space<vmem>>) dst(%dma_wait3A_615 : memref<50016x32xf32, #tpu.memory_space<vmem_shared>>)
      %get3A_616 = arith.constant 896 : index
      %get3A_617 = tpu.vector_load %arg9[%get3A_616] {strides = array<i32>} : memref<1024xi32, #tpu.memory_space<vmem>>, vector<16xi32>,
      %get3A_618 = vector.shape_cast %get3A_617 : vector<16xi32> to vector<16xi32>
      %swap3A_619 = arith.constant 0 : index
      %swap3A_620 = tpu.vector_load %arg12[%swap3A_619] {strides = array<i32>} : memref<128xi32, #tpu.memory_space<vmem>>, vector<16xi32>,
      %swap3A_621 = vector.shape_cast %swap3A_620 : vector<16xi32> to vector<16xi32>
      %swap3A_622 = vector.shape_cast %get3A_618 : vector<16xi32> to vector<16xi32>
      tpu.vector_store %arg12[%swap3A_619], %swap3A_622 {strides = array<i32>} : memref<128xi32, #tpu.memory_space<vmem>>, vector<16xi32>,
      %get3A_623 = arith.constant 912 : index
      %get3A_624 = tpu.vector_load %arg9[%get3A_623] {strides = array<i32>} : memref<1024xi32, #tpu.memory_space<vmem>>, vector<16xi32>,
      %get3A_625 = vector.shape_cast %get3A_624 : vector<16xi32> to vector<16xi32>
      %swap3A_626 = arith.constant 16 : index
      %swap3A_627 = tpu.vector_load %arg12[%swap3A_626] {strides = array<i32>} : memref<128xi32, #tpu.memory_space<vmem>>, vector<16xi32>,
      %swap3A_628 = vector.shape_cast %swap3A_627 : vector<16xi32> to vector<16xi32>
      %swap3A_629 = vector.shape_cast %get3A_625 : vector<16xi32> to vector<16xi32>
      tpu.vector_store %arg12[%swap3A_626], %swap3A_629 {strides = array<i32>} : memref<128xi32, #tpu.memory_space<vmem>>, vector<16xi32>,
      %get3A_630 = arith.constant 928 : index
      %get3A_631 = tpu.vector_load %arg9[%get3A_630] {strides = array<i32>} : memref<1024xi32, #tpu.memory_space<vmem>>, vector<16xi32>,
      %get3A_632 = vector.shape_cast %get3A_631 : vector<16xi32> to vector<16xi32>
      %swap3A_633 = arith.constant 32 : index
      %swap3A_634 = tpu.vector_load %arg12[%swap3A_633] {strides = array<i32>} : memref<128xi32, #tpu.memory_space<vmem>>, vector<16xi32>,
      %swap3A_635 = vector.shape_cast %swap3A_634 : vector<16xi32> to vector<16xi32>
      %swap3A_636 = vector.shape_cast %get3A_632 : vector<16xi32> to vector<16xi32>
      tpu.vector_store %arg12[%swap3A_633], %swap3A_636 {strides = array<i32>} : memref<128xi32, #tpu.memory_space<vmem>>, vector<16xi32>,
      %get3A_637 = arith.constant 944 : index
      %get3A_638 = tpu.vector_load %arg9[%get3A_637] {strides = array<i32>} : memref<1024xi32, #tpu.memory_space<vmem>>, vector<16xi32>,
      %get3A_639 = vector.shape_cast %get3A_638 : vector<16xi32> to vector<16xi32>
      %swap3A_640 = arith.constant 48 : index
      %swap3A_641 = tpu.vector_load %arg12[%swap3A_640] {strides = array<i32>} : memref<128xi32, #tpu.memory_space<vmem>>, vector<16xi32>,
      %swap3A_642 = vector.shape_cast %swap3A_641 : vector<16xi32> to vector<16xi32>
      %swap3A_643 = vector.shape_cast %get3A_639 : vector<16xi32> to vector<16xi32>
      tpu.vector_store %arg12[%swap3A_640], %swap3A_643 {strides = array<i32>} : memref<128xi32, #tpu.memory_space<vmem>>, vector<16xi32>,
      %get3A_644 = arith.constant 960 : index
      %get3A_645 = tpu.vector_load %arg9[%get3A_644] {strides = array<i32>} : memref<1024xi32, #tpu.memory_space<vmem>>, vector<16xi32>,
      %get3A_646 = vector.shape_cast %get3A_645 : vector<16xi32> to vector<16xi32>
      %swap3A_647 = arith.constant 64 : index
      %swap3A_648 = tpu.vector_load %arg12[%swap3A_647] {strides = array<i32>} : memref<128xi32, #tpu.memory_space<vmem>>, vector<16xi32>,
      %swap3A_649 = vector.shape_cast %swap3A_648 : vector<16xi32> to vector<16xi32>
      %swap3A_650 = vector.shape_cast %get3A_646 : vector<16xi32> to vector<16xi32>
      tpu.vector_store %arg12[%swap3A_647], %swap3A_650 {strides = array<i32>} : memref<128xi32, #tpu.memory_space<vmem>>, vector<16xi32>,
      %get3A_651 = arith.constant 976 : index
      %get3A_652 = tpu.vector_load %arg9[%get3A_651] {strides = array<i32>} : memref<1024xi32, #tpu.memory_space<vmem>>, vector<16xi32>,
      %get3A_653 = vector.shape_cast %get3A_652 : vector<16xi32> to vector<16xi32>
      %swap3A_654 = arith.constant 80 : index
      %swap3A_655 = tpu.vector_load %arg12[%swap3A_654] {strides = array<i32>} : memref<128xi32, #tpu.memory_space<vmem>>, vector<16xi32>,
      %swap3A_656 = vector.shape_cast %swap3A_655 : vector<16xi32> to vector<16xi32>
      %swap3A_657 = vector.shape_cast %get3A_653 : vector<16xi32> to vector<16xi32>
      tpu.vector_store %arg12[%swap3A_654], %swap3A_657 {strides = array<i32>} : memref<128xi32, #tpu.memory_space<vmem>>, vector<16xi32>,
      %get3A_658 = arith.constant 992 : index
      %get3A_659 = tpu.vector_load %arg9[%get3A_658] {strides = array<i32>} : memref<1024xi32, #tpu.memory_space<vmem>>, vector<16xi32>,
      %get3A_660 = vector.shape_cast %get3A_659 : vector<16xi32> to vector<16xi32>
      %swap3A_661 = arith.constant 96 : index
      %swap3A_662 = tpu.vector_load %arg12[%swap3A_661] {strides = array<i32>} : memref<128xi32, #tpu.memory_space<vmem>>, vector<16xi32>,
      %swap3A_663 = vector.shape_cast %swap3A_662 : vector<16xi32> to vector<16xi32>
      %swap3A_664 = vector.shape_cast %get3A_660 : vector<16xi32> to vector<16xi32>
      tpu.vector_store %arg12[%swap3A_661], %swap3A_664 {strides = array<i32>} : memref<128xi32, #tpu.memory_space<vmem>>, vector<16xi32>,
      %get3A_665 = arith.constant 1008 : index
      %get3A_666 = tpu.vector_load %arg9[%get3A_665] {strides = array<i32>} : memref<1024xi32, #tpu.memory_space<vmem>>, vector<16xi32>,
      %get3A_667 = vector.shape_cast %get3A_666 : vector<16xi32> to vector<16xi32>
      %swap3A_668 = arith.constant 112 : index
      %swap3A_669 = tpu.vector_load %arg12[%swap3A_668] {strides = array<i32>} : memref<128xi32, #tpu.memory_space<vmem>>, vector<16xi32>,
      %swap3A_670 = vector.shape_cast %swap3A_669 : vector<16xi32> to vector<16xi32>
      %swap3A_671 = vector.shape_cast %get3A_667 : vector<16xi32> to vector<16xi32>
      tpu.vector_store %arg12[%swap3A_668], %swap3A_671 {strides = array<i32>} : memref<128xi32, #tpu.memory_space<vmem>>, vector<16xi32>,
      %dma_start3A_672 = arith.constant 896 : i32
      %dma_start3A_673 = tpu.memref_slice %arg7[%dma_start3A_672] : memref<1024xi32, #tpu.memory_space<vmem>> -> memref<128xi32, #tpu.memory_space<vmem>>
      %dma_start3A_674 = arith.constant 0 : i32
      %dma_start3A_675 = arith.constant 0 : i32
      %dma_start3A_676 = tpu.memref_slice %arg2[%dma_start3A_674, %dma_start3A_675] : memref<100000x32xf32, #tpu.memory_space<hbm>> -> memref<100000x32xf32, #tpu.memory_space<hbm>>
      tpu.enqueue_indirect_dma source(%dma_start3A_676 : memref<100000x32xf32, #tpu.memory_space<hbm>>) target(%arg14 : memref<128x32xf32, #tpu.memory_space<vmem>>) offsets(%dma_start3A_673 : memref<128xi32, #tpu.memory_space<vmem>>) semaphore(%arg21 : memref<!tpu.dma_semaphore, #tpu.memory_space<semaphore_mem>>)
      %mul3A_677 = arith.constant 2 : i32
      %mul3A_678 = arith.muli %mul3A_677, %scan3A_144 : i32
      %add3A_679 = arith.constant 0 : i32
      %add3A_680 = arith.addi %mul3A_678, %add3A_679 : i32
      %dma_wait3A_681 = arith.constant 0 : i32
      %dma_wait3A_682 = tpu.memref_slice %arg7[%dma_wait3A_681] : memref<1024xi32, #tpu.memory_space<vmem>> -> memref<128xi32, #tpu.memory_space<vmem>>
      %dma_wait3A_683 = arith.constant 0 : i32
      %dma_wait3A_684 = arith.constant 0 : i32
      %dma_wait3A_685 = tpu.memref_slice %arg2[%dma_wait3A_683, %dma_wait3A_684] : memref<100000x32xf32, #tpu.memory_space<hbm>> -> memref<100000x32xf32, #tpu.memory_space<hbm>>
      tpu.wait_indirect_dma semaphore(%arg21 : memref<!tpu.dma_semaphore, #tpu.memory_space<semaphore_mem>>) src(%dma_wait3A_685 : memref<100000x32xf32, #tpu.memory_space<hbm>>) dst(%arg14 : memref<128x32xf32, #tpu.memory_space<vmem>>)
      %dma_start3A_686 = arith.constant 0 : i32
      %dma_start3A_687 = arith.constant 0 : i32
      %dma_start3A_688 = tpu.memref_slice %arg15[%dma_start3A_686, %dma_start3A_687] : memref<50016x32xf32, #tpu.memory_space<vmem_shared>> -> memref<50016x32xf32, #tpu.memory_space<vmem_shared>>
      tpu.enqueue_indirect_dma source(%arg14 : memref<128x32xf32, #tpu.memory_space<vmem>>) target(%dma_start3A_688 : memref<50016x32xf32, #tpu.memory_space<vmem_shared>>) offsets(%arg12 : memref<128xi32, #tpu.memory_space<vmem>>) semaphore(%arg23 : memref<!tpu.dma_semaphore, #tpu.memory_space<semaphore_mem>>) {add = true}
      %dma_wait3A_689 = tpu.memref_slice %arg3[%add3A] : memref<1642496xi32, #tpu.memory_space<hbm>> -> memref<1024xi32, #tpu.memory_space<hbm>>
      %dma_wait3A_690 = tpu.memref_slice %arg3[%add3A] : memref<1642496xi32, #tpu.memory_space<hbm>> -> memref<1024xi32, #tpu.memory_space<hbm>>
      tpu.wait_dma2 semaphore(%arg17 : memref<!tpu.dma_semaphore, #tpu.memory_space<semaphore_mem>>) src(%dma_wait3A_690 : memref<1024xi32, #tpu.memory_space<hbm>>) dst(%arg8 : memref<1024xi32, #tpu.memory_space<vmem>>)
      %dma_wait3A_691 = tpu.memref_slice %arg4[%mul3A_4] : memref<821248xi32, #tpu.memory_space<hbm>> -> memref<1024xi32, #tpu.memory_space<hbm>>
      %dma_wait3A_692 = tpu.memref_slice %arg4[%mul3A_4] : memref<821248xi32, #tpu.memory_space<hbm>> -> memref<1024xi32, #tpu.memory_space<hbm>>
      tpu.wait_dma2 semaphore(%arg19 : memref<!tpu.dma_semaphore, #tpu.memory_space<semaphore_mem>>) src(%dma_wait3A_692 : memref<1024xi32, #tpu.memory_space<hbm>>) dst(%arg10 : memref<1024xi32, #tpu.memory_space<vmem>>)
      %dma_wait3A_693 = arith.constant 0 : i32
      %dma_wait3A_694 = arith.constant 0 : i32
      %dma_wait3A_695 = tpu.memref_slice %arg15[%dma_wait3A_693, %dma_wait3A_694] : memref<50016x32xf32, #tpu.memory_space<vmem_shared>> -> memref<50016x32xf32, #tpu.memory_space<vmem_shared>>
      tpu.wait_indirect_dma semaphore(%arg22 : memref<!tpu.dma_semaphore, #tpu.memory_space<semaphore_mem>>) src(%arg13 : memref<128x32xf32, #tpu.memory_space<vmem>>) dst(%dma_wait3A_695 : memref<50016x32xf32, #tpu.memory_space<vmem_shared>>)
      %get3A_696 = arith.constant 0 : index
      %get3A_697 = tpu.vector_load %arg10[%get3A_696] {strides = array<i32>} : memref<1024xi32, #tpu.memory_space<vmem>>, vector<16xi32>,
      %get3A_698 = vector.shape_cast %get3A_697 : vector<16xi32> to vector<16xi32>
      %swap3A_699 = arith.constant 0 : index
      %swap3A_700 = tpu.vector_load %arg11[%swap3A_699] {strides = array<i32>} : memref<128xi32, #tpu.memory_space<vmem>>, vector<16xi32>,
      %swap3A_701 = vector.shape_cast %swap3A_700 : vector<16xi32> to vector<16xi32>
      %swap3A_702 = vector.shape_cast %get3A_698 : vector<16xi32> to vector<16xi32>
      tpu.vector_store %arg11[%swap3A_699], %swap3A_702 {strides = array<i32>} : memref<128xi32, #tpu.memory_space<vmem>>, vector<16xi32>,
      %get3A_703 = arith.constant 16 : index
      %get3A_704 = tpu.vector_load %arg10[%get3A_703] {strides = array<i32>} : memref<1024xi32, #tpu.memory_space<vmem>>, vector<16xi32>,
      %get3A_705 = vector.shape_cast %get3A_704 : vector<16xi32> to vector<16xi32>
      %swap3A_706 = arith.constant 16 : index
      %swap3A_707 = tpu.vector_load %arg11[%swap3A_706] {strides = array<i32>} : memref<128xi32, #tpu.memory_space<vmem>>, vector<16xi32>,
      %swap3A_708 = vector.shape_cast %swap3A_707 : vector<16xi32> to vector<16xi32>
      %swap3A_709 = vector.shape_cast %get3A_705 : vector<16xi32> to vector<16xi32>
      tpu.vector_store %arg11[%swap3A_706], %swap3A_709 {strides = array<i32>} : memref<128xi32, #tpu.memory_space<vmem>>, vector<16xi32>,
      %get3A_710 = arith.constant 32 : index
      %get3A_711 = tpu.vector_load %arg10[%get3A_710] {strides = array<i32>} : memref<1024xi32, #tpu.memory_space<vmem>>, vector<16xi32>,
      %get3A_712 = vector.shape_cast %get3A_711 : vector<16xi32> to vector<16xi32>
      %swap3A_713 = arith.constant 32 : index
      %swap3A_714 = tpu.vector_load %arg11[%swap3A_713] {strides = array<i32>} : memref<128xi32, #tpu.memory_space<vmem>>, vector<16xi32>,
      %swap3A_715 = vector.shape_cast %swap3A_714 : vector<16xi32> to vector<16xi32>
      %swap3A_716 = vector.shape_cast %get3A_712 : vector<16xi32> to vector<16xi32>
      tpu.vector_store %arg11[%swap3A_713], %swap3A_716 {strides = array<i32>} : memref<128xi32, #tpu.memory_space<vmem>>, vector<16xi32>,
      %get3A_717 = arith.constant 48 : index
      %get3A_718 = tpu.vector_load %arg10[%get3A_717] {strides = array<i32>} : memref<1024xi32, #tpu.memory_space<vmem>>, vector<16xi32>,
      %get3A_719 = vector.shape_cast %get3A_718 : vector<16xi32> to vector<16xi32>
      %swap3A_720 = arith.constant 48 : index
      %swap3A_721 = tpu.vector_load %arg11[%swap3A_720] {strides = array<i32>} : memref<128xi32, #tpu.memory_space<vmem>>, vector<16xi32>,
      %swap3A_722 = vector.shape_cast %swap3A_721 : vector<16xi32> to vector<16xi32>
      %swap3A_723 = vector.shape_cast %get3A_719 : vector<16xi32> to vector<16xi32>
      tpu.vector_store %arg11[%swap3A_720], %swap3A_723 {strides = array<i32>} : memref<128xi32, #tpu.memory_space<vmem>>, vector<16xi32>,
      %get3A_724 = arith.constant 64 : index
      %get3A_725 = tpu.vector_load %arg10[%get3A_724] {strides = array<i32>} : memref<1024xi32, #tpu.memory_space<vmem>>, vector<16xi32>,
      %get3A_726 = vector.shape_cast %get3A_725 : vector<16xi32> to vector<16xi32>
      %swap3A_727 = arith.constant 64 : index
      %swap3A_728 = tpu.vector_load %arg11[%swap3A_727] {strides = array<i32>} : memref<128xi32, #tpu.memory_space<vmem>>, vector<16xi32>,
      %swap3A_729 = vector.shape_cast %swap3A_728 : vector<16xi32> to vector<16xi32>
      %swap3A_730 = vector.shape_cast %get3A_726 : vector<16xi32> to vector<16xi32>
      tpu.vector_store %arg11[%swap3A_727], %swap3A_730 {strides = array<i32>} : memref<128xi32, #tpu.memory_space<vmem>>, vector<16xi32>,
      %get3A_731 = arith.constant 80 : index
      %get3A_732 = tpu.vector_load %arg10[%get3A_731] {strides = array<i32>} : memref<1024xi32, #tpu.memory_space<vmem>>, vector<16xi32>,
      %get3A_733 = vector.shape_cast %get3A_732 : vector<16xi32> to vector<16xi32>
      %swap3A_734 = arith.constant 80 : index
      %swap3A_735 = tpu.vector_load %arg11[%swap3A_734] {strides = array<i32>} : memref<128xi32, #tpu.memory_space<vmem>>, vector<16xi32>,
      %swap3A_736 = vector.shape_cast %swap3A_735 : vector<16xi32> to vector<16xi32>
      %swap3A_737 = vector.shape_cast %get3A_733 : vector<16xi32> to vector<16xi32>
      tpu.vector_store %arg11[%swap3A_734], %swap3A_737 {strides = array<i32>} : memref<128xi32, #tpu.memory_space<vmem>>, vector<16xi32>,
      %get3A_738 = arith.constant 96 : index
      %get3A_739 = tpu.vector_load %arg10[%get3A_738] {strides = array<i32>} : memref<1024xi32, #tpu.memory_space<vmem>>, vector<16xi32>,
      %get3A_740 = vector.shape_cast %get3A_739 : vector<16xi32> to vector<16xi32>
      %swap3A_741 = arith.constant 96 : index
      %swap3A_742 = tpu.vector_load %arg11[%swap3A_741] {strides = array<i32>} : memref<128xi32, #tpu.memory_space<vmem>>, vector<16xi32>,
      %swap3A_743 = vector.shape_cast %swap3A_742 : vector<16xi32> to vector<16xi32>
      %swap3A_744 = vector.shape_cast %get3A_740 : vector<16xi32> to vector<16xi32>
      tpu.vector_store %arg11[%swap3A_741], %swap3A_744 {strides = array<i32>} : memref<128xi32, #tpu.memory_space<vmem>>, vector<16xi32>,
      %get3A_745 = arith.constant 112 : index
      %get3A_746 = tpu.vector_load %arg10[%get3A_745] {strides = array<i32>} : memref<1024xi32, #tpu.memory_space<vmem>>, vector<16xi32>,
      %get3A_747 = vector.shape_cast %get3A_746 : vector<16xi32> to vector<16xi32>
      %swap3A_748 = arith.constant 112 : index
      %swap3A_749 = tpu.vector_load %arg11[%swap3A_748] {strides = array<i32>} : memref<128xi32, #tpu.memory_space<vmem>>, vector<16xi32>,
      %swap3A_750 = vector.shape_cast %swap3A_749 : vector<16xi32> to vector<16xi32>
      %swap3A_751 = vector.shape_cast %get3A_747 : vector<16xi32> to vector<16xi32>
      tpu.vector_store %arg11[%swap3A_748], %swap3A_751 {strides = array<i32>} : memref<128xi32, #tpu.memory_space<vmem>>, vector<16xi32>,
      %add3A_752 = arith.constant 2 : i32
      %add3A_753 = arith.addi %add3A_680, %add3A_752 : i32
      %mul3A_754 = arith.constant 1024 : i32
      %mul3A_755 = arith.muli %add3A_753, %mul3A_754 : i32
      %add3A_756 = arith.addi %add3A, %mul3A_755 : i32
      %dma_start3A_757 = tpu.memref_slice %arg3[%add3A_756] : memref<1642496xi32, #tpu.memory_space<hbm>> -> memref<1024xi32, #tpu.memory_space<hbm>>
      %dma_start3A_758 = tpu.memref_slice %arg3[%add3A_756] : memref<1642496xi32, #tpu.memory_space<hbm>> -> memref<1024xi32, #tpu.memory_space<hbm>>
      tpu.enqueue_dma source(%dma_start3A_758 : memref<1024xi32, #tpu.memory_space<hbm>>) target(%arg7 : memref<1024xi32, #tpu.memory_space<vmem>>) target_semaphore(%arg16 : memref<!tpu.dma_semaphore, #tpu.memory_space<semaphore_mem>>)
      %mul3A_759 = arith.constant 1024 : i32
      %mul3A_760 = arith.muli %add3A_753, %mul3A_759 : i32
      %add3A_761 = arith.addi %mul3A_4, %mul3A_760 : i32
      %dma_start3A_762 = tpu.memref_slice %arg4[%add3A_761] : memref<821248xi32, #tpu.memory_space<hbm>> -> memref<1024xi32, #tpu.memory_space<hbm>>
      %dma_start3A_763 = tpu.memref_slice %arg4[%add3A_761] : memref<821248xi32, #tpu.memory_space<hbm>> -> memref<1024xi32, #tpu.memory_space<hbm>>
      tpu.enqueue_dma source(%dma_start3A_763 : memref<1024xi32, #tpu.memory_space<hbm>>) target(%arg9 : memref<1024xi32, #tpu.memory_space<vmem>>) target_semaphore(%arg18 : memref<!tpu.dma_semaphore, #tpu.memory_space<semaphore_mem>>)
      %dma_start3A_764 = arith.constant 0 : i32
      %dma_start3A_765 = tpu.memref_slice %arg8[%dma_start3A_764] : memref<1024xi32, #tpu.memory_space<vmem>> -> memref<128xi32, #tpu.memory_space<vmem>>
      %dma_start3A_766 = arith.constant 0 : i32
      %dma_start3A_767 = arith.constant 0 : i32
      %dma_start3A_768 = tpu.memref_slice %arg2[%dma_start3A_766, %dma_start3A_767] : memref<100000x32xf32, #tpu.memory_space<hbm>> -> memref<100000x32xf32, #tpu.memory_space<hbm>>
      tpu.enqueue_indirect_dma source(%dma_start3A_768 : memref<100000x32xf32, #tpu.memory_space<hbm>>) target(%arg13 : memref<128x32xf32, #tpu.memory_space<vmem>>) offsets(%dma_start3A_765 : memref<128xi32, #tpu.memory_space<vmem>>) semaphore(%arg20 : memref<!tpu.dma_semaphore, #tpu.memory_space<semaphore_mem>>)
      %mul3A_769 = arith.constant 2 : i32
      %mul3A_770 = arith.muli %mul3A_769, %scan3A_144 : i32
      %add3A_771 = arith.constant 1 : i32
      %add3A_772 = arith.addi %mul3A_770, %add3A_771 : i32
      %dma_wait3A_773 = arith.constant 0 : i32
      %dma_wait3A_774 = tpu.memref_slice %arg7[%dma_wait3A_773] : memref<1024xi32, #tpu.memory_space<vmem>> -> memref<128xi32, #tpu.memory_space<vmem>>
      %dma_wait3A_775 = arith.constant 0 : i32
      %dma_wait3A_776 = arith.constant 0 : i32
      %dma_wait3A_777 = tpu.memref_slice %arg2[%dma_wait3A_775, %dma_wait3A_776] : memref<100000x32xf32, #tpu.memory_space<hbm>> -> memref<100000x32xf32, #tpu.memory_space<hbm>>
      tpu.wait_indirect_dma semaphore(%arg20 : memref<!tpu.dma_semaphore, #tpu.memory_space<semaphore_mem>>) src(%dma_wait3A_777 : memref<100000x32xf32, #tpu.memory_space<hbm>>) dst(%arg13 : memref<128x32xf32, #tpu.memory_space<vmem>>)
      %dma_start3A_778 = arith.constant 0 : i32
      %dma_start3A_779 = arith.constant 0 : i32
      %dma_start3A_780 = tpu.memref_slice %arg15[%dma_start3A_778, %dma_start3A_779] : memref<50016x32xf32, #tpu.memory_space<vmem_shared>> -> memref<50016x32xf32, #tpu.memory_space<vmem_shared>>
      tpu.enqueue_indirect_dma source(%arg13 : memref<128x32xf32, #tpu.memory_space<vmem>>) target(%dma_start3A_780 : memref<50016x32xf32, #tpu.memory_space<vmem_shared>>) offsets(%arg11 : memref<128xi32, #tpu.memory_space<vmem>>) semaphore(%arg22 : memref<!tpu.dma_semaphore, #tpu.memory_space<semaphore_mem>>) {add = true}
      %dma_wait3A_781 = arith.constant 0 : i32
      %dma_wait3A_782 = arith.constant 0 : i32
      %dma_wait3A_783 = tpu.memref_slice %arg15[%dma_wait3A_781, %dma_wait3A_782] : memref<50016x32xf32, #tpu.memory_space<vmem_shared>> -> memref<50016x32xf32, #tpu.memory_space<vmem_shared>>
      tpu.wait_indirect_dma semaphore(%arg23 : memref<!tpu.dma_semaphore, #tpu.memory_space<semaphore_mem>>) src(%arg14 : memref<128x32xf32, #tpu.memory_space<vmem>>) dst(%dma_wait3A_783 : memref<50016x32xf32, #tpu.memory_space<vmem_shared>>)
      %get3A_784 = arith.constant 128 : index
      %get3A_785 = tpu.vector_load %arg10[%get3A_784] {strides = array<i32>} : memref<1024xi32, #tpu.memory_space<vmem>>, vector<16xi32>,
      %get3A_786 = vector.shape_cast %get3A_785 : vector<16xi32> to vector<16xi32>
      %swap3A_787 = arith.constant 0 : index
      %swap3A_788 = tpu.vector_load %arg12[%swap3A_787] {strides = array<i32>} : memref<128xi32, #tpu.memory_space<vmem>>, vector<16xi32>,
      %swap3A_789 = vector.shape_cast %swap3A_788 : vector<16xi32> to vector<16xi32>
      %swap3A_790 = vector.shape_cast %get3A_786 : vector<16xi32> to vector<16xi32>
      tpu.vector_store %arg12[%swap3A_787], %swap3A_790 {strides = array<i32>} : memref<128xi32, #tpu.memory_space<vmem>>, vector<16xi32>,
      %get3A_791 = arith.constant 144 : index
      %get3A_792 = tpu.vector_load %arg10[%get3A_791] {strides = array<i32>} : memref<1024xi32, #tpu.memory_space<vmem>>, vector<16xi32>,
      %get3A_793 = vector.shape_cast %get3A_792 : vector<16xi32> to vector<16xi32>
      %swap3A_794 = arith.constant 16 : index
      %swap3A_795 = tpu.vector_load %arg12[%swap3A_794] {strides = array<i32>} : memref<128xi32, #tpu.memory_space<vmem>>, vector<16xi32>,
      %swap3A_796 = vector.shape_cast %swap3A_795 : vector<16xi32> to vector<16xi32>
      %swap3A_797 = vector.shape_cast %get3A_793 : vector<16xi32> to vector<16xi32>
      tpu.vector_store %arg12[%swap3A_794], %swap3A_797 {strides = array<i32>} : memref<128xi32, #tpu.memory_space<vmem>>, vector<16xi32>,
      %get3A_798 = arith.constant 160 : index
      %get3A_799 = tpu.vector_load %arg10[%get3A_798] {strides = array<i32>} : memref<1024xi32, #tpu.memory_space<vmem>>, vector<16xi32>,
      %get3A_800 = vector.shape_cast %get3A_799 : vector<16xi32> to vector<16xi32>
      %swap3A_801 = arith.constant 32 : index
      %swap3A_802 = tpu.vector_load %arg12[%swap3A_801] {strides = array<i32>} : memref<128xi32, #tpu.memory_space<vmem>>, vector<16xi32>,
      %swap3A_803 = vector.shape_cast %swap3A_802 : vector<16xi32> to vector<16xi32>
      %swap3A_804 = vector.shape_cast %get3A_800 : vector<16xi32> to vector<16xi32>
      tpu.vector_store %arg12[%swap3A_801], %swap3A_804 {strides = array<i32>} : memref<128xi32, #tpu.memory_space<vmem>>, vector<16xi32>,
      %get3A_805 = arith.constant 176 : index
      %get3A_806 = tpu.vector_load %arg10[%get3A_805] {strides = array<i32>} : memref<1024xi32, #tpu.memory_space<vmem>>, vector<16xi32>,
      %get3A_807 = vector.shape_cast %get3A_806 : vector<16xi32> to vector<16xi32>
      %swap3A_808 = arith.constant 48 : index
      %swap3A_809 = tpu.vector_load %arg12[%swap3A_808] {strides = array<i32>} : memref<128xi32, #tpu.memory_space<vmem>>, vector<16xi32>,
      %swap3A_810 = vector.shape_cast %swap3A_809 : vector<16xi32> to vector<16xi32>
      %swap3A_811 = vector.shape_cast %get3A_807 : vector<16xi32> to vector<16xi32>
      tpu.vector_store %arg12[%swap3A_808], %swap3A_811 {strides = array<i32>} : memref<128xi32, #tpu.memory_space<vmem>>, vector<16xi32>,
      %get3A_812 = arith.constant 192 : index
      %get3A_813 = tpu.vector_load %arg10[%get3A_812] {strides = array<i32>} : memref<1024xi32, #tpu.memory_space<vmem>>, vector<16xi32>,
      %get3A_814 = vector.shape_cast %get3A_813 : vector<16xi32> to vector<16xi32>
      %swap3A_815 = arith.constant 64 : index
      %swap3A_816 = tpu.vector_load %arg12[%swap3A_815] {strides = array<i32>} : memref<128xi32, #tpu.memory_space<vmem>>, vector<16xi32>,
      %swap3A_817 = vector.shape_cast %swap3A_816 : vector<16xi32> to vector<16xi32>
      %swap3A_818 = vector.shape_cast %get3A_814 : vector<16xi32> to vector<16xi32>
      tpu.vector_store %arg12[%swap3A_815], %swap3A_818 {strides = array<i32>} : memref<128xi32, #tpu.memory_space<vmem>>, vector<16xi32>,
      %get3A_819 = arith.constant 208 : index
      %get3A_820 = tpu.vector_load %arg10[%get3A_819] {strides = array<i32>} : memref<1024xi32, #tpu.memory_space<vmem>>, vector<16xi32>,
      %get3A_821 = vector.shape_cast %get3A_820 : vector<16xi32> to vector<16xi32>
      %swap3A_822 = arith.constant 80 : index
      %swap3A_823 = tpu.vector_load %arg12[%swap3A_822] {strides = array<i32>} : memref<128xi32, #tpu.memory_space<vmem>>, vector<16xi32>,
      %swap3A_824 = vector.shape_cast %swap3A_823 : vector<16xi32> to vector<16xi32>
      %swap3A_825 = vector.shape_cast %get3A_821 : vector<16xi32> to vector<16xi32>
      tpu.vector_store %arg12[%swap3A_822], %swap3A_825 {strides = array<i32>} : memref<128xi32, #tpu.memory_space<vmem>>, vector<16xi32>,
      %get3A_826 = arith.constant 224 : index
      %get3A_827 = tpu.vector_load %arg10[%get3A_826] {strides = array<i32>} : memref<1024xi32, #tpu.memory_space<vmem>>, vector<16xi32>,
      %get3A_828 = vector.shape_cast %get3A_827 : vector<16xi32> to vector<16xi32>
      %swap3A_829 = arith.constant 96 : index
      %swap3A_830 = tpu.vector_load %arg12[%swap3A_829] {strides = array<i32>} : memref<128xi32, #tpu.memory_space<vmem>>, vector<16xi32>,
      %swap3A_831 = vector.shape_cast %swap3A_830 : vector<16xi32> to vector<16xi32>
      %swap3A_832 = vector.shape_cast %get3A_828 : vector<16xi32> to vector<16xi32>
      tpu.vector_store %arg12[%swap3A_829], %swap3A_832 {strides = array<i32>} : memref<128xi32, #tpu.memory_space<vmem>>, vector<16xi32>,
      %get3A_833 = arith.constant 240 : index
      %get3A_834 = tpu.vector_load %arg10[%get3A_833] {strides = array<i32>} : memref<1024xi32, #tpu.memory_space<vmem>>, vector<16xi32>,
      %get3A_835 = vector.shape_cast %get3A_834 : vector<16xi32> to vector<16xi32>
      %swap3A_836 = arith.constant 112 : index
      %swap3A_837 = tpu.vector_load %arg12[%swap3A_836] {strides = array<i32>} : memref<128xi32, #tpu.memory_space<vmem>>, vector<16xi32>,
      %swap3A_838 = vector.shape_cast %swap3A_837 : vector<16xi32> to vector<16xi32>
      %swap3A_839 = vector.shape_cast %get3A_835 : vector<16xi32> to vector<16xi32>
      tpu.vector_store %arg12[%swap3A_836], %swap3A_839 {strides = array<i32>} : memref<128xi32, #tpu.memory_space<vmem>>, vector<16xi32>,
      %dma_start3A_840 = arith.constant 128 : i32
      %dma_start3A_841 = tpu.memref_slice %arg8[%dma_start3A_840] : memref<1024xi32, #tpu.memory_space<vmem>> -> memref<128xi32, #tpu.memory_space<vmem>>
      %dma_start3A_842 = arith.constant 0 : i32
      %dma_start3A_843 = arith.constant 0 : i32
      %dma_start3A_844 = tpu.memref_slice %arg2[%dma_start3A_842, %dma_start3A_843] : memref<100000x32xf32, #tpu.memory_space<hbm>> -> memref<100000x32xf32, #tpu.memory_space<hbm>>
      tpu.enqueue_indirect_dma source(%dma_start3A_844 : memref<100000x32xf32, #tpu.memory_space<hbm>>) target(%arg14 : memref<128x32xf32, #tpu.memory_space<vmem>>) offsets(%dma_start3A_841 : memref<128xi32, #tpu.memory_space<vmem>>) semaphore(%arg21 : memref<!tpu.dma_semaphore, #tpu.memory_space<semaphore_mem>>)
      %mul3A_845 = arith.constant 2 : i32
      %mul3A_846 = arith.muli %mul3A_845, %scan3A_144 : i32
      %add3A_847 = arith.constant 1 : i32
      %add3A_848 = arith.addi %mul3A_846, %add3A_847 : i32
      %dma_wait3A_849 = arith.constant 0 : i32
      %dma_wait3A_850 = tpu.memref_slice %arg7[%dma_wait3A_849] : memref<1024xi32, #tpu.memory_space<vmem>> -> memref<128xi32, #tpu.memory_space<vmem>>
      %dma_wait3A_851 = arith.constant 0 : i32
      %dma_wait3A_852 = arith.constant 0 : i32
      %dma_wait3A_853 = tpu.memref_slice %arg2[%dma_wait3A_851, %dma_wait3A_852] : memref<100000x32xf32, #tpu.memory_space<hbm>> -> memref<100000x32xf32, #tpu.memory_space<hbm>>
      tpu.wait_indirect_dma semaphore(%arg21 : memref<!tpu.dma_semaphore, #tpu.memory_space<semaphore_mem>>) src(%dma_wait3A_853 : memref<100000x32xf32, #tpu.memory_space<hbm>>) dst(%arg14 : memref<128x32xf32, #tpu.memory_space<vmem>>)
      %dma_start3A_854 = arith.constant 0 : i32
      %dma_start3A_855 = arith.constant 0 : i32
      %dma_start3A_856 = tpu.memref_slice %arg15[%dma_start3A_854, %dma_start3A_855] : memref<50016x32xf32, #tpu.memory_space<vmem_shared>> -> memref<50016x32xf32, #tpu.memory_space<vmem_shared>>
      tpu.enqueue_indirect_dma source(%arg14 : memref<128x32xf32, #tpu.memory_space<vmem>>) target(%dma_start3A_856 : memref<50016x32xf32, #tpu.memory_space<vmem_shared>>) offsets(%arg12 : memref<128xi32, #tpu.memory_space<vmem>>) semaphore(%arg23 : memref<!tpu.dma_semaphore, #tpu.memory_space<semaphore_mem>>) {add = true}
      %dma_wait3A_857 = arith.constant 0 : i32
      %dma_wait3A_858 = arith.constant 0 : i32
      %dma_wait3A_859 = tpu.memref_slice %arg15[%dma_wait3A_857, %dma_wait3A_858] : memref<50016x32xf32, #tpu.memory_space<vmem_shared>> -> memref<50016x32xf32, #tpu.memory_space<vmem_shared>>
      tpu.wait_indirect_dma semaphore(%arg22 : memref<!tpu.dma_semaphore, #tpu.memory_space<semaphore_mem>>) src(%arg13 : memref<128x32xf32, #tpu.memory_space<vmem>>) dst(%dma_wait3A_859 : memref<50016x32xf32, #tpu.memory_space<vmem_shared>>)
      %get3A_860 = arith.constant 256 : index
      %get3A_861 = tpu.vector_load %arg10[%get3A_860] {strides = array<i32>} : memref<1024xi32, #tpu.memory_space<vmem>>, vector<16xi32>,
      %get3A_862 = vector.shape_cast %get3A_861 : vector<16xi32> to vector<16xi32>
      %swap3A_863 = arith.constant 0 : index
      %swap3A_864 = tpu.vector_load %arg11[%swap3A_863] {strides = array<i32>} : memref<128xi32, #tpu.memory_space<vmem>>, vector<16xi32>,
      %swap3A_865 = vector.shape_cast %swap3A_864 : vector<16xi32> to vector<16xi32>
      %swap3A_866 = vector.shape_cast %get3A_862 : vector<16xi32> to vector<16xi32>
      tpu.vector_store %arg11[%swap3A_863], %swap3A_866 {strides = array<i32>} : memref<128xi32, #tpu.memory_space<vmem>>, vector<16xi32>,
      %get3A_867 = arith.constant 272 : index
      %get3A_868 = tpu.vector_load %arg10[%get3A_867] {strides = array<i32>} : memref<1024xi32, #tpu.memory_space<vmem>>, vector<16xi32>,
      %get3A_869 = vector.shape_cast %get3A_868 : vector<16xi32> to vector<16xi32>
      %swap3A_870 = arith.constant 16 : index
      %swap3A_871 = tpu.vector_load %arg11[%swap3A_870] {strides = array<i32>} : memref<128xi32, #tpu.memory_space<vmem>>, vector<16xi32>,
      %swap3A_872 = vector.shape_cast %swap3A_871 : vector<16xi32> to vector<16xi32>
      %swap3A_873 = vector.shape_cast %get3A_869 : vector<16xi32> to vector<16xi32>
      tpu.vector_store %arg11[%swap3A_870], %swap3A_873 {strides = array<i32>} : memref<128xi32, #tpu.memory_space<vmem>>, vector<16xi32>,
      %get3A_874 = arith.constant 288 : index
      %get3A_875 = tpu.vector_load %arg10[%get3A_874] {strides = array<i32>} : memref<1024xi32, #tpu.memory_space<vmem>>, vector<16xi32>,
      %get3A_876 = vector.shape_cast %get3A_875 : vector<16xi32> to vector<16xi32>
      %swap3A_877 = arith.constant 32 : index
      %swap3A_878 = tpu.vector_load %arg11[%swap3A_877] {strides = array<i32>} : memref<128xi32, #tpu.memory_space<vmem>>, vector<16xi32>,
      %swap3A_879 = vector.shape_cast %swap3A_878 : vector<16xi32> to vector<16xi32>
      %swap3A_880 = vector.shape_cast %get3A_876 : vector<16xi32> to vector<16xi32>
      tpu.vector_store %arg11[%swap3A_877], %swap3A_880 {strides = array<i32>} : memref<128xi32, #tpu.memory_space<vmem>>, vector<16xi32>,
      %get3A_881 = arith.constant 304 : index
      %get3A_882 = tpu.vector_load %arg10[%get3A_881] {strides = array<i32>} : memref<1024xi32, #tpu.memory_space<vmem>>, vector<16xi32>,
      %get3A_883 = vector.shape_cast %get3A_882 : vector<16xi32> to vector<16xi32>
      %swap3A_884 = arith.constant 48 : index
      %swap3A_885 = tpu.vector_load %arg11[%swap3A_884] {strides = array<i32>} : memref<128xi32, #tpu.memory_space<vmem>>, vector<16xi32>,
      %swap3A_886 = vector.shape_cast %swap3A_885 : vector<16xi32> to vector<16xi32>
      %swap3A_887 = vector.shape_cast %get3A_883 : vector<16xi32> to vector<16xi32>
      tpu.vector_store %arg11[%swap3A_884], %swap3A_887 {strides = array<i32>} : memref<128xi32, #tpu.memory_space<vmem>>, vector<16xi32>,
      %get3A_888 = arith.constant 320 : index
      %get3A_889 = tpu.vector_load %arg10[%get3A_888] {strides = array<i32>} : memref<1024xi32, #tpu.memory_space<vmem>>, vector<16xi32>,
      %get3A_890 = vector.shape_cast %get3A_889 : vector<16xi32> to vector<16xi32>
      %swap3A_891 = arith.constant 64 : index
      %swap3A_892 = tpu.vector_load %arg11[%swap3A_891] {strides = array<i32>} : memref<128xi32, #tpu.memory_space<vmem>>, vector<16xi32>,
      %swap3A_893 = vector.shape_cast %swap3A_892 : vector<16xi32> to vector<16xi32>
      %swap3A_894 = vector.shape_cast %get3A_890 : vector<16xi32> to vector<16xi32>
      tpu.vector_store %arg11[%swap3A_891], %swap3A_894 {strides = array<i32>} : memref<128xi32, #tpu.memory_space<vmem>>, vector<16xi32>,
      %get3A_895 = arith.constant 336 : index
      %get3A_896 = tpu.vector_load %arg10[%get3A_895] {strides = array<i32>} : memref<1024xi32, #tpu.memory_space<vmem>>, vector<16xi32>,
      %get3A_897 = vector.shape_cast %get3A_896 : vector<16xi32> to vector<16xi32>
      %swap3A_898 = arith.constant 80 : index
      %swap3A_899 = tpu.vector_load %arg11[%swap3A_898] {strides = array<i32>} : memref<128xi32, #tpu.memory_space<vmem>>, vector<16xi32>,
      %swap3A_900 = vector.shape_cast %swap3A_899 : vector<16xi32> to vector<16xi32>
      %swap3A_901 = vector.shape_cast %get3A_897 : vector<16xi32> to vector<16xi32>
      tpu.vector_store %arg11[%swap3A_898], %swap3A_901 {strides = array<i32>} : memref<128xi32, #tpu.memory_space<vmem>>, vector<16xi32>,
      %get3A_902 = arith.constant 352 : index
      %get3A_903 = tpu.vector_load %arg10[%get3A_902] {strides = array<i32>} : memref<1024xi32, #tpu.memory_space<vmem>>, vector<16xi32>,
      %get3A_904 = vector.shape_cast %get3A_903 : vector<16xi32> to vector<16xi32>
      %swap3A_905 = arith.constant 96 : index
      %swap3A_906 = tpu.vector_load %arg11[%swap3A_905] {strides = array<i32>} : memref<128xi32, #tpu.memory_space<vmem>>, vector<16xi32>,
      %swap3A_907 = vector.shape_cast %swap3A_906 : vector<16xi32> to vector<16xi32>
      %swap3A_908 = vector.shape_cast %get3A_904 : vector<16xi32> to vector<16xi32>
      tpu.vector_store %arg11[%swap3A_905], %swap3A_908 {strides = array<i32>} : memref<128xi32, #tpu.memory_space<vmem>>, vector<16xi32>,
      %get3A_909 = arith.constant 368 : index
      %get3A_910 = tpu.vector_load %arg10[%get3A_909] {strides = array<i32>} : memref<1024xi32, #tpu.memory_space<vmem>>, vector<16xi32>,
      %get3A_911 = vector.shape_cast %get3A_910 : vector<16xi32> to vector<16xi32>
      %swap3A_912 = arith.constant 112 : index
      %swap3A_913 = tpu.vector_load %arg11[%swap3A_912] {strides = array<i32>} : memref<128xi32, #tpu.memory_space<vmem>>, vector<16xi32>,
      %swap3A_914 = vector.shape_cast %swap3A_913 : vector<16xi32> to vector<16xi32>
      %swap3A_915 = vector.shape_cast %get3A_911 : vector<16xi32> to vector<16xi32>
      tpu.vector_store %arg11[%swap3A_912], %swap3A_915 {strides = array<i32>} : memref<128xi32, #tpu.memory_space<vmem>>, vector<16xi32>,
      %dma_start3A_916 = arith.constant 256 : i32
      %dma_start3A_917 = tpu.memref_slice %arg8[%dma_start3A_916] : memref<1024xi32, #tpu.memory_space<vmem>> -> memref<128xi32, #tpu.memory_space<vmem>>
      %dma_start3A_918 = arith.constant 0 : i32
      %dma_start3A_919 = arith.constant 0 : i32
      %dma_start3A_920 = tpu.memref_slice %arg2[%dma_start3A_918, %dma_start3A_919] : memref<100000x32xf32, #tpu.memory_space<hbm>> -> memref<100000x32xf32, #tpu.memory_space<hbm>>
      tpu.enqueue_indirect_dma source(%dma_start3A_920 : memref<100000x32xf32, #tpu.memory_space<hbm>>) target(%arg13 : memref<128x32xf32, #tpu.memory_space<vmem>>) offsets(%dma_start3A_917 : memref<128xi32, #tpu.memory_space<vmem>>) semaphore(%arg20 : memref<!tpu.dma_semaphore, #tpu.memory_space<semaphore_mem>>)
      %mul3A_921 = arith.constant 2 : i32
      %mul3A_922 = arith.muli %mul3A_921, %scan3A_144 : i32
      %add3A_923 = arith.constant 1 : i32
      %add3A_924 = arith.addi %mul3A_922, %add3A_923 : i32
      %dma_wait3A_925 = arith.constant 0 : i32
      %dma_wait3A_926 = tpu.memref_slice %arg7[%dma_wait3A_925] : memref<1024xi32, #tpu.memory_space<vmem>> -> memref<128xi32, #tpu.memory_space<vmem>>
      %dma_wait3A_927 = arith.constant 0 : i32
      %dma_wait3A_928 = arith.constant 0 : i32
      %dma_wait3A_929 = tpu.memref_slice %arg2[%dma_wait3A_927, %dma_wait3A_928] : memref<100000x32xf32, #tpu.memory_space<hbm>> -> memref<100000x32xf32, #tpu.memory_space<hbm>>
      tpu.wait_indirect_dma semaphore(%arg20 : memref<!tpu.dma_semaphore, #tpu.memory_space<semaphore_mem>>) src(%dma_wait3A_929 : memref<100000x32xf32, #tpu.memory_space<hbm>>) dst(%arg13 : memref<128x32xf32, #tpu.memory_space<vmem>>)
      %dma_start3A_930 = arith.constant 0 : i32
      %dma_start3A_931 = arith.constant 0 : i32
      %dma_start3A_932 = tpu.memref_slice %arg15[%dma_start3A_930, %dma_start3A_931] : memref<50016x32xf32, #tpu.memory_space<vmem_shared>> -> memref<50016x32xf32, #tpu.memory_space<vmem_shared>>
      tpu.enqueue_indirect_dma source(%arg13 : memref<128x32xf32, #tpu.memory_space<vmem>>) target(%dma_start3A_932 : memref<50016x32xf32, #tpu.memory_space<vmem_shared>>) offsets(%arg11 : memref<128xi32, #tpu.memory_space<vmem>>) semaphore(%arg22 : memref<!tpu.dma_semaphore, #tpu.memory_space<semaphore_mem>>) {add = true}
      %dma_wait3A_933 = arith.constant 0 : i32
      %dma_wait3A_934 = arith.constant 0 : i32
      %dma_wait3A_935 = tpu.memref_slice %arg15[%dma_wait3A_933, %dma_wait3A_934] : memref<50016x32xf32, #tpu.memory_space<vmem_shared>> -> memref<50016x32xf32, #tpu.memory_space<vmem_shared>>
      tpu.wait_indirect_dma semaphore(%arg23 : memref<!tpu.dma_semaphore, #tpu.memory_space<semaphore_mem>>) src(%arg14 : memref<128x32xf32, #tpu.memory_space<vmem>>) dst(%dma_wait3A_935 : memref<50016x32xf32, #tpu.memory_space<vmem_shared>>)
      %get3A_936 = arith.constant 384 : index
      %get3A_937 = tpu.vector_load %arg10[%get3A_936] {strides = array<i32>} : memref<1024xi32, #tpu.memory_space<vmem>>, vector<16xi32>,
      %get3A_938 = vector.shape_cast %get3A_937 : vector<16xi32> to vector<16xi32>
      %swap3A_939 = arith.constant 0 : index
      %swap3A_940 = tpu.vector_load %arg12[%swap3A_939] {strides = array<i32>} : memref<128xi32, #tpu.memory_space<vmem>>, vector<16xi32>,
      %swap3A_941 = vector.shape_cast %swap3A_940 : vector<16xi32> to vector<16xi32>
      %swap3A_942 = vector.shape_cast %get3A_938 : vector<16xi32> to vector<16xi32>
      tpu.vector_store %arg12[%swap3A_939], %swap3A_942 {strides = array<i32>} : memref<128xi32, #tpu.memory_space<vmem>>, vector<16xi32>,
      %get3A_943 = arith.constant 400 : index
      %get3A_944 = tpu.vector_load %arg10[%get3A_943] {strides = array<i32>} : memref<1024xi32, #tpu.memory_space<vmem>>, vector<16xi32>,
      %get3A_945 = vector.shape_cast %get3A_944 : vector<16xi32> to vector<16xi32>
      %swap3A_946 = arith.constant 16 : index
      %swap3A_947 = tpu.vector_load %arg12[%swap3A_946] {strides = array<i32>} : memref<128xi32, #tpu.memory_space<vmem>>, vector<16xi32>,
      %swap3A_948 = vector.shape_cast %swap3A_947 : vector<16xi32> to vector<16xi32>
      %swap3A_949 = vector.shape_cast %get3A_945 : vector<16xi32> to vector<16xi32>
      tpu.vector_store %arg12[%swap3A_946], %swap3A_949 {strides = array<i32>} : memref<128xi32, #tpu.memory_space<vmem>>, vector<16xi32>,
      %get3A_950 = arith.constant 416 : index
      %get3A_951 = tpu.vector_load %arg10[%get3A_950] {strides = array<i32>} : memref<1024xi32, #tpu.memory_space<vmem>>, vector<16xi32>,
      %get3A_952 = vector.shape_cast %get3A_951 : vector<16xi32> to vector<16xi32>
      %swap3A_953 = arith.constant 32 : index
      %swap3A_954 = tpu.vector_load %arg12[%swap3A_953] {strides = array<i32>} : memref<128xi32, #tpu.memory_space<vmem>>, vector<16xi32>,
      %swap3A_955 = vector.shape_cast %swap3A_954 : vector<16xi32> to vector<16xi32>
      %swap3A_956 = vector.shape_cast %get3A_952 : vector<16xi32> to vector<16xi32>
      tpu.vector_store %arg12[%swap3A_953], %swap3A_956 {strides = array<i32>} : memref<128xi32, #tpu.memory_space<vmem>>, vector<16xi32>,
      %get3A_957 = arith.constant 432 : index
      %get3A_958 = tpu.vector_load %arg10[%get3A_957] {strides = array<i32>} : memref<1024xi32, #tpu.memory_space<vmem>>, vector<16xi32>,
      %get3A_959 = vector.shape_cast %get3A_958 : vector<16xi32> to vector<16xi32>
      %swap3A_960 = arith.constant 48 : index
      %swap3A_961 = tpu.vector_load %arg12[%swap3A_960] {strides = array<i32>} : memref<128xi32, #tpu.memory_space<vmem>>, vector<16xi32>,
      %swap3A_962 = vector.shape_cast %swap3A_961 : vector<16xi32> to vector<16xi32>
      %swap3A_963 = vector.shape_cast %get3A_959 : vector<16xi32> to vector<16xi32>
      tpu.vector_store %arg12[%swap3A_960], %swap3A_963 {strides = array<i32>} : memref<128xi32, #tpu.memory_space<vmem>>, vector<16xi32>,
      %get3A_964 = arith.constant 448 : index
      %get3A_965 = tpu.vector_load %arg10[%get3A_964] {strides = array<i32>} : memref<1024xi32, #tpu.memory_space<vmem>>, vector<16xi32>,
      %get3A_966 = vector.shape_cast %get3A_965 : vector<16xi32> to vector<16xi32>
      %swap3A_967 = arith.constant 64 : index
      %swap3A_968 = tpu.vector_load %arg12[%swap3A_967] {strides = array<i32>} : memref<128xi32, #tpu.memory_space<vmem>>, vector<16xi32>,
      %swap3A_969 = vector.shape_cast %swap3A_968 : vector<16xi32> to vector<16xi32>
      %swap3A_970 = vector.shape_cast %get3A_966 : vector<16xi32> to vector<16xi32>
      tpu.vector_store %arg12[%swap3A_967], %swap3A_970 {strides = array<i32>} : memref<128xi32, #tpu.memory_space<vmem>>, vector<16xi32>,
      %get3A_971 = arith.constant 464 : index
      %get3A_972 = tpu.vector_load %arg10[%get3A_971] {strides = array<i32>} : memref<1024xi32, #tpu.memory_space<vmem>>, vector<16xi32>,
      %get3A_973 = vector.shape_cast %get3A_972 : vector<16xi32> to vector<16xi32>
      %swap3A_974 = arith.constant 80 : index
      %swap3A_975 = tpu.vector_load %arg12[%swap3A_974] {strides = array<i32>} : memref<128xi32, #tpu.memory_space<vmem>>, vector<16xi32>,
      %swap3A_976 = vector.shape_cast %swap3A_975 : vector<16xi32> to vector<16xi32>
      %swap3A_977 = vector.shape_cast %get3A_973 : vector<16xi32> to vector<16xi32>
      tpu.vector_store %arg12[%swap3A_974], %swap3A_977 {strides = array<i32>} : memref<128xi32, #tpu.memory_space<vmem>>, vector<16xi32>,
      %get3A_978 = arith.constant 480 : index
      %get3A_979 = tpu.vector_load %arg10[%get3A_978] {strides = array<i32>} : memref<1024xi32, #tpu.memory_space<vmem>>, vector<16xi32>,
      %get3A_980 = vector.shape_cast %get3A_979 : vector<16xi32> to vector<16xi32>
      %swap3A_981 = arith.constant 96 : index
      %swap3A_982 = tpu.vector_load %arg12[%swap3A_981] {strides = array<i32>} : memref<128xi32, #tpu.memory_space<vmem>>, vector<16xi32>,
      %swap3A_983 = vector.shape_cast %swap3A_982 : vector<16xi32> to vector<16xi32>
      %swap3A_984 = vector.shape_cast %get3A_980 : vector<16xi32> to vector<16xi32>
      tpu.vector_store %arg12[%swap3A_981], %swap3A_984 {strides = array<i32>} : memref<128xi32, #tpu.memory_space<vmem>>, vector<16xi32>,
      %get3A_985 = arith.constant 496 : index
      %get3A_986 = tpu.vector_load %arg10[%get3A_985] {strides = array<i32>} : memref<1024xi32, #tpu.memory_space<vmem>>, vector<16xi32>,
      %get3A_987 = vector.shape_cast %get3A_986 : vector<16xi32> to vector<16xi32>
      %swap3A_988 = arith.constant 112 : index
      %swap3A_989 = tpu.vector_load %arg12[%swap3A_988] {strides = array<i32>} : memref<128xi32, #tpu.memory_space<vmem>>, vector<16xi32>,
      %swap3A_990 = vector.shape_cast %swap3A_989 : vector<16xi32> to vector<16xi32>
      %swap3A_991 = vector.shape_cast %get3A_987 : vector<16xi32> to vector<16xi32>
      tpu.vector_store %arg12[%swap3A_988], %swap3A_991 {strides = array<i32>} : memref<128xi32, #tpu.memory_space<vmem>>, vector<16xi32>,
      %dma_start3A_992 = arith.constant 384 : i32
      %dma_start3A_993 = tpu.memref_slice %arg8[%dma_start3A_992] : memref<1024xi32, #tpu.memory_space<vmem>> -> memref<128xi32, #tpu.memory_space<vmem>>
      %dma_start3A_994 = arith.constant 0 : i32
      %dma_start3A_995 = arith.constant 0 : i32
      %dma_start3A_996 = tpu.memref_slice %arg2[%dma_start3A_994, %dma_start3A_995] : memref<100000x32xf32, #tpu.memory_space<hbm>> -> memref<100000x32xf32, #tpu.memory_space<hbm>>
      tpu.enqueue_indirect_dma source(%dma_start3A_996 : memref<100000x32xf32, #tpu.memory_space<hbm>>) target(%arg14 : memref<128x32xf32, #tpu.memory_space<vmem>>) offsets(%dma_start3A_993 : memref<128xi32, #tpu.memory_space<vmem>>) semaphore(%arg21 : memref<!tpu.dma_semaphore, #tpu.memory_space<semaphore_mem>>)
      %mul3A_997 = arith.constant 2 : i32
      %mul3A_998 = arith.muli %mul3A_997, %scan3A_144 : i32
      %add3A_999 = arith.constant 1 : i32
      %add3A_1000 = arith.addi %mul3A_998, %add3A_999 : i32
      %dma_wait3A_1001 = arith.constant 0 : i32
      %dma_wait3A_1002 = tpu.memref_slice %arg7[%dma_wait3A_1001] : memref<1024xi32, #tpu.memory_space<vmem>> -> memref<128xi32, #tpu.memory_space<vmem>>
      %dma_wait3A_1003 = arith.constant 0 : i32
      %dma_wait3A_1004 = arith.constant 0 : i32
      %dma_wait3A_1005 = tpu.memref_slice %arg2[%dma_wait3A_1003, %dma_wait3A_1004] : memref<100000x32xf32, #tpu.memory_space<hbm>> -> memref<100000x32xf32, #tpu.memory_space<hbm>>
      tpu.wait_indirect_dma semaphore(%arg21 : memref<!tpu.dma_semaphore, #tpu.memory_space<semaphore_mem>>) src(%dma_wait3A_1005 : memref<100000x32xf32, #tpu.memory_space<hbm>>) dst(%arg14 : memref<128x32xf32, #tpu.memory_space<vmem>>)
      %dma_start3A_1006 = arith.constant 0 : i32
      %dma_start3A_1007 = arith.constant 0 : i32
      %dma_start3A_1008 = tpu.memref_slice %arg15[%dma_start3A_1006, %dma_start3A_1007] : memref<50016x32xf32, #tpu.memory_space<vmem_shared>> -> memref<50016x32xf32, #tpu.memory_space<vmem_shared>>
      tpu.enqueue_indirect_dma source(%arg14 : memref<128x32xf32, #tpu.memory_space<vmem>>) target(%dma_start3A_1008 : memref<50016x32xf32, #tpu.memory_space<vmem_shared>>) offsets(%arg12 : memref<128xi32, #tpu.memory_space<vmem>>) semaphore(%arg23 : memref<!tpu.dma_semaphore, #tpu.memory_space<semaphore_mem>>) {add = true}
      %dma_wait3A_1009 = arith.constant 0 : i32
      %dma_wait3A_1010 = arith.constant 0 : i32
      %dma_wait3A_1011 = tpu.memref_slice %arg15[%dma_wait3A_1009, %dma_wait3A_1010] : memref<50016x32xf32, #tpu.memory_space<vmem_shared>> -> memref<50016x32xf32, #tpu.memory_space<vmem_shared>>
      tpu.wait_indirect_dma semaphore(%arg22 : memref<!tpu.dma_semaphore, #tpu.memory_space<semaphore_mem>>) src(%arg13 : memref<128x32xf32, #tpu.memory_space<vmem>>) dst(%dma_wait3A_1011 : memref<50016x32xf32, #tpu.memory_space<vmem_shared>>)
      %get3A_1012 = arith.constant 512 : index
      %get3A_1013 = tpu.vector_load %arg10[%get3A_1012] {strides = array<i32>} : memref<1024xi32, #tpu.memory_space<vmem>>, vector<16xi32>,
      %get3A_1014 = vector.shape_cast %get3A_1013 : vector<16xi32> to vector<16xi32>
      %swap3A_1015 = arith.constant 0 : index
      %swap3A_1016 = tpu.vector_load %arg11[%swap3A_1015] {strides = array<i32>} : memref<128xi32, #tpu.memory_space<vmem>>, vector<16xi32>,
      %swap3A_1017 = vector.shape_cast %swap3A_1016 : vector<16xi32> to vector<16xi32>
      %swap3A_1018 = vector.shape_cast %get3A_1014 : vector<16xi32> to vector<16xi32>
      tpu.vector_store %arg11[%swap3A_1015], %swap3A_1018 {strides = array<i32>} : memref<128xi32, #tpu.memory_space<vmem>>, vector<16xi32>,
      %get3A_1019 = arith.constant 528 : index
      %get3A_1020 = tpu.vector_load %arg10[%get3A_1019] {strides = array<i32>} : memref<1024xi32, #tpu.memory_space<vmem>>, vector<16xi32>,
      %get3A_1021 = vector.shape_cast %get3A_1020 : vector<16xi32> to vector<16xi32>
      %swap3A_1022 = arith.constant 16 : index
      %swap3A_1023 = tpu.vector_load %arg11[%swap3A_1022] {strides = array<i32>} : memref<128xi32, #tpu.memory_space<vmem>>, vector<16xi32>,
      %swap3A_1024 = vector.shape_cast %swap3A_1023 : vector<16xi32> to vector<16xi32>
      %swap3A_1025 = vector.shape_cast %get3A_1021 : vector<16xi32> to vector<16xi32>
      tpu.vector_store %arg11[%swap3A_1022], %swap3A_1025 {strides = array<i32>} : memref<128xi32, #tpu.memory_space<vmem>>, vector<16xi32>,
      %get3A_1026 = arith.constant 544 : index
      %get3A_1027 = tpu.vector_load %arg10[%get3A_1026] {strides = array<i32>} : memref<1024xi32, #tpu.memory_space<vmem>>, vector<16xi32>,
      %get3A_1028 = vector.shape_cast %get3A_1027 : vector<16xi32> to vector<16xi32>
      %swap3A_1029 = arith.constant 32 : index
      %swap3A_1030 = tpu.vector_load %arg11[%swap3A_1029] {strides = array<i32>} : memref<128xi32, #tpu.memory_space<vmem>>, vector<16xi32>,
      %swap3A_1031 = vector.shape_cast %swap3A_1030 : vector<16xi32> to vector<16xi32>
      %swap3A_1032 = vector.shape_cast %get3A_1028 : vector<16xi32> to vector<16xi32>
      tpu.vector_store %arg11[%swap3A_1029], %swap3A_1032 {strides = array<i32>} : memref<128xi32, #tpu.memory_space<vmem>>, vector<16xi32>,
      %get3A_1033 = arith.constant 560 : index
      %get3A_1034 = tpu.vector_load %arg10[%get3A_1033] {strides = array<i32>} : memref<1024xi32, #tpu.memory_space<vmem>>, vector<16xi32>,
      %get3A_1035 = vector.shape_cast %get3A_1034 : vector<16xi32> to vector<16xi32>
      %swap3A_1036 = arith.constant 48 : index
      %swap3A_1037 = tpu.vector_load %arg11[%swap3A_1036] {strides = array<i32>} : memref<128xi32, #tpu.memory_space<vmem>>, vector<16xi32>,
      %swap3A_1038 = vector.shape_cast %swap3A_1037 : vector<16xi32> to vector<16xi32>
      %swap3A_1039 = vector.shape_cast %get3A_1035 : vector<16xi32> to vector<16xi32>
      tpu.vector_store %arg11[%swap3A_1036], %swap3A_1039 {strides = array<i32>} : memref<128xi32, #tpu.memory_space<vmem>>, vector<16xi32>,
      %get3A_1040 = arith.constant 576 : index
      %get3A_1041 = tpu.vector_load %arg10[%get3A_1040] {strides = array<i32>} : memref<1024xi32, #tpu.memory_space<vmem>>, vector<16xi32>,
      %get3A_1042 = vector.shape_cast %get3A_1041 : vector<16xi32> to vector<16xi32>
      %swap3A_1043 = arith.constant 64 : index
      %swap3A_1044 = tpu.vector_load %arg11[%swap3A_1043] {strides = array<i32>} : memref<128xi32, #tpu.memory_space<vmem>>, vector<16xi32>,
      %swap3A_1045 = vector.shape_cast %swap3A_1044 : vector<16xi32> to vector<16xi32>
      %swap3A_1046 = vector.shape_cast %get3A_1042 : vector<16xi32> to vector<16xi32>
      tpu.vector_store %arg11[%swap3A_1043], %swap3A_1046 {strides = array<i32>} : memref<128xi32, #tpu.memory_space<vmem>>, vector<16xi32>,
      %get3A_1047 = arith.constant 592 : index
      %get3A_1048 = tpu.vector_load %arg10[%get3A_1047] {strides = array<i32>} : memref<1024xi32, #tpu.memory_space<vmem>>, vector<16xi32>,
      %get3A_1049 = vector.shape_cast %get3A_1048 : vector<16xi32> to vector<16xi32>
      %swap3A_1050 = arith.constant 80 : index
      %swap3A_1051 = tpu.vector_load %arg11[%swap3A_1050] {strides = array<i32>} : memref<128xi32, #tpu.memory_space<vmem>>, vector<16xi32>,
      %swap3A_1052 = vector.shape_cast %swap3A_1051 : vector<16xi32> to vector<16xi32>
      %swap3A_1053 = vector.shape_cast %get3A_1049 : vector<16xi32> to vector<16xi32>
      tpu.vector_store %arg11[%swap3A_1050], %swap3A_1053 {strides = array<i32>} : memref<128xi32, #tpu.memory_space<vmem>>, vector<16xi32>,
      %get3A_1054 = arith.constant 608 : index
      %get3A_1055 = tpu.vector_load %arg10[%get3A_1054] {strides = array<i32>} : memref<1024xi32, #tpu.memory_space<vmem>>, vector<16xi32>,
      %get3A_1056 = vector.shape_cast %get3A_1055 : vector<16xi32> to vector<16xi32>
      %swap3A_1057 = arith.constant 96 : index
      %swap3A_1058 = tpu.vector_load %arg11[%swap3A_1057] {strides = array<i32>} : memref<128xi32, #tpu.memory_space<vmem>>, vector<16xi32>,
      %swap3A_1059 = vector.shape_cast %swap3A_1058 : vector<16xi32> to vector<16xi32>
      %swap3A_1060 = vector.shape_cast %get3A_1056 : vector<16xi32> to vector<16xi32>
      tpu.vector_store %arg11[%swap3A_1057], %swap3A_1060 {strides = array<i32>} : memref<128xi32, #tpu.memory_space<vmem>>, vector<16xi32>,
      %get3A_1061 = arith.constant 624 : index
      %get3A_1062 = tpu.vector_load %arg10[%get3A_1061] {strides = array<i32>} : memref<1024xi32, #tpu.memory_space<vmem>>, vector<16xi32>,
      %get3A_1063 = vector.shape_cast %get3A_1062 : vector<16xi32> to vector<16xi32>
      %swap3A_1064 = arith.constant 112 : index
      %swap3A_1065 = tpu.vector_load %arg11[%swap3A_1064] {strides = array<i32>} : memref<128xi32, #tpu.memory_space<vmem>>, vector<16xi32>,
      %swap3A_1066 = vector.shape_cast %swap3A_1065 : vector<16xi32> to vector<16xi32>
      %swap3A_1067 = vector.shape_cast %get3A_1063 : vector<16xi32> to vector<16xi32>
      tpu.vector_store %arg11[%swap3A_1064], %swap3A_1067 {strides = array<i32>} : memref<128xi32, #tpu.memory_space<vmem>>, vector<16xi32>,
      %dma_start3A_1068 = arith.constant 512 : i32
      %dma_start3A_1069 = tpu.memref_slice %arg8[%dma_start3A_1068] : memref<1024xi32, #tpu.memory_space<vmem>> -> memref<128xi32, #tpu.memory_space<vmem>>
      %dma_start3A_1070 = arith.constant 0 : i32
      %dma_start3A_1071 = arith.constant 0 : i32
      %dma_start3A_1072 = tpu.memref_slice %arg2[%dma_start3A_1070, %dma_start3A_1071] : memref<100000x32xf32, #tpu.memory_space<hbm>> -> memref<100000x32xf32, #tpu.memory_space<hbm>>
      tpu.enqueue_indirect_dma source(%dma_start3A_1072 : memref<100000x32xf32, #tpu.memory_space<hbm>>) target(%arg13 : memref<128x32xf32, #tpu.memory_space<vmem>>) offsets(%dma_start3A_1069 : memref<128xi32, #tpu.memory_space<vmem>>) semaphore(%arg20 : memref<!tpu.dma_semaphore, #tpu.memory_space<semaphore_mem>>)
      %mul3A_1073 = arith.constant 2 : i32
      %mul3A_1074 = arith.muli %mul3A_1073, %scan3A_144 : i32
      %add3A_1075 = arith.constant 1 : i32
      %add3A_1076 = arith.addi %mul3A_1074, %add3A_1075 : i32
      %dma_wait3A_1077 = arith.constant 0 : i32
      %dma_wait3A_1078 = tpu.memref_slice %arg7[%dma_wait3A_1077] : memref<1024xi32, #tpu.memory_space<vmem>> -> memref<128xi32, #tpu.memory_space<vmem>>
      %dma_wait3A_1079 = arith.constant 0 : i32
      %dma_wait3A_1080 = arith.constant 0 : i32
      %dma_wait3A_1081 = tpu.memref_slice %arg2[%dma_wait3A_1079, %dma_wait3A_1080] : memref<100000x32xf32, #tpu.memory_space<hbm>> -> memref<100000x32xf32, #tpu.memory_space<hbm>>
      tpu.wait_indirect_dma semaphore(%arg20 : memref<!tpu.dma_semaphore, #tpu.memory_space<semaphore_mem>>) src(%dma_wait3A_1081 : memref<100000x32xf32, #tpu.memory_space<hbm>>) dst(%arg13 : memref<128x32xf32, #tpu.memory_space<vmem>>)
      %dma_start3A_1082 = arith.constant 0 : i32
      %dma_start3A_1083 = arith.constant 0 : i32
      %dma_start3A_1084 = tpu.memref_slice %arg15[%dma_start3A_1082, %dma_start3A_1083] : memref<50016x32xf32, #tpu.memory_space<vmem_shared>> -> memref<50016x32xf32, #tpu.memory_space<vmem_shared>>
      tpu.enqueue_indirect_dma source(%arg13 : memref<128x32xf32, #tpu.memory_space<vmem>>) target(%dma_start3A_1084 : memref<50016x32xf32, #tpu.memory_space<vmem_shared>>) offsets(%arg11 : memref<128xi32, #tpu.memory_space<vmem>>) semaphore(%arg22 : memref<!tpu.dma_semaphore, #tpu.memory_space<semaphore_mem>>) {add = true}
      %dma_wait3A_1085 = arith.constant 0 : i32
      %dma_wait3A_1086 = arith.constant 0 : i32
      %dma_wait3A_1087 = tpu.memref_slice %arg15[%dma_wait3A_1085, %dma_wait3A_1086] : memref<50016x32xf32, #tpu.memory_space<vmem_shared>> -> memref<50016x32xf32, #tpu.memory_space<vmem_shared>>
      tpu.wait_indirect_dma semaphore(%arg23 : memref<!tpu.dma_semaphore, #tpu.memory_space<semaphore_mem>>) src(%arg14 : memref<128x32xf32, #tpu.memory_space<vmem>>) dst(%dma_wait3A_1087 : memref<50016x32xf32, #tpu.memory_space<vmem_shared>>)
      %get3A_1088 = arith.constant 640 : index
      %get3A_1089 = tpu.vector_load %arg10[%get3A_1088] {strides = array<i32>} : memref<1024xi32, #tpu.memory_space<vmem>>, vector<16xi32>,
      %get3A_1090 = vector.shape_cast %get3A_1089 : vector<16xi32> to vector<16xi32>
      %swap3A_1091 = arith.constant 0 : index
      %swap3A_1092 = tpu.vector_load %arg12[%swap3A_1091] {strides = array<i32>} : memref<128xi32, #tpu.memory_space<vmem>>, vector<16xi32>,
      %swap3A_1093 = vector.shape_cast %swap3A_1092 : vector<16xi32> to vector<16xi32>
      %swap3A_1094 = vector.shape_cast %get3A_1090 : vector<16xi32> to vector<16xi32>
      tpu.vector_store %arg12[%swap3A_1091], %swap3A_1094 {strides = array<i32>} : memref<128xi32, #tpu.memory_space<vmem>>, vector<16xi32>,
      %get3A_1095 = arith.constant 656 : index
      %get3A_1096 = tpu.vector_load %arg10[%get3A_1095] {strides = array<i32>} : memref<1024xi32, #tpu.memory_space<vmem>>, vector<16xi32>,
      %get3A_1097 = vector.shape_cast %get3A_1096 : vector<16xi32> to vector<16xi32>
      %swap3A_1098 = arith.constant 16 : index
      %swap3A_1099 = tpu.vector_load %arg12[%swap3A_1098] {strides = array<i32>} : memref<128xi32, #tpu.memory_space<vmem>>, vector<16xi32>,
      %swap3A_1100 = vector.shape_cast %swap3A_1099 : vector<16xi32> to vector<16xi32>
      %swap3A_1101 = vector.shape_cast %get3A_1097 : vector<16xi32> to vector<16xi32>
      tpu.vector_store %arg12[%swap3A_1098], %swap3A_1101 {strides = array<i32>} : memref<128xi32, #tpu.memory_space<vmem>>, vector<16xi32>,
      %get3A_1102 = arith.constant 672 : index
      %get3A_1103 = tpu.vector_load %arg10[%get3A_1102] {strides = array<i32>} : memref<1024xi32, #tpu.memory_space<vmem>>, vector<16xi32>,
      %get3A_1104 = vector.shape_cast %get3A_1103 : vector<16xi32> to vector<16xi32>
      %swap3A_1105 = arith.constant 32 : index
      %swap3A_1106 = tpu.vector_load %arg12[%swap3A_1105] {strides = array<i32>} : memref<128xi32, #tpu.memory_space<vmem>>, vector<16xi32>,
      %swap3A_1107 = vector.shape_cast %swap3A_1106 : vector<16xi32> to vector<16xi32>
      %swap3A_1108 = vector.shape_cast %get3A_1104 : vector<16xi32> to vector<16xi32>
      tpu.vector_store %arg12[%swap3A_1105], %swap3A_1108 {strides = array<i32>} : memref<128xi32, #tpu.memory_space<vmem>>, vector<16xi32>,
      %get3A_1109 = arith.constant 688 : index
      %get3A_1110 = tpu.vector_load %arg10[%get3A_1109] {strides = array<i32>} : memref<1024xi32, #tpu.memory_space<vmem>>, vector<16xi32>,
      %get3A_1111 = vector.shape_cast %get3A_1110 : vector<16xi32> to vector<16xi32>
      %swap3A_1112 = arith.constant 48 : index
      %swap3A_1113 = tpu.vector_load %arg12[%swap3A_1112] {strides = array<i32>} : memref<128xi32, #tpu.memory_space<vmem>>, vector<16xi32>,
      %swap3A_1114 = vector.shape_cast %swap3A_1113 : vector<16xi32> to vector<16xi32>
      %swap3A_1115 = vector.shape_cast %get3A_1111 : vector<16xi32> to vector<16xi32>
      tpu.vector_store %arg12[%swap3A_1112], %swap3A_1115 {strides = array<i32>} : memref<128xi32, #tpu.memory_space<vmem>>, vector<16xi32>,
      %get3A_1116 = arith.constant 704 : index
      %get3A_1117 = tpu.vector_load %arg10[%get3A_1116] {strides = array<i32>} : memref<1024xi32, #tpu.memory_space<vmem>>, vector<16xi32>,
      %get3A_1118 = vector.shape_cast %get3A_1117 : vector<16xi32> to vector<16xi32>
      %swap3A_1119 = arith.constant 64 : index
      %swap3A_1120 = tpu.vector_load %arg12[%swap3A_1119] {strides = array<i32>} : memref<128xi32, #tpu.memory_space<vmem>>, vector<16xi32>,
      %swap3A_1121 = vector.shape_cast %swap3A_1120 : vector<16xi32> to vector<16xi32>
      %swap3A_1122 = vector.shape_cast %get3A_1118 : vector<16xi32> to vector<16xi32>
      tpu.vector_store %arg12[%swap3A_1119], %swap3A_1122 {strides = array<i32>} : memref<128xi32, #tpu.memory_space<vmem>>, vector<16xi32>,
      %get3A_1123 = arith.constant 720 : index
      %get3A_1124 = tpu.vector_load %arg10[%get3A_1123] {strides = array<i32>} : memref<1024xi32, #tpu.memory_space<vmem>>, vector<16xi32>,
      %get3A_1125 = vector.shape_cast %get3A_1124 : vector<16xi32> to vector<16xi32>
      %swap3A_1126 = arith.constant 80 : index
      %swap3A_1127 = tpu.vector_load %arg12[%swap3A_1126] {strides = array<i32>} : memref<128xi32, #tpu.memory_space<vmem>>, vector<16xi32>,
      %swap3A_1128 = vector.shape_cast %swap3A_1127 : vector<16xi32> to vector<16xi32>
      %swap3A_1129 = vector.shape_cast %get3A_1125 : vector<16xi32> to vector<16xi32>
      tpu.vector_store %arg12[%swap3A_1126], %swap3A_1129 {strides = array<i32>} : memref<128xi32, #tpu.memory_space<vmem>>, vector<16xi32>,
      %get3A_1130 = arith.constant 736 : index
      %get3A_1131 = tpu.vector_load %arg10[%get3A_1130] {strides = array<i32>} : memref<1024xi32, #tpu.memory_space<vmem>>, vector<16xi32>,
      %get3A_1132 = vector.shape_cast %get3A_1131 : vector<16xi32> to vector<16xi32>
      %swap3A_1133 = arith.constant 96 : index
      %swap3A_1134 = tpu.vector_load %arg12[%swap3A_1133] {strides = array<i32>} : memref<128xi32, #tpu.memory_space<vmem>>, vector<16xi32>,
      %swap3A_1135 = vector.shape_cast %swap3A_1134 : vector<16xi32> to vector<16xi32>
      %swap3A_1136 = vector.shape_cast %get3A_1132 : vector<16xi32> to vector<16xi32>
      tpu.vector_store %arg12[%swap3A_1133], %swap3A_1136 {strides = array<i32>} : memref<128xi32, #tpu.memory_space<vmem>>, vector<16xi32>,
      %get3A_1137 = arith.constant 752 : index
      %get3A_1138 = tpu.vector_load %arg10[%get3A_1137] {strides = array<i32>} : memref<1024xi32, #tpu.memory_space<vmem>>, vector<16xi32>,
      %get3A_1139 = vector.shape_cast %get3A_1138 : vector<16xi32> to vector<16xi32>
      %swap3A_1140 = arith.constant 112 : index
      %swap3A_1141 = tpu.vector_load %arg12[%swap3A_1140] {strides = array<i32>} : memref<128xi32, #tpu.memory_space<vmem>>, vector<16xi32>,
      %swap3A_1142 = vector.shape_cast %swap3A_1141 : vector<16xi32> to vector<16xi32>
      %swap3A_1143 = vector.shape_cast %get3A_1139 : vector<16xi32> to vector<16xi32>
      tpu.vector_store %arg12[%swap3A_1140], %swap3A_1143 {strides = array<i32>} : memref<128xi32, #tpu.memory_space<vmem>>, vector<16xi32>,
      %dma_start3A_1144 = arith.constant 640 : i32
      %dma_start3A_1145 = tpu.memref_slice %arg8[%dma_start3A_1144] : memref<1024xi32, #tpu.memory_space<vmem>> -> memref<128xi32, #tpu.memory_space<vmem>>
      %dma_start3A_1146 = arith.constant 0 : i32
      %dma_start3A_1147 = arith.constant 0 : i32
      %dma_start3A_1148 = tpu.memref_slice %arg2[%dma_start3A_1146, %dma_start3A_1147] : memref<100000x32xf32, #tpu.memory_space<hbm>> -> memref<100000x32xf32, #tpu.memory_space<hbm>>
      tpu.enqueue_indirect_dma source(%dma_start3A_1148 : memref<100000x32xf32, #tpu.memory_space<hbm>>) target(%arg14 : memref<128x32xf32, #tpu.memory_space<vmem>>) offsets(%dma_start3A_1145 : memref<128xi32, #tpu.memory_space<vmem>>) semaphore(%arg21 : memref<!tpu.dma_semaphore, #tpu.memory_space<semaphore_mem>>)
      %mul3A_1149 = arith.constant 2 : i32
      %mul3A_1150 = arith.muli %mul3A_1149, %scan3A_144 : i32
      %add3A_1151 = arith.constant 1 : i32
      %add3A_1152 = arith.addi %mul3A_1150, %add3A_1151 : i32
      %dma_wait3A_1153 = arith.constant 0 : i32
      %dma_wait3A_1154 = tpu.memref_slice %arg7[%dma_wait3A_1153] : memref<1024xi32, #tpu.memory_space<vmem>> -> memref<128xi32, #tpu.memory_space<vmem>>
      %dma_wait3A_1155 = arith.constant 0 : i32
      %dma_wait3A_1156 = arith.constant 0 : i32
      %dma_wait3A_1157 = tpu.memref_slice %arg2[%dma_wait3A_1155, %dma_wait3A_1156] : memref<100000x32xf32, #tpu.memory_space<hbm>> -> memref<100000x32xf32, #tpu.memory_space<hbm>>
      tpu.wait_indirect_dma semaphore(%arg21 : memref<!tpu.dma_semaphore, #tpu.memory_space<semaphore_mem>>) src(%dma_wait3A_1157 : memref<100000x32xf32, #tpu.memory_space<hbm>>) dst(%arg14 : memref<128x32xf32, #tpu.memory_space<vmem>>)
      %dma_start3A_1158 = arith.constant 0 : i32
      %dma_start3A_1159 = arith.constant 0 : i32
      %dma_start3A_1160 = tpu.memref_slice %arg15[%dma_start3A_1158, %dma_start3A_1159] : memref<50016x32xf32, #tpu.memory_space<vmem_shared>> -> memref<50016x32xf32, #tpu.memory_space<vmem_shared>>
      tpu.enqueue_indirect_dma source(%arg14 : memref<128x32xf32, #tpu.memory_space<vmem>>) target(%dma_start3A_1160 : memref<50016x32xf32, #tpu.memory_space<vmem_shared>>) offsets(%arg12 : memref<128xi32, #tpu.memory_space<vmem>>) semaphore(%arg23 : memref<!tpu.dma_semaphore, #tpu.memory_space<semaphore_mem>>) {add = true}
      %dma_wait3A_1161 = arith.constant 0 : i32
      %dma_wait3A_1162 = arith.constant 0 : i32
      %dma_wait3A_1163 = tpu.memref_slice %arg15[%dma_wait3A_1161, %dma_wait3A_1162] : memref<50016x32xf32, #tpu.memory_space<vmem_shared>> -> memref<50016x32xf32, #tpu.memory_space<vmem_shared>>
      tpu.wait_indirect_dma semaphore(%arg22 : memref<!tpu.dma_semaphore, #tpu.memory_space<semaphore_mem>>) src(%arg13 : memref<128x32xf32, #tpu.memory_space<vmem>>) dst(%dma_wait3A_1163 : memref<50016x32xf32, #tpu.memory_space<vmem_shared>>)
      %get3A_1164 = arith.constant 768 : index
      %get3A_1165 = tpu.vector_load %arg10[%get3A_1164] {strides = array<i32>} : memref<1024xi32, #tpu.memory_space<vmem>>, vector<16xi32>,
      %get3A_1166 = vector.shape_cast %get3A_1165 : vector<16xi32> to vector<16xi32>
      %swap3A_1167 = arith.constant 0 : index
      %swap3A_1168 = tpu.vector_load %arg11[%swap3A_1167] {strides = array<i32>} : memref<128xi32, #tpu.memory_space<vmem>>, vector<16xi32>,
      %swap3A_1169 = vector.shape_cast %swap3A_1168 : vector<16xi32> to vector<16xi32>
      %swap3A_1170 = vector.shape_cast %get3A_1166 : vector<16xi32> to vector<16xi32>
      tpu.vector_store %arg11[%swap3A_1167], %swap3A_1170 {strides = array<i32>} : memref<128xi32, #tpu.memory_space<vmem>>, vector<16xi32>,
      %get3A_1171 = arith.constant 784 : index
      %get3A_1172 = tpu.vector_load %arg10[%get3A_1171] {strides = array<i32>} : memref<1024xi32, #tpu.memory_space<vmem>>, vector<16xi32>,
      %get3A_1173 = vector.shape_cast %get3A_1172 : vector<16xi32> to vector<16xi32>
      %swap3A_1174 = arith.constant 16 : index
      %swap3A_1175 = tpu.vector_load %arg11[%swap3A_1174] {strides = array<i32>} : memref<128xi32, #tpu.memory_space<vmem>>, vector<16xi32>,
      %swap3A_1176 = vector.shape_cast %swap3A_1175 : vector<16xi32> to vector<16xi32>
      %swap3A_1177 = vector.shape_cast %get3A_1173 : vector<16xi32> to vector<16xi32>
      tpu.vector_store %arg11[%swap3A_1174], %swap3A_1177 {strides = array<i32>} : memref<128xi32, #tpu.memory_space<vmem>>, vector<16xi32>,
      %get3A_1178 = arith.constant 800 : index
      %get3A_1179 = tpu.vector_load %arg10[%get3A_1178] {strides = array<i32>} : memref<1024xi32, #tpu.memory_space<vmem>>, vector<16xi32>,
      %get3A_1180 = vector.shape_cast %get3A_1179 : vector<16xi32> to vector<16xi32>
      %swap3A_1181 = arith.constant 32 : index
      %swap3A_1182 = tpu.vector_load %arg11[%swap3A_1181] {strides = array<i32>} : memref<128xi32, #tpu.memory_space<vmem>>, vector<16xi32>,
      %swap3A_1183 = vector.shape_cast %swap3A_1182 : vector<16xi32> to vector<16xi32>
      %swap3A_1184 = vector.shape_cast %get3A_1180 : vector<16xi32> to vector<16xi32>
      tpu.vector_store %arg11[%swap3A_1181], %swap3A_1184 {strides = array<i32>} : memref<128xi32, #tpu.memory_space<vmem>>, vector<16xi32>,
      %get3A_1185 = arith.constant 816 : index
      %get3A_1186 = tpu.vector_load %arg10[%get3A_1185] {strides = array<i32>} : memref<1024xi32, #tpu.memory_space<vmem>>, vector<16xi32>,
      %get3A_1187 = vector.shape_cast %get3A_1186 : vector<16xi32> to vector<16xi32>
      %swap3A_1188 = arith.constant 48 : index
      %swap3A_1189 = tpu.vector_load %arg11[%swap3A_1188] {strides = array<i32>} : memref<128xi32, #tpu.memory_space<vmem>>, vector<16xi32>,
      %swap3A_1190 = vector.shape_cast %swap3A_1189 : vector<16xi32> to vector<16xi32>
      %swap3A_1191 = vector.shape_cast %get3A_1187 : vector<16xi32> to vector<16xi32>
      tpu.vector_store %arg11[%swap3A_1188], %swap3A_1191 {strides = array<i32>} : memref<128xi32, #tpu.memory_space<vmem>>, vector<16xi32>,
      %get3A_1192 = arith.constant 832 : index
      %get3A_1193 = tpu.vector_load %arg10[%get3A_1192] {strides = array<i32>} : memref<1024xi32, #tpu.memory_space<vmem>>, vector<16xi32>,
      %get3A_1194 = vector.shape_cast %get3A_1193 : vector<16xi32> to vector<16xi32>
      %swap3A_1195 = arith.constant 64 : index
      %swap3A_1196 = tpu.vector_load %arg11[%swap3A_1195] {strides = array<i32>} : memref<128xi32, #tpu.memory_space<vmem>>, vector<16xi32>,
      %swap3A_1197 = vector.shape_cast %swap3A_1196 : vector<16xi32> to vector<16xi32>
      %swap3A_1198 = vector.shape_cast %get3A_1194 : vector<16xi32> to vector<16xi32>
      tpu.vector_store %arg11[%swap3A_1195], %swap3A_1198 {strides = array<i32>} : memref<128xi32, #tpu.memory_space<vmem>>, vector<16xi32>,
      %get3A_1199 = arith.constant 848 : index
      %get3A_1200 = tpu.vector_load %arg10[%get3A_1199] {strides = array<i32>} : memref<1024xi32, #tpu.memory_space<vmem>>, vector<16xi32>,
      %get3A_1201 = vector.shape_cast %get3A_1200 : vector<16xi32> to vector<16xi32>
      %swap3A_1202 = arith.constant 80 : index
      %swap3A_1203 = tpu.vector_load %arg11[%swap3A_1202] {strides = array<i32>} : memref<128xi32, #tpu.memory_space<vmem>>, vector<16xi32>,
      %swap3A_1204 = vector.shape_cast %swap3A_1203 : vector<16xi32> to vector<16xi32>
      %swap3A_1205 = vector.shape_cast %get3A_1201 : vector<16xi32> to vector<16xi32>
      tpu.vector_store %arg11[%swap3A_1202], %swap3A_1205 {strides = array<i32>} : memref<128xi32, #tpu.memory_space<vmem>>, vector<16xi32>,
      %get3A_1206 = arith.constant 864 : index
      %get3A_1207 = tpu.vector_load %arg10[%get3A_1206] {strides = array<i32>} : memref<1024xi32, #tpu.memory_space<vmem>>, vector<16xi32>,
      %get3A_1208 = vector.shape_cast %get3A_1207 : vector<16xi32> to vector<16xi32>
      %swap3A_1209 = arith.constant 96 : index
      %swap3A_1210 = tpu.vector_load %arg11[%swap3A_1209] {strides = array<i32>} : memref<128xi32, #tpu.memory_space<vmem>>, vector<16xi32>,
      %swap3A_1211 = vector.shape_cast %swap3A_1210 : vector<16xi32> to vector<16xi32>
      %swap3A_1212 = vector.shape_cast %get3A_1208 : vector<16xi32> to vector<16xi32>
      tpu.vector_store %arg11[%swap3A_1209], %swap3A_1212 {strides = array<i32>} : memref<128xi32, #tpu.memory_space<vmem>>, vector<16xi32>,
      %get3A_1213 = arith.constant 880 : index
      %get3A_1214 = tpu.vector_load %arg10[%get3A_1213] {strides = array<i32>} : memref<1024xi32, #tpu.memory_space<vmem>>, vector<16xi32>,
      %get3A_1215 = vector.shape_cast %get3A_1214 : vector<16xi32> to vector<16xi32>
      %swap3A_1216 = arith.constant 112 : index
      %swap3A_1217 = tpu.vector_load %arg11[%swap3A_1216] {strides = array<i32>} : memref<128xi32, #tpu.memory_space<vmem>>, vector<16xi32>,
      %swap3A_1218 = vector.shape_cast %swap3A_1217 : vector<16xi32> to vector<16xi32>
      %swap3A_1219 = vector.shape_cast %get3A_1215 : vector<16xi32> to vector<16xi32>
      tpu.vector_store %arg11[%swap3A_1216], %swap3A_1219 {strides = array<i32>} : memref<128xi32, #tpu.memory_space<vmem>>, vector<16xi32>,
      %dma_start3A_1220 = arith.constant 768 : i32
      %dma_start3A_1221 = tpu.memref_slice %arg8[%dma_start3A_1220] : memref<1024xi32, #tpu.memory_space<vmem>> -> memref<128xi32, #tpu.memory_space<vmem>>
      %dma_start3A_1222 = arith.constant 0 : i32
      %dma_start3A_1223 = arith.constant 0 : i32
      %dma_start3A_1224 = tpu.memref_slice %arg2[%dma_start3A_1222, %dma_start3A_1223] : memref<100000x32xf32, #tpu.memory_space<hbm>> -> memref<100000x32xf32, #tpu.memory_space<hbm>>
      tpu.enqueue_indirect_dma source(%dma_start3A_1224 : memref<100000x32xf32, #tpu.memory_space<hbm>>) target(%arg13 : memref<128x32xf32, #tpu.memory_space<vmem>>) offsets(%dma_start3A_1221 : memref<128xi32, #tpu.memory_space<vmem>>) semaphore(%arg20 : memref<!tpu.dma_semaphore, #tpu.memory_space<semaphore_mem>>)
      %mul3A_1225 = arith.constant 2 : i32
      %mul3A_1226 = arith.muli %mul3A_1225, %scan3A_144 : i32
      %add3A_1227 = arith.constant 1 : i32
      %add3A_1228 = arith.addi %mul3A_1226, %add3A_1227 : i32
      %dma_wait3A_1229 = arith.constant 0 : i32
      %dma_wait3A_1230 = tpu.memref_slice %arg7[%dma_wait3A_1229] : memref<1024xi32, #tpu.memory_space<vmem>> -> memref<128xi32, #tpu.memory_space<vmem>>
      %dma_wait3A_1231 = arith.constant 0 : i32
      %dma_wait3A_1232 = arith.constant 0 : i32
      %dma_wait3A_1233 = tpu.memref_slice %arg2[%dma_wait3A_1231, %dma_wait3A_1232] : memref<100000x32xf32, #tpu.memory_space<hbm>> -> memref<100000x32xf32, #tpu.memory_space<hbm>>
      tpu.wait_indirect_dma semaphore(%arg20 : memref<!tpu.dma_semaphore, #tpu.memory_space<semaphore_mem>>) src(%dma_wait3A_1233 : memref<100000x32xf32, #tpu.memory_space<hbm>>) dst(%arg13 : memref<128x32xf32, #tpu.memory_space<vmem>>)
      %dma_start3A_1234 = arith.constant 0 : i32
      %dma_start3A_1235 = arith.constant 0 : i32
      %dma_start3A_1236 = tpu.memref_slice %arg15[%dma_start3A_1234, %dma_start3A_1235] : memref<50016x32xf32, #tpu.memory_space<vmem_shared>> -> memref<50016x32xf32, #tpu.memory_space<vmem_shared>>
      tpu.enqueue_indirect_dma source(%arg13 : memref<128x32xf32, #tpu.memory_space<vmem>>) target(%dma_start3A_1236 : memref<50016x32xf32, #tpu.memory_space<vmem_shared>>) offsets(%arg11 : memref<128xi32, #tpu.memory_space<vmem>>) semaphore(%arg22 : memref<!tpu.dma_semaphore, #tpu.memory_space<semaphore_mem>>) {add = true}
      %dma_wait3A_1237 = arith.constant 0 : i32
      %dma_wait3A_1238 = arith.constant 0 : i32
      %dma_wait3A_1239 = tpu.memref_slice %arg15[%dma_wait3A_1237, %dma_wait3A_1238] : memref<50016x32xf32, #tpu.memory_space<vmem_shared>> -> memref<50016x32xf32, #tpu.memory_space<vmem_shared>>
      tpu.wait_indirect_dma semaphore(%arg23 : memref<!tpu.dma_semaphore, #tpu.memory_space<semaphore_mem>>) src(%arg14 : memref<128x32xf32, #tpu.memory_space<vmem>>) dst(%dma_wait3A_1239 : memref<50016x32xf32, #tpu.memory_space<vmem_shared>>)
      %get3A_1240 = arith.constant 896 : index
      %get3A_1241 = tpu.vector_load %arg10[%get3A_1240] {strides = array<i32>} : memref<1024xi32, #tpu.memory_space<vmem>>, vector<16xi32>,
      %get3A_1242 = vector.shape_cast %get3A_1241 : vector<16xi32> to vector<16xi32>
      %swap3A_1243 = arith.constant 0 : index
      %swap3A_1244 = tpu.vector_load %arg12[%swap3A_1243] {strides = array<i32>} : memref<128xi32, #tpu.memory_space<vmem>>, vector<16xi32>,
      %swap3A_1245 = vector.shape_cast %swap3A_1244 : vector<16xi32> to vector<16xi32>
      %swap3A_1246 = vector.shape_cast %get3A_1242 : vector<16xi32> to vector<16xi32>
      tpu.vector_store %arg12[%swap3A_1243], %swap3A_1246 {strides = array<i32>} : memref<128xi32, #tpu.memory_space<vmem>>, vector<16xi32>,
      %get3A_1247 = arith.constant 912 : index
      %get3A_1248 = tpu.vector_load %arg10[%get3A_1247] {strides = array<i32>} : memref<1024xi32, #tpu.memory_space<vmem>>, vector<16xi32>,
      %get3A_1249 = vector.shape_cast %get3A_1248 : vector<16xi32> to vector<16xi32>
      %swap3A_1250 = arith.constant 16 : index
      %swap3A_1251 = tpu.vector_load %arg12[%swap3A_1250] {strides = array<i32>} : memref<128xi32, #tpu.memory_space<vmem>>, vector<16xi32>,
      %swap3A_1252 = vector.shape_cast %swap3A_1251 : vector<16xi32> to vector<16xi32>
      %swap3A_1253 = vector.shape_cast %get3A_1249 : vector<16xi32> to vector<16xi32>
      tpu.vector_store %arg12[%swap3A_1250], %swap3A_1253 {strides = array<i32>} : memref<128xi32, #tpu.memory_space<vmem>>, vector<16xi32>,
      %get3A_1254 = arith.constant 928 : index
      %get3A_1255 = tpu.vector_load %arg10[%get3A_1254] {strides = array<i32>} : memref<1024xi32, #tpu.memory_space<vmem>>, vector<16xi32>,
      %get3A_1256 = vector.shape_cast %get3A_1255 : vector<16xi32> to vector<16xi32>
      %swap3A_1257 = arith.constant 32 : index
      %swap3A_1258 = tpu.vector_load %arg12[%swap3A_1257] {strides = array<i32>} : memref<128xi32, #tpu.memory_space<vmem>>, vector<16xi32>,
      %swap3A_1259 = vector.shape_cast %swap3A_1258 : vector<16xi32> to vector<16xi32>
      %swap3A_1260 = vector.shape_cast %get3A_1256 : vector<16xi32> to vector<16xi32>
      tpu.vector_store %arg12[%swap3A_1257], %swap3A_1260 {strides = array<i32>} : memref<128xi32, #tpu.memory_space<vmem>>, vector<16xi32>,
      %get3A_1261 = arith.constant 944 : index
      %get3A_1262 = tpu.vector_load %arg10[%get3A_1261] {strides = array<i32>} : memref<1024xi32, #tpu.memory_space<vmem>>, vector<16xi32>,
      %get3A_1263 = vector.shape_cast %get3A_1262 : vector<16xi32> to vector<16xi32>
      %swap3A_1264 = arith.constant 48 : index
      %swap3A_1265 = tpu.vector_load %arg12[%swap3A_1264] {strides = array<i32>} : memref<128xi32, #tpu.memory_space<vmem>>, vector<16xi32>,
      %swap3A_1266 = vector.shape_cast %swap3A_1265 : vector<16xi32> to vector<16xi32>
      %swap3A_1267 = vector.shape_cast %get3A_1263 : vector<16xi32> to vector<16xi32>
      tpu.vector_store %arg12[%swap3A_1264], %swap3A_1267 {strides = array<i32>} : memref<128xi32, #tpu.memory_space<vmem>>, vector<16xi32>,
      %get3A_1268 = arith.constant 960 : index
      %get3A_1269 = tpu.vector_load %arg10[%get3A_1268] {strides = array<i32>} : memref<1024xi32, #tpu.memory_space<vmem>>, vector<16xi32>,
      %get3A_1270 = vector.shape_cast %get3A_1269 : vector<16xi32> to vector<16xi32>
      %swap3A_1271 = arith.constant 64 : index
      %swap3A_1272 = tpu.vector_load %arg12[%swap3A_1271] {strides = array<i32>} : memref<128xi32, #tpu.memory_space<vmem>>, vector<16xi32>,
      %swap3A_1273 = vector.shape_cast %swap3A_1272 : vector<16xi32> to vector<16xi32>
      %swap3A_1274 = vector.shape_cast %get3A_1270 : vector<16xi32> to vector<16xi32>
      tpu.vector_store %arg12[%swap3A_1271], %swap3A_1274 {strides = array<i32>} : memref<128xi32, #tpu.memory_space<vmem>>, vector<16xi32>,
      %get3A_1275 = arith.constant 976 : index
      %get3A_1276 = tpu.vector_load %arg10[%get3A_1275] {strides = array<i32>} : memref<1024xi32, #tpu.memory_space<vmem>>, vector<16xi32>,
      %get3A_1277 = vector.shape_cast %get3A_1276 : vector<16xi32> to vector<16xi32>
      %swap3A_1278 = arith.constant 80 : index
      %swap3A_1279 = tpu.vector_load %arg12[%swap3A_1278] {strides = array<i32>} : memref<128xi32, #tpu.memory_space<vmem>>, vector<16xi32>,
      %swap3A_1280 = vector.shape_cast %swap3A_1279 : vector<16xi32> to vector<16xi32>
      %swap3A_1281 = vector.shape_cast %get3A_1277 : vector<16xi32> to vector<16xi32>
      tpu.vector_store %arg12[%swap3A_1278], %swap3A_1281 {strides = array<i32>} : memref<128xi32, #tpu.memory_space<vmem>>, vector<16xi32>,
      %get3A_1282 = arith.constant 992 : index
      %get3A_1283 = tpu.vector_load %arg10[%get3A_1282] {strides = array<i32>} : memref<1024xi32, #tpu.memory_space<vmem>>, vector<16xi32>,
      %get3A_1284 = vector.shape_cast %get3A_1283 : vector<16xi32> to vector<16xi32>
      %swap3A_1285 = arith.constant 96 : index
      %swap3A_1286 = tpu.vector_load %arg12[%swap3A_1285] {strides = array<i32>} : memref<128xi32, #tpu.memory_space<vmem>>, vector<16xi32>,
      %swap3A_1287 = vector.shape_cast %swap3A_1286 : vector<16xi32> to vector<16xi32>
      %swap3A_1288 = vector.shape_cast %get3A_1284 : vector<16xi32> to vector<16xi32>
      tpu.vector_store %arg12[%swap3A_1285], %swap3A_1288 {strides = array<i32>} : memref<128xi32, #tpu.memory_space<vmem>>, vector<16xi32>,
      %get3A_1289 = arith.constant 1008 : index
      %get3A_1290 = tpu.vector_load %arg10[%get3A_1289] {strides = array<i32>} : memref<1024xi32, #tpu.memory_space<vmem>>, vector<16xi32>,
      %get3A_1291 = vector.shape_cast %get3A_1290 : vector<16xi32> to vector<16xi32>
      %swap3A_1292 = arith.constant 112 : index
      %swap3A_1293 = tpu.vector_load %arg12[%swap3A_1292] {strides = array<i32>} : memref<128xi32, #tpu.memory_space<vmem>>, vector<16xi32>,
      %swap3A_1294 = vector.shape_cast %swap3A_1293 : vector<16xi32> to vector<16xi32>
      %swap3A_1295 = vector.shape_cast %get3A_1291 : vector<16xi32> to vector<16xi32>
      tpu.vector_store %arg12[%swap3A_1292], %swap3A_1295 {strides = array<i32>} : memref<128xi32, #tpu.memory_space<vmem>>, vector<16xi32>,
      %dma_start3A_1296 = arith.constant 896 : i32
      %dma_start3A_1297 = tpu.memref_slice %arg8[%dma_start3A_1296] : memref<1024xi32, #tpu.memory_space<vmem>> -> memref<128xi32, #tpu.memory_space<vmem>>
      %dma_start3A_1298 = arith.constant 0 : i32
      %dma_start3A_1299 = arith.constant 0 : i32
      %dma_start3A_1300 = tpu.memref_slice %arg2[%dma_start3A_1298, %dma_start3A_1299] : memref<100000x32xf32, #tpu.memory_space<hbm>> -> memref<100000x32xf32, #tpu.memory_space<hbm>>
      tpu.enqueue_indirect_dma source(%dma_start3A_1300 : memref<100000x32xf32, #tpu.memory_space<hbm>>) target(%arg14 : memref<128x32xf32, #tpu.memory_space<vmem>>) offsets(%dma_start3A_1297 : memref<128xi32, #tpu.memory_space<vmem>>) semaphore(%arg21 : memref<!tpu.dma_semaphore, #tpu.memory_space<semaphore_mem>>)
      %mul3A_1301 = arith.constant 2 : i32
      %mul3A_1302 = arith.muli %mul3A_1301, %scan3A_144 : i32
      %add3A_1303 = arith.constant 1 : i32
      %add3A_1304 = arith.addi %mul3A_1302, %add3A_1303 : i32
      %dma_wait3A_1305 = arith.constant 0 : i32
      %dma_wait3A_1306 = tpu.memref_slice %arg7[%dma_wait3A_1305] : memref<1024xi32, #tpu.memory_space<vmem>> -> memref<128xi32, #tpu.memory_space<vmem>>
      %dma_wait3A_1307 = arith.constant 0 : i32
      %dma_wait3A_1308 = arith.constant 0 : i32
      %dma_wait3A_1309 = tpu.memref_slice %arg2[%dma_wait3A_1307, %dma_wait3A_1308] : memref<100000x32xf32, #tpu.memory_space<hbm>> -> memref<100000x32xf32, #tpu.memory_space<hbm>>
      tpu.wait_indirect_dma semaphore(%arg21 : memref<!tpu.dma_semaphore, #tpu.memory_space<semaphore_mem>>) src(%dma_wait3A_1309 : memref<100000x32xf32, #tpu.memory_space<hbm>>) dst(%arg14 : memref<128x32xf32, #tpu.memory_space<vmem>>)
      %dma_start3A_1310 = arith.constant 0 : i32
      %dma_start3A_1311 = arith.constant 0 : i32
      %dma_start3A_1312 = tpu.memref_slice %arg15[%dma_start3A_1310, %dma_start3A_1311] : memref<50016x32xf32, #tpu.memory_space<vmem_shared>> -> memref<50016x32xf32, #tpu.memory_space<vmem_shared>>
      tpu.enqueue_indirect_dma source(%arg14 : memref<128x32xf32, #tpu.memory_space<vmem>>) target(%dma_start3A_1312 : memref<50016x32xf32, #tpu.memory_space<vmem_shared>>) offsets(%arg12 : memref<128xi32, #tpu.memory_space<vmem>>) semaphore(%arg23 : memref<!tpu.dma_semaphore, #tpu.memory_space<semaphore_mem>>) {add = true}
      %dma_wait3A_1313 = tpu.memref_slice %arg3[%add3A] : memref<1642496xi32, #tpu.memory_space<hbm>> -> memref<1024xi32, #tpu.memory_space<hbm>>
      %dma_wait3A_1314 = tpu.memref_slice %arg3[%add3A] : memref<1642496xi32, #tpu.memory_space<hbm>> -> memref<1024xi32, #tpu.memory_space<hbm>>
      tpu.wait_dma2 semaphore(%arg16 : memref<!tpu.dma_semaphore, #tpu.memory_space<semaphore_mem>>) src(%dma_wait3A_1314 : memref<1024xi32, #tpu.memory_space<hbm>>) dst(%arg7 : memref<1024xi32, #tpu.memory_space<vmem>>)
      %dma_wait3A_1315 = tpu.memref_slice %arg4[%mul3A_4] : memref<821248xi32, #tpu.memory_space<hbm>> -> memref<1024xi32, #tpu.memory_space<hbm>>
      %dma_wait3A_1316 = tpu.memref_slice %arg4[%mul3A_4] : memref<821248xi32, #tpu.memory_space<hbm>> -> memref<1024xi32, #tpu.memory_space<hbm>>
      tpu.wait_dma2 semaphore(%arg18 : memref<!tpu.dma_semaphore, #tpu.memory_space<semaphore_mem>>) src(%dma_wait3A_1316 : memref<1024xi32, #tpu.memory_space<hbm>>) dst(%arg9 : memref<1024xi32, #tpu.memory_space<vmem>>)
      %dma_wait3A_1317 = arith.constant 0 : i32
      %dma_wait3A_1318 = arith.constant 0 : i32
      %dma_wait3A_1319 = tpu.memref_slice %arg15[%dma_wait3A_1317, %dma_wait3A_1318] : memref<50016x32xf32, #tpu.memory_space<vmem_shared>> -> memref<50016x32xf32, #tpu.memory_space<vmem_shared>>
      tpu.wait_indirect_dma semaphore(%arg22 : memref<!tpu.dma_semaphore, #tpu.memory_space<semaphore_mem>>) src(%arg13 : memref<128x32xf32, #tpu.memory_space<vmem>>) dst(%dma_wait3A_1319 : memref<50016x32xf32, #tpu.memory_space<vmem_shared>>)
      %get3A_1320 = arith.constant 0 : index
      %get3A_1321 = tpu.vector_load %arg9[%get3A_1320] {strides = array<i32>} : memref<1024xi32, #tpu.memory_space<vmem>>, vector<16xi32>,
      %get3A_1322 = vector.shape_cast %get3A_1321 : vector<16xi32> to vector<16xi32>
      %swap3A_1323 = arith.constant 0 : index
      %swap3A_1324 = tpu.vector_load %arg11[%swap3A_1323] {strides = array<i32>} : memref<128xi32, #tpu.memory_space<vmem>>, vector<16xi32>,
      %swap3A_1325 = vector.shape_cast %swap3A_1324 : vector<16xi32> to vector<16xi32>
      %swap3A_1326 = vector.shape_cast %get3A_1322 : vector<16xi32> to vector<16xi32>
      tpu.vector_store %arg11[%swap3A_1323], %swap3A_1326 {strides = array<i32>} : memref<128xi32, #tpu.memory_space<vmem>>, vector<16xi32>,
      %get3A_1327 = arith.constant 16 : index
      %get3A_1328 = tpu.vector_load %arg9[%get3A_1327] {strides = array<i32>} : memref<1024xi32, #tpu.memory_space<vmem>>, vector<16xi32>,
      %get3A_1329 = vector.shape_cast %get3A_1328 : vector<16xi32> to vector<16xi32>
      %swap3A_1330 = arith.constant 16 : index
      %swap3A_1331 = tpu.vector_load %arg11[%swap3A_1330] {strides = array<i32>} : memref<128xi32, #tpu.memory_space<vmem>>, vector<16xi32>,
      %swap3A_1332 = vector.shape_cast %swap3A_1331 : vector<16xi32> to vector<16xi32>
      %swap3A_1333 = vector.shape_cast %get3A_1329 : vector<16xi32> to vector<16xi32>
      tpu.vector_store %arg11[%swap3A_1330], %swap3A_1333 {strides = array<i32>} : memref<128xi32, #tpu.memory_space<vmem>>, vector<16xi32>,
      %get3A_1334 = arith.constant 32 : index
      %get3A_1335 = tpu.vector_load %arg9[%get3A_1334] {strides = array<i32>} : memref<1024xi32, #tpu.memory_space<vmem>>, vector<16xi32>,
      %get3A_1336 = vector.shape_cast %get3A_1335 : vector<16xi32> to vector<16xi32>
      %swap3A_1337 = arith.constant 32 : index
      %swap3A_1338 = tpu.vector_load %arg11[%swap3A_1337] {strides = array<i32>} : memref<128xi32, #tpu.memory_space<vmem>>, vector<16xi32>,
      %swap3A_1339 = vector.shape_cast %swap3A_1338 : vector<16xi32> to vector<16xi32>
      %swap3A_1340 = vector.shape_cast %get3A_1336 : vector<16xi32> to vector<16xi32>
      tpu.vector_store %arg11[%swap3A_1337], %swap3A_1340 {strides = array<i32>} : memref<128xi32, #tpu.memory_space<vmem>>, vector<16xi32>,
      %get3A_1341 = arith.constant 48 : index
      %get3A_1342 = tpu.vector_load %arg9[%get3A_1341] {strides = array<i32>} : memref<1024xi32, #tpu.memory_space<vmem>>, vector<16xi32>,
      %get3A_1343 = vector.shape_cast %get3A_1342 : vector<16xi32> to vector<16xi32>
      %swap3A_1344 = arith.constant 48 : index
      %swap3A_1345 = tpu.vector_load %arg11[%swap3A_1344] {strides = array<i32>} : memref<128xi32, #tpu.memory_space<vmem>>, vector<16xi32>,
      %swap3A_1346 = vector.shape_cast %swap3A_1345 : vector<16xi32> to vector<16xi32>
      %swap3A_1347 = vector.shape_cast %get3A_1343 : vector<16xi32> to vector<16xi32>
      tpu.vector_store %arg11[%swap3A_1344], %swap3A_1347 {strides = array<i32>} : memref<128xi32, #tpu.memory_space<vmem>>, vector<16xi32>,
      %get3A_1348 = arith.constant 64 : index
      %get3A_1349 = tpu.vector_load %arg9[%get3A_1348] {strides = array<i32>} : memref<1024xi32, #tpu.memory_space<vmem>>, vector<16xi32>,
      %get3A_1350 = vector.shape_cast %get3A_1349 : vector<16xi32> to vector<16xi32>
      %swap3A_1351 = arith.constant 64 : index
      %swap3A_1352 = tpu.vector_load %arg11[%swap3A_1351] {strides = array<i32>} : memref<128xi32, #tpu.memory_space<vmem>>, vector<16xi32>,
      %swap3A_1353 = vector.shape_cast %swap3A_1352 : vector<16xi32> to vector<16xi32>
      %swap3A_1354 = vector.shape_cast %get3A_1350 : vector<16xi32> to vector<16xi32>
      tpu.vector_store %arg11[%swap3A_1351], %swap3A_1354 {strides = array<i32>} : memref<128xi32, #tpu.memory_space<vmem>>, vector<16xi32>,
      %get3A_1355 = arith.constant 80 : index
      %get3A_1356 = tpu.vector_load %arg9[%get3A_1355] {strides = array<i32>} : memref<1024xi32, #tpu.memory_space<vmem>>, vector<16xi32>,
      %get3A_1357 = vector.shape_cast %get3A_1356 : vector<16xi32> to vector<16xi32>
      %swap3A_1358 = arith.constant 80 : index
      %swap3A_1359 = tpu.vector_load %arg11[%swap3A_1358] {strides = array<i32>} : memref<128xi32, #tpu.memory_space<vmem>>, vector<16xi32>,
      %swap3A_1360 = vector.shape_cast %swap3A_1359 : vector<16xi32> to vector<16xi32>
      %swap3A_1361 = vector.shape_cast %get3A_1357 : vector<16xi32> to vector<16xi32>
      tpu.vector_store %arg11[%swap3A_1358], %swap3A_1361 {strides = array<i32>} : memref<128xi32, #tpu.memory_space<vmem>>, vector<16xi32>,
      %get3A_1362 = arith.constant 96 : index
      %get3A_1363 = tpu.vector_load %arg9[%get3A_1362] {strides = array<i32>} : memref<1024xi32, #tpu.memory_space<vmem>>, vector<16xi32>,
      %get3A_1364 = vector.shape_cast %get3A_1363 : vector<16xi32> to vector<16xi32>
      %swap3A_1365 = arith.constant 96 : index
      %swap3A_1366 = tpu.vector_load %arg11[%swap3A_1365] {strides = array<i32>} : memref<128xi32, #tpu.memory_space<vmem>>, vector<16xi32>,
      %swap3A_1367 = vector.shape_cast %swap3A_1366 : vector<16xi32> to vector<16xi32>
      %swap3A_1368 = vector.shape_cast %get3A_1364 : vector<16xi32> to vector<16xi32>
      tpu.vector_store %arg11[%swap3A_1365], %swap3A_1368 {strides = array<i32>} : memref<128xi32, #tpu.memory_space<vmem>>, vector<16xi32>,
      %get3A_1369 = arith.constant 112 : index
      %get3A_1370 = tpu.vector_load %arg9[%get3A_1369] {strides = array<i32>} : memref<1024xi32, #tpu.memory_space<vmem>>, vector<16xi32>,
      %get3A_1371 = vector.shape_cast %get3A_1370 : vector<16xi32> to vector<16xi32>
      %swap3A_1372 = arith.constant 112 : index
      %swap3A_1373 = tpu.vector_load %arg11[%swap3A_1372] {strides = array<i32>} : memref<128xi32, #tpu.memory_space<vmem>>, vector<16xi32>,
      %swap3A_1374 = vector.shape_cast %swap3A_1373 : vector<16xi32> to vector<16xi32>
      %swap3A_1375 = vector.shape_cast %get3A_1371 : vector<16xi32> to vector<16xi32>
      tpu.vector_store %arg11[%swap3A_1372], %swap3A_1375 {strides = array<i32>} : memref<128xi32, #tpu.memory_space<vmem>>, vector<16xi32>,
      %add3A_1376 = arith.constant 2 : i32
      %add3A_1377 = arith.addi %add3A_1304, %add3A_1376 : i32
      %mul3A_1378 = arith.constant 1024 : i32
      %mul3A_1379 = arith.muli %add3A_1377, %mul3A_1378 : i32
      %add3A_1380 = arith.addi %add3A, %mul3A_1379 : i32
      %dma_start3A_1381 = tpu.memref_slice %arg3[%add3A_1380] : memref<1642496xi32, #tpu.memory_space<hbm>> -> memref<1024xi32, #tpu.memory_space<hbm>>
      %dma_start3A_1382 = tpu.memref_slice %arg3[%add3A_1380] : memref<1642496xi32, #tpu.memory_space<hbm>> -> memref<1024xi32, #tpu.memory_space<hbm>>
      tpu.enqueue_dma source(%dma_start3A_1382 : memref<1024xi32, #tpu.memory_space<hbm>>) target(%arg8 : memref<1024xi32, #tpu.memory_space<vmem>>) target_semaphore(%arg17 : memref<!tpu.dma_semaphore, #tpu.memory_space<semaphore_mem>>)
      %mul3A_1383 = arith.constant 1024 : i32
      %mul3A_1384 = arith.muli %add3A_1377, %mul3A_1383 : i32
      %add3A_1385 = arith.addi %mul3A_4, %mul3A_1384 : i32
      %dma_start3A_1386 = tpu.memref_slice %arg4[%add3A_1385] : memref<821248xi32, #tpu.memory_space<hbm>> -> memref<1024xi32, #tpu.memory_space<hbm>>
      %dma_start3A_1387 = tpu.memref_slice %arg4[%add3A_1385] : memref<821248xi32, #tpu.memory_space<hbm>> -> memref<1024xi32, #tpu.memory_space<hbm>>
      tpu.enqueue_dma source(%dma_start3A_1387 : memref<1024xi32, #tpu.memory_space<hbm>>) target(%arg10 : memref<1024xi32, #tpu.memory_space<vmem>>) target_semaphore(%arg19 : memref<!tpu.dma_semaphore, #tpu.memory_space<semaphore_mem>>)
      %dma_start3A_1388 = arith.constant 0 : i32
      %dma_start3A_1389 = tpu.memref_slice %arg7[%dma_start3A_1388] : memref<1024xi32, #tpu.memory_space<vmem>> -> memref<128xi32, #tpu.memory_space<vmem>>
      %dma_start3A_1390 = arith.constant 0 : i32
      %dma_start3A_1391 = arith.constant 0 : i32
      %dma_start3A_1392 = tpu.memref_slice %arg2[%dma_start3A_1390, %dma_start3A_1391] : memref<100000x32xf32, #tpu.memory_space<hbm>> -> memref<100000x32xf32, #tpu.memory_space<hbm>>
      tpu.enqueue_indirect_dma source(%dma_start3A_1392 : memref<100000x32xf32, #tpu.memory_space<hbm>>) target(%arg13 : memref<128x32xf32, #tpu.memory_space<vmem>>) offsets(%dma_start3A_1389 : memref<128xi32, #tpu.memory_space<vmem>>) semaphore(%arg20 : memref<!tpu.dma_semaphore, #tpu.memory_space<semaphore_mem>>)
    }
    %scan3A_124 = arith.constant 25 : i32
    %dma_wait3A_125 = arith.constant 0 : i32
    %dma_wait3A_126 = tpu.memref_slice %arg7[%dma_wait3A_125] : memref<1024xi32, #tpu.memory_space<vmem>> -> memref<128xi32, #tpu.memory_space<vmem>>
    %dma_wait3A_127 = arith.constant 0 : i32
    %dma_wait3A_128 = arith.constant 0 : i32
    %dma_wait3A_129 = tpu.memref_slice %arg2[%dma_wait3A_127, %dma_wait3A_128] : memref<100000x32xf32, #tpu.memory_space<hbm>> -> memref<100000x32xf32, #tpu.memory_space<hbm>>
    tpu.wait_indirect_dma semaphore(%arg20 : memref<!tpu.dma_semaphore, #tpu.memory_space<semaphore_mem>>) src(%dma_wait3A_129 : memref<100000x32xf32, #tpu.memory_space<hbm>>) dst(%arg13 : memref<128x32xf32, #tpu.memory_space<vmem>>)
    %dma_wait3A_130 = arith.constant 0 : i32
    %dma_wait3A_131 = arith.constant 0 : i32
    %dma_wait3A_132 = tpu.memref_slice %arg15[%dma_wait3A_130, %dma_wait3A_131] : memref<50016x32xf32, #tpu.memory_space<vmem_shared>> -> memref<50016x32xf32, #tpu.memory_space<vmem_shared>>
    tpu.wait_indirect_dma semaphore(%arg23 : memref<!tpu.dma_semaphore, #tpu.memory_space<semaphore_mem>>) src(%arg14 : memref<128x32xf32, #tpu.memory_space<vmem>>) dst(%dma_wait3A_132 : memref<50016x32xf32, #tpu.memory_space<vmem_shared>>)
    %dma_wait3A_133 = tpu.memref_slice %arg3[%add3A] : memref<1642496xi32, #tpu.memory_space<hbm>> -> memref<1024xi32, #tpu.memory_space<hbm>>
    %dma_wait3A_134 = tpu.memref_slice %arg3[%add3A] : memref<1642496xi32, #tpu.memory_space<hbm>> -> memref<1024xi32, #tpu.memory_space<hbm>>
    tpu.wait_dma2 semaphore(%arg17 : memref<!tpu.dma_semaphore, #tpu.memory_space<semaphore_mem>>) src(%dma_wait3A_134 : memref<1024xi32, #tpu.memory_space<hbm>>) dst(%arg8 : memref<1024xi32, #tpu.memory_space<vmem>>)
    %dma_wait3A_135 = tpu.memref_slice %arg4[%mul3A_4] : memref<821248xi32, #tpu.memory_space<hbm>> -> memref<1024xi32, #tpu.memory_space<hbm>>
    %dma_wait3A_136 = tpu.memref_slice %arg4[%mul3A_4] : memref<821248xi32, #tpu.memory_space<hbm>> -> memref<1024xi32, #tpu.memory_space<hbm>>
    tpu.wait_dma2 semaphore(%arg19 : memref<!tpu.dma_semaphore, #tpu.memory_space<semaphore_mem>>) src(%dma_wait3A_136 : memref<1024xi32, #tpu.memory_space<hbm>>) dst(%arg10 : memref<1024xi32, #tpu.memory_space<vmem>>)
    %barrier3A_137 = arith.constant 0 : index
    tpu.barrier barrier_id(%barrier3A_137)
    %lt3A = arith.constant 15 : i32
    %lt3A_138 = arith.cmpi slt, %arg1, %lt3A : i32
    %convert_element_type3A = arith.extui %lt3A_138 : i1 to i32
    %cond3A = arith.constant 0 : i32
    %cond3A_139 = arith.cmpi ne, %convert_element_type3A, %cond3A : i32
    scf.if %cond3A_139 {
      %mul3A_144 = arith.constant 3128 : i32
      %mul3A_145 = arith.muli %arg1, %mul3A_144 : i32
      %mul3A_146 = arith.constant 50000 : i32
      %mul3A_147 = arith.muli %arg0, %mul3A_146 : i32
      %mul3A_148 = arith.constant 3128 : i32
      %mul3A_149 = arith.muli %arg1, %mul3A_148 : i32
      %add3A_150 = arith.addi %mul3A_147, %mul3A_149 : i32
      "tpu.region"() ({
        %run_scoped3A = tpu.sem_alloc : memref<!tpu.dma_semaphore, #tpu.memory_space<semaphore_mem>>
        %dma_start3A_151 = arith.constant 0 : i32
        %dma_start3A_152 = tpu.memref_slice %arg6[%add3A_150, %dma_start3A_151] : memref<100000x32xf32, #tpu.memory_space<hbm>> -> memref<3128x32xf32, #tpu.memory_space<hbm>>
        %dma_start3A_153 = arith.constant 0 : i32
        %dma_start3A_154 = tpu.memref_slice %arg15[%mul3A_145, %dma_start3A_153] : memref<50016x32xf32, #tpu.memory_space<vmem_shared>> -> memref<3128x32xf32, #tpu.memory_space<vmem_shared>>
        tpu.enqueue_dma source(%dma_start3A_154 : memref<3128x32xf32, #tpu.memory_space<vmem_shared>>) target(%dma_start3A_152 : memref<3128x32xf32, #tpu.memory_space<hbm>>) target_semaphore(%run_scoped3A : memref<!tpu.dma_semaphore, #tpu.memory_space<semaphore_mem>>)
        %dma_wait3A_155 = arith.constant 0 : i32
        %dma_wait3A_156 = tpu.memref_slice %arg6[%add3A_150, %dma_wait3A_155] : memref<100000x32xf32, #tpu.memory_space<hbm>> -> memref<3128x32xf32, #tpu.memory_space<hbm>>
        %dma_wait3A_157 = arith.constant 0 : i32
        %dma_wait3A_158 = tpu.memref_slice %arg15[%mul3A_145, %dma_wait3A_157] : memref<50016x32xf32, #tpu.memory_space<vmem_shared>> -> memref<3128x32xf32, #tpu.memory_space<vmem_shared>>
        tpu.wait_dma2 semaphore(%run_scoped3A : memref<!tpu.dma_semaphore, #tpu.memory_space<semaphore_mem>>) src(%dma_wait3A_158 : memref<3128x32xf32, #tpu.memory_space<vmem_shared>>) dst(%dma_wait3A_156 : memref<3128x32xf32, #tpu.memory_space<hbm>>)
        tpu.yield
      }) : () -> ()
    } else {
    }
    %eq3A = arith.constant 15 : i32
    %eq3A_140 = arith.cmpi eq, %arg1, %eq3A : i32
    %convert_element_type3A_141 = arith.extui %eq3A_140 : i1 to i32
    %cond3A_142 = arith.constant 0 : i32
    %cond3A_143 = arith.cmpi ne, %convert_element_type3A_141, %cond3A_142 : i32
    scf.if %cond3A_143 {
      %mul3A_144 = arith.constant 50000 : i32
      %mul3A_145 = arith.muli %arg0, %mul3A_144 : i32
      %add3A_146 = arith.constant 46920 : i32
      %add3A_147 = arith.addi %mul3A_145, %add3A_146 : i32
      "tpu.region"() ({
        %run_scoped3A = tpu.sem_alloc : memref<!tpu.dma_semaphore, #tpu.memory_space<semaphore_mem>>
        %dma_start3A_148 = arith.constant 0 : i32
        %dma_start3A_149 = tpu.memref_slice %arg6[%add3A_147, %dma_start3A_148] : memref<100000x32xf32, #tpu.memory_space<hbm>> -> memref<3080x32xf32, #tpu.memory_space<hbm>>
        %dma_start3A_150 = arith.constant 46920 : i32
        %dma_start3A_151 = arith.constant 0 : i32
        %dma_start3A_152 = tpu.memref_slice %arg15[%dma_start3A_150, %dma_start3A_151] : memref<50016x32xf32, #tpu.memory_space<vmem_shared>> -> memref<3080x32xf32, #tpu.memory_space<vmem_shared>>
        tpu.enqueue_dma source(%dma_start3A_152 : memref<3080x32xf32, #tpu.memory_space<vmem_shared>>) target(%dma_start3A_149 : memref<3080x32xf32, #tpu.memory_space<hbm>>) target_semaphore(%run_scoped3A : memref<!tpu.dma_semaphore, #tpu.memory_space<semaphore_mem>>)
        %dma_wait3A_153 = arith.constant 0 : i32
        %dma_wait3A_154 = tpu.memref_slice %arg6[%add3A_147, %dma_wait3A_153] : memref<100000x32xf32, #tpu.memory_space<hbm>> -> memref<3080x32xf32, #tpu.memory_space<hbm>>
        %dma_wait3A_155 = arith.constant 46920 : i32
        %dma_wait3A_156 = arith.constant 0 : i32
        %dma_wait3A_157 = tpu.memref_slice %arg15[%dma_wait3A_155, %dma_wait3A_156] : memref<50016x32xf32, #tpu.memory_space<vmem_shared>> -> memref<3080x32xf32, #tpu.memory_space<vmem_shared>>
        tpu.wait_dma2 semaphore(%run_scoped3A : memref<!tpu.dma_semaphore, #tpu.memory_space<semaphore_mem>>) src(%dma_wait3A_157 : memref<3080x32xf32, #tpu.memory_space<vmem_shared>>) dst(%dma_wait3A_154 : memref<3080x32xf32, #tpu.memory_space<hbm>>)
        tpu.yield
      }) : () -> ()
    } else {
    }
    return
  }
}

#map = affine_map<(d0, d1) -> (0, 0)>
#map1 = affine_map<(d0, d1) -> (0)>
module attributes {stable_mosaic.version = 14 : i64} {
  func.func @agg(%arg0: i32, %arg1: i32, %arg2: memref<100000x32xf32, #tpu.memory_space<hbm>>, %arg3: memref<1642496xi32, #tpu.memory_space<hbm>>, %arg4: memref<821248xi32, #tpu.memory_space<hbm>>, %arg5: memref<3126x32xf32, #tpu.memory_space<hbm>>, %arg6: memref<100000x32xf32, #tpu.memory_space<hbm>>, %arg7: memref<1024xi32, #tpu.memory_space<vmem>>, %arg8: memref<1024xi32, #tpu.memory_space<vmem>>, %arg9: memref<1024xi32, #tpu.memory_space<vmem>>, %arg10: memref<1024xi32, #tpu.memory_space<vmem>>, %arg11: memref<128xi32, #tpu.memory_space<vmem>>, %arg12: memref<128xi32, #tpu.memory_space<vmem>>, %arg13: memref<128x32xf32, #tpu.memory_space<vmem>>, %arg14: memref<128x32xf32, #tpu.memory_space<vmem>>, %arg15: memref<50016x32xf32, #tpu.memory_space<vmem_shared>>, %arg16: memref<!tpu.dma_semaphore, #tpu.memory_space<semaphore_mem>>, %arg17: memref<!tpu.dma_semaphore, #tpu.memory_space<semaphore_mem>>, %arg18: memref<!tpu.dma_semaphore, #tpu.memory_space<semaphore_mem>>, %arg19: memref<!tpu.dma_semaphore, #tpu.memory_space<semaphore_mem>>, %arg20: memref<!tpu.dma_semaphore, #tpu.memory_space<semaphore_mem>>, %arg21: memref<!tpu.dma_semaphore, #tpu.memory_space<semaphore_mem>>, %arg22: memref<!tpu.dma_semaphore, #tpu.memory_space<semaphore_mem>>, %arg23: memref<!tpu.dma_semaphore, #tpu.memory_space<semaphore_mem>>) attributes {dimension_semantics = [#tpu.dimension_semantics<core_parallel>, #tpu.dimension_semantics<subcore_parallel>], iteration_bounds = array<i64: 2, 16>, scalar_prefetch = 0 : i64, scratch_operands = 17 : i64, tpu.core_type = #tpu.core_type<sc_vector_subcore>, window_params = [{transform_indices = #map}, {transform_indices = #map1}, {transform_indices = #map1}, {transform_indices = #map}, {transform_indices = #map}]} {
    %mul3A = arith.constant 821248 : i32
    %mul3A_0 = arith.muli %arg0, %mul3A : i32
    %mul3A_1 = arith.constant 51200 : i32
    %mul3A_2 = arith.muli %arg1, %mul3A_1 : i32
    %add3A = arith.addi %mul3A_0, %mul3A_2 : i32
    %mul3A_3 = arith.constant 51200 : i32
    %mul3A_4 = arith.muli %arg1, %mul3A_3 : i32
    %mul3A_5 = arith.constant 3126 : i32
    %mul3A_6 = arith.muli %arg1, %mul3A_5 : i32
    "tpu.region"() ({
      %run_scoped3A = tpu.sem_alloc : memref<!tpu.dma_semaphore, #tpu.memory_space<semaphore_mem>>
      %dma_start3A_144 = arith.constant 0 : i32
      %dma_start3A_145 = tpu.memref_slice %arg15[%mul3A_6, %dma_start3A_144] : memref<50016x32xf32, #tpu.memory_space<vmem_shared>> -> memref<3126x32xf32, #tpu.memory_space<vmem_shared>>
      tpu.enqueue_dma source(%arg5 : memref<3126x32xf32, #tpu.memory_space<hbm>>) target(%dma_start3A_145 : memref<3126x32xf32, #tpu.memory_space<vmem_shared>>) target_semaphore(%run_scoped3A : memref<!tpu.dma_semaphore, #tpu.memory_space<semaphore_mem>>)
      %dma_wait3A_146 = arith.constant 0 : i32
      %dma_wait3A_147 = tpu.memref_slice %arg15[%mul3A_6, %dma_wait3A_146] : memref<50016x32xf32, #tpu.memory_space<vmem_shared>> -> memref<3126x32xf32, #tpu.memory_space<vmem_shared>>
      tpu.wait_dma2 semaphore(%run_scoped3A : memref<!tpu.dma_semaphore, #tpu.memory_space<semaphore_mem>>) src(%arg5 : memref<3126x32xf32, #tpu.memory_space<hbm>>) dst(%dma_wait3A_147 : memref<3126x32xf32, #tpu.memory_space<vmem_shared>>)
      tpu.yield
    }) : () -> ()
    %barrier3A = arith.constant 0 : index
    tpu.barrier barrier_id(%barrier3A)
    %add3A_7 = arith.constant 0 : i32
    %add3A_8 = arith.addi %add3A, %add3A_7 : i32
    %dma_start3A = tpu.memref_slice %arg3[%add3A_8] : memref<1642496xi32, #tpu.memory_space<hbm>> -> memref<1024xi32, #tpu.memory_space<hbm>>
    %dma_start3A_9 = tpu.memref_slice %arg3[%add3A_8] : memref<1642496xi32, #tpu.memory_space<hbm>> -> memref<1024xi32, #tpu.memory_space<hbm>>
    tpu.enqueue_dma source(%dma_start3A_9 : memref<1024xi32, #tpu.memory_space<hbm>>) target(%arg7 : memref<1024xi32, #tpu.memory_space<vmem>>) target_semaphore(%arg16 : memref<!tpu.dma_semaphore, #tpu.memory_space<semaphore_mem>>)
    %add3A_10 = arith.constant 0 : i32
    %add3A_11 = arith.addi %mul3A_4, %add3A_10 : i32
    %dma_start3A_12 = tpu.memref_slice %arg4[%add3A_11] : memref<821248xi32, #tpu.memory_space<hbm>> -> memref<1024xi32, #tpu.memory_space<hbm>>
    %dma_start3A_13 = tpu.memref_slice %arg4[%add3A_11] : memref<821248xi32, #tpu.memory_space<hbm>> -> memref<1024xi32, #tpu.memory_space<hbm>>
    tpu.enqueue_dma source(%dma_start3A_13 : memref<1024xi32, #tpu.memory_space<hbm>>) target(%arg9 : memref<1024xi32, #tpu.memory_space<vmem>>) target_semaphore(%arg18 : memref<!tpu.dma_semaphore, #tpu.memory_space<semaphore_mem>>)
    %add3A_14 = arith.constant 1024 : i32
    %add3A_15 = arith.addi %add3A, %add3A_14 : i32
    %dma_start3A_16 = tpu.memref_slice %arg3[%add3A_15] : memref<1642496xi32, #tpu.memory_space<hbm>> -> memref<1024xi32, #tpu.memory_space<hbm>>
    %dma_start3A_17 = tpu.memref_slice %arg3[%add3A_15] : memref<1642496xi32, #tpu.memory_space<hbm>> -> memref<1024xi32, #tpu.memory_space<hbm>>
    tpu.enqueue_dma source(%dma_start3A_17 : memref<1024xi32, #tpu.memory_space<hbm>>) target(%arg8 : memref<1024xi32, #tpu.memory_space<vmem>>) target_semaphore(%arg17 : memref<!tpu.dma_semaphore, #tpu.memory_space<semaphore_mem>>)
    %add3A_18 = arith.constant 1024 : i32
    %add3A_19 = arith.addi %mul3A_4, %add3A_18 : i32
    %dma_start3A_20 = tpu.memref_slice %arg4[%add3A_19] : memref<821248xi32, #tpu.memory_space<hbm>> -> memref<1024xi32, #tpu.memory_space<hbm>>
    %dma_start3A_21 = tpu.memref_slice %arg4[%add3A_19] : memref<821248xi32, #tpu.memory_space<hbm>> -> memref<1024xi32, #tpu.memory_space<hbm>>
    tpu.enqueue_dma source(%dma_start3A_21 : memref<1024xi32, #tpu.memory_space<hbm>>) target(%arg10 : memref<1024xi32, #tpu.memory_space<vmem>>) target_semaphore(%arg19 : memref<!tpu.dma_semaphore, #tpu.memory_space<semaphore_mem>>)
    %broadcast_in_dim3A = arith.constant 50000 : i32
    %broadcast_in_dim3A_22 = vector.broadcast %broadcast_in_dim3A : i32 to vector<16xi32>
    %swap3A = arith.constant 0 : index
    %swap3A_23 = tpu.vector_load %arg12[%swap3A] {strides = array<i32>} : memref<128xi32, #tpu.memory_space<vmem>>, vector<16xi32>,
    %swap3A_24 = vector.shape_cast %swap3A_23 : vector<16xi32> to vector<16xi32>
    %swap3A_25 = vector.shape_cast %broadcast_in_dim3A_22 : vector<16xi32> to vector<16xi32>
    tpu.vector_store %arg12[%swap3A], %swap3A_25 {strides = array<i32>} : memref<128xi32, #tpu.memory_space<vmem>>, vector<16xi32>,
    %swap3A_26 = arith.constant 16 : index
    %swap3A_27 = tpu.vector_load %arg12[%swap3A_26] {strides = array<i32>} : memref<128xi32, #tpu.memory_space<vmem>>, vector<16xi32>,
    %swap3A_28 = vector.shape_cast %swap3A_27 : vector<16xi32> to vector<16xi32>
    %swap3A_29 = vector.shape_cast %broadcast_in_dim3A_22 : vector<16xi32> to vector<16xi32>
    tpu.vector_store %arg12[%swap3A_26], %swap3A_29 {strides = array<i32>} : memref<128xi32, #tpu.memory_space<vmem>>, vector<16xi32>,
    %swap3A_30 = arith.constant 32 : index
    %swap3A_31 = tpu.vector_load %arg12[%swap3A_30] {strides = array<i32>} : memref<128xi32, #tpu.memory_space<vmem>>, vector<16xi32>,
    %swap3A_32 = vector.shape_cast %swap3A_31 : vector<16xi32> to vector<16xi32>
    %swap3A_33 = vector.shape_cast %broadcast_in_dim3A_22 : vector<16xi32> to vector<16xi32>
    tpu.vector_store %arg12[%swap3A_30], %swap3A_33 {strides = array<i32>} : memref<128xi32, #tpu.memory_space<vmem>>, vector<16xi32>,
    %swap3A_34 = arith.constant 48 : index
    %swap3A_35 = tpu.vector_load %arg12[%swap3A_34] {strides = array<i32>} : memref<128xi32, #tpu.memory_space<vmem>>, vector<16xi32>,
    %swap3A_36 = vector.shape_cast %swap3A_35 : vector<16xi32> to vector<16xi32>
    %swap3A_37 = vector.shape_cast %broadcast_in_dim3A_22 : vector<16xi32> to vector<16xi32>
    tpu.vector_store %arg12[%swap3A_34], %swap3A_37 {strides = array<i32>} : memref<128xi32, #tpu.memory_space<vmem>>, vector<16xi32>,
    %swap3A_38 = arith.constant 64 : index
    %swap3A_39 = tpu.vector_load %arg12[%swap3A_38] {strides = array<i32>} : memref<128xi32, #tpu.memory_space<vmem>>, vector<16xi32>,
    %swap3A_40 = vector.shape_cast %swap3A_39 : vector<16xi32> to vector<16xi32>
    %swap3A_41 = vector.shape_cast %broadcast_in_dim3A_22 : vector<16xi32> to vector<16xi32>
    tpu.vector_store %arg12[%swap3A_38], %swap3A_41 {strides = array<i32>} : memref<128xi32, #tpu.memory_space<vmem>>, vector<16xi32>,
    %swap3A_42 = arith.constant 80 : index
    %swap3A_43 = tpu.vector_load %arg12[%swap3A_42] {strides = array<i32>} : memref<128xi32, #tpu.memory_space<vmem>>, vector<16xi32>,
    %swap3A_44 = vector.shape_cast %swap3A_43 : vector<16xi32> to vector<16xi32>
    %swap3A_45 = vector.shape_cast %broadcast_in_dim3A_22 : vector<16xi32> to vector<16xi32>
    tpu.vector_store %arg12[%swap3A_42], %swap3A_45 {strides = array<i32>} : memref<128xi32, #tpu.memory_space<vmem>>, vector<16xi32>,
    %swap3A_46 = arith.constant 96 : index
    %swap3A_47 = tpu.vector_load %arg12[%swap3A_46] {strides = array<i32>} : memref<128xi32, #tpu.memory_space<vmem>>, vector<16xi32>,
    %swap3A_48 = vector.shape_cast %swap3A_47 : vector<16xi32> to vector<16xi32>
    %swap3A_49 = vector.shape_cast %broadcast_in_dim3A_22 : vector<16xi32> to vector<16xi32>
    tpu.vector_store %arg12[%swap3A_46], %swap3A_49 {strides = array<i32>} : memref<128xi32, #tpu.memory_space<vmem>>, vector<16xi32>,
    %swap3A_50 = arith.constant 112 : index
    %swap3A_51 = tpu.vector_load %arg12[%swap3A_50] {strides = array<i32>} : memref<128xi32, #tpu.memory_space<vmem>>, vector<16xi32>,
    %swap3A_52 = vector.shape_cast %swap3A_51 : vector<16xi32> to vector<16xi32>
    %swap3A_53 = vector.shape_cast %broadcast_in_dim3A_22 : vector<16xi32> to vector<16xi32>
    tpu.vector_store %arg12[%swap3A_50], %swap3A_53 {strides = array<i32>} : memref<128xi32, #tpu.memory_space<vmem>>, vector<16xi32>,
    %dma_start3A_54 = arith.constant 0 : i32
    %dma_start3A_55 = arith.constant 0 : i32
    %dma_start3A_56 = tpu.memref_slice %arg15[%dma_start3A_54, %dma_start3A_55] : memref<50016x32xf32, #tpu.memory_space<vmem_shared>> -> memref<50016x32xf32, #tpu.memory_space<vmem_shared>>
    tpu.enqueue_indirect_dma source(%arg14 : memref<128x32xf32, #tpu.memory_space<vmem>>) target(%dma_start3A_56 : memref<50016x32xf32, #tpu.memory_space<vmem_shared>>) offsets(%arg12 : memref<128xi32, #tpu.memory_space<vmem>>) semaphore(%arg23 : memref<!tpu.dma_semaphore, #tpu.memory_space<semaphore_mem>>) {add = true}
    %dma_wait3A = tpu.memref_slice %arg3[%add3A] : memref<1642496xi32, #tpu.memory_space<hbm>> -> memref<1024xi32, #tpu.memory_space<hbm>>
    %dma_wait3A_57 = tpu.memref_slice %arg3[%add3A] : memref<1642496xi32, #tpu.memory_space<hbm>> -> memref<1024xi32, #tpu.memory_space<hbm>>
    tpu.wait_dma2 semaphore(%arg16 : memref<!tpu.dma_semaphore, #tpu.memory_space<semaphore_mem>>) src(%dma_wait3A_57 : memref<1024xi32, #tpu.memory_space<hbm>>) dst(%arg7 : memref<1024xi32, #tpu.memory_space<vmem>>)
    %dma_wait3A_58 = tpu.memref_slice %arg4[%mul3A_4] : memref<821248xi32, #tpu.memory_space<hbm>> -> memref<1024xi32, #tpu.memory_space<hbm>>
    %dma_wait3A_59 = tpu.memref_slice %arg4[%mul3A_4] : memref<821248xi32, #tpu.memory_space<hbm>> -> memref<1024xi32, #tpu.memory_space<hbm>>
    tpu.wait_dma2 semaphore(%arg18 : memref<!tpu.dma_semaphore, #tpu.memory_space<semaphore_mem>>) src(%dma_wait3A_59 : memref<1024xi32, #tpu.memory_space<hbm>>) dst(%arg9 : memref<1024xi32, #tpu.memory_space<vmem>>)
    %get3A = arith.constant 0 : index
    %get3A_60 = tpu.vector_load %arg9[%get3A] {strides = array<i32>} : memref<1024xi32, #tpu.memory_space<vmem>>, vector<16xi32>,
    %get3A_61 = vector.shape_cast %get3A_60 : vector<16xi32> to vector<16xi32>
    %swap3A_62 = arith.constant 0 : index
    %swap3A_63 = tpu.vector_load %arg11[%swap3A_62] {strides = array<i32>} : memref<128xi32, #tpu.memory_space<vmem>>, vector<16xi32>,
    %swap3A_64 = vector.shape_cast %swap3A_63 : vector<16xi32> to vector<16xi32>
    %swap3A_65 = vector.shape_cast %get3A_61 : vector<16xi32> to vector<16xi32>
    tpu.vector_store %arg11[%swap3A_62], %swap3A_65 {strides = array<i32>} : memref<128xi32, #tpu.memory_space<vmem>>, vector<16xi32>,
    %get3A_66 = arith.constant 16 : index
    %get3A_67 = tpu.vector_load %arg9[%get3A_66] {strides = array<i32>} : memref<1024xi32, #tpu.memory_space<vmem>>, vector<16xi32>,
    %get3A_68 = vector.shape_cast %get3A_67 : vector<16xi32> to vector<16xi32>
    %swap3A_69 = arith.constant 16 : index
    %swap3A_70 = tpu.vector_load %arg11[%swap3A_69] {strides = array<i32>} : memref<128xi32, #tpu.memory_space<vmem>>, vector<16xi32>,
    %swap3A_71 = vector.shape_cast %swap3A_70 : vector<16xi32> to vector<16xi32>
    %swap3A_72 = vector.shape_cast %get3A_68 : vector<16xi32> to vector<16xi32>
    tpu.vector_store %arg11[%swap3A_69], %swap3A_72 {strides = array<i32>} : memref<128xi32, #tpu.memory_space<vmem>>, vector<16xi32>,
    %get3A_73 = arith.constant 32 : index
    %get3A_74 = tpu.vector_load %arg9[%get3A_73] {strides = array<i32>} : memref<1024xi32, #tpu.memory_space<vmem>>, vector<16xi32>,
    %get3A_75 = vector.shape_cast %get3A_74 : vector<16xi32> to vector<16xi32>
    %swap3A_76 = arith.constant 32 : index
    %swap3A_77 = tpu.vector_load %arg11[%swap3A_76] {strides = array<i32>} : memref<128xi32, #tpu.memory_space<vmem>>, vector<16xi32>,
    %swap3A_78 = vector.shape_cast %swap3A_77 : vector<16xi32> to vector<16xi32>
    %swap3A_79 = vector.shape_cast %get3A_75 : vector<16xi32> to vector<16xi32>
    tpu.vector_store %arg11[%swap3A_76], %swap3A_79 {strides = array<i32>} : memref<128xi32, #tpu.memory_space<vmem>>, vector<16xi32>,
    %get3A_80 = arith.constant 48 : index
    %get3A_81 = tpu.vector_load %arg9[%get3A_80] {strides = array<i32>} : memref<1024xi32, #tpu.memory_space<vmem>>, vector<16xi32>,
    %get3A_82 = vector.shape_cast %get3A_81 : vector<16xi32> to vector<16xi32>
    %swap3A_83 = arith.constant 48 : index
    %swap3A_84 = tpu.vector_load %arg11[%swap3A_83] {strides = array<i32>} : memref<128xi32, #tpu.memory_space<vmem>>, vector<16xi32>,
    %swap3A_85 = vector.shape_cast %swap3A_84 : vector<16xi32> to vector<16xi32>
    %swap3A_86 = vector.shape_cast %get3A_82 : vector<16xi32> to vector<16xi32>
    tpu.vector_store %arg11[%swap3A_83], %swap3A_86 {strides = array<i32>} : memref<128xi32, #tpu.memory_space<vmem>>, vector<16xi32>,
    %get3A_87 = arith.constant 64 : index
    %get3A_88 = tpu.vector_load %arg9[%get3A_87] {strides = array<i32>} : memref<1024xi32, #tpu.memory_space<vmem>>, vector<16xi32>,
    %get3A_89 = vector.shape_cast %get3A_88 : vector<16xi32> to vector<16xi32>
    %swap3A_90 = arith.constant 64 : index
    %swap3A_91 = tpu.vector_load %arg11[%swap3A_90] {strides = array<i32>} : memref<128xi32, #tpu.memory_space<vmem>>, vector<16xi32>,
    %swap3A_92 = vector.shape_cast %swap3A_91 : vector<16xi32> to vector<16xi32>
    %swap3A_93 = vector.shape_cast %get3A_89 : vector<16xi32> to vector<16xi32>
    tpu.vector_store %arg11[%swap3A_90], %swap3A_93 {strides = array<i32>} : memref<128xi32, #tpu.memory_space<vmem>>, vector<16xi32>,
    %get3A_94 = arith.constant 80 : index
    %get3A_95 = tpu.vector_load %arg9[%get3A_94] {strides = array<i32>} : memref<1024xi32, #tpu.memory_space<vmem>>, vector<16xi32>,
    %get3A_96 = vector.shape_cast %get3A_95 : vector<16xi32> to vector<16xi32>
    %swap3A_97 = arith.constant 80 : index
    %swap3A_98 = tpu.vector_load %arg11[%swap3A_97] {strides = array<i32>} : memref<128xi32, #tpu.memory_space<vmem>>, vector<16xi32>,
    %swap3A_99 = vector.shape_cast %swap3A_98 : vector<16xi32> to vector<16xi32>
    %swap3A_100 = vector.shape_cast %get3A_96 : vector<16xi32> to vector<16xi32>
    tpu.vector_store %arg11[%swap3A_97], %swap3A_100 {strides = array<i32>} : memref<128xi32, #tpu.memory_space<vmem>>, vector<16xi32>,
    %get3A_101 = arith.constant 96 : index
    %get3A_102 = tpu.vector_load %arg9[%get3A_101] {strides = array<i32>} : memref<1024xi32, #tpu.memory_space<vmem>>, vector<16xi32>,
    %get3A_103 = vector.shape_cast %get3A_102 : vector<16xi32> to vector<16xi32>
    %swap3A_104 = arith.constant 96 : index
    %swap3A_105 = tpu.vector_load %arg11[%swap3A_104] {strides = array<i32>} : memref<128xi32, #tpu.memory_space<vmem>>, vector<16xi32>,
    %swap3A_106 = vector.shape_cast %swap3A_105 : vector<16xi32> to vector<16xi32>
    %swap3A_107 = vector.shape_cast %get3A_103 : vector<16xi32> to vector<16xi32>
    tpu.vector_store %arg11[%swap3A_104], %swap3A_107 {strides = array<i32>} : memref<128xi32, #tpu.memory_space<vmem>>, vector<16xi32>,
    %get3A_108 = arith.constant 112 : index
    %get3A_109 = tpu.vector_load %arg9[%get3A_108] {strides = array<i32>} : memref<1024xi32, #tpu.memory_space<vmem>>, vector<16xi32>,
    %get3A_110 = vector.shape_cast %get3A_109 : vector<16xi32> to vector<16xi32>
    %swap3A_111 = arith.constant 112 : index
    %swap3A_112 = tpu.vector_load %arg11[%swap3A_111] {strides = array<i32>} : memref<128xi32, #tpu.memory_space<vmem>>, vector<16xi32>,
    %swap3A_113 = vector.shape_cast %swap3A_112 : vector<16xi32> to vector<16xi32>
    %swap3A_114 = vector.shape_cast %get3A_110 : vector<16xi32> to vector<16xi32>
    tpu.vector_store %arg11[%swap3A_111], %swap3A_114 {strides = array<i32>} : memref<128xi32, #tpu.memory_space<vmem>>, vector<16xi32>,
    %dma_start3A_115 = arith.constant 0 : i32
    %dma_start3A_116 = tpu.memref_slice %arg7[%dma_start3A_115] : memref<1024xi32, #tpu.memory_space<vmem>> -> memref<128xi32, #tpu.memory_space<vmem>>
    %dma_start3A_117 = arith.constant 0 : i32
    %dma_start3A_118 = arith.constant 0 : i32
    %dma_start3A_119 = tpu.memref_slice %arg2[%dma_start3A_117, %dma_start3A_118] : memref<100000x32xf32, #tpu.memory_space<hbm>> -> memref<100000x32xf32, #tpu.memory_space<hbm>>
    tpu.enqueue_indirect_dma source(%dma_start3A_119 : memref<100000x32xf32, #tpu.memory_space<hbm>>) target(%arg13 : memref<128x32xf32, #tpu.memory_space<vmem>>) offsets(%dma_start3A_116 : memref<128xi32, #tpu.memory_space<vmem>>) semaphore(%arg20 : memref<!tpu.dma_semaphore, #tpu.memory_space<semaphore_mem>>)
    %scan3A = arith.constant 0 : i32
    %scan3A_120 = arith.constant 0 : i32
    %scan3A_121 = arith.constant 25 : i32
    %scan3A_122 = arith.addi %scan3A_120, %scan3A_121 : i32
    %scan3A_123 = arith.constant 1 : i32
    scf.for %scan3A_144 = %scan3A_120 to %scan3A_122 step %scan3A_123  : i32 {
      %mul3A_145 = arith.constant 2 : i32
      %mul3A_146 = arith.muli %mul3A_145, %scan3A_144 : i32
      %add3A_147 = arith.constant 0 : i32
      %add3A_148 = arith.addi %mul3A_146, %add3A_147 : i32
      %dma_wait3A_149 = arith.constant 0 : i32
      %dma_wait3A_150 = tpu.memref_slice %arg7[%dma_wait3A_149] : memref<1024xi32, #tpu.memory_space<vmem>> -> memref<128xi32, #tpu.memory_space<vmem>>
      %dma_wait3A_151 = arith.constant 0 : i32
      %dma_wait3A_152 = arith.constant 0 : i32
      %dma_wait3A_153 = tpu.memref_slice %arg2[%dma_wait3A_151, %dma_wait3A_152] : memref<100000x32xf32, #tpu.memory_space<hbm>> -> memref<100000x32xf32, #tpu.memory_space<hbm>>
      tpu.wait_indirect_dma semaphore(%arg20 : memref<!tpu.dma_semaphore, #tpu.memory_space<semaphore_mem>>) src(%dma_wait3A_153 : memref<100000x32xf32, #tpu.memory_space<hbm>>) dst(%arg13 : memref<128x32xf32, #tpu.memory_space<vmem>>)
      %dma_start3A_154 = arith.constant 0 : i32
      %dma_start3A_155 = arith.constant 0 : i32
      %dma_start3A_156 = tpu.memref_slice %arg15[%dma_start3A_154, %dma_start3A_155] : memref<50016x32xf32, #tpu.memory_space<vmem_shared>> -> memref<50016x32xf32, #tpu.memory_space<vmem_shared>>
      tpu.enqueue_indirect_dma source(%arg13 : memref<128x32xf32, #tpu.memory_space<vmem>>) target(%dma_start3A_156 : memref<50016x32xf32, #tpu.memory_space<vmem_shared>>) offsets(%arg11 : memref<128xi32, #tpu.memory_space<vmem>>) semaphore(%arg22 : memref<!tpu.dma_semaphore, #tpu.memory_space<semaphore_mem>>) {add = true}
      %dma_wait3A_157 = arith.constant 0 : i32
      %dma_wait3A_158 = arith.constant 0 : i32
      %dma_wait3A_159 = tpu.memref_slice %arg15[%dma_wait3A_157, %dma_wait3A_158] : memref<50016x32xf32, #tpu.memory_space<vmem_shared>> -> memref<50016x32xf32, #tpu.memory_space<vmem_shared>>
      tpu.wait_indirect_dma semaphore(%arg23 : memref<!tpu.dma_semaphore, #tpu.memory_space<semaphore_mem>>) src(%arg14 : memref<128x32xf32, #tpu.memory_space<vmem>>) dst(%dma_wait3A_159 : memref<50016x32xf32, #tpu.memory_space<vmem_shared>>)
      %get3A_160 = arith.constant 128 : index
      %get3A_161 = tpu.vector_load %arg9[%get3A_160] {strides = array<i32>} : memref<1024xi32, #tpu.memory_space<vmem>>, vector<16xi32>,
      %get3A_162 = vector.shape_cast %get3A_161 : vector<16xi32> to vector<16xi32>
      %swap3A_163 = arith.constant 0 : index
      %swap3A_164 = tpu.vector_load %arg12[%swap3A_163] {strides = array<i32>} : memref<128xi32, #tpu.memory_space<vmem>>, vector<16xi32>,
      %swap3A_165 = vector.shape_cast %swap3A_164 : vector<16xi32> to vector<16xi32>
      %swap3A_166 = vector.shape_cast %get3A_162 : vector<16xi32> to vector<16xi32>
      tpu.vector_store %arg12[%swap3A_163], %swap3A_166 {strides = array<i32>} : memref<128xi32, #tpu.memory_space<vmem>>, vector<16xi32>,
      %get3A_167 = arith.constant 144 : index
      %get3A_168 = tpu.vector_load %arg9[%get3A_167] {strides = array<i32>} : memref<1024xi32, #tpu.memory_space<vmem>>, vector<16xi32>,
      %get3A_169 = vector.shape_cast %get3A_168 : vector<16xi32> to vector<16xi32>
      %swap3A_170 = arith.constant 16 : index
      %swap3A_171 = tpu.vector_load %arg12[%swap3A_170] {strides = array<i32>} : memref<128xi32, #tpu.memory_space<vmem>>, vector<16xi32>,
      %swap3A_172 = vector.shape_cast %swap3A_171 : vector<16xi32> to vector<16xi32>
      %swap3A_173 = vector.shape_cast %get3A_169 : vector<16xi32> to vector<16xi32>
      tpu.vector_store %arg12[%swap3A_170], %swap3A_173 {strides = array<i32>} : memref<128xi32, #tpu.memory_space<vmem>>, vector<16xi32>,
      %get3A_174 = arith.constant 160 : index
      %get3A_175 = tpu.vector_load %arg9[%get3A_174] {strides = array<i32>} : memref<1024xi32, #tpu.memory_space<vmem>>, vector<16xi32>,
      %get3A_176 = vector.shape_cast %get3A_175 : vector<16xi32> to vector<16xi32>
      %swap3A_177 = arith.constant 32 : index
      %swap3A_178 = tpu.vector_load %arg12[%swap3A_177] {strides = array<i32>} : memref<128xi32, #tpu.memory_space<vmem>>, vector<16xi32>,
      %swap3A_179 = vector.shape_cast %swap3A_178 : vector<16xi32> to vector<16xi32>
      %swap3A_180 = vector.shape_cast %get3A_176 : vector<16xi32> to vector<16xi32>
      tpu.vector_store %arg12[%swap3A_177], %swap3A_180 {strides = array<i32>} : memref<128xi32, #tpu.memory_space<vmem>>, vector<16xi32>,
      %get3A_181 = arith.constant 176 : index
      %get3A_182 = tpu.vector_load %arg9[%get3A_181] {strides = array<i32>} : memref<1024xi32, #tpu.memory_space<vmem>>, vector<16xi32>,
      %get3A_183 = vector.shape_cast %get3A_182 : vector<16xi32> to vector<16xi32>
      %swap3A_184 = arith.constant 48 : index
      %swap3A_185 = tpu.vector_load %arg12[%swap3A_184] {strides = array<i32>} : memref<128xi32, #tpu.memory_space<vmem>>, vector<16xi32>,
      %swap3A_186 = vector.shape_cast %swap3A_185 : vector<16xi32> to vector<16xi32>
      %swap3A_187 = vector.shape_cast %get3A_183 : vector<16xi32> to vector<16xi32>
      tpu.vector_store %arg12[%swap3A_184], %swap3A_187 {strides = array<i32>} : memref<128xi32, #tpu.memory_space<vmem>>, vector<16xi32>,
      %get3A_188 = arith.constant 192 : index
      %get3A_189 = tpu.vector_load %arg9[%get3A_188] {strides = array<i32>} : memref<1024xi32, #tpu.memory_space<vmem>>, vector<16xi32>,
      %get3A_190 = vector.shape_cast %get3A_189 : vector<16xi32> to vector<16xi32>
      %swap3A_191 = arith.constant 64 : index
      %swap3A_192 = tpu.vector_load %arg12[%swap3A_191] {strides = array<i32>} : memref<128xi32, #tpu.memory_space<vmem>>, vector<16xi32>,
      %swap3A_193 = vector.shape_cast %swap3A_192 : vector<16xi32> to vector<16xi32>
      %swap3A_194 = vector.shape_cast %get3A_190 : vector<16xi32> to vector<16xi32>
      tpu.vector_store %arg12[%swap3A_191], %swap3A_194 {strides = array<i32>} : memref<128xi32, #tpu.memory_space<vmem>>, vector<16xi32>,
      %get3A_195 = arith.constant 208 : index
      %get3A_196 = tpu.vector_load %arg9[%get3A_195] {strides = array<i32>} : memref<1024xi32, #tpu.memory_space<vmem>>, vector<16xi32>,
      %get3A_197 = vector.shape_cast %get3A_196 : vector<16xi32> to vector<16xi32>
      %swap3A_198 = arith.constant 80 : index
      %swap3A_199 = tpu.vector_load %arg12[%swap3A_198] {strides = array<i32>} : memref<128xi32, #tpu.memory_space<vmem>>, vector<16xi32>,
      %swap3A_200 = vector.shape_cast %swap3A_199 : vector<16xi32> to vector<16xi32>
      %swap3A_201 = vector.shape_cast %get3A_197 : vector<16xi32> to vector<16xi32>
      tpu.vector_store %arg12[%swap3A_198], %swap3A_201 {strides = array<i32>} : memref<128xi32, #tpu.memory_space<vmem>>, vector<16xi32>,
      %get3A_202 = arith.constant 224 : index
      %get3A_203 = tpu.vector_load %arg9[%get3A_202] {strides = array<i32>} : memref<1024xi32, #tpu.memory_space<vmem>>, vector<16xi32>,
      %get3A_204 = vector.shape_cast %get3A_203 : vector<16xi32> to vector<16xi32>
      %swap3A_205 = arith.constant 96 : index
      %swap3A_206 = tpu.vector_load %arg12[%swap3A_205] {strides = array<i32>} : memref<128xi32, #tpu.memory_space<vmem>>, vector<16xi32>,
      %swap3A_207 = vector.shape_cast %swap3A_206 : vector<16xi32> to vector<16xi32>
      %swap3A_208 = vector.shape_cast %get3A_204 : vector<16xi32> to vector<16xi32>
      tpu.vector_store %arg12[%swap3A_205], %swap3A_208 {strides = array<i32>} : memref<128xi32, #tpu.memory_space<vmem>>, vector<16xi32>,
      %get3A_209 = arith.constant 240 : index
      %get3A_210 = tpu.vector_load %arg9[%get3A_209] {strides = array<i32>} : memref<1024xi32, #tpu.memory_space<vmem>>, vector<16xi32>,
      %get3A_211 = vector.shape_cast %get3A_210 : vector<16xi32> to vector<16xi32>
      %swap3A_212 = arith.constant 112 : index
      %swap3A_213 = tpu.vector_load %arg12[%swap3A_212] {strides = array<i32>} : memref<128xi32, #tpu.memory_space<vmem>>, vector<16xi32>,
      %swap3A_214 = vector.shape_cast %swap3A_213 : vector<16xi32> to vector<16xi32>
      %swap3A_215 = vector.shape_cast %get3A_211 : vector<16xi32> to vector<16xi32>
      tpu.vector_store %arg12[%swap3A_212], %swap3A_215 {strides = array<i32>} : memref<128xi32, #tpu.memory_space<vmem>>, vector<16xi32>,
      %dma_start3A_216 = arith.constant 128 : i32
      %dma_start3A_217 = tpu.memref_slice %arg7[%dma_start3A_216] : memref<1024xi32, #tpu.memory_space<vmem>> -> memref<128xi32, #tpu.memory_space<vmem>>
      %dma_start3A_218 = arith.constant 0 : i32
      %dma_start3A_219 = arith.constant 0 : i32
      %dma_start3A_220 = tpu.memref_slice %arg2[%dma_start3A_218, %dma_start3A_219] : memref<100000x32xf32, #tpu.memory_space<hbm>> -> memref<100000x32xf32, #tpu.memory_space<hbm>>
      tpu.enqueue_indirect_dma source(%dma_start3A_220 : memref<100000x32xf32, #tpu.memory_space<hbm>>) target(%arg14 : memref<128x32xf32, #tpu.memory_space<vmem>>) offsets(%dma_start3A_217 : memref<128xi32, #tpu.memory_space<vmem>>) semaphore(%arg21 : memref<!tpu.dma_semaphore, #tpu.memory_space<semaphore_mem>>)
      %mul3A_221 = arith.constant 2 : i32
      %mul3A_222 = arith.muli %mul3A_221, %scan3A_144 : i32
      %add3A_223 = arith.constant 0 : i32
      %add3A_224 = arith.addi %mul3A_222, %add3A_223 : i32
      %dma_wait3A_225 = arith.constant 0 : i32
      %dma_wait3A_226 = tpu.memref_slice %arg7[%dma_wait3A_225] : memref<1024xi32, #tpu.memory_space<vmem>> -> memref<128xi32, #tpu.memory_space<vmem>>
      %dma_wait3A_227 = arith.constant 0 : i32
      %dma_wait3A_228 = arith.constant 0 : i32
      %dma_wait3A_229 = tpu.memref_slice %arg2[%dma_wait3A_227, %dma_wait3A_228] : memref<100000x32xf32, #tpu.memory_space<hbm>> -> memref<100000x32xf32, #tpu.memory_space<hbm>>
      tpu.wait_indirect_dma semaphore(%arg21 : memref<!tpu.dma_semaphore, #tpu.memory_space<semaphore_mem>>) src(%dma_wait3A_229 : memref<100000x32xf32, #tpu.memory_space<hbm>>) dst(%arg14 : memref<128x32xf32, #tpu.memory_space<vmem>>)
      %dma_start3A_230 = arith.constant 0 : i32
      %dma_start3A_231 = arith.constant 0 : i32
      %dma_start3A_232 = tpu.memref_slice %arg15[%dma_start3A_230, %dma_start3A_231] : memref<50016x32xf32, #tpu.memory_space<vmem_shared>> -> memref<50016x32xf32, #tpu.memory_space<vmem_shared>>
      tpu.enqueue_indirect_dma source(%arg14 : memref<128x32xf32, #tpu.memory_space<vmem>>) target(%dma_start3A_232 : memref<50016x32xf32, #tpu.memory_space<vmem_shared>>) offsets(%arg12 : memref<128xi32, #tpu.memory_space<vmem>>) semaphore(%arg23 : memref<!tpu.dma_semaphore, #tpu.memory_space<semaphore_mem>>) {add = true}
      %dma_wait3A_233 = arith.constant 0 : i32
      %dma_wait3A_234 = arith.constant 0 : i32
      %dma_wait3A_235 = tpu.memref_slice %arg15[%dma_wait3A_233, %dma_wait3A_234] : memref<50016x32xf32, #tpu.memory_space<vmem_shared>> -> memref<50016x32xf32, #tpu.memory_space<vmem_shared>>
      tpu.wait_indirect_dma semaphore(%arg22 : memref<!tpu.dma_semaphore, #tpu.memory_space<semaphore_mem>>) src(%arg13 : memref<128x32xf32, #tpu.memory_space<vmem>>) dst(%dma_wait3A_235 : memref<50016x32xf32, #tpu.memory_space<vmem_shared>>)
      %get3A_236 = arith.constant 256 : index
      %get3A_237 = tpu.vector_load %arg9[%get3A_236] {strides = array<i32>} : memref<1024xi32, #tpu.memory_space<vmem>>, vector<16xi32>,
      %get3A_238 = vector.shape_cast %get3A_237 : vector<16xi32> to vector<16xi32>
      %swap3A_239 = arith.constant 0 : index
      %swap3A_240 = tpu.vector_load %arg11[%swap3A_239] {strides = array<i32>} : memref<128xi32, #tpu.memory_space<vmem>>, vector<16xi32>,
      %swap3A_241 = vector.shape_cast %swap3A_240 : vector<16xi32> to vector<16xi32>
      %swap3A_242 = vector.shape_cast %get3A_238 : vector<16xi32> to vector<16xi32>
      tpu.vector_store %arg11[%swap3A_239], %swap3A_242 {strides = array<i32>} : memref<128xi32, #tpu.memory_space<vmem>>, vector<16xi32>,
      %get3A_243 = arith.constant 272 : index
      %get3A_244 = tpu.vector_load %arg9[%get3A_243] {strides = array<i32>} : memref<1024xi32, #tpu.memory_space<vmem>>, vector<16xi32>,
      %get3A_245 = vector.shape_cast %get3A_244 : vector<16xi32> to vector<16xi32>
      %swap3A_246 = arith.constant 16 : index
      %swap3A_247 = tpu.vector_load %arg11[%swap3A_246] {strides = array<i32>} : memref<128xi32, #tpu.memory_space<vmem>>, vector<16xi32>,
      %swap3A_248 = vector.shape_cast %swap3A_247 : vector<16xi32> to vector<16xi32>
      %swap3A_249 = vector.shape_cast %get3A_245 : vector<16xi32> to vector<16xi32>
      tpu.vector_store %arg11[%swap3A_246], %swap3A_249 {strides = array<i32>} : memref<128xi32, #tpu.memory_space<vmem>>, vector<16xi32>,
      %get3A_250 = arith.constant 288 : index
      %get3A_251 = tpu.vector_load %arg9[%get3A_250] {strides = array<i32>} : memref<1024xi32, #tpu.memory_space<vmem>>, vector<16xi32>,
      %get3A_252 = vector.shape_cast %get3A_251 : vector<16xi32> to vector<16xi32>
      %swap3A_253 = arith.constant 32 : index
      %swap3A_254 = tpu.vector_load %arg11[%swap3A_253] {strides = array<i32>} : memref<128xi32, #tpu.memory_space<vmem>>, vector<16xi32>,
      %swap3A_255 = vector.shape_cast %swap3A_254 : vector<16xi32> to vector<16xi32>
      %swap3A_256 = vector.shape_cast %get3A_252 : vector<16xi32> to vector<16xi32>
      tpu.vector_store %arg11[%swap3A_253], %swap3A_256 {strides = array<i32>} : memref<128xi32, #tpu.memory_space<vmem>>, vector<16xi32>,
      %get3A_257 = arith.constant 304 : index
      %get3A_258 = tpu.vector_load %arg9[%get3A_257] {strides = array<i32>} : memref<1024xi32, #tpu.memory_space<vmem>>, vector<16xi32>,
      %get3A_259 = vector.shape_cast %get3A_258 : vector<16xi32> to vector<16xi32>
      %swap3A_260 = arith.constant 48 : index
      %swap3A_261 = tpu.vector_load %arg11[%swap3A_260] {strides = array<i32>} : memref<128xi32, #tpu.memory_space<vmem>>, vector<16xi32>,
      %swap3A_262 = vector.shape_cast %swap3A_261 : vector<16xi32> to vector<16xi32>
      %swap3A_263 = vector.shape_cast %get3A_259 : vector<16xi32> to vector<16xi32>
      tpu.vector_store %arg11[%swap3A_260], %swap3A_263 {strides = array<i32>} : memref<128xi32, #tpu.memory_space<vmem>>, vector<16xi32>,
      %get3A_264 = arith.constant 320 : index
      %get3A_265 = tpu.vector_load %arg9[%get3A_264] {strides = array<i32>} : memref<1024xi32, #tpu.memory_space<vmem>>, vector<16xi32>,
      %get3A_266 = vector.shape_cast %get3A_265 : vector<16xi32> to vector<16xi32>
      %swap3A_267 = arith.constant 64 : index
      %swap3A_268 = tpu.vector_load %arg11[%swap3A_267] {strides = array<i32>} : memref<128xi32, #tpu.memory_space<vmem>>, vector<16xi32>,
      %swap3A_269 = vector.shape_cast %swap3A_268 : vector<16xi32> to vector<16xi32>
      %swap3A_270 = vector.shape_cast %get3A_266 : vector<16xi32> to vector<16xi32>
      tpu.vector_store %arg11[%swap3A_267], %swap3A_270 {strides = array<i32>} : memref<128xi32, #tpu.memory_space<vmem>>, vector<16xi32>,
      %get3A_271 = arith.constant 336 : index
      %get3A_272 = tpu.vector_load %arg9[%get3A_271] {strides = array<i32>} : memref<1024xi32, #tpu.memory_space<vmem>>, vector<16xi32>,
      %get3A_273 = vector.shape_cast %get3A_272 : vector<16xi32> to vector<16xi32>
      %swap3A_274 = arith.constant 80 : index
      %swap3A_275 = tpu.vector_load %arg11[%swap3A_274] {strides = array<i32>} : memref<128xi32, #tpu.memory_space<vmem>>, vector<16xi32>,
      %swap3A_276 = vector.shape_cast %swap3A_275 : vector<16xi32> to vector<16xi32>
      %swap3A_277 = vector.shape_cast %get3A_273 : vector<16xi32> to vector<16xi32>
      tpu.vector_store %arg11[%swap3A_274], %swap3A_277 {strides = array<i32>} : memref<128xi32, #tpu.memory_space<vmem>>, vector<16xi32>,
      %get3A_278 = arith.constant 352 : index
      %get3A_279 = tpu.vector_load %arg9[%get3A_278] {strides = array<i32>} : memref<1024xi32, #tpu.memory_space<vmem>>, vector<16xi32>,
      %get3A_280 = vector.shape_cast %get3A_279 : vector<16xi32> to vector<16xi32>
      %swap3A_281 = arith.constant 96 : index
      %swap3A_282 = tpu.vector_load %arg11[%swap3A_281] {strides = array<i32>} : memref<128xi32, #tpu.memory_space<vmem>>, vector<16xi32>,
      %swap3A_283 = vector.shape_cast %swap3A_282 : vector<16xi32> to vector<16xi32>
      %swap3A_284 = vector.shape_cast %get3A_280 : vector<16xi32> to vector<16xi32>
      tpu.vector_store %arg11[%swap3A_281], %swap3A_284 {strides = array<i32>} : memref<128xi32, #tpu.memory_space<vmem>>, vector<16xi32>,
      %get3A_285 = arith.constant 368 : index
      %get3A_286 = tpu.vector_load %arg9[%get3A_285] {strides = array<i32>} : memref<1024xi32, #tpu.memory_space<vmem>>, vector<16xi32>,
      %get3A_287 = vector.shape_cast %get3A_286 : vector<16xi32> to vector<16xi32>
      %swap3A_288 = arith.constant 112 : index
      %swap3A_289 = tpu.vector_load %arg11[%swap3A_288] {strides = array<i32>} : memref<128xi32, #tpu.memory_space<vmem>>, vector<16xi32>,
      %swap3A_290 = vector.shape_cast %swap3A_289 : vector<16xi32> to vector<16xi32>
      %swap3A_291 = vector.shape_cast %get3A_287 : vector<16xi32> to vector<16xi32>
      tpu.vector_store %arg11[%swap3A_288], %swap3A_291 {strides = array<i32>} : memref<128xi32, #tpu.memory_space<vmem>>, vector<16xi32>,
      %dma_start3A_292 = arith.constant 256 : i32
      %dma_start3A_293 = tpu.memref_slice %arg7[%dma_start3A_292] : memref<1024xi32, #tpu.memory_space<vmem>> -> memref<128xi32, #tpu.memory_space<vmem>>
      %dma_start3A_294 = arith.constant 0 : i32
      %dma_start3A_295 = arith.constant 0 : i32
      %dma_start3A_296 = tpu.memref_slice %arg2[%dma_start3A_294, %dma_start3A_295] : memref<100000x32xf32, #tpu.memory_space<hbm>> -> memref<100000x32xf32, #tpu.memory_space<hbm>>
      tpu.enqueue_indirect_dma source(%dma_start3A_296 : memref<100000x32xf32, #tpu.memory_space<hbm>>) target(%arg13 : memref<128x32xf32, #tpu.memory_space<vmem>>) offsets(%dma_start3A_293 : memref<128xi32, #tpu.memory_space<vmem>>) semaphore(%arg20 : memref<!tpu.dma_semaphore, #tpu.memory_space<semaphore_mem>>)
      %mul3A_297 = arith.constant 2 : i32
      %mul3A_298 = arith.muli %mul3A_297, %scan3A_144 : i32
      %add3A_299 = arith.constant 0 : i32
      %add3A_300 = arith.addi %mul3A_298, %add3A_299 : i32
      %dma_wait3A_301 = arith.constant 0 : i32
      %dma_wait3A_302 = tpu.memref_slice %arg7[%dma_wait3A_301] : memref<1024xi32, #tpu.memory_space<vmem>> -> memref<128xi32, #tpu.memory_space<vmem>>
      %dma_wait3A_303 = arith.constant 0 : i32
      %dma_wait3A_304 = arith.constant 0 : i32
      %dma_wait3A_305 = tpu.memref_slice %arg2[%dma_wait3A_303, %dma_wait3A_304] : memref<100000x32xf32, #tpu.memory_space<hbm>> -> memref<100000x32xf32, #tpu.memory_space<hbm>>
      tpu.wait_indirect_dma semaphore(%arg20 : memref<!tpu.dma_semaphore, #tpu.memory_space<semaphore_mem>>) src(%dma_wait3A_305 : memref<100000x32xf32, #tpu.memory_space<hbm>>) dst(%arg13 : memref<128x32xf32, #tpu.memory_space<vmem>>)
      %dma_start3A_306 = arith.constant 0 : i32
      %dma_start3A_307 = arith.constant 0 : i32
      %dma_start3A_308 = tpu.memref_slice %arg15[%dma_start3A_306, %dma_start3A_307] : memref<50016x32xf32, #tpu.memory_space<vmem_shared>> -> memref<50016x32xf32, #tpu.memory_space<vmem_shared>>
      tpu.enqueue_indirect_dma source(%arg13 : memref<128x32xf32, #tpu.memory_space<vmem>>) target(%dma_start3A_308 : memref<50016x32xf32, #tpu.memory_space<vmem_shared>>) offsets(%arg11 : memref<128xi32, #tpu.memory_space<vmem>>) semaphore(%arg22 : memref<!tpu.dma_semaphore, #tpu.memory_space<semaphore_mem>>) {add = true}
      %dma_wait3A_309 = arith.constant 0 : i32
      %dma_wait3A_310 = arith.constant 0 : i32
      %dma_wait3A_311 = tpu.memref_slice %arg15[%dma_wait3A_309, %dma_wait3A_310] : memref<50016x32xf32, #tpu.memory_space<vmem_shared>> -> memref<50016x32xf32, #tpu.memory_space<vmem_shared>>
      tpu.wait_indirect_dma semaphore(%arg23 : memref<!tpu.dma_semaphore, #tpu.memory_space<semaphore_mem>>) src(%arg14 : memref<128x32xf32, #tpu.memory_space<vmem>>) dst(%dma_wait3A_311 : memref<50016x32xf32, #tpu.memory_space<vmem_shared>>)
      %get3A_312 = arith.constant 384 : index
      %get3A_313 = tpu.vector_load %arg9[%get3A_312] {strides = array<i32>} : memref<1024xi32, #tpu.memory_space<vmem>>, vector<16xi32>,
      %get3A_314 = vector.shape_cast %get3A_313 : vector<16xi32> to vector<16xi32>
      %swap3A_315 = arith.constant 0 : index
      %swap3A_316 = tpu.vector_load %arg12[%swap3A_315] {strides = array<i32>} : memref<128xi32, #tpu.memory_space<vmem>>, vector<16xi32>,
      %swap3A_317 = vector.shape_cast %swap3A_316 : vector<16xi32> to vector<16xi32>
      %swap3A_318 = vector.shape_cast %get3A_314 : vector<16xi32> to vector<16xi32>
      tpu.vector_store %arg12[%swap3A_315], %swap3A_318 {strides = array<i32>} : memref<128xi32, #tpu.memory_space<vmem>>, vector<16xi32>,
      %get3A_319 = arith.constant 400 : index
      %get3A_320 = tpu.vector_load %arg9[%get3A_319] {strides = array<i32>} : memref<1024xi32, #tpu.memory_space<vmem>>, vector<16xi32>,
      %get3A_321 = vector.shape_cast %get3A_320 : vector<16xi32> to vector<16xi32>
      %swap3A_322 = arith.constant 16 : index
      %swap3A_323 = tpu.vector_load %arg12[%swap3A_322] {strides = array<i32>} : memref<128xi32, #tpu.memory_space<vmem>>, vector<16xi32>,
      %swap3A_324 = vector.shape_cast %swap3A_323 : vector<16xi32> to vector<16xi32>
      %swap3A_325 = vector.shape_cast %get3A_321 : vector<16xi32> to vector<16xi32>
      tpu.vector_store %arg12[%swap3A_322], %swap3A_325 {strides = array<i32>} : memref<128xi32, #tpu.memory_space<vmem>>, vector<16xi32>,
      %get3A_326 = arith.constant 416 : index
      %get3A_327 = tpu.vector_load %arg9[%get3A_326] {strides = array<i32>} : memref<1024xi32, #tpu.memory_space<vmem>>, vector<16xi32>,
      %get3A_328 = vector.shape_cast %get3A_327 : vector<16xi32> to vector<16xi32>
      %swap3A_329 = arith.constant 32 : index
      %swap3A_330 = tpu.vector_load %arg12[%swap3A_329] {strides = array<i32>} : memref<128xi32, #tpu.memory_space<vmem>>, vector<16xi32>,
      %swap3A_331 = vector.shape_cast %swap3A_330 : vector<16xi32> to vector<16xi32>
      %swap3A_332 = vector.shape_cast %get3A_328 : vector<16xi32> to vector<16xi32>
      tpu.vector_store %arg12[%swap3A_329], %swap3A_332 {strides = array<i32>} : memref<128xi32, #tpu.memory_space<vmem>>, vector<16xi32>,
      %get3A_333 = arith.constant 432 : index
      %get3A_334 = tpu.vector_load %arg9[%get3A_333] {strides = array<i32>} : memref<1024xi32, #tpu.memory_space<vmem>>, vector<16xi32>,
      %get3A_335 = vector.shape_cast %get3A_334 : vector<16xi32> to vector<16xi32>
      %swap3A_336 = arith.constant 48 : index
      %swap3A_337 = tpu.vector_load %arg12[%swap3A_336] {strides = array<i32>} : memref<128xi32, #tpu.memory_space<vmem>>, vector<16xi32>,
      %swap3A_338 = vector.shape_cast %swap3A_337 : vector<16xi32> to vector<16xi32>
      %swap3A_339 = vector.shape_cast %get3A_335 : vector<16xi32> to vector<16xi32>
      tpu.vector_store %arg12[%swap3A_336], %swap3A_339 {strides = array<i32>} : memref<128xi32, #tpu.memory_space<vmem>>, vector<16xi32>,
      %get3A_340 = arith.constant 448 : index
      %get3A_341 = tpu.vector_load %arg9[%get3A_340] {strides = array<i32>} : memref<1024xi32, #tpu.memory_space<vmem>>, vector<16xi32>,
      %get3A_342 = vector.shape_cast %get3A_341 : vector<16xi32> to vector<16xi32>
      %swap3A_343 = arith.constant 64 : index
      %swap3A_344 = tpu.vector_load %arg12[%swap3A_343] {strides = array<i32>} : memref<128xi32, #tpu.memory_space<vmem>>, vector<16xi32>,
      %swap3A_345 = vector.shape_cast %swap3A_344 : vector<16xi32> to vector<16xi32>
      %swap3A_346 = vector.shape_cast %get3A_342 : vector<16xi32> to vector<16xi32>
      tpu.vector_store %arg12[%swap3A_343], %swap3A_346 {strides = array<i32>} : memref<128xi32, #tpu.memory_space<vmem>>, vector<16xi32>,
      %get3A_347 = arith.constant 464 : index
      %get3A_348 = tpu.vector_load %arg9[%get3A_347] {strides = array<i32>} : memref<1024xi32, #tpu.memory_space<vmem>>, vector<16xi32>,
      %get3A_349 = vector.shape_cast %get3A_348 : vector<16xi32> to vector<16xi32>
      %swap3A_350 = arith.constant 80 : index
      %swap3A_351 = tpu.vector_load %arg12[%swap3A_350] {strides = array<i32>} : memref<128xi32, #tpu.memory_space<vmem>>, vector<16xi32>,
      %swap3A_352 = vector.shape_cast %swap3A_351 : vector<16xi32> to vector<16xi32>
      %swap3A_353 = vector.shape_cast %get3A_349 : vector<16xi32> to vector<16xi32>
      tpu.vector_store %arg12[%swap3A_350], %swap3A_353 {strides = array<i32>} : memref<128xi32, #tpu.memory_space<vmem>>, vector<16xi32>,
      %get3A_354 = arith.constant 480 : index
      %get3A_355 = tpu.vector_load %arg9[%get3A_354] {strides = array<i32>} : memref<1024xi32, #tpu.memory_space<vmem>>, vector<16xi32>,
      %get3A_356 = vector.shape_cast %get3A_355 : vector<16xi32> to vector<16xi32>
      %swap3A_357 = arith.constant 96 : index
      %swap3A_358 = tpu.vector_load %arg12[%swap3A_357] {strides = array<i32>} : memref<128xi32, #tpu.memory_space<vmem>>, vector<16xi32>,
      %swap3A_359 = vector.shape_cast %swap3A_358 : vector<16xi32> to vector<16xi32>
      %swap3A_360 = vector.shape_cast %get3A_356 : vector<16xi32> to vector<16xi32>
      tpu.vector_store %arg12[%swap3A_357], %swap3A_360 {strides = array<i32>} : memref<128xi32, #tpu.memory_space<vmem>>, vector<16xi32>,
      %get3A_361 = arith.constant 496 : index
      %get3A_362 = tpu.vector_load %arg9[%get3A_361] {strides = array<i32>} : memref<1024xi32, #tpu.memory_space<vmem>>, vector<16xi32>,
      %get3A_363 = vector.shape_cast %get3A_362 : vector<16xi32> to vector<16xi32>
      %swap3A_364 = arith.constant 112 : index
      %swap3A_365 = tpu.vector_load %arg12[%swap3A_364] {strides = array<i32>} : memref<128xi32, #tpu.memory_space<vmem>>, vector<16xi32>,
      %swap3A_366 = vector.shape_cast %swap3A_365 : vector<16xi32> to vector<16xi32>
      %swap3A_367 = vector.shape_cast %get3A_363 : vector<16xi32> to vector<16xi32>
      tpu.vector_store %arg12[%swap3A_364], %swap3A_367 {strides = array<i32>} : memref<128xi32, #tpu.memory_space<vmem>>, vector<16xi32>,
      %dma_start3A_368 = arith.constant 384 : i32
      %dma_start3A_369 = tpu.memref_slice %arg7[%dma_start3A_368] : memref<1024xi32, #tpu.memory_space<vmem>> -> memref<128xi32, #tpu.memory_space<vmem>>
      %dma_start3A_370 = arith.constant 0 : i32
      %dma_start3A_371 = arith.constant 0 : i32
      %dma_start3A_372 = tpu.memref_slice %arg2[%dma_start3A_370, %dma_start3A_371] : memref<100000x32xf32, #tpu.memory_space<hbm>> -> memref<100000x32xf32, #tpu.memory_space<hbm>>
      tpu.enqueue_indirect_dma source(%dma_start3A_372 : memref<100000x32xf32, #tpu.memory_space<hbm>>) target(%arg14 : memref<128x32xf32, #tpu.memory_space<vmem>>) offsets(%dma_start3A_369 : memref<128xi32, #tpu.memory_space<vmem>>) semaphore(%arg21 : memref<!tpu.dma_semaphore, #tpu.memory_space<semaphore_mem>>)
      %mul3A_373 = arith.constant 2 : i32
      %mul3A_374 = arith.muli %mul3A_373, %scan3A_144 : i32
      %add3A_375 = arith.constant 0 : i32
      %add3A_376 = arith.addi %mul3A_374, %add3A_375 : i32
      %dma_wait3A_377 = arith.constant 0 : i32
      %dma_wait3A_378 = tpu.memref_slice %arg7[%dma_wait3A_377] : memref<1024xi32, #tpu.memory_space<vmem>> -> memref<128xi32, #tpu.memory_space<vmem>>
      %dma_wait3A_379 = arith.constant 0 : i32
      %dma_wait3A_380 = arith.constant 0 : i32
      %dma_wait3A_381 = tpu.memref_slice %arg2[%dma_wait3A_379, %dma_wait3A_380] : memref<100000x32xf32, #tpu.memory_space<hbm>> -> memref<100000x32xf32, #tpu.memory_space<hbm>>
      tpu.wait_indirect_dma semaphore(%arg21 : memref<!tpu.dma_semaphore, #tpu.memory_space<semaphore_mem>>) src(%dma_wait3A_381 : memref<100000x32xf32, #tpu.memory_space<hbm>>) dst(%arg14 : memref<128x32xf32, #tpu.memory_space<vmem>>)
      %dma_start3A_382 = arith.constant 0 : i32
      %dma_start3A_383 = arith.constant 0 : i32
      %dma_start3A_384 = tpu.memref_slice %arg15[%dma_start3A_382, %dma_start3A_383] : memref<50016x32xf32, #tpu.memory_space<vmem_shared>> -> memref<50016x32xf32, #tpu.memory_space<vmem_shared>>
      tpu.enqueue_indirect_dma source(%arg14 : memref<128x32xf32, #tpu.memory_space<vmem>>) target(%dma_start3A_384 : memref<50016x32xf32, #tpu.memory_space<vmem_shared>>) offsets(%arg12 : memref<128xi32, #tpu.memory_space<vmem>>) semaphore(%arg23 : memref<!tpu.dma_semaphore, #tpu.memory_space<semaphore_mem>>) {add = true}
      %dma_wait3A_385 = arith.constant 0 : i32
      %dma_wait3A_386 = arith.constant 0 : i32
      %dma_wait3A_387 = tpu.memref_slice %arg15[%dma_wait3A_385, %dma_wait3A_386] : memref<50016x32xf32, #tpu.memory_space<vmem_shared>> -> memref<50016x32xf32, #tpu.memory_space<vmem_shared>>
      tpu.wait_indirect_dma semaphore(%arg22 : memref<!tpu.dma_semaphore, #tpu.memory_space<semaphore_mem>>) src(%arg13 : memref<128x32xf32, #tpu.memory_space<vmem>>) dst(%dma_wait3A_387 : memref<50016x32xf32, #tpu.memory_space<vmem_shared>>)
      %get3A_388 = arith.constant 512 : index
      %get3A_389 = tpu.vector_load %arg9[%get3A_388] {strides = array<i32>} : memref<1024xi32, #tpu.memory_space<vmem>>, vector<16xi32>,
      %get3A_390 = vector.shape_cast %get3A_389 : vector<16xi32> to vector<16xi32>
      %swap3A_391 = arith.constant 0 : index
      %swap3A_392 = tpu.vector_load %arg11[%swap3A_391] {strides = array<i32>} : memref<128xi32, #tpu.memory_space<vmem>>, vector<16xi32>,
      %swap3A_393 = vector.shape_cast %swap3A_392 : vector<16xi32> to vector<16xi32>
      %swap3A_394 = vector.shape_cast %get3A_390 : vector<16xi32> to vector<16xi32>
      tpu.vector_store %arg11[%swap3A_391], %swap3A_394 {strides = array<i32>} : memref<128xi32, #tpu.memory_space<vmem>>, vector<16xi32>,
      %get3A_395 = arith.constant 528 : index
      %get3A_396 = tpu.vector_load %arg9[%get3A_395] {strides = array<i32>} : memref<1024xi32, #tpu.memory_space<vmem>>, vector<16xi32>,
      %get3A_397 = vector.shape_cast %get3A_396 : vector<16xi32> to vector<16xi32>
      %swap3A_398 = arith.constant 16 : index
      %swap3A_399 = tpu.vector_load %arg11[%swap3A_398] {strides = array<i32>} : memref<128xi32, #tpu.memory_space<vmem>>, vector<16xi32>,
      %swap3A_400 = vector.shape_cast %swap3A_399 : vector<16xi32> to vector<16xi32>
      %swap3A_401 = vector.shape_cast %get3A_397 : vector<16xi32> to vector<16xi32>
      tpu.vector_store %arg11[%swap3A_398], %swap3A_401 {strides = array<i32>} : memref<128xi32, #tpu.memory_space<vmem>>, vector<16xi32>,
      %get3A_402 = arith.constant 544 : index
      %get3A_403 = tpu.vector_load %arg9[%get3A_402] {strides = array<i32>} : memref<1024xi32, #tpu.memory_space<vmem>>, vector<16xi32>,
      %get3A_404 = vector.shape_cast %get3A_403 : vector<16xi32> to vector<16xi32>
      %swap3A_405 = arith.constant 32 : index
      %swap3A_406 = tpu.vector_load %arg11[%swap3A_405] {strides = array<i32>} : memref<128xi32, #tpu.memory_space<vmem>>, vector<16xi32>,
      %swap3A_407 = vector.shape_cast %swap3A_406 : vector<16xi32> to vector<16xi32>
      %swap3A_408 = vector.shape_cast %get3A_404 : vector<16xi32> to vector<16xi32>
      tpu.vector_store %arg11[%swap3A_405], %swap3A_408 {strides = array<i32>} : memref<128xi32, #tpu.memory_space<vmem>>, vector<16xi32>,
      %get3A_409 = arith.constant 560 : index
      %get3A_410 = tpu.vector_load %arg9[%get3A_409] {strides = array<i32>} : memref<1024xi32, #tpu.memory_space<vmem>>, vector<16xi32>,
      %get3A_411 = vector.shape_cast %get3A_410 : vector<16xi32> to vector<16xi32>
      %swap3A_412 = arith.constant 48 : index
      %swap3A_413 = tpu.vector_load %arg11[%swap3A_412] {strides = array<i32>} : memref<128xi32, #tpu.memory_space<vmem>>, vector<16xi32>,
      %swap3A_414 = vector.shape_cast %swap3A_413 : vector<16xi32> to vector<16xi32>
      %swap3A_415 = vector.shape_cast %get3A_411 : vector<16xi32> to vector<16xi32>
      tpu.vector_store %arg11[%swap3A_412], %swap3A_415 {strides = array<i32>} : memref<128xi32, #tpu.memory_space<vmem>>, vector<16xi32>,
      %get3A_416 = arith.constant 576 : index
      %get3A_417 = tpu.vector_load %arg9[%get3A_416] {strides = array<i32>} : memref<1024xi32, #tpu.memory_space<vmem>>, vector<16xi32>,
      %get3A_418 = vector.shape_cast %get3A_417 : vector<16xi32> to vector<16xi32>
      %swap3A_419 = arith.constant 64 : index
      %swap3A_420 = tpu.vector_load %arg11[%swap3A_419] {strides = array<i32>} : memref<128xi32, #tpu.memory_space<vmem>>, vector<16xi32>,
      %swap3A_421 = vector.shape_cast %swap3A_420 : vector<16xi32> to vector<16xi32>
      %swap3A_422 = vector.shape_cast %get3A_418 : vector<16xi32> to vector<16xi32>
      tpu.vector_store %arg11[%swap3A_419], %swap3A_422 {strides = array<i32>} : memref<128xi32, #tpu.memory_space<vmem>>, vector<16xi32>,
      %get3A_423 = arith.constant 592 : index
      %get3A_424 = tpu.vector_load %arg9[%get3A_423] {strides = array<i32>} : memref<1024xi32, #tpu.memory_space<vmem>>, vector<16xi32>,
      %get3A_425 = vector.shape_cast %get3A_424 : vector<16xi32> to vector<16xi32>
      %swap3A_426 = arith.constant 80 : index
      %swap3A_427 = tpu.vector_load %arg11[%swap3A_426] {strides = array<i32>} : memref<128xi32, #tpu.memory_space<vmem>>, vector<16xi32>,
      %swap3A_428 = vector.shape_cast %swap3A_427 : vector<16xi32> to vector<16xi32>
      %swap3A_429 = vector.shape_cast %get3A_425 : vector<16xi32> to vector<16xi32>
      tpu.vector_store %arg11[%swap3A_426], %swap3A_429 {strides = array<i32>} : memref<128xi32, #tpu.memory_space<vmem>>, vector<16xi32>,
      %get3A_430 = arith.constant 608 : index
      %get3A_431 = tpu.vector_load %arg9[%get3A_430] {strides = array<i32>} : memref<1024xi32, #tpu.memory_space<vmem>>, vector<16xi32>,
      %get3A_432 = vector.shape_cast %get3A_431 : vector<16xi32> to vector<16xi32>
      %swap3A_433 = arith.constant 96 : index
      %swap3A_434 = tpu.vector_load %arg11[%swap3A_433] {strides = array<i32>} : memref<128xi32, #tpu.memory_space<vmem>>, vector<16xi32>,
      %swap3A_435 = vector.shape_cast %swap3A_434 : vector<16xi32> to vector<16xi32>
      %swap3A_436 = vector.shape_cast %get3A_432 : vector<16xi32> to vector<16xi32>
      tpu.vector_store %arg11[%swap3A_433], %swap3A_436 {strides = array<i32>} : memref<128xi32, #tpu.memory_space<vmem>>, vector<16xi32>,
      %get3A_437 = arith.constant 624 : index
      %get3A_438 = tpu.vector_load %arg9[%get3A_437] {strides = array<i32>} : memref<1024xi32, #tpu.memory_space<vmem>>, vector<16xi32>,
      %get3A_439 = vector.shape_cast %get3A_438 : vector<16xi32> to vector<16xi32>
      %swap3A_440 = arith.constant 112 : index
      %swap3A_441 = tpu.vector_load %arg11[%swap3A_440] {strides = array<i32>} : memref<128xi32, #tpu.memory_space<vmem>>, vector<16xi32>,
      %swap3A_442 = vector.shape_cast %swap3A_441 : vector<16xi32> to vector<16xi32>
      %swap3A_443 = vector.shape_cast %get3A_439 : vector<16xi32> to vector<16xi32>
      tpu.vector_store %arg11[%swap3A_440], %swap3A_443 {strides = array<i32>} : memref<128xi32, #tpu.memory_space<vmem>>, vector<16xi32>,
      %dma_start3A_444 = arith.constant 512 : i32
      %dma_start3A_445 = tpu.memref_slice %arg7[%dma_start3A_444] : memref<1024xi32, #tpu.memory_space<vmem>> -> memref<128xi32, #tpu.memory_space<vmem>>
      %dma_start3A_446 = arith.constant 0 : i32
      %dma_start3A_447 = arith.constant 0 : i32
      %dma_start3A_448 = tpu.memref_slice %arg2[%dma_start3A_446, %dma_start3A_447] : memref<100000x32xf32, #tpu.memory_space<hbm>> -> memref<100000x32xf32, #tpu.memory_space<hbm>>
      tpu.enqueue_indirect_dma source(%dma_start3A_448 : memref<100000x32xf32, #tpu.memory_space<hbm>>) target(%arg13 : memref<128x32xf32, #tpu.memory_space<vmem>>) offsets(%dma_start3A_445 : memref<128xi32, #tpu.memory_space<vmem>>) semaphore(%arg20 : memref<!tpu.dma_semaphore, #tpu.memory_space<semaphore_mem>>)
      %mul3A_449 = arith.constant 2 : i32
      %mul3A_450 = arith.muli %mul3A_449, %scan3A_144 : i32
      %add3A_451 = arith.constant 0 : i32
      %add3A_452 = arith.addi %mul3A_450, %add3A_451 : i32
      %dma_wait3A_453 = arith.constant 0 : i32
      %dma_wait3A_454 = tpu.memref_slice %arg7[%dma_wait3A_453] : memref<1024xi32, #tpu.memory_space<vmem>> -> memref<128xi32, #tpu.memory_space<vmem>>
      %dma_wait3A_455 = arith.constant 0 : i32
      %dma_wait3A_456 = arith.constant 0 : i32
      %dma_wait3A_457 = tpu.memref_slice %arg2[%dma_wait3A_455, %dma_wait3A_456] : memref<100000x32xf32, #tpu.memory_space<hbm>> -> memref<100000x32xf32, #tpu.memory_space<hbm>>
      tpu.wait_indirect_dma semaphore(%arg20 : memref<!tpu.dma_semaphore, #tpu.memory_space<semaphore_mem>>) src(%dma_wait3A_457 : memref<100000x32xf32, #tpu.memory_space<hbm>>) dst(%arg13 : memref<128x32xf32, #tpu.memory_space<vmem>>)
      %dma_start3A_458 = arith.constant 0 : i32
      %dma_start3A_459 = arith.constant 0 : i32
      %dma_start3A_460 = tpu.memref_slice %arg15[%dma_start3A_458, %dma_start3A_459] : memref<50016x32xf32, #tpu.memory_space<vmem_shared>> -> memref<50016x32xf32, #tpu.memory_space<vmem_shared>>
      tpu.enqueue_indirect_dma source(%arg13 : memref<128x32xf32, #tpu.memory_space<vmem>>) target(%dma_start3A_460 : memref<50016x32xf32, #tpu.memory_space<vmem_shared>>) offsets(%arg11 : memref<128xi32, #tpu.memory_space<vmem>>) semaphore(%arg22 : memref<!tpu.dma_semaphore, #tpu.memory_space<semaphore_mem>>) {add = true}
      %dma_wait3A_461 = arith.constant 0 : i32
      %dma_wait3A_462 = arith.constant 0 : i32
      %dma_wait3A_463 = tpu.memref_slice %arg15[%dma_wait3A_461, %dma_wait3A_462] : memref<50016x32xf32, #tpu.memory_space<vmem_shared>> -> memref<50016x32xf32, #tpu.memory_space<vmem_shared>>
      tpu.wait_indirect_dma semaphore(%arg23 : memref<!tpu.dma_semaphore, #tpu.memory_space<semaphore_mem>>) src(%arg14 : memref<128x32xf32, #tpu.memory_space<vmem>>) dst(%dma_wait3A_463 : memref<50016x32xf32, #tpu.memory_space<vmem_shared>>)
      %get3A_464 = arith.constant 640 : index
      %get3A_465 = tpu.vector_load %arg9[%get3A_464] {strides = array<i32>} : memref<1024xi32, #tpu.memory_space<vmem>>, vector<16xi32>,
      %get3A_466 = vector.shape_cast %get3A_465 : vector<16xi32> to vector<16xi32>
      %swap3A_467 = arith.constant 0 : index
      %swap3A_468 = tpu.vector_load %arg12[%swap3A_467] {strides = array<i32>} : memref<128xi32, #tpu.memory_space<vmem>>, vector<16xi32>,
      %swap3A_469 = vector.shape_cast %swap3A_468 : vector<16xi32> to vector<16xi32>
      %swap3A_470 = vector.shape_cast %get3A_466 : vector<16xi32> to vector<16xi32>
      tpu.vector_store %arg12[%swap3A_467], %swap3A_470 {strides = array<i32>} : memref<128xi32, #tpu.memory_space<vmem>>, vector<16xi32>,
      %get3A_471 = arith.constant 656 : index
      %get3A_472 = tpu.vector_load %arg9[%get3A_471] {strides = array<i32>} : memref<1024xi32, #tpu.memory_space<vmem>>, vector<16xi32>,
      %get3A_473 = vector.shape_cast %get3A_472 : vector<16xi32> to vector<16xi32>
      %swap3A_474 = arith.constant 16 : index
      %swap3A_475 = tpu.vector_load %arg12[%swap3A_474] {strides = array<i32>} : memref<128xi32, #tpu.memory_space<vmem>>, vector<16xi32>,
      %swap3A_476 = vector.shape_cast %swap3A_475 : vector<16xi32> to vector<16xi32>
      %swap3A_477 = vector.shape_cast %get3A_473 : vector<16xi32> to vector<16xi32>
      tpu.vector_store %arg12[%swap3A_474], %swap3A_477 {strides = array<i32>} : memref<128xi32, #tpu.memory_space<vmem>>, vector<16xi32>,
      %get3A_478 = arith.constant 672 : index
      %get3A_479 = tpu.vector_load %arg9[%get3A_478] {strides = array<i32>} : memref<1024xi32, #tpu.memory_space<vmem>>, vector<16xi32>,
      %get3A_480 = vector.shape_cast %get3A_479 : vector<16xi32> to vector<16xi32>
      %swap3A_481 = arith.constant 32 : index
      %swap3A_482 = tpu.vector_load %arg12[%swap3A_481] {strides = array<i32>} : memref<128xi32, #tpu.memory_space<vmem>>, vector<16xi32>,
      %swap3A_483 = vector.shape_cast %swap3A_482 : vector<16xi32> to vector<16xi32>
      %swap3A_484 = vector.shape_cast %get3A_480 : vector<16xi32> to vector<16xi32>
      tpu.vector_store %arg12[%swap3A_481], %swap3A_484 {strides = array<i32>} : memref<128xi32, #tpu.memory_space<vmem>>, vector<16xi32>,
      %get3A_485 = arith.constant 688 : index
      %get3A_486 = tpu.vector_load %arg9[%get3A_485] {strides = array<i32>} : memref<1024xi32, #tpu.memory_space<vmem>>, vector<16xi32>,
      %get3A_487 = vector.shape_cast %get3A_486 : vector<16xi32> to vector<16xi32>
      %swap3A_488 = arith.constant 48 : index
      %swap3A_489 = tpu.vector_load %arg12[%swap3A_488] {strides = array<i32>} : memref<128xi32, #tpu.memory_space<vmem>>, vector<16xi32>,
      %swap3A_490 = vector.shape_cast %swap3A_489 : vector<16xi32> to vector<16xi32>
      %swap3A_491 = vector.shape_cast %get3A_487 : vector<16xi32> to vector<16xi32>
      tpu.vector_store %arg12[%swap3A_488], %swap3A_491 {strides = array<i32>} : memref<128xi32, #tpu.memory_space<vmem>>, vector<16xi32>,
      %get3A_492 = arith.constant 704 : index
      %get3A_493 = tpu.vector_load %arg9[%get3A_492] {strides = array<i32>} : memref<1024xi32, #tpu.memory_space<vmem>>, vector<16xi32>,
      %get3A_494 = vector.shape_cast %get3A_493 : vector<16xi32> to vector<16xi32>
      %swap3A_495 = arith.constant 64 : index
      %swap3A_496 = tpu.vector_load %arg12[%swap3A_495] {strides = array<i32>} : memref<128xi32, #tpu.memory_space<vmem>>, vector<16xi32>,
      %swap3A_497 = vector.shape_cast %swap3A_496 : vector<16xi32> to vector<16xi32>
      %swap3A_498 = vector.shape_cast %get3A_494 : vector<16xi32> to vector<16xi32>
      tpu.vector_store %arg12[%swap3A_495], %swap3A_498 {strides = array<i32>} : memref<128xi32, #tpu.memory_space<vmem>>, vector<16xi32>,
      %get3A_499 = arith.constant 720 : index
      %get3A_500 = tpu.vector_load %arg9[%get3A_499] {strides = array<i32>} : memref<1024xi32, #tpu.memory_space<vmem>>, vector<16xi32>,
      %get3A_501 = vector.shape_cast %get3A_500 : vector<16xi32> to vector<16xi32>
      %swap3A_502 = arith.constant 80 : index
      %swap3A_503 = tpu.vector_load %arg12[%swap3A_502] {strides = array<i32>} : memref<128xi32, #tpu.memory_space<vmem>>, vector<16xi32>,
      %swap3A_504 = vector.shape_cast %swap3A_503 : vector<16xi32> to vector<16xi32>
      %swap3A_505 = vector.shape_cast %get3A_501 : vector<16xi32> to vector<16xi32>
      tpu.vector_store %arg12[%swap3A_502], %swap3A_505 {strides = array<i32>} : memref<128xi32, #tpu.memory_space<vmem>>, vector<16xi32>,
      %get3A_506 = arith.constant 736 : index
      %get3A_507 = tpu.vector_load %arg9[%get3A_506] {strides = array<i32>} : memref<1024xi32, #tpu.memory_space<vmem>>, vector<16xi32>,
      %get3A_508 = vector.shape_cast %get3A_507 : vector<16xi32> to vector<16xi32>
      %swap3A_509 = arith.constant 96 : index
      %swap3A_510 = tpu.vector_load %arg12[%swap3A_509] {strides = array<i32>} : memref<128xi32, #tpu.memory_space<vmem>>, vector<16xi32>,
      %swap3A_511 = vector.shape_cast %swap3A_510 : vector<16xi32> to vector<16xi32>
      %swap3A_512 = vector.shape_cast %get3A_508 : vector<16xi32> to vector<16xi32>
      tpu.vector_store %arg12[%swap3A_509], %swap3A_512 {strides = array<i32>} : memref<128xi32, #tpu.memory_space<vmem>>, vector<16xi32>,
      %get3A_513 = arith.constant 752 : index
      %get3A_514 = tpu.vector_load %arg9[%get3A_513] {strides = array<i32>} : memref<1024xi32, #tpu.memory_space<vmem>>, vector<16xi32>,
      %get3A_515 = vector.shape_cast %get3A_514 : vector<16xi32> to vector<16xi32>
      %swap3A_516 = arith.constant 112 : index
      %swap3A_517 = tpu.vector_load %arg12[%swap3A_516] {strides = array<i32>} : memref<128xi32, #tpu.memory_space<vmem>>, vector<16xi32>,
      %swap3A_518 = vector.shape_cast %swap3A_517 : vector<16xi32> to vector<16xi32>
      %swap3A_519 = vector.shape_cast %get3A_515 : vector<16xi32> to vector<16xi32>
      tpu.vector_store %arg12[%swap3A_516], %swap3A_519 {strides = array<i32>} : memref<128xi32, #tpu.memory_space<vmem>>, vector<16xi32>,
      %dma_start3A_520 = arith.constant 640 : i32
      %dma_start3A_521 = tpu.memref_slice %arg7[%dma_start3A_520] : memref<1024xi32, #tpu.memory_space<vmem>> -> memref<128xi32, #tpu.memory_space<vmem>>
      %dma_start3A_522 = arith.constant 0 : i32
      %dma_start3A_523 = arith.constant 0 : i32
      %dma_start3A_524 = tpu.memref_slice %arg2[%dma_start3A_522, %dma_start3A_523] : memref<100000x32xf32, #tpu.memory_space<hbm>> -> memref<100000x32xf32, #tpu.memory_space<hbm>>
      tpu.enqueue_indirect_dma source(%dma_start3A_524 : memref<100000x32xf32, #tpu.memory_space<hbm>>) target(%arg14 : memref<128x32xf32, #tpu.memory_space<vmem>>) offsets(%dma_start3A_521 : memref<128xi32, #tpu.memory_space<vmem>>) semaphore(%arg21 : memref<!tpu.dma_semaphore, #tpu.memory_space<semaphore_mem>>)
      %mul3A_525 = arith.constant 2 : i32
      %mul3A_526 = arith.muli %mul3A_525, %scan3A_144 : i32
      %add3A_527 = arith.constant 0 : i32
      %add3A_528 = arith.addi %mul3A_526, %add3A_527 : i32
      %dma_wait3A_529 = arith.constant 0 : i32
      %dma_wait3A_530 = tpu.memref_slice %arg7[%dma_wait3A_529] : memref<1024xi32, #tpu.memory_space<vmem>> -> memref<128xi32, #tpu.memory_space<vmem>>
      %dma_wait3A_531 = arith.constant 0 : i32
      %dma_wait3A_532 = arith.constant 0 : i32
      %dma_wait3A_533 = tpu.memref_slice %arg2[%dma_wait3A_531, %dma_wait3A_532] : memref<100000x32xf32, #tpu.memory_space<hbm>> -> memref<100000x32xf32, #tpu.memory_space<hbm>>
      tpu.wait_indirect_dma semaphore(%arg21 : memref<!tpu.dma_semaphore, #tpu.memory_space<semaphore_mem>>) src(%dma_wait3A_533 : memref<100000x32xf32, #tpu.memory_space<hbm>>) dst(%arg14 : memref<128x32xf32, #tpu.memory_space<vmem>>)
      %dma_start3A_534 = arith.constant 0 : i32
      %dma_start3A_535 = arith.constant 0 : i32
      %dma_start3A_536 = tpu.memref_slice %arg15[%dma_start3A_534, %dma_start3A_535] : memref<50016x32xf32, #tpu.memory_space<vmem_shared>> -> memref<50016x32xf32, #tpu.memory_space<vmem_shared>>
      tpu.enqueue_indirect_dma source(%arg14 : memref<128x32xf32, #tpu.memory_space<vmem>>) target(%dma_start3A_536 : memref<50016x32xf32, #tpu.memory_space<vmem_shared>>) offsets(%arg12 : memref<128xi32, #tpu.memory_space<vmem>>) semaphore(%arg23 : memref<!tpu.dma_semaphore, #tpu.memory_space<semaphore_mem>>) {add = true}
      %dma_wait3A_537 = arith.constant 0 : i32
      %dma_wait3A_538 = arith.constant 0 : i32
      %dma_wait3A_539 = tpu.memref_slice %arg15[%dma_wait3A_537, %dma_wait3A_538] : memref<50016x32xf32, #tpu.memory_space<vmem_shared>> -> memref<50016x32xf32, #tpu.memory_space<vmem_shared>>
      tpu.wait_indirect_dma semaphore(%arg22 : memref<!tpu.dma_semaphore, #tpu.memory_space<semaphore_mem>>) src(%arg13 : memref<128x32xf32, #tpu.memory_space<vmem>>) dst(%dma_wait3A_539 : memref<50016x32xf32, #tpu.memory_space<vmem_shared>>)
      %get3A_540 = arith.constant 768 : index
      %get3A_541 = tpu.vector_load %arg9[%get3A_540] {strides = array<i32>} : memref<1024xi32, #tpu.memory_space<vmem>>, vector<16xi32>,
      %get3A_542 = vector.shape_cast %get3A_541 : vector<16xi32> to vector<16xi32>
      %swap3A_543 = arith.constant 0 : index
      %swap3A_544 = tpu.vector_load %arg11[%swap3A_543] {strides = array<i32>} : memref<128xi32, #tpu.memory_space<vmem>>, vector<16xi32>,
      %swap3A_545 = vector.shape_cast %swap3A_544 : vector<16xi32> to vector<16xi32>
      %swap3A_546 = vector.shape_cast %get3A_542 : vector<16xi32> to vector<16xi32>
      tpu.vector_store %arg11[%swap3A_543], %swap3A_546 {strides = array<i32>} : memref<128xi32, #tpu.memory_space<vmem>>, vector<16xi32>,
      %get3A_547 = arith.constant 784 : index
      %get3A_548 = tpu.vector_load %arg9[%get3A_547] {strides = array<i32>} : memref<1024xi32, #tpu.memory_space<vmem>>, vector<16xi32>,
      %get3A_549 = vector.shape_cast %get3A_548 : vector<16xi32> to vector<16xi32>
      %swap3A_550 = arith.constant 16 : index
      %swap3A_551 = tpu.vector_load %arg11[%swap3A_550] {strides = array<i32>} : memref<128xi32, #tpu.memory_space<vmem>>, vector<16xi32>,
      %swap3A_552 = vector.shape_cast %swap3A_551 : vector<16xi32> to vector<16xi32>
      %swap3A_553 = vector.shape_cast %get3A_549 : vector<16xi32> to vector<16xi32>
      tpu.vector_store %arg11[%swap3A_550], %swap3A_553 {strides = array<i32>} : memref<128xi32, #tpu.memory_space<vmem>>, vector<16xi32>,
      %get3A_554 = arith.constant 800 : index
      %get3A_555 = tpu.vector_load %arg9[%get3A_554] {strides = array<i32>} : memref<1024xi32, #tpu.memory_space<vmem>>, vector<16xi32>,
      %get3A_556 = vector.shape_cast %get3A_555 : vector<16xi32> to vector<16xi32>
      %swap3A_557 = arith.constant 32 : index
      %swap3A_558 = tpu.vector_load %arg11[%swap3A_557] {strides = array<i32>} : memref<128xi32, #tpu.memory_space<vmem>>, vector<16xi32>,
      %swap3A_559 = vector.shape_cast %swap3A_558 : vector<16xi32> to vector<16xi32>
      %swap3A_560 = vector.shape_cast %get3A_556 : vector<16xi32> to vector<16xi32>
      tpu.vector_store %arg11[%swap3A_557], %swap3A_560 {strides = array<i32>} : memref<128xi32, #tpu.memory_space<vmem>>, vector<16xi32>,
      %get3A_561 = arith.constant 816 : index
      %get3A_562 = tpu.vector_load %arg9[%get3A_561] {strides = array<i32>} : memref<1024xi32, #tpu.memory_space<vmem>>, vector<16xi32>,
      %get3A_563 = vector.shape_cast %get3A_562 : vector<16xi32> to vector<16xi32>
      %swap3A_564 = arith.constant 48 : index
      %swap3A_565 = tpu.vector_load %arg11[%swap3A_564] {strides = array<i32>} : memref<128xi32, #tpu.memory_space<vmem>>, vector<16xi32>,
      %swap3A_566 = vector.shape_cast %swap3A_565 : vector<16xi32> to vector<16xi32>
      %swap3A_567 = vector.shape_cast %get3A_563 : vector<16xi32> to vector<16xi32>
      tpu.vector_store %arg11[%swap3A_564], %swap3A_567 {strides = array<i32>} : memref<128xi32, #tpu.memory_space<vmem>>, vector<16xi32>,
      %get3A_568 = arith.constant 832 : index
      %get3A_569 = tpu.vector_load %arg9[%get3A_568] {strides = array<i32>} : memref<1024xi32, #tpu.memory_space<vmem>>, vector<16xi32>,
      %get3A_570 = vector.shape_cast %get3A_569 : vector<16xi32> to vector<16xi32>
      %swap3A_571 = arith.constant 64 : index
      %swap3A_572 = tpu.vector_load %arg11[%swap3A_571] {strides = array<i32>} : memref<128xi32, #tpu.memory_space<vmem>>, vector<16xi32>,
      %swap3A_573 = vector.shape_cast %swap3A_572 : vector<16xi32> to vector<16xi32>
      %swap3A_574 = vector.shape_cast %get3A_570 : vector<16xi32> to vector<16xi32>
      tpu.vector_store %arg11[%swap3A_571], %swap3A_574 {strides = array<i32>} : memref<128xi32, #tpu.memory_space<vmem>>, vector<16xi32>,
      %get3A_575 = arith.constant 848 : index
      %get3A_576 = tpu.vector_load %arg9[%get3A_575] {strides = array<i32>} : memref<1024xi32, #tpu.memory_space<vmem>>, vector<16xi32>,
      %get3A_577 = vector.shape_cast %get3A_576 : vector<16xi32> to vector<16xi32>
      %swap3A_578 = arith.constant 80 : index
      %swap3A_579 = tpu.vector_load %arg11[%swap3A_578] {strides = array<i32>} : memref<128xi32, #tpu.memory_space<vmem>>, vector<16xi32>,
      %swap3A_580 = vector.shape_cast %swap3A_579 : vector<16xi32> to vector<16xi32>
      %swap3A_581 = vector.shape_cast %get3A_577 : vector<16xi32> to vector<16xi32>
      tpu.vector_store %arg11[%swap3A_578], %swap3A_581 {strides = array<i32>} : memref<128xi32, #tpu.memory_space<vmem>>, vector<16xi32>,
      %get3A_582 = arith.constant 864 : index
      %get3A_583 = tpu.vector_load %arg9[%get3A_582] {strides = array<i32>} : memref<1024xi32, #tpu.memory_space<vmem>>, vector<16xi32>,
      %get3A_584 = vector.shape_cast %get3A_583 : vector<16xi32> to vector<16xi32>
      %swap3A_585 = arith.constant 96 : index
      %swap3A_586 = tpu.vector_load %arg11[%swap3A_585] {strides = array<i32>} : memref<128xi32, #tpu.memory_space<vmem>>, vector<16xi32>,
      %swap3A_587 = vector.shape_cast %swap3A_586 : vector<16xi32> to vector<16xi32>
      %swap3A_588 = vector.shape_cast %get3A_584 : vector<16xi32> to vector<16xi32>
      tpu.vector_store %arg11[%swap3A_585], %swap3A_588 {strides = array<i32>} : memref<128xi32, #tpu.memory_space<vmem>>, vector<16xi32>,
      %get3A_589 = arith.constant 880 : index
      %get3A_590 = tpu.vector_load %arg9[%get3A_589] {strides = array<i32>} : memref<1024xi32, #tpu.memory_space<vmem>>, vector<16xi32>,
      %get3A_591 = vector.shape_cast %get3A_590 : vector<16xi32> to vector<16xi32>
      %swap3A_592 = arith.constant 112 : index
      %swap3A_593 = tpu.vector_load %arg11[%swap3A_592] {strides = array<i32>} : memref<128xi32, #tpu.memory_space<vmem>>, vector<16xi32>,
      %swap3A_594 = vector.shape_cast %swap3A_593 : vector<16xi32> to vector<16xi32>
      %swap3A_595 = vector.shape_cast %get3A_591 : vector<16xi32> to vector<16xi32>
      tpu.vector_store %arg11[%swap3A_592], %swap3A_595 {strides = array<i32>} : memref<128xi32, #tpu.memory_space<vmem>>, vector<16xi32>,
      %dma_start3A_596 = arith.constant 768 : i32
      %dma_start3A_597 = tpu.memref_slice %arg7[%dma_start3A_596] : memref<1024xi32, #tpu.memory_space<vmem>> -> memref<128xi32, #tpu.memory_space<vmem>>
      %dma_start3A_598 = arith.constant 0 : i32
      %dma_start3A_599 = arith.constant 0 : i32
      %dma_start3A_600 = tpu.memref_slice %arg2[%dma_start3A_598, %dma_start3A_599] : memref<100000x32xf32, #tpu.memory_space<hbm>> -> memref<100000x32xf32, #tpu.memory_space<hbm>>
      tpu.enqueue_indirect_dma source(%dma_start3A_600 : memref<100000x32xf32, #tpu.memory_space<hbm>>) target(%arg13 : memref<128x32xf32, #tpu.memory_space<vmem>>) offsets(%dma_start3A_597 : memref<128xi32, #tpu.memory_space<vmem>>) semaphore(%arg20 : memref<!tpu.dma_semaphore, #tpu.memory_space<semaphore_mem>>)
      %mul3A_601 = arith.constant 2 : i32
      %mul3A_602 = arith.muli %mul3A_601, %scan3A_144 : i32
      %add3A_603 = arith.constant 0 : i32
      %add3A_604 = arith.addi %mul3A_602, %add3A_603 : i32
      %dma_wait3A_605 = arith.constant 0 : i32
      %dma_wait3A_606 = tpu.memref_slice %arg7[%dma_wait3A_605] : memref<1024xi32, #tpu.memory_space<vmem>> -> memref<128xi32, #tpu.memory_space<vmem>>
      %dma_wait3A_607 = arith.constant 0 : i32
      %dma_wait3A_608 = arith.constant 0 : i32
      %dma_wait3A_609 = tpu.memref_slice %arg2[%dma_wait3A_607, %dma_wait3A_608] : memref<100000x32xf32, #tpu.memory_space<hbm>> -> memref<100000x32xf32, #tpu.memory_space<hbm>>
      tpu.wait_indirect_dma semaphore(%arg20 : memref<!tpu.dma_semaphore, #tpu.memory_space<semaphore_mem>>) src(%dma_wait3A_609 : memref<100000x32xf32, #tpu.memory_space<hbm>>) dst(%arg13 : memref<128x32xf32, #tpu.memory_space<vmem>>)
      %dma_start3A_610 = arith.constant 0 : i32
      %dma_start3A_611 = arith.constant 0 : i32
      %dma_start3A_612 = tpu.memref_slice %arg15[%dma_start3A_610, %dma_start3A_611] : memref<50016x32xf32, #tpu.memory_space<vmem_shared>> -> memref<50016x32xf32, #tpu.memory_space<vmem_shared>>
      tpu.enqueue_indirect_dma source(%arg13 : memref<128x32xf32, #tpu.memory_space<vmem>>) target(%dma_start3A_612 : memref<50016x32xf32, #tpu.memory_space<vmem_shared>>) offsets(%arg11 : memref<128xi32, #tpu.memory_space<vmem>>) semaphore(%arg22 : memref<!tpu.dma_semaphore, #tpu.memory_space<semaphore_mem>>) {add = true}
      %dma_wait3A_613 = arith.constant 0 : i32
      %dma_wait3A_614 = arith.constant 0 : i32
      %dma_wait3A_615 = tpu.memref_slice %arg15[%dma_wait3A_613, %dma_wait3A_614] : memref<50016x32xf32, #tpu.memory_space<vmem_shared>> -> memref<50016x32xf32, #tpu.memory_space<vmem_shared>>
      tpu.wait_indirect_dma semaphore(%arg23 : memref<!tpu.dma_semaphore, #tpu.memory_space<semaphore_mem>>) src(%arg14 : memref<128x32xf32, #tpu.memory_space<vmem>>) dst(%dma_wait3A_615 : memref<50016x32xf32, #tpu.memory_space<vmem_shared>>)
      %get3A_616 = arith.constant 896 : index
      %get3A_617 = tpu.vector_load %arg9[%get3A_616] {strides = array<i32>} : memref<1024xi32, #tpu.memory_space<vmem>>, vector<16xi32>,
      %get3A_618 = vector.shape_cast %get3A_617 : vector<16xi32> to vector<16xi32>
      %swap3A_619 = arith.constant 0 : index
      %swap3A_620 = tpu.vector_load %arg12[%swap3A_619] {strides = array<i32>} : memref<128xi32, #tpu.memory_space<vmem>>, vector<16xi32>,
      %swap3A_621 = vector.shape_cast %swap3A_620 : vector<16xi32> to vector<16xi32>
      %swap3A_622 = vector.shape_cast %get3A_618 : vector<16xi32> to vector<16xi32>
      tpu.vector_store %arg12[%swap3A_619], %swap3A_622 {strides = array<i32>} : memref<128xi32, #tpu.memory_space<vmem>>, vector<16xi32>,
      %get3A_623 = arith.constant 912 : index
      %get3A_624 = tpu.vector_load %arg9[%get3A_623] {strides = array<i32>} : memref<1024xi32, #tpu.memory_space<vmem>>, vector<16xi32>,
      %get3A_625 = vector.shape_cast %get3A_624 : vector<16xi32> to vector<16xi32>
      %swap3A_626 = arith.constant 16 : index
      %swap3A_627 = tpu.vector_load %arg12[%swap3A_626] {strides = array<i32>} : memref<128xi32, #tpu.memory_space<vmem>>, vector<16xi32>,
      %swap3A_628 = vector.shape_cast %swap3A_627 : vector<16xi32> to vector<16xi32>
      %swap3A_629 = vector.shape_cast %get3A_625 : vector<16xi32> to vector<16xi32>
      tpu.vector_store %arg12[%swap3A_626], %swap3A_629 {strides = array<i32>} : memref<128xi32, #tpu.memory_space<vmem>>, vector<16xi32>,
      %get3A_630 = arith.constant 928 : index
      %get3A_631 = tpu.vector_load %arg9[%get3A_630] {strides = array<i32>} : memref<1024xi32, #tpu.memory_space<vmem>>, vector<16xi32>,
      %get3A_632 = vector.shape_cast %get3A_631 : vector<16xi32> to vector<16xi32>
      %swap3A_633 = arith.constant 32 : index
      %swap3A_634 = tpu.vector_load %arg12[%swap3A_633] {strides = array<i32>} : memref<128xi32, #tpu.memory_space<vmem>>, vector<16xi32>,
      %swap3A_635 = vector.shape_cast %swap3A_634 : vector<16xi32> to vector<16xi32>
      %swap3A_636 = vector.shape_cast %get3A_632 : vector<16xi32> to vector<16xi32>
      tpu.vector_store %arg12[%swap3A_633], %swap3A_636 {strides = array<i32>} : memref<128xi32, #tpu.memory_space<vmem>>, vector<16xi32>,
      %get3A_637 = arith.constant 944 : index
      %get3A_638 = tpu.vector_load %arg9[%get3A_637] {strides = array<i32>} : memref<1024xi32, #tpu.memory_space<vmem>>, vector<16xi32>,
      %get3A_639 = vector.shape_cast %get3A_638 : vector<16xi32> to vector<16xi32>
      %swap3A_640 = arith.constant 48 : index
      %swap3A_641 = tpu.vector_load %arg12[%swap3A_640] {strides = array<i32>} : memref<128xi32, #tpu.memory_space<vmem>>, vector<16xi32>,
      %swap3A_642 = vector.shape_cast %swap3A_641 : vector<16xi32> to vector<16xi32>
      %swap3A_643 = vector.shape_cast %get3A_639 : vector<16xi32> to vector<16xi32>
      tpu.vector_store %arg12[%swap3A_640], %swap3A_643 {strides = array<i32>} : memref<128xi32, #tpu.memory_space<vmem>>, vector<16xi32>,
      %get3A_644 = arith.constant 960 : index
      %get3A_645 = tpu.vector_load %arg9[%get3A_644] {strides = array<i32>} : memref<1024xi32, #tpu.memory_space<vmem>>, vector<16xi32>,
      %get3A_646 = vector.shape_cast %get3A_645 : vector<16xi32> to vector<16xi32>
      %swap3A_647 = arith.constant 64 : index
      %swap3A_648 = tpu.vector_load %arg12[%swap3A_647] {strides = array<i32>} : memref<128xi32, #tpu.memory_space<vmem>>, vector<16xi32>,
      %swap3A_649 = vector.shape_cast %swap3A_648 : vector<16xi32> to vector<16xi32>
      %swap3A_650 = vector.shape_cast %get3A_646 : vector<16xi32> to vector<16xi32>
      tpu.vector_store %arg12[%swap3A_647], %swap3A_650 {strides = array<i32>} : memref<128xi32, #tpu.memory_space<vmem>>, vector<16xi32>,
      %get3A_651 = arith.constant 976 : index
      %get3A_652 = tpu.vector_load %arg9[%get3A_651] {strides = array<i32>} : memref<1024xi32, #tpu.memory_space<vmem>>, vector<16xi32>,
      %get3A_653 = vector.shape_cast %get3A_652 : vector<16xi32> to vector<16xi32>
      %swap3A_654 = arith.constant 80 : index
      %swap3A_655 = tpu.vector_load %arg12[%swap3A_654] {strides = array<i32>} : memref<128xi32, #tpu.memory_space<vmem>>, vector<16xi32>,
      %swap3A_656 = vector.shape_cast %swap3A_655 : vector<16xi32> to vector<16xi32>
      %swap3A_657 = vector.shape_cast %get3A_653 : vector<16xi32> to vector<16xi32>
      tpu.vector_store %arg12[%swap3A_654], %swap3A_657 {strides = array<i32>} : memref<128xi32, #tpu.memory_space<vmem>>, vector<16xi32>,
      %get3A_658 = arith.constant 992 : index
      %get3A_659 = tpu.vector_load %arg9[%get3A_658] {strides = array<i32>} : memref<1024xi32, #tpu.memory_space<vmem>>, vector<16xi32>,
      %get3A_660 = vector.shape_cast %get3A_659 : vector<16xi32> to vector<16xi32>
      %swap3A_661 = arith.constant 96 : index
      %swap3A_662 = tpu.vector_load %arg12[%swap3A_661] {strides = array<i32>} : memref<128xi32, #tpu.memory_space<vmem>>, vector<16xi32>,
      %swap3A_663 = vector.shape_cast %swap3A_662 : vector<16xi32> to vector<16xi32>
      %swap3A_664 = vector.shape_cast %get3A_660 : vector<16xi32> to vector<16xi32>
      tpu.vector_store %arg12[%swap3A_661], %swap3A_664 {strides = array<i32>} : memref<128xi32, #tpu.memory_space<vmem>>, vector<16xi32>,
      %get3A_665 = arith.constant 1008 : index
      %get3A_666 = tpu.vector_load %arg9[%get3A_665] {strides = array<i32>} : memref<1024xi32, #tpu.memory_space<vmem>>, vector<16xi32>,
      %get3A_667 = vector.shape_cast %get3A_666 : vector<16xi32> to vector<16xi32>
      %swap3A_668 = arith.constant 112 : index
      %swap3A_669 = tpu.vector_load %arg12[%swap3A_668] {strides = array<i32>} : memref<128xi32, #tpu.memory_space<vmem>>, vector<16xi32>,
      %swap3A_670 = vector.shape_cast %swap3A_669 : vector<16xi32> to vector<16xi32>
      %swap3A_671 = vector.shape_cast %get3A_667 : vector<16xi32> to vector<16xi32>
      tpu.vector_store %arg12[%swap3A_668], %swap3A_671 {strides = array<i32>} : memref<128xi32, #tpu.memory_space<vmem>>, vector<16xi32>,
      %dma_start3A_672 = arith.constant 896 : i32
      %dma_start3A_673 = tpu.memref_slice %arg7[%dma_start3A_672] : memref<1024xi32, #tpu.memory_space<vmem>> -> memref<128xi32, #tpu.memory_space<vmem>>
      %dma_start3A_674 = arith.constant 0 : i32
      %dma_start3A_675 = arith.constant 0 : i32
      %dma_start3A_676 = tpu.memref_slice %arg2[%dma_start3A_674, %dma_start3A_675] : memref<100000x32xf32, #tpu.memory_space<hbm>> -> memref<100000x32xf32, #tpu.memory_space<hbm>>
      tpu.enqueue_indirect_dma source(%dma_start3A_676 : memref<100000x32xf32, #tpu.memory_space<hbm>>) target(%arg14 : memref<128x32xf32, #tpu.memory_space<vmem>>) offsets(%dma_start3A_673 : memref<128xi32, #tpu.memory_space<vmem>>) semaphore(%arg21 : memref<!tpu.dma_semaphore, #tpu.memory_space<semaphore_mem>>)
      %mul3A_677 = arith.constant 2 : i32
      %mul3A_678 = arith.muli %mul3A_677, %scan3A_144 : i32
      %add3A_679 = arith.constant 0 : i32
      %add3A_680 = arith.addi %mul3A_678, %add3A_679 : i32
      %dma_wait3A_681 = arith.constant 0 : i32
      %dma_wait3A_682 = tpu.memref_slice %arg7[%dma_wait3A_681] : memref<1024xi32, #tpu.memory_space<vmem>> -> memref<128xi32, #tpu.memory_space<vmem>>
      %dma_wait3A_683 = arith.constant 0 : i32
      %dma_wait3A_684 = arith.constant 0 : i32
      %dma_wait3A_685 = tpu.memref_slice %arg2[%dma_wait3A_683, %dma_wait3A_684] : memref<100000x32xf32, #tpu.memory_space<hbm>> -> memref<100000x32xf32, #tpu.memory_space<hbm>>
      tpu.wait_indirect_dma semaphore(%arg21 : memref<!tpu.dma_semaphore, #tpu.memory_space<semaphore_mem>>) src(%dma_wait3A_685 : memref<100000x32xf32, #tpu.memory_space<hbm>>) dst(%arg14 : memref<128x32xf32, #tpu.memory_space<vmem>>)
      %dma_start3A_686 = arith.constant 0 : i32
      %dma_start3A_687 = arith.constant 0 : i32
      %dma_start3A_688 = tpu.memref_slice %arg15[%dma_start3A_686, %dma_start3A_687] : memref<50016x32xf32, #tpu.memory_space<vmem_shared>> -> memref<50016x32xf32, #tpu.memory_space<vmem_shared>>
      tpu.enqueue_indirect_dma source(%arg14 : memref<128x32xf32, #tpu.memory_space<vmem>>) target(%dma_start3A_688 : memref<50016x32xf32, #tpu.memory_space<vmem_shared>>) offsets(%arg12 : memref<128xi32, #tpu.memory_space<vmem>>) semaphore(%arg23 : memref<!tpu.dma_semaphore, #tpu.memory_space<semaphore_mem>>) {add = true}
      %dma_wait3A_689 = tpu.memref_slice %arg3[%add3A] : memref<1642496xi32, #tpu.memory_space<hbm>> -> memref<1024xi32, #tpu.memory_space<hbm>>
      %dma_wait3A_690 = tpu.memref_slice %arg3[%add3A] : memref<1642496xi32, #tpu.memory_space<hbm>> -> memref<1024xi32, #tpu.memory_space<hbm>>
      tpu.wait_dma2 semaphore(%arg17 : memref<!tpu.dma_semaphore, #tpu.memory_space<semaphore_mem>>) src(%dma_wait3A_690 : memref<1024xi32, #tpu.memory_space<hbm>>) dst(%arg8 : memref<1024xi32, #tpu.memory_space<vmem>>)
      %dma_wait3A_691 = tpu.memref_slice %arg4[%mul3A_4] : memref<821248xi32, #tpu.memory_space<hbm>> -> memref<1024xi32, #tpu.memory_space<hbm>>
      %dma_wait3A_692 = tpu.memref_slice %arg4[%mul3A_4] : memref<821248xi32, #tpu.memory_space<hbm>> -> memref<1024xi32, #tpu.memory_space<hbm>>
      tpu.wait_dma2 semaphore(%arg19 : memref<!tpu.dma_semaphore, #tpu.memory_space<semaphore_mem>>) src(%dma_wait3A_692 : memref<1024xi32, #tpu.memory_space<hbm>>) dst(%arg10 : memref<1024xi32, #tpu.memory_space<vmem>>)
      %dma_wait3A_693 = arith.constant 0 : i32
      %dma_wait3A_694 = arith.constant 0 : i32
      %dma_wait3A_695 = tpu.memref_slice %arg15[%dma_wait3A_693, %dma_wait3A_694] : memref<50016x32xf32, #tpu.memory_space<vmem_shared>> -> memref<50016x32xf32, #tpu.memory_space<vmem_shared>>
      tpu.wait_indirect_dma semaphore(%arg22 : memref<!tpu.dma_semaphore, #tpu.memory_space<semaphore_mem>>) src(%arg13 : memref<128x32xf32, #tpu.memory_space<vmem>>) dst(%dma_wait3A_695 : memref<50016x32xf32, #tpu.memory_space<vmem_shared>>)
      %get3A_696 = arith.constant 0 : index
      %get3A_697 = tpu.vector_load %arg10[%get3A_696] {strides = array<i32>} : memref<1024xi32, #tpu.memory_space<vmem>>, vector<16xi32>,
      %get3A_698 = vector.shape_cast %get3A_697 : vector<16xi32> to vector<16xi32>
      %swap3A_699 = arith.constant 0 : index
      %swap3A_700 = tpu.vector_load %arg11[%swap3A_699] {strides = array<i32>} : memref<128xi32, #tpu.memory_space<vmem>>, vector<16xi32>,
      %swap3A_701 = vector.shape_cast %swap3A_700 : vector<16xi32> to vector<16xi32>
      %swap3A_702 = vector.shape_cast %get3A_698 : vector<16xi32> to vector<16xi32>
      tpu.vector_store %arg11[%swap3A_699], %swap3A_702 {strides = array<i32>} : memref<128xi32, #tpu.memory_space<vmem>>, vector<16xi32>,
      %get3A_703 = arith.constant 16 : index
      %get3A_704 = tpu.vector_load %arg10[%get3A_703] {strides = array<i32>} : memref<1024xi32, #tpu.memory_space<vmem>>, vector<16xi32>,
      %get3A_705 = vector.shape_cast %get3A_704 : vector<16xi32> to vector<16xi32>
      %swap3A_706 = arith.constant 16 : index
      %swap3A_707 = tpu.vector_load %arg11[%swap3A_706] {strides = array<i32>} : memref<128xi32, #tpu.memory_space<vmem>>, vector<16xi32>,
      %swap3A_708 = vector.shape_cast %swap3A_707 : vector<16xi32> to vector<16xi32>
      %swap3A_709 = vector.shape_cast %get3A_705 : vector<16xi32> to vector<16xi32>
      tpu.vector_store %arg11[%swap3A_706], %swap3A_709 {strides = array<i32>} : memref<128xi32, #tpu.memory_space<vmem>>, vector<16xi32>,
      %get3A_710 = arith.constant 32 : index
      %get3A_711 = tpu.vector_load %arg10[%get3A_710] {strides = array<i32>} : memref<1024xi32, #tpu.memory_space<vmem>>, vector<16xi32>,
      %get3A_712 = vector.shape_cast %get3A_711 : vector<16xi32> to vector<16xi32>
      %swap3A_713 = arith.constant 32 : index
      %swap3A_714 = tpu.vector_load %arg11[%swap3A_713] {strides = array<i32>} : memref<128xi32, #tpu.memory_space<vmem>>, vector<16xi32>,
      %swap3A_715 = vector.shape_cast %swap3A_714 : vector<16xi32> to vector<16xi32>
      %swap3A_716 = vector.shape_cast %get3A_712 : vector<16xi32> to vector<16xi32>
      tpu.vector_store %arg11[%swap3A_713], %swap3A_716 {strides = array<i32>} : memref<128xi32, #tpu.memory_space<vmem>>, vector<16xi32>,
      %get3A_717 = arith.constant 48 : index
      %get3A_718 = tpu.vector_load %arg10[%get3A_717] {strides = array<i32>} : memref<1024xi32, #tpu.memory_space<vmem>>, vector<16xi32>,
      %get3A_719 = vector.shape_cast %get3A_718 : vector<16xi32> to vector<16xi32>
      %swap3A_720 = arith.constant 48 : index
      %swap3A_721 = tpu.vector_load %arg11[%swap3A_720] {strides = array<i32>} : memref<128xi32, #tpu.memory_space<vmem>>, vector<16xi32>,
      %swap3A_722 = vector.shape_cast %swap3A_721 : vector<16xi32> to vector<16xi32>
      %swap3A_723 = vector.shape_cast %get3A_719 : vector<16xi32> to vector<16xi32>
      tpu.vector_store %arg11[%swap3A_720], %swap3A_723 {strides = array<i32>} : memref<128xi32, #tpu.memory_space<vmem>>, vector<16xi32>,
      %get3A_724 = arith.constant 64 : index
      %get3A_725 = tpu.vector_load %arg10[%get3A_724] {strides = array<i32>} : memref<1024xi32, #tpu.memory_space<vmem>>, vector<16xi32>,
      %get3A_726 = vector.shape_cast %get3A_725 : vector<16xi32> to vector<16xi32>
      %swap3A_727 = arith.constant 64 : index
      %swap3A_728 = tpu.vector_load %arg11[%swap3A_727] {strides = array<i32>} : memref<128xi32, #tpu.memory_space<vmem>>, vector<16xi32>,
      %swap3A_729 = vector.shape_cast %swap3A_728 : vector<16xi32> to vector<16xi32>
      %swap3A_730 = vector.shape_cast %get3A_726 : vector<16xi32> to vector<16xi32>
      tpu.vector_store %arg11[%swap3A_727], %swap3A_730 {strides = array<i32>} : memref<128xi32, #tpu.memory_space<vmem>>, vector<16xi32>,
      %get3A_731 = arith.constant 80 : index
      %get3A_732 = tpu.vector_load %arg10[%get3A_731] {strides = array<i32>} : memref<1024xi32, #tpu.memory_space<vmem>>, vector<16xi32>,
      %get3A_733 = vector.shape_cast %get3A_732 : vector<16xi32> to vector<16xi32>
      %swap3A_734 = arith.constant 80 : index
      %swap3A_735 = tpu.vector_load %arg11[%swap3A_734] {strides = array<i32>} : memref<128xi32, #tpu.memory_space<vmem>>, vector<16xi32>,
      %swap3A_736 = vector.shape_cast %swap3A_735 : vector<16xi32> to vector<16xi32>
      %swap3A_737 = vector.shape_cast %get3A_733 : vector<16xi32> to vector<16xi32>
      tpu.vector_store %arg11[%swap3A_734], %swap3A_737 {strides = array<i32>} : memref<128xi32, #tpu.memory_space<vmem>>, vector<16xi32>,
      %get3A_738 = arith.constant 96 : index
      %get3A_739 = tpu.vector_load %arg10[%get3A_738] {strides = array<i32>} : memref<1024xi32, #tpu.memory_space<vmem>>, vector<16xi32>,
      %get3A_740 = vector.shape_cast %get3A_739 : vector<16xi32> to vector<16xi32>
      %swap3A_741 = arith.constant 96 : index
      %swap3A_742 = tpu.vector_load %arg11[%swap3A_741] {strides = array<i32>} : memref<128xi32, #tpu.memory_space<vmem>>, vector<16xi32>,
      %swap3A_743 = vector.shape_cast %swap3A_742 : vector<16xi32> to vector<16xi32>
      %swap3A_744 = vector.shape_cast %get3A_740 : vector<16xi32> to vector<16xi32>
      tpu.vector_store %arg11[%swap3A_741], %swap3A_744 {strides = array<i32>} : memref<128xi32, #tpu.memory_space<vmem>>, vector<16xi32>,
      %get3A_745 = arith.constant 112 : index
      %get3A_746 = tpu.vector_load %arg10[%get3A_745] {strides = array<i32>} : memref<1024xi32, #tpu.memory_space<vmem>>, vector<16xi32>,
      %get3A_747 = vector.shape_cast %get3A_746 : vector<16xi32> to vector<16xi32>
      %swap3A_748 = arith.constant 112 : index
      %swap3A_749 = tpu.vector_load %arg11[%swap3A_748] {strides = array<i32>} : memref<128xi32, #tpu.memory_space<vmem>>, vector<16xi32>,
      %swap3A_750 = vector.shape_cast %swap3A_749 : vector<16xi32> to vector<16xi32>
      %swap3A_751 = vector.shape_cast %get3A_747 : vector<16xi32> to vector<16xi32>
      tpu.vector_store %arg11[%swap3A_748], %swap3A_751 {strides = array<i32>} : memref<128xi32, #tpu.memory_space<vmem>>, vector<16xi32>,
      %add3A_752 = arith.constant 2 : i32
      %add3A_753 = arith.addi %add3A_680, %add3A_752 : i32
      %mul3A_754 = arith.constant 1024 : i32
      %mul3A_755 = arith.muli %add3A_753, %mul3A_754 : i32
      %add3A_756 = arith.addi %add3A, %mul3A_755 : i32
      %dma_start3A_757 = tpu.memref_slice %arg3[%add3A_756] : memref<1642496xi32, #tpu.memory_space<hbm>> -> memref<1024xi32, #tpu.memory_space<hbm>>
      %dma_start3A_758 = tpu.memref_slice %arg3[%add3A_756] : memref<1642496xi32, #tpu.memory_space<hbm>> -> memref<1024xi32, #tpu.memory_space<hbm>>
      tpu.enqueue_dma source(%dma_start3A_758 : memref<1024xi32, #tpu.memory_space<hbm>>) target(%arg7 : memref<1024xi32, #tpu.memory_space<vmem>>) target_semaphore(%arg16 : memref<!tpu.dma_semaphore, #tpu.memory_space<semaphore_mem>>)
      %mul3A_759 = arith.constant 1024 : i32
      %mul3A_760 = arith.muli %add3A_753, %mul3A_759 : i32
      %add3A_761 = arith.addi %mul3A_4, %mul3A_760 : i32
      %dma_start3A_762 = tpu.memref_slice %arg4[%add3A_761] : memref<821248xi32, #tpu.memory_space<hbm>> -> memref<1024xi32, #tpu.memory_space<hbm>>
      %dma_start3A_763 = tpu.memref_slice %arg4[%add3A_761] : memref<821248xi32, #tpu.memory_space<hbm>> -> memref<1024xi32, #tpu.memory_space<hbm>>
      tpu.enqueue_dma source(%dma_start3A_763 : memref<1024xi32, #tpu.memory_space<hbm>>) target(%arg9 : memref<1024xi32, #tpu.memory_space<vmem>>) target_semaphore(%arg18 : memref<!tpu.dma_semaphore, #tpu.memory_space<semaphore_mem>>)
      %dma_start3A_764 = arith.constant 0 : i32
      %dma_start3A_765 = tpu.memref_slice %arg8[%dma_start3A_764] : memref<1024xi32, #tpu.memory_space<vmem>> -> memref<128xi32, #tpu.memory_space<vmem>>
      %dma_start3A_766 = arith.constant 0 : i32
      %dma_start3A_767 = arith.constant 0 : i32
      %dma_start3A_768 = tpu.memref_slice %arg2[%dma_start3A_766, %dma_start3A_767] : memref<100000x32xf32, #tpu.memory_space<hbm>> -> memref<100000x32xf32, #tpu.memory_space<hbm>>
      tpu.enqueue_indirect_dma source(%dma_start3A_768 : memref<100000x32xf32, #tpu.memory_space<hbm>>) target(%arg13 : memref<128x32xf32, #tpu.memory_space<vmem>>) offsets(%dma_start3A_765 : memref<128xi32, #tpu.memory_space<vmem>>) semaphore(%arg20 : memref<!tpu.dma_semaphore, #tpu.memory_space<semaphore_mem>>)
      %mul3A_769 = arith.constant 2 : i32
      %mul3A_770 = arith.muli %mul3A_769, %scan3A_144 : i32
      %add3A_771 = arith.constant 1 : i32
      %add3A_772 = arith.addi %mul3A_770, %add3A_771 : i32
      %dma_wait3A_773 = arith.constant 0 : i32
      %dma_wait3A_774 = tpu.memref_slice %arg7[%dma_wait3A_773] : memref<1024xi32, #tpu.memory_space<vmem>> -> memref<128xi32, #tpu.memory_space<vmem>>
      %dma_wait3A_775 = arith.constant 0 : i32
      %dma_wait3A_776 = arith.constant 0 : i32
      %dma_wait3A_777 = tpu.memref_slice %arg2[%dma_wait3A_775, %dma_wait3A_776] : memref<100000x32xf32, #tpu.memory_space<hbm>> -> memref<100000x32xf32, #tpu.memory_space<hbm>>
      tpu.wait_indirect_dma semaphore(%arg20 : memref<!tpu.dma_semaphore, #tpu.memory_space<semaphore_mem>>) src(%dma_wait3A_777 : memref<100000x32xf32, #tpu.memory_space<hbm>>) dst(%arg13 : memref<128x32xf32, #tpu.memory_space<vmem>>)
      %dma_start3A_778 = arith.constant 0 : i32
      %dma_start3A_779 = arith.constant 0 : i32
      %dma_start3A_780 = tpu.memref_slice %arg15[%dma_start3A_778, %dma_start3A_779] : memref<50016x32xf32, #tpu.memory_space<vmem_shared>> -> memref<50016x32xf32, #tpu.memory_space<vmem_shared>>
      tpu.enqueue_indirect_dma source(%arg13 : memref<128x32xf32, #tpu.memory_space<vmem>>) target(%dma_start3A_780 : memref<50016x32xf32, #tpu.memory_space<vmem_shared>>) offsets(%arg11 : memref<128xi32, #tpu.memory_space<vmem>>) semaphore(%arg22 : memref<!tpu.dma_semaphore, #tpu.memory_space<semaphore_mem>>) {add = true}
      %dma_wait3A_781 = arith.constant 0 : i32
      %dma_wait3A_782 = arith.constant 0 : i32
      %dma_wait3A_783 = tpu.memref_slice %arg15[%dma_wait3A_781, %dma_wait3A_782] : memref<50016x32xf32, #tpu.memory_space<vmem_shared>> -> memref<50016x32xf32, #tpu.memory_space<vmem_shared>>
      tpu.wait_indirect_dma semaphore(%arg23 : memref<!tpu.dma_semaphore, #tpu.memory_space<semaphore_mem>>) src(%arg14 : memref<128x32xf32, #tpu.memory_space<vmem>>) dst(%dma_wait3A_783 : memref<50016x32xf32, #tpu.memory_space<vmem_shared>>)
      %get3A_784 = arith.constant 128 : index
      %get3A_785 = tpu.vector_load %arg10[%get3A_784] {strides = array<i32>} : memref<1024xi32, #tpu.memory_space<vmem>>, vector<16xi32>,
      %get3A_786 = vector.shape_cast %get3A_785 : vector<16xi32> to vector<16xi32>
      %swap3A_787 = arith.constant 0 : index
      %swap3A_788 = tpu.vector_load %arg12[%swap3A_787] {strides = array<i32>} : memref<128xi32, #tpu.memory_space<vmem>>, vector<16xi32>,
      %swap3A_789 = vector.shape_cast %swap3A_788 : vector<16xi32> to vector<16xi32>
      %swap3A_790 = vector.shape_cast %get3A_786 : vector<16xi32> to vector<16xi32>
      tpu.vector_store %arg12[%swap3A_787], %swap3A_790 {strides = array<i32>} : memref<128xi32, #tpu.memory_space<vmem>>, vector<16xi32>,
      %get3A_791 = arith.constant 144 : index
      %get3A_792 = tpu.vector_load %arg10[%get3A_791] {strides = array<i32>} : memref<1024xi32, #tpu.memory_space<vmem>>, vector<16xi32>,
      %get3A_793 = vector.shape_cast %get3A_792 : vector<16xi32> to vector<16xi32>
      %swap3A_794 = arith.constant 16 : index
      %swap3A_795 = tpu.vector_load %arg12[%swap3A_794] {strides = array<i32>} : memref<128xi32, #tpu.memory_space<vmem>>, vector<16xi32>,
      %swap3A_796 = vector.shape_cast %swap3A_795 : vector<16xi32> to vector<16xi32>
      %swap3A_797 = vector.shape_cast %get3A_793 : vector<16xi32> to vector<16xi32>
      tpu.vector_store %arg12[%swap3A_794], %swap3A_797 {strides = array<i32>} : memref<128xi32, #tpu.memory_space<vmem>>, vector<16xi32>,
      %get3A_798 = arith.constant 160 : index
      %get3A_799 = tpu.vector_load %arg10[%get3A_798] {strides = array<i32>} : memref<1024xi32, #tpu.memory_space<vmem>>, vector<16xi32>,
      %get3A_800 = vector.shape_cast %get3A_799 : vector<16xi32> to vector<16xi32>
      %swap3A_801 = arith.constant 32 : index
      %swap3A_802 = tpu.vector_load %arg12[%swap3A_801] {strides = array<i32>} : memref<128xi32, #tpu.memory_space<vmem>>, vector<16xi32>,
      %swap3A_803 = vector.shape_cast %swap3A_802 : vector<16xi32> to vector<16xi32>
      %swap3A_804 = vector.shape_cast %get3A_800 : vector<16xi32> to vector<16xi32>
      tpu.vector_store %arg12[%swap3A_801], %swap3A_804 {strides = array<i32>} : memref<128xi32, #tpu.memory_space<vmem>>, vector<16xi32>,
      %get3A_805 = arith.constant 176 : index
      %get3A_806 = tpu.vector_load %arg10[%get3A_805] {strides = array<i32>} : memref<1024xi32, #tpu.memory_space<vmem>>, vector<16xi32>,
      %get3A_807 = vector.shape_cast %get3A_806 : vector<16xi32> to vector<16xi32>
      %swap3A_808 = arith.constant 48 : index
      %swap3A_809 = tpu.vector_load %arg12[%swap3A_808] {strides = array<i32>} : memref<128xi32, #tpu.memory_space<vmem>>, vector<16xi32>,
      %swap3A_810 = vector.shape_cast %swap3A_809 : vector<16xi32> to vector<16xi32>
      %swap3A_811 = vector.shape_cast %get3A_807 : vector<16xi32> to vector<16xi32>
      tpu.vector_store %arg12[%swap3A_808], %swap3A_811 {strides = array<i32>} : memref<128xi32, #tpu.memory_space<vmem>>, vector<16xi32>,
      %get3A_812 = arith.constant 192 : index
      %get3A_813 = tpu.vector_load %arg10[%get3A_812] {strides = array<i32>} : memref<1024xi32, #tpu.memory_space<vmem>>, vector<16xi32>,
      %get3A_814 = vector.shape_cast %get3A_813 : vector<16xi32> to vector<16xi32>
      %swap3A_815 = arith.constant 64 : index
      %swap3A_816 = tpu.vector_load %arg12[%swap3A_815] {strides = array<i32>} : memref<128xi32, #tpu.memory_space<vmem>>, vector<16xi32>,
      %swap3A_817 = vector.shape_cast %swap3A_816 : vector<16xi32> to vector<16xi32>
      %swap3A_818 = vector.shape_cast %get3A_814 : vector<16xi32> to vector<16xi32>
      tpu.vector_store %arg12[%swap3A_815], %swap3A_818 {strides = array<i32>} : memref<128xi32, #tpu.memory_space<vmem>>, vector<16xi32>,
      %get3A_819 = arith.constant 208 : index
      %get3A_820 = tpu.vector_load %arg10[%get3A_819] {strides = array<i32>} : memref<1024xi32, #tpu.memory_space<vmem>>, vector<16xi32>,
      %get3A_821 = vector.shape_cast %get3A_820 : vector<16xi32> to vector<16xi32>
      %swap3A_822 = arith.constant 80 : index
      %swap3A_823 = tpu.vector_load %arg12[%swap3A_822] {strides = array<i32>} : memref<128xi32, #tpu.memory_space<vmem>>, vector<16xi32>,
      %swap3A_824 = vector.shape_cast %swap3A_823 : vector<16xi32> to vector<16xi32>
      %swap3A_825 = vector.shape_cast %get3A_821 : vector<16xi32> to vector<16xi32>
      tpu.vector_store %arg12[%swap3A_822], %swap3A_825 {strides = array<i32>} : memref<128xi32, #tpu.memory_space<vmem>>, vector<16xi32>,
      %get3A_826 = arith.constant 224 : index
      %get3A_827 = tpu.vector_load %arg10[%get3A_826] {strides = array<i32>} : memref<1024xi32, #tpu.memory_space<vmem>>, vector<16xi32>,
      %get3A_828 = vector.shape_cast %get3A_827 : vector<16xi32> to vector<16xi32>
      %swap3A_829 = arith.constant 96 : index
      %swap3A_830 = tpu.vector_load %arg12[%swap3A_829] {strides = array<i32>} : memref<128xi32, #tpu.memory_space<vmem>>, vector<16xi32>,
      %swap3A_831 = vector.shape_cast %swap3A_830 : vector<16xi32> to vector<16xi32>
      %swap3A_832 = vector.shape_cast %get3A_828 : vector<16xi32> to vector<16xi32>
      tpu.vector_store %arg12[%swap3A_829], %swap3A_832 {strides = array<i32>} : memref<128xi32, #tpu.memory_space<vmem>>, vector<16xi32>,
      %get3A_833 = arith.constant 240 : index
      %get3A_834 = tpu.vector_load %arg10[%get3A_833] {strides = array<i32>} : memref<1024xi32, #tpu.memory_space<vmem>>, vector<16xi32>,
      %get3A_835 = vector.shape_cast %get3A_834 : vector<16xi32> to vector<16xi32>
      %swap3A_836 = arith.constant 112 : index
      %swap3A_837 = tpu.vector_load %arg12[%swap3A_836] {strides = array<i32>} : memref<128xi32, #tpu.memory_space<vmem>>, vector<16xi32>,
      %swap3A_838 = vector.shape_cast %swap3A_837 : vector<16xi32> to vector<16xi32>
      %swap3A_839 = vector.shape_cast %get3A_835 : vector<16xi32> to vector<16xi32>
      tpu.vector_store %arg12[%swap3A_836], %swap3A_839 {strides = array<i32>} : memref<128xi32, #tpu.memory_space<vmem>>, vector<16xi32>,
      %dma_start3A_840 = arith.constant 128 : i32
      %dma_start3A_841 = tpu.memref_slice %arg8[%dma_start3A_840] : memref<1024xi32, #tpu.memory_space<vmem>> -> memref<128xi32, #tpu.memory_space<vmem>>
      %dma_start3A_842 = arith.constant 0 : i32
      %dma_start3A_843 = arith.constant 0 : i32
      %dma_start3A_844 = tpu.memref_slice %arg2[%dma_start3A_842, %dma_start3A_843] : memref<100000x32xf32, #tpu.memory_space<hbm>> -> memref<100000x32xf32, #tpu.memory_space<hbm>>
      tpu.enqueue_indirect_dma source(%dma_start3A_844 : memref<100000x32xf32, #tpu.memory_space<hbm>>) target(%arg14 : memref<128x32xf32, #tpu.memory_space<vmem>>) offsets(%dma_start3A_841 : memref<128xi32, #tpu.memory_space<vmem>>) semaphore(%arg21 : memref<!tpu.dma_semaphore, #tpu.memory_space<semaphore_mem>>)
      %mul3A_845 = arith.constant 2 : i32
      %mul3A_846 = arith.muli %mul3A_845, %scan3A_144 : i32
      %add3A_847 = arith.constant 1 : i32
      %add3A_848 = arith.addi %mul3A_846, %add3A_847 : i32
      %dma_wait3A_849 = arith.constant 0 : i32
      %dma_wait3A_850 = tpu.memref_slice %arg7[%dma_wait3A_849] : memref<1024xi32, #tpu.memory_space<vmem>> -> memref<128xi32, #tpu.memory_space<vmem>>
      %dma_wait3A_851 = arith.constant 0 : i32
      %dma_wait3A_852 = arith.constant 0 : i32
      %dma_wait3A_853 = tpu.memref_slice %arg2[%dma_wait3A_851, %dma_wait3A_852] : memref<100000x32xf32, #tpu.memory_space<hbm>> -> memref<100000x32xf32, #tpu.memory_space<hbm>>
      tpu.wait_indirect_dma semaphore(%arg21 : memref<!tpu.dma_semaphore, #tpu.memory_space<semaphore_mem>>) src(%dma_wait3A_853 : memref<100000x32xf32, #tpu.memory_space<hbm>>) dst(%arg14 : memref<128x32xf32, #tpu.memory_space<vmem>>)
      %dma_start3A_854 = arith.constant 0 : i32
      %dma_start3A_855 = arith.constant 0 : i32
      %dma_start3A_856 = tpu.memref_slice %arg15[%dma_start3A_854, %dma_start3A_855] : memref<50016x32xf32, #tpu.memory_space<vmem_shared>> -> memref<50016x32xf32, #tpu.memory_space<vmem_shared>>
      tpu.enqueue_indirect_dma source(%arg14 : memref<128x32xf32, #tpu.memory_space<vmem>>) target(%dma_start3A_856 : memref<50016x32xf32, #tpu.memory_space<vmem_shared>>) offsets(%arg12 : memref<128xi32, #tpu.memory_space<vmem>>) semaphore(%arg23 : memref<!tpu.dma_semaphore, #tpu.memory_space<semaphore_mem>>) {add = true}
      %dma_wait3A_857 = arith.constant 0 : i32
      %dma_wait3A_858 = arith.constant 0 : i32
      %dma_wait3A_859 = tpu.memref_slice %arg15[%dma_wait3A_857, %dma_wait3A_858] : memref<50016x32xf32, #tpu.memory_space<vmem_shared>> -> memref<50016x32xf32, #tpu.memory_space<vmem_shared>>
      tpu.wait_indirect_dma semaphore(%arg22 : memref<!tpu.dma_semaphore, #tpu.memory_space<semaphore_mem>>) src(%arg13 : memref<128x32xf32, #tpu.memory_space<vmem>>) dst(%dma_wait3A_859 : memref<50016x32xf32, #tpu.memory_space<vmem_shared>>)
      %get3A_860 = arith.constant 256 : index
      %get3A_861 = tpu.vector_load %arg10[%get3A_860] {strides = array<i32>} : memref<1024xi32, #tpu.memory_space<vmem>>, vector<16xi32>,
      %get3A_862 = vector.shape_cast %get3A_861 : vector<16xi32> to vector<16xi32>
      %swap3A_863 = arith.constant 0 : index
      %swap3A_864 = tpu.vector_load %arg11[%swap3A_863] {strides = array<i32>} : memref<128xi32, #tpu.memory_space<vmem>>, vector<16xi32>,
      %swap3A_865 = vector.shape_cast %swap3A_864 : vector<16xi32> to vector<16xi32>
      %swap3A_866 = vector.shape_cast %get3A_862 : vector<16xi32> to vector<16xi32>
      tpu.vector_store %arg11[%swap3A_863], %swap3A_866 {strides = array<i32>} : memref<128xi32, #tpu.memory_space<vmem>>, vector<16xi32>,
      %get3A_867 = arith.constant 272 : index
      %get3A_868 = tpu.vector_load %arg10[%get3A_867] {strides = array<i32>} : memref<1024xi32, #tpu.memory_space<vmem>>, vector<16xi32>,
      %get3A_869 = vector.shape_cast %get3A_868 : vector<16xi32> to vector<16xi32>
      %swap3A_870 = arith.constant 16 : index
      %swap3A_871 = tpu.vector_load %arg11[%swap3A_870] {strides = array<i32>} : memref<128xi32, #tpu.memory_space<vmem>>, vector<16xi32>,
      %swap3A_872 = vector.shape_cast %swap3A_871 : vector<16xi32> to vector<16xi32>
      %swap3A_873 = vector.shape_cast %get3A_869 : vector<16xi32> to vector<16xi32>
      tpu.vector_store %arg11[%swap3A_870], %swap3A_873 {strides = array<i32>} : memref<128xi32, #tpu.memory_space<vmem>>, vector<16xi32>,
      %get3A_874 = arith.constant 288 : index
      %get3A_875 = tpu.vector_load %arg10[%get3A_874] {strides = array<i32>} : memref<1024xi32, #tpu.memory_space<vmem>>, vector<16xi32>,
      %get3A_876 = vector.shape_cast %get3A_875 : vector<16xi32> to vector<16xi32>
      %swap3A_877 = arith.constant 32 : index
      %swap3A_878 = tpu.vector_load %arg11[%swap3A_877] {strides = array<i32>} : memref<128xi32, #tpu.memory_space<vmem>>, vector<16xi32>,
      %swap3A_879 = vector.shape_cast %swap3A_878 : vector<16xi32> to vector<16xi32>
      %swap3A_880 = vector.shape_cast %get3A_876 : vector<16xi32> to vector<16xi32>
      tpu.vector_store %arg11[%swap3A_877], %swap3A_880 {strides = array<i32>} : memref<128xi32, #tpu.memory_space<vmem>>, vector<16xi32>,
      %get3A_881 = arith.constant 304 : index
      %get3A_882 = tpu.vector_load %arg10[%get3A_881] {strides = array<i32>} : memref<1024xi32, #tpu.memory_space<vmem>>, vector<16xi32>,
      %get3A_883 = vector.shape_cast %get3A_882 : vector<16xi32> to vector<16xi32>
      %swap3A_884 = arith.constant 48 : index
      %swap3A_885 = tpu.vector_load %arg11[%swap3A_884] {strides = array<i32>} : memref<128xi32, #tpu.memory_space<vmem>>, vector<16xi32>,
      %swap3A_886 = vector.shape_cast %swap3A_885 : vector<16xi32> to vector<16xi32>
      %swap3A_887 = vector.shape_cast %get3A_883 : vector<16xi32> to vector<16xi32>
      tpu.vector_store %arg11[%swap3A_884], %swap3A_887 {strides = array<i32>} : memref<128xi32, #tpu.memory_space<vmem>>, vector<16xi32>,
      %get3A_888 = arith.constant 320 : index
      %get3A_889 = tpu.vector_load %arg10[%get3A_888] {strides = array<i32>} : memref<1024xi32, #tpu.memory_space<vmem>>, vector<16xi32>,
      %get3A_890 = vector.shape_cast %get3A_889 : vector<16xi32> to vector<16xi32>
      %swap3A_891 = arith.constant 64 : index
      %swap3A_892 = tpu.vector_load %arg11[%swap3A_891] {strides = array<i32>} : memref<128xi32, #tpu.memory_space<vmem>>, vector<16xi32>,
      %swap3A_893 = vector.shape_cast %swap3A_892 : vector<16xi32> to vector<16xi32>
      %swap3A_894 = vector.shape_cast %get3A_890 : vector<16xi32> to vector<16xi32>
      tpu.vector_store %arg11[%swap3A_891], %swap3A_894 {strides = array<i32>} : memref<128xi32, #tpu.memory_space<vmem>>, vector<16xi32>,
      %get3A_895 = arith.constant 336 : index
      %get3A_896 = tpu.vector_load %arg10[%get3A_895] {strides = array<i32>} : memref<1024xi32, #tpu.memory_space<vmem>>, vector<16xi32>,
      %get3A_897 = vector.shape_cast %get3A_896 : vector<16xi32> to vector<16xi32>
      %swap3A_898 = arith.constant 80 : index
      %swap3A_899 = tpu.vector_load %arg11[%swap3A_898] {strides = array<i32>} : memref<128xi32, #tpu.memory_space<vmem>>, vector<16xi32>,
      %swap3A_900 = vector.shape_cast %swap3A_899 : vector<16xi32> to vector<16xi32>
      %swap3A_901 = vector.shape_cast %get3A_897 : vector<16xi32> to vector<16xi32>
      tpu.vector_store %arg11[%swap3A_898], %swap3A_901 {strides = array<i32>} : memref<128xi32, #tpu.memory_space<vmem>>, vector<16xi32>,
      %get3A_902 = arith.constant 352 : index
      %get3A_903 = tpu.vector_load %arg10[%get3A_902] {strides = array<i32>} : memref<1024xi32, #tpu.memory_space<vmem>>, vector<16xi32>,
      %get3A_904 = vector.shape_cast %get3A_903 : vector<16xi32> to vector<16xi32>
      %swap3A_905 = arith.constant 96 : index
      %swap3A_906 = tpu.vector_load %arg11[%swap3A_905] {strides = array<i32>} : memref<128xi32, #tpu.memory_space<vmem>>, vector<16xi32>,
      %swap3A_907 = vector.shape_cast %swap3A_906 : vector<16xi32> to vector<16xi32>
      %swap3A_908 = vector.shape_cast %get3A_904 : vector<16xi32> to vector<16xi32>
      tpu.vector_store %arg11[%swap3A_905], %swap3A_908 {strides = array<i32>} : memref<128xi32, #tpu.memory_space<vmem>>, vector<16xi32>,
      %get3A_909 = arith.constant 368 : index
      %get3A_910 = tpu.vector_load %arg10[%get3A_909] {strides = array<i32>} : memref<1024xi32, #tpu.memory_space<vmem>>, vector<16xi32>,
      %get3A_911 = vector.shape_cast %get3A_910 : vector<16xi32> to vector<16xi32>
      %swap3A_912 = arith.constant 112 : index
      %swap3A_913 = tpu.vector_load %arg11[%swap3A_912] {strides = array<i32>} : memref<128xi32, #tpu.memory_space<vmem>>, vector<16xi32>,
      %swap3A_914 = vector.shape_cast %swap3A_913 : vector<16xi32> to vector<16xi32>
      %swap3A_915 = vector.shape_cast %get3A_911 : vector<16xi32> to vector<16xi32>
      tpu.vector_store %arg11[%swap3A_912], %swap3A_915 {strides = array<i32>} : memref<128xi32, #tpu.memory_space<vmem>>, vector<16xi32>,
      %dma_start3A_916 = arith.constant 256 : i32
      %dma_start3A_917 = tpu.memref_slice %arg8[%dma_start3A_916] : memref<1024xi32, #tpu.memory_space<vmem>> -> memref<128xi32, #tpu.memory_space<vmem>>
      %dma_start3A_918 = arith.constant 0 : i32
      %dma_start3A_919 = arith.constant 0 : i32
      %dma_start3A_920 = tpu.memref_slice %arg2[%dma_start3A_918, %dma_start3A_919] : memref<100000x32xf32, #tpu.memory_space<hbm>> -> memref<100000x32xf32, #tpu.memory_space<hbm>>
      tpu.enqueue_indirect_dma source(%dma_start3A_920 : memref<100000x32xf32, #tpu.memory_space<hbm>>) target(%arg13 : memref<128x32xf32, #tpu.memory_space<vmem>>) offsets(%dma_start3A_917 : memref<128xi32, #tpu.memory_space<vmem>>) semaphore(%arg20 : memref<!tpu.dma_semaphore, #tpu.memory_space<semaphore_mem>>)
      %mul3A_921 = arith.constant 2 : i32
      %mul3A_922 = arith.muli %mul3A_921, %scan3A_144 : i32
      %add3A_923 = arith.constant 1 : i32
      %add3A_924 = arith.addi %mul3A_922, %add3A_923 : i32
      %dma_wait3A_925 = arith.constant 0 : i32
      %dma_wait3A_926 = tpu.memref_slice %arg7[%dma_wait3A_925] : memref<1024xi32, #tpu.memory_space<vmem>> -> memref<128xi32, #tpu.memory_space<vmem>>
      %dma_wait3A_927 = arith.constant 0 : i32
      %dma_wait3A_928 = arith.constant 0 : i32
      %dma_wait3A_929 = tpu.memref_slice %arg2[%dma_wait3A_927, %dma_wait3A_928] : memref<100000x32xf32, #tpu.memory_space<hbm>> -> memref<100000x32xf32, #tpu.memory_space<hbm>>
      tpu.wait_indirect_dma semaphore(%arg20 : memref<!tpu.dma_semaphore, #tpu.memory_space<semaphore_mem>>) src(%dma_wait3A_929 : memref<100000x32xf32, #tpu.memory_space<hbm>>) dst(%arg13 : memref<128x32xf32, #tpu.memory_space<vmem>>)
      %dma_start3A_930 = arith.constant 0 : i32
      %dma_start3A_931 = arith.constant 0 : i32
      %dma_start3A_932 = tpu.memref_slice %arg15[%dma_start3A_930, %dma_start3A_931] : memref<50016x32xf32, #tpu.memory_space<vmem_shared>> -> memref<50016x32xf32, #tpu.memory_space<vmem_shared>>
      tpu.enqueue_indirect_dma source(%arg13 : memref<128x32xf32, #tpu.memory_space<vmem>>) target(%dma_start3A_932 : memref<50016x32xf32, #tpu.memory_space<vmem_shared>>) offsets(%arg11 : memref<128xi32, #tpu.memory_space<vmem>>) semaphore(%arg22 : memref<!tpu.dma_semaphore, #tpu.memory_space<semaphore_mem>>) {add = true}
      %dma_wait3A_933 = arith.constant 0 : i32
      %dma_wait3A_934 = arith.constant 0 : i32
      %dma_wait3A_935 = tpu.memref_slice %arg15[%dma_wait3A_933, %dma_wait3A_934] : memref<50016x32xf32, #tpu.memory_space<vmem_shared>> -> memref<50016x32xf32, #tpu.memory_space<vmem_shared>>
      tpu.wait_indirect_dma semaphore(%arg23 : memref<!tpu.dma_semaphore, #tpu.memory_space<semaphore_mem>>) src(%arg14 : memref<128x32xf32, #tpu.memory_space<vmem>>) dst(%dma_wait3A_935 : memref<50016x32xf32, #tpu.memory_space<vmem_shared>>)
      %get3A_936 = arith.constant 384 : index
      %get3A_937 = tpu.vector_load %arg10[%get3A_936] {strides = array<i32>} : memref<1024xi32, #tpu.memory_space<vmem>>, vector<16xi32>,
      %get3A_938 = vector.shape_cast %get3A_937 : vector<16xi32> to vector<16xi32>
      %swap3A_939 = arith.constant 0 : index
      %swap3A_940 = tpu.vector_load %arg12[%swap3A_939] {strides = array<i32>} : memref<128xi32, #tpu.memory_space<vmem>>, vector<16xi32>,
      %swap3A_941 = vector.shape_cast %swap3A_940 : vector<16xi32> to vector<16xi32>
      %swap3A_942 = vector.shape_cast %get3A_938 : vector<16xi32> to vector<16xi32>
      tpu.vector_store %arg12[%swap3A_939], %swap3A_942 {strides = array<i32>} : memref<128xi32, #tpu.memory_space<vmem>>, vector<16xi32>,
      %get3A_943 = arith.constant 400 : index
      %get3A_944 = tpu.vector_load %arg10[%get3A_943] {strides = array<i32>} : memref<1024xi32, #tpu.memory_space<vmem>>, vector<16xi32>,
      %get3A_945 = vector.shape_cast %get3A_944 : vector<16xi32> to vector<16xi32>
      %swap3A_946 = arith.constant 16 : index
      %swap3A_947 = tpu.vector_load %arg12[%swap3A_946] {strides = array<i32>} : memref<128xi32, #tpu.memory_space<vmem>>, vector<16xi32>,
      %swap3A_948 = vector.shape_cast %swap3A_947 : vector<16xi32> to vector<16xi32>
      %swap3A_949 = vector.shape_cast %get3A_945 : vector<16xi32> to vector<16xi32>
      tpu.vector_store %arg12[%swap3A_946], %swap3A_949 {strides = array<i32>} : memref<128xi32, #tpu.memory_space<vmem>>, vector<16xi32>,
      %get3A_950 = arith.constant 416 : index
      %get3A_951 = tpu.vector_load %arg10[%get3A_950] {strides = array<i32>} : memref<1024xi32, #tpu.memory_space<vmem>>, vector<16xi32>,
      %get3A_952 = vector.shape_cast %get3A_951 : vector<16xi32> to vector<16xi32>
      %swap3A_953 = arith.constant 32 : index
      %swap3A_954 = tpu.vector_load %arg12[%swap3A_953] {strides = array<i32>} : memref<128xi32, #tpu.memory_space<vmem>>, vector<16xi32>,
      %swap3A_955 = vector.shape_cast %swap3A_954 : vector<16xi32> to vector<16xi32>
      %swap3A_956 = vector.shape_cast %get3A_952 : vector<16xi32> to vector<16xi32>
      tpu.vector_store %arg12[%swap3A_953], %swap3A_956 {strides = array<i32>} : memref<128xi32, #tpu.memory_space<vmem>>, vector<16xi32>,
      %get3A_957 = arith.constant 432 : index
      %get3A_958 = tpu.vector_load %arg10[%get3A_957] {strides = array<i32>} : memref<1024xi32, #tpu.memory_space<vmem>>, vector<16xi32>,
      %get3A_959 = vector.shape_cast %get3A_958 : vector<16xi32> to vector<16xi32>
      %swap3A_960 = arith.constant 48 : index
      %swap3A_961 = tpu.vector_load %arg12[%swap3A_960] {strides = array<i32>} : memref<128xi32, #tpu.memory_space<vmem>>, vector<16xi32>,
      %swap3A_962 = vector.shape_cast %swap3A_961 : vector<16xi32> to vector<16xi32>
      %swap3A_963 = vector.shape_cast %get3A_959 : vector<16xi32> to vector<16xi32>
      tpu.vector_store %arg12[%swap3A_960], %swap3A_963 {strides = array<i32>} : memref<128xi32, #tpu.memory_space<vmem>>, vector<16xi32>,
      %get3A_964 = arith.constant 448 : index
      %get3A_965 = tpu.vector_load %arg10[%get3A_964] {strides = array<i32>} : memref<1024xi32, #tpu.memory_space<vmem>>, vector<16xi32>,
      %get3A_966 = vector.shape_cast %get3A_965 : vector<16xi32> to vector<16xi32>
      %swap3A_967 = arith.constant 64 : index
      %swap3A_968 = tpu.vector_load %arg12[%swap3A_967] {strides = array<i32>} : memref<128xi32, #tpu.memory_space<vmem>>, vector<16xi32>,
      %swap3A_969 = vector.shape_cast %swap3A_968 : vector<16xi32> to vector<16xi32>
      %swap3A_970 = vector.shape_cast %get3A_966 : vector<16xi32> to vector<16xi32>
      tpu.vector_store %arg12[%swap3A_967], %swap3A_970 {strides = array<i32>} : memref<128xi32, #tpu.memory_space<vmem>>, vector<16xi32>,
      %get3A_971 = arith.constant 464 : index
      %get3A_972 = tpu.vector_load %arg10[%get3A_971] {strides = array<i32>} : memref<1024xi32, #tpu.memory_space<vmem>>, vector<16xi32>,
      %get3A_973 = vector.shape_cast %get3A_972 : vector<16xi32> to vector<16xi32>
      %swap3A_974 = arith.constant 80 : index
      %swap3A_975 = tpu.vector_load %arg12[%swap3A_974] {strides = array<i32>} : memref<128xi32, #tpu.memory_space<vmem>>, vector<16xi32>,
      %swap3A_976 = vector.shape_cast %swap3A_975 : vector<16xi32> to vector<16xi32>
      %swap3A_977 = vector.shape_cast %get3A_973 : vector<16xi32> to vector<16xi32>
      tpu.vector_store %arg12[%swap3A_974], %swap3A_977 {strides = array<i32>} : memref<128xi32, #tpu.memory_space<vmem>>, vector<16xi32>,
      %get3A_978 = arith.constant 480 : index
      %get3A_979 = tpu.vector_load %arg10[%get3A_978] {strides = array<i32>} : memref<1024xi32, #tpu.memory_space<vmem>>, vector<16xi32>,
      %get3A_980 = vector.shape_cast %get3A_979 : vector<16xi32> to vector<16xi32>
      %swap3A_981 = arith.constant 96 : index
      %swap3A_982 = tpu.vector_load %arg12[%swap3A_981] {strides = array<i32>} : memref<128xi32, #tpu.memory_space<vmem>>, vector<16xi32>,
      %swap3A_983 = vector.shape_cast %swap3A_982 : vector<16xi32> to vector<16xi32>
      %swap3A_984 = vector.shape_cast %get3A_980 : vector<16xi32> to vector<16xi32>
      tpu.vector_store %arg12[%swap3A_981], %swap3A_984 {strides = array<i32>} : memref<128xi32, #tpu.memory_space<vmem>>, vector<16xi32>,
      %get3A_985 = arith.constant 496 : index
      %get3A_986 = tpu.vector_load %arg10[%get3A_985] {strides = array<i32>} : memref<1024xi32, #tpu.memory_space<vmem>>, vector<16xi32>,
      %get3A_987 = vector.shape_cast %get3A_986 : vector<16xi32> to vector<16xi32>
      %swap3A_988 = arith.constant 112 : index
      %swap3A_989 = tpu.vector_load %arg12[%swap3A_988] {strides = array<i32>} : memref<128xi32, #tpu.memory_space<vmem>>, vector<16xi32>,
      %swap3A_990 = vector.shape_cast %swap3A_989 : vector<16xi32> to vector<16xi32>
      %swap3A_991 = vector.shape_cast %get3A_987 : vector<16xi32> to vector<16xi32>
      tpu.vector_store %arg12[%swap3A_988], %swap3A_991 {strides = array<i32>} : memref<128xi32, #tpu.memory_space<vmem>>, vector<16xi32>,
      %dma_start3A_992 = arith.constant 384 : i32
      %dma_start3A_993 = tpu.memref_slice %arg8[%dma_start3A_992] : memref<1024xi32, #tpu.memory_space<vmem>> -> memref<128xi32, #tpu.memory_space<vmem>>
      %dma_start3A_994 = arith.constant 0 : i32
      %dma_start3A_995 = arith.constant 0 : i32
      %dma_start3A_996 = tpu.memref_slice %arg2[%dma_start3A_994, %dma_start3A_995] : memref<100000x32xf32, #tpu.memory_space<hbm>> -> memref<100000x32xf32, #tpu.memory_space<hbm>>
      tpu.enqueue_indirect_dma source(%dma_start3A_996 : memref<100000x32xf32, #tpu.memory_space<hbm>>) target(%arg14 : memref<128x32xf32, #tpu.memory_space<vmem>>) offsets(%dma_start3A_993 : memref<128xi32, #tpu.memory_space<vmem>>) semaphore(%arg21 : memref<!tpu.dma_semaphore, #tpu.memory_space<semaphore_mem>>)
      %mul3A_997 = arith.constant 2 : i32
      %mul3A_998 = arith.muli %mul3A_997, %scan3A_144 : i32
      %add3A_999 = arith.constant 1 : i32
      %add3A_1000 = arith.addi %mul3A_998, %add3A_999 : i32
      %dma_wait3A_1001 = arith.constant 0 : i32
      %dma_wait3A_1002 = tpu.memref_slice %arg7[%dma_wait3A_1001] : memref<1024xi32, #tpu.memory_space<vmem>> -> memref<128xi32, #tpu.memory_space<vmem>>
      %dma_wait3A_1003 = arith.constant 0 : i32
      %dma_wait3A_1004 = arith.constant 0 : i32
      %dma_wait3A_1005 = tpu.memref_slice %arg2[%dma_wait3A_1003, %dma_wait3A_1004] : memref<100000x32xf32, #tpu.memory_space<hbm>> -> memref<100000x32xf32, #tpu.memory_space<hbm>>
      tpu.wait_indirect_dma semaphore(%arg21 : memref<!tpu.dma_semaphore, #tpu.memory_space<semaphore_mem>>) src(%dma_wait3A_1005 : memref<100000x32xf32, #tpu.memory_space<hbm>>) dst(%arg14 : memref<128x32xf32, #tpu.memory_space<vmem>>)
      %dma_start3A_1006 = arith.constant 0 : i32
      %dma_start3A_1007 = arith.constant 0 : i32
      %dma_start3A_1008 = tpu.memref_slice %arg15[%dma_start3A_1006, %dma_start3A_1007] : memref<50016x32xf32, #tpu.memory_space<vmem_shared>> -> memref<50016x32xf32, #tpu.memory_space<vmem_shared>>
      tpu.enqueue_indirect_dma source(%arg14 : memref<128x32xf32, #tpu.memory_space<vmem>>) target(%dma_start3A_1008 : memref<50016x32xf32, #tpu.memory_space<vmem_shared>>) offsets(%arg12 : memref<128xi32, #tpu.memory_space<vmem>>) semaphore(%arg23 : memref<!tpu.dma_semaphore, #tpu.memory_space<semaphore_mem>>) {add = true}
      %dma_wait3A_1009 = arith.constant 0 : i32
      %dma_wait3A_1010 = arith.constant 0 : i32
      %dma_wait3A_1011 = tpu.memref_slice %arg15[%dma_wait3A_1009, %dma_wait3A_1010] : memref<50016x32xf32, #tpu.memory_space<vmem_shared>> -> memref<50016x32xf32, #tpu.memory_space<vmem_shared>>
      tpu.wait_indirect_dma semaphore(%arg22 : memref<!tpu.dma_semaphore, #tpu.memory_space<semaphore_mem>>) src(%arg13 : memref<128x32xf32, #tpu.memory_space<vmem>>) dst(%dma_wait3A_1011 : memref<50016x32xf32, #tpu.memory_space<vmem_shared>>)
      %get3A_1012 = arith.constant 512 : index
      %get3A_1013 = tpu.vector_load %arg10[%get3A_1012] {strides = array<i32>} : memref<1024xi32, #tpu.memory_space<vmem>>, vector<16xi32>,
      %get3A_1014 = vector.shape_cast %get3A_1013 : vector<16xi32> to vector<16xi32>
      %swap3A_1015 = arith.constant 0 : index
      %swap3A_1016 = tpu.vector_load %arg11[%swap3A_1015] {strides = array<i32>} : memref<128xi32, #tpu.memory_space<vmem>>, vector<16xi32>,
      %swap3A_1017 = vector.shape_cast %swap3A_1016 : vector<16xi32> to vector<16xi32>
      %swap3A_1018 = vector.shape_cast %get3A_1014 : vector<16xi32> to vector<16xi32>
      tpu.vector_store %arg11[%swap3A_1015], %swap3A_1018 {strides = array<i32>} : memref<128xi32, #tpu.memory_space<vmem>>, vector<16xi32>,
      %get3A_1019 = arith.constant 528 : index
      %get3A_1020 = tpu.vector_load %arg10[%get3A_1019] {strides = array<i32>} : memref<1024xi32, #tpu.memory_space<vmem>>, vector<16xi32>,
      %get3A_1021 = vector.shape_cast %get3A_1020 : vector<16xi32> to vector<16xi32>
      %swap3A_1022 = arith.constant 16 : index
      %swap3A_1023 = tpu.vector_load %arg11[%swap3A_1022] {strides = array<i32>} : memref<128xi32, #tpu.memory_space<vmem>>, vector<16xi32>,
      %swap3A_1024 = vector.shape_cast %swap3A_1023 : vector<16xi32> to vector<16xi32>
      %swap3A_1025 = vector.shape_cast %get3A_1021 : vector<16xi32> to vector<16xi32>
      tpu.vector_store %arg11[%swap3A_1022], %swap3A_1025 {strides = array<i32>} : memref<128xi32, #tpu.memory_space<vmem>>, vector<16xi32>,
      %get3A_1026 = arith.constant 544 : index
      %get3A_1027 = tpu.vector_load %arg10[%get3A_1026] {strides = array<i32>} : memref<1024xi32, #tpu.memory_space<vmem>>, vector<16xi32>,
      %get3A_1028 = vector.shape_cast %get3A_1027 : vector<16xi32> to vector<16xi32>
      %swap3A_1029 = arith.constant 32 : index
      %swap3A_1030 = tpu.vector_load %arg11[%swap3A_1029] {strides = array<i32>} : memref<128xi32, #tpu.memory_space<vmem>>, vector<16xi32>,
      %swap3A_1031 = vector.shape_cast %swap3A_1030 : vector<16xi32> to vector<16xi32>
      %swap3A_1032 = vector.shape_cast %get3A_1028 : vector<16xi32> to vector<16xi32>
      tpu.vector_store %arg11[%swap3A_1029], %swap3A_1032 {strides = array<i32>} : memref<128xi32, #tpu.memory_space<vmem>>, vector<16xi32>,
      %get3A_1033 = arith.constant 560 : index
      %get3A_1034 = tpu.vector_load %arg10[%get3A_1033] {strides = array<i32>} : memref<1024xi32, #tpu.memory_space<vmem>>, vector<16xi32>,
      %get3A_1035 = vector.shape_cast %get3A_1034 : vector<16xi32> to vector<16xi32>
      %swap3A_1036 = arith.constant 48 : index
      %swap3A_1037 = tpu.vector_load %arg11[%swap3A_1036] {strides = array<i32>} : memref<128xi32, #tpu.memory_space<vmem>>, vector<16xi32>,
      %swap3A_1038 = vector.shape_cast %swap3A_1037 : vector<16xi32> to vector<16xi32>
      %swap3A_1039 = vector.shape_cast %get3A_1035 : vector<16xi32> to vector<16xi32>
      tpu.vector_store %arg11[%swap3A_1036], %swap3A_1039 {strides = array<i32>} : memref<128xi32, #tpu.memory_space<vmem>>, vector<16xi32>,
      %get3A_1040 = arith.constant 576 : index
      %get3A_1041 = tpu.vector_load %arg10[%get3A_1040] {strides = array<i32>} : memref<1024xi32, #tpu.memory_space<vmem>>, vector<16xi32>,
      %get3A_1042 = vector.shape_cast %get3A_1041 : vector<16xi32> to vector<16xi32>
      %swap3A_1043 = arith.constant 64 : index
      %swap3A_1044 = tpu.vector_load %arg11[%swap3A_1043] {strides = array<i32>} : memref<128xi32, #tpu.memory_space<vmem>>, vector<16xi32>,
      %swap3A_1045 = vector.shape_cast %swap3A_1044 : vector<16xi32> to vector<16xi32>
      %swap3A_1046 = vector.shape_cast %get3A_1042 : vector<16xi32> to vector<16xi32>
      tpu.vector_store %arg11[%swap3A_1043], %swap3A_1046 {strides = array<i32>} : memref<128xi32, #tpu.memory_space<vmem>>, vector<16xi32>,
      %get3A_1047 = arith.constant 592 : index
      %get3A_1048 = tpu.vector_load %arg10[%get3A_1047] {strides = array<i32>} : memref<1024xi32, #tpu.memory_space<vmem>>, vector<16xi32>,
      %get3A_1049 = vector.shape_cast %get3A_1048 : vector<16xi32> to vector<16xi32>
      %swap3A_1050 = arith.constant 80 : index
      %swap3A_1051 = tpu.vector_load %arg11[%swap3A_1050] {strides = array<i32>} : memref<128xi32, #tpu.memory_space<vmem>>, vector<16xi32>,
      %swap3A_1052 = vector.shape_cast %swap3A_1051 : vector<16xi32> to vector<16xi32>
      %swap3A_1053 = vector.shape_cast %get3A_1049 : vector<16xi32> to vector<16xi32>
      tpu.vector_store %arg11[%swap3A_1050], %swap3A_1053 {strides = array<i32>} : memref<128xi32, #tpu.memory_space<vmem>>, vector<16xi32>,
      %get3A_1054 = arith.constant 608 : index
      %get3A_1055 = tpu.vector_load %arg10[%get3A_1054] {strides = array<i32>} : memref<1024xi32, #tpu.memory_space<vmem>>, vector<16xi32>,
      %get3A_1056 = vector.shape_cast %get3A_1055 : vector<16xi32> to vector<16xi32>
      %swap3A_1057 = arith.constant 96 : index
      %swap3A_1058 = tpu.vector_load %arg11[%swap3A_1057] {strides = array<i32>} : memref<128xi32, #tpu.memory_space<vmem>>, vector<16xi32>,
      %swap3A_1059 = vector.shape_cast %swap3A_1058 : vector<16xi32> to vector<16xi32>
      %swap3A_1060 = vector.shape_cast %get3A_1056 : vector<16xi32> to vector<16xi32>
      tpu.vector_store %arg11[%swap3A_1057], %swap3A_1060 {strides = array<i32>} : memref<128xi32, #tpu.memory_space<vmem>>, vector<16xi32>,
      %get3A_1061 = arith.constant 624 : index
      %get3A_1062 = tpu.vector_load %arg10[%get3A_1061] {strides = array<i32>} : memref<1024xi32, #tpu.memory_space<vmem>>, vector<16xi32>,
      %get3A_1063 = vector.shape_cast %get3A_1062 : vector<16xi32> to vector<16xi32>
      %swap3A_1064 = arith.constant 112 : index
      %swap3A_1065 = tpu.vector_load %arg11[%swap3A_1064] {strides = array<i32>} : memref<128xi32, #tpu.memory_space<vmem>>, vector<16xi32>,
      %swap3A_1066 = vector.shape_cast %swap3A_1065 : vector<16xi32> to vector<16xi32>
      %swap3A_1067 = vector.shape_cast %get3A_1063 : vector<16xi32> to vector<16xi32>
      tpu.vector_store %arg11[%swap3A_1064], %swap3A_1067 {strides = array<i32>} : memref<128xi32, #tpu.memory_space<vmem>>, vector<16xi32>,
      %dma_start3A_1068 = arith.constant 512 : i32
      %dma_start3A_1069 = tpu.memref_slice %arg8[%dma_start3A_1068] : memref<1024xi32, #tpu.memory_space<vmem>> -> memref<128xi32, #tpu.memory_space<vmem>>
      %dma_start3A_1070 = arith.constant 0 : i32
      %dma_start3A_1071 = arith.constant 0 : i32
      %dma_start3A_1072 = tpu.memref_slice %arg2[%dma_start3A_1070, %dma_start3A_1071] : memref<100000x32xf32, #tpu.memory_space<hbm>> -> memref<100000x32xf32, #tpu.memory_space<hbm>>
      tpu.enqueue_indirect_dma source(%dma_start3A_1072 : memref<100000x32xf32, #tpu.memory_space<hbm>>) target(%arg13 : memref<128x32xf32, #tpu.memory_space<vmem>>) offsets(%dma_start3A_1069 : memref<128xi32, #tpu.memory_space<vmem>>) semaphore(%arg20 : memref<!tpu.dma_semaphore, #tpu.memory_space<semaphore_mem>>)
      %mul3A_1073 = arith.constant 2 : i32
      %mul3A_1074 = arith.muli %mul3A_1073, %scan3A_144 : i32
      %add3A_1075 = arith.constant 1 : i32
      %add3A_1076 = arith.addi %mul3A_1074, %add3A_1075 : i32
      %dma_wait3A_1077 = arith.constant 0 : i32
      %dma_wait3A_1078 = tpu.memref_slice %arg7[%dma_wait3A_1077] : memref<1024xi32, #tpu.memory_space<vmem>> -> memref<128xi32, #tpu.memory_space<vmem>>
      %dma_wait3A_1079 = arith.constant 0 : i32
      %dma_wait3A_1080 = arith.constant 0 : i32
      %dma_wait3A_1081 = tpu.memref_slice %arg2[%dma_wait3A_1079, %dma_wait3A_1080] : memref<100000x32xf32, #tpu.memory_space<hbm>> -> memref<100000x32xf32, #tpu.memory_space<hbm>>
      tpu.wait_indirect_dma semaphore(%arg20 : memref<!tpu.dma_semaphore, #tpu.memory_space<semaphore_mem>>) src(%dma_wait3A_1081 : memref<100000x32xf32, #tpu.memory_space<hbm>>) dst(%arg13 : memref<128x32xf32, #tpu.memory_space<vmem>>)
      %dma_start3A_1082 = arith.constant 0 : i32
      %dma_start3A_1083 = arith.constant 0 : i32
      %dma_start3A_1084 = tpu.memref_slice %arg15[%dma_start3A_1082, %dma_start3A_1083] : memref<50016x32xf32, #tpu.memory_space<vmem_shared>> -> memref<50016x32xf32, #tpu.memory_space<vmem_shared>>
      tpu.enqueue_indirect_dma source(%arg13 : memref<128x32xf32, #tpu.memory_space<vmem>>) target(%dma_start3A_1084 : memref<50016x32xf32, #tpu.memory_space<vmem_shared>>) offsets(%arg11 : memref<128xi32, #tpu.memory_space<vmem>>) semaphore(%arg22 : memref<!tpu.dma_semaphore, #tpu.memory_space<semaphore_mem>>) {add = true}
      %dma_wait3A_1085 = arith.constant 0 : i32
      %dma_wait3A_1086 = arith.constant 0 : i32
      %dma_wait3A_1087 = tpu.memref_slice %arg15[%dma_wait3A_1085, %dma_wait3A_1086] : memref<50016x32xf32, #tpu.memory_space<vmem_shared>> -> memref<50016x32xf32, #tpu.memory_space<vmem_shared>>
      tpu.wait_indirect_dma semaphore(%arg23 : memref<!tpu.dma_semaphore, #tpu.memory_space<semaphore_mem>>) src(%arg14 : memref<128x32xf32, #tpu.memory_space<vmem>>) dst(%dma_wait3A_1087 : memref<50016x32xf32, #tpu.memory_space<vmem_shared>>)
      %get3A_1088 = arith.constant 640 : index
      %get3A_1089 = tpu.vector_load %arg10[%get3A_1088] {strides = array<i32>} : memref<1024xi32, #tpu.memory_space<vmem>>, vector<16xi32>,
      %get3A_1090 = vector.shape_cast %get3A_1089 : vector<16xi32> to vector<16xi32>
      %swap3A_1091 = arith.constant 0 : index
      %swap3A_1092 = tpu.vector_load %arg12[%swap3A_1091] {strides = array<i32>} : memref<128xi32, #tpu.memory_space<vmem>>, vector<16xi32>,
      %swap3A_1093 = vector.shape_cast %swap3A_1092 : vector<16xi32> to vector<16xi32>
      %swap3A_1094 = vector.shape_cast %get3A_1090 : vector<16xi32> to vector<16xi32>
      tpu.vector_store %arg12[%swap3A_1091], %swap3A_1094 {strides = array<i32>} : memref<128xi32, #tpu.memory_space<vmem>>, vector<16xi32>,
      %get3A_1095 = arith.constant 656 : index
      %get3A_1096 = tpu.vector_load %arg10[%get3A_1095] {strides = array<i32>} : memref<1024xi32, #tpu.memory_space<vmem>>, vector<16xi32>,
      %get3A_1097 = vector.shape_cast %get3A_1096 : vector<16xi32> to vector<16xi32>
      %swap3A_1098 = arith.constant 16 : index
      %swap3A_1099 = tpu.vector_load %arg12[%swap3A_1098] {strides = array<i32>} : memref<128xi32, #tpu.memory_space<vmem>>, vector<16xi32>,
      %swap3A_1100 = vector.shape_cast %swap3A_1099 : vector<16xi32> to vector<16xi32>
      %swap3A_1101 = vector.shape_cast %get3A_1097 : vector<16xi32> to vector<16xi32>
      tpu.vector_store %arg12[%swap3A_1098], %swap3A_1101 {strides = array<i32>} : memref<128xi32, #tpu.memory_space<vmem>>, vector<16xi32>,
      %get3A_1102 = arith.constant 672 : index
      %get3A_1103 = tpu.vector_load %arg10[%get3A_1102] {strides = array<i32>} : memref<1024xi32, #tpu.memory_space<vmem>>, vector<16xi32>,
      %get3A_1104 = vector.shape_cast %get3A_1103 : vector<16xi32> to vector<16xi32>
      %swap3A_1105 = arith.constant 32 : index
      %swap3A_1106 = tpu.vector_load %arg12[%swap3A_1105] {strides = array<i32>} : memref<128xi32, #tpu.memory_space<vmem>>, vector<16xi32>,
      %swap3A_1107 = vector.shape_cast %swap3A_1106 : vector<16xi32> to vector<16xi32>
      %swap3A_1108 = vector.shape_cast %get3A_1104 : vector<16xi32> to vector<16xi32>
      tpu.vector_store %arg12[%swap3A_1105], %swap3A_1108 {strides = array<i32>} : memref<128xi32, #tpu.memory_space<vmem>>, vector<16xi32>,
      %get3A_1109 = arith.constant 688 : index
      %get3A_1110 = tpu.vector_load %arg10[%get3A_1109] {strides = array<i32>} : memref<1024xi32, #tpu.memory_space<vmem>>, vector<16xi32>,
      %get3A_1111 = vector.shape_cast %get3A_1110 : vector<16xi32> to vector<16xi32>
      %swap3A_1112 = arith.constant 48 : index
      %swap3A_1113 = tpu.vector_load %arg12[%swap3A_1112] {strides = array<i32>} : memref<128xi32, #tpu.memory_space<vmem>>, vector<16xi32>,
      %swap3A_1114 = vector.shape_cast %swap3A_1113 : vector<16xi32> to vector<16xi32>
      %swap3A_1115 = vector.shape_cast %get3A_1111 : vector<16xi32> to vector<16xi32>
      tpu.vector_store %arg12[%swap3A_1112], %swap3A_1115 {strides = array<i32>} : memref<128xi32, #tpu.memory_space<vmem>>, vector<16xi32>,
      %get3A_1116 = arith.constant 704 : index
      %get3A_1117 = tpu.vector_load %arg10[%get3A_1116] {strides = array<i32>} : memref<1024xi32, #tpu.memory_space<vmem>>, vector<16xi32>,
      %get3A_1118 = vector.shape_cast %get3A_1117 : vector<16xi32> to vector<16xi32>
      %swap3A_1119 = arith.constant 64 : index
      %swap3A_1120 = tpu.vector_load %arg12[%swap3A_1119] {strides = array<i32>} : memref<128xi32, #tpu.memory_space<vmem>>, vector<16xi32>,
      %swap3A_1121 = vector.shape_cast %swap3A_1120 : vector<16xi32> to vector<16xi32>
      %swap3A_1122 = vector.shape_cast %get3A_1118 : vector<16xi32> to vector<16xi32>
      tpu.vector_store %arg12[%swap3A_1119], %swap3A_1122 {strides = array<i32>} : memref<128xi32, #tpu.memory_space<vmem>>, vector<16xi32>,
      %get3A_1123 = arith.constant 720 : index
      %get3A_1124 = tpu.vector_load %arg10[%get3A_1123] {strides = array<i32>} : memref<1024xi32, #tpu.memory_space<vmem>>, vector<16xi32>,
      %get3A_1125 = vector.shape_cast %get3A_1124 : vector<16xi32> to vector<16xi32>
      %swap3A_1126 = arith.constant 80 : index
      %swap3A_1127 = tpu.vector_load %arg12[%swap3A_1126] {strides = array<i32>} : memref<128xi32, #tpu.memory_space<vmem>>, vector<16xi32>,
      %swap3A_1128 = vector.shape_cast %swap3A_1127 : vector<16xi32> to vector<16xi32>
      %swap3A_1129 = vector.shape_cast %get3A_1125 : vector<16xi32> to vector<16xi32>
      tpu.vector_store %arg12[%swap3A_1126], %swap3A_1129 {strides = array<i32>} : memref<128xi32, #tpu.memory_space<vmem>>, vector<16xi32>,
      %get3A_1130 = arith.constant 736 : index
      %get3A_1131 = tpu.vector_load %arg10[%get3A_1130] {strides = array<i32>} : memref<1024xi32, #tpu.memory_space<vmem>>, vector<16xi32>,
      %get3A_1132 = vector.shape_cast %get3A_1131 : vector<16xi32> to vector<16xi32>
      %swap3A_1133 = arith.constant 96 : index
      %swap3A_1134 = tpu.vector_load %arg12[%swap3A_1133] {strides = array<i32>} : memref<128xi32, #tpu.memory_space<vmem>>, vector<16xi32>,
      %swap3A_1135 = vector.shape_cast %swap3A_1134 : vector<16xi32> to vector<16xi32>
      %swap3A_1136 = vector.shape_cast %get3A_1132 : vector<16xi32> to vector<16xi32>
      tpu.vector_store %arg12[%swap3A_1133], %swap3A_1136 {strides = array<i32>} : memref<128xi32, #tpu.memory_space<vmem>>, vector<16xi32>,
      %get3A_1137 = arith.constant 752 : index
      %get3A_1138 = tpu.vector_load %arg10[%get3A_1137] {strides = array<i32>} : memref<1024xi32, #tpu.memory_space<vmem>>, vector<16xi32>,
      %get3A_1139 = vector.shape_cast %get3A_1138 : vector<16xi32> to vector<16xi32>
      %swap3A_1140 = arith.constant 112 : index
      %swap3A_1141 = tpu.vector_load %arg12[%swap3A_1140] {strides = array<i32>} : memref<128xi32, #tpu.memory_space<vmem>>, vector<16xi32>,
      %swap3A_1142 = vector.shape_cast %swap3A_1141 : vector<16xi32> to vector<16xi32>
      %swap3A_1143 = vector.shape_cast %get3A_1139 : vector<16xi32> to vector<16xi32>
      tpu.vector_store %arg12[%swap3A_1140], %swap3A_1143 {strides = array<i32>} : memref<128xi32, #tpu.memory_space<vmem>>, vector<16xi32>,
      %dma_start3A_1144 = arith.constant 640 : i32
      %dma_start3A_1145 = tpu.memref_slice %arg8[%dma_start3A_1144] : memref<1024xi32, #tpu.memory_space<vmem>> -> memref<128xi32, #tpu.memory_space<vmem>>
      %dma_start3A_1146 = arith.constant 0 : i32
      %dma_start3A_1147 = arith.constant 0 : i32
      %dma_start3A_1148 = tpu.memref_slice %arg2[%dma_start3A_1146, %dma_start3A_1147] : memref<100000x32xf32, #tpu.memory_space<hbm>> -> memref<100000x32xf32, #tpu.memory_space<hbm>>
      tpu.enqueue_indirect_dma source(%dma_start3A_1148 : memref<100000x32xf32, #tpu.memory_space<hbm>>) target(%arg14 : memref<128x32xf32, #tpu.memory_space<vmem>>) offsets(%dma_start3A_1145 : memref<128xi32, #tpu.memory_space<vmem>>) semaphore(%arg21 : memref<!tpu.dma_semaphore, #tpu.memory_space<semaphore_mem>>)
      %mul3A_1149 = arith.constant 2 : i32
      %mul3A_1150 = arith.muli %mul3A_1149, %scan3A_144 : i32
      %add3A_1151 = arith.constant 1 : i32
      %add3A_1152 = arith.addi %mul3A_1150, %add3A_1151 : i32
      %dma_wait3A_1153 = arith.constant 0 : i32
      %dma_wait3A_1154 = tpu.memref_slice %arg7[%dma_wait3A_1153] : memref<1024xi32, #tpu.memory_space<vmem>> -> memref<128xi32, #tpu.memory_space<vmem>>
      %dma_wait3A_1155 = arith.constant 0 : i32
      %dma_wait3A_1156 = arith.constant 0 : i32
      %dma_wait3A_1157 = tpu.memref_slice %arg2[%dma_wait3A_1155, %dma_wait3A_1156] : memref<100000x32xf32, #tpu.memory_space<hbm>> -> memref<100000x32xf32, #tpu.memory_space<hbm>>
      tpu.wait_indirect_dma semaphore(%arg21 : memref<!tpu.dma_semaphore, #tpu.memory_space<semaphore_mem>>) src(%dma_wait3A_1157 : memref<100000x32xf32, #tpu.memory_space<hbm>>) dst(%arg14 : memref<128x32xf32, #tpu.memory_space<vmem>>)
      %dma_start3A_1158 = arith.constant 0 : i32
      %dma_start3A_1159 = arith.constant 0 : i32
      %dma_start3A_1160 = tpu.memref_slice %arg15[%dma_start3A_1158, %dma_start3A_1159] : memref<50016x32xf32, #tpu.memory_space<vmem_shared>> -> memref<50016x32xf32, #tpu.memory_space<vmem_shared>>
      tpu.enqueue_indirect_dma source(%arg14 : memref<128x32xf32, #tpu.memory_space<vmem>>) target(%dma_start3A_1160 : memref<50016x32xf32, #tpu.memory_space<vmem_shared>>) offsets(%arg12 : memref<128xi32, #tpu.memory_space<vmem>>) semaphore(%arg23 : memref<!tpu.dma_semaphore, #tpu.memory_space<semaphore_mem>>) {add = true}
      %dma_wait3A_1161 = arith.constant 0 : i32
      %dma_wait3A_1162 = arith.constant 0 : i32
      %dma_wait3A_1163 = tpu.memref_slice %arg15[%dma_wait3A_1161, %dma_wait3A_1162] : memref<50016x32xf32, #tpu.memory_space<vmem_shared>> -> memref<50016x32xf32, #tpu.memory_space<vmem_shared>>
      tpu.wait_indirect_dma semaphore(%arg22 : memref<!tpu.dma_semaphore, #tpu.memory_space<semaphore_mem>>) src(%arg13 : memref<128x32xf32, #tpu.memory_space<vmem>>) dst(%dma_wait3A_1163 : memref<50016x32xf32, #tpu.memory_space<vmem_shared>>)
      %get3A_1164 = arith.constant 768 : index
      %get3A_1165 = tpu.vector_load %arg10[%get3A_1164] {strides = array<i32>} : memref<1024xi32, #tpu.memory_space<vmem>>, vector<16xi32>,
      %get3A_1166 = vector.shape_cast %get3A_1165 : vector<16xi32> to vector<16xi32>
      %swap3A_1167 = arith.constant 0 : index
      %swap3A_1168 = tpu.vector_load %arg11[%swap3A_1167] {strides = array<i32>} : memref<128xi32, #tpu.memory_space<vmem>>, vector<16xi32>,
      %swap3A_1169 = vector.shape_cast %swap3A_1168 : vector<16xi32> to vector<16xi32>
      %swap3A_1170 = vector.shape_cast %get3A_1166 : vector<16xi32> to vector<16xi32>
      tpu.vector_store %arg11[%swap3A_1167], %swap3A_1170 {strides = array<i32>} : memref<128xi32, #tpu.memory_space<vmem>>, vector<16xi32>,
      %get3A_1171 = arith.constant 784 : index
      %get3A_1172 = tpu.vector_load %arg10[%get3A_1171] {strides = array<i32>} : memref<1024xi32, #tpu.memory_space<vmem>>, vector<16xi32>,
      %get3A_1173 = vector.shape_cast %get3A_1172 : vector<16xi32> to vector<16xi32>
      %swap3A_1174 = arith.constant 16 : index
      %swap3A_1175 = tpu.vector_load %arg11[%swap3A_1174] {strides = array<i32>} : memref<128xi32, #tpu.memory_space<vmem>>, vector<16xi32>,
      %swap3A_1176 = vector.shape_cast %swap3A_1175 : vector<16xi32> to vector<16xi32>
      %swap3A_1177 = vector.shape_cast %get3A_1173 : vector<16xi32> to vector<16xi32>
      tpu.vector_store %arg11[%swap3A_1174], %swap3A_1177 {strides = array<i32>} : memref<128xi32, #tpu.memory_space<vmem>>, vector<16xi32>,
      %get3A_1178 = arith.constant 800 : index
      %get3A_1179 = tpu.vector_load %arg10[%get3A_1178] {strides = array<i32>} : memref<1024xi32, #tpu.memory_space<vmem>>, vector<16xi32>,
      %get3A_1180 = vector.shape_cast %get3A_1179 : vector<16xi32> to vector<16xi32>
      %swap3A_1181 = arith.constant 32 : index
      %swap3A_1182 = tpu.vector_load %arg11[%swap3A_1181] {strides = array<i32>} : memref<128xi32, #tpu.memory_space<vmem>>, vector<16xi32>,
      %swap3A_1183 = vector.shape_cast %swap3A_1182 : vector<16xi32> to vector<16xi32>
      %swap3A_1184 = vector.shape_cast %get3A_1180 : vector<16xi32> to vector<16xi32>
      tpu.vector_store %arg11[%swap3A_1181], %swap3A_1184 {strides = array<i32>} : memref<128xi32, #tpu.memory_space<vmem>>, vector<16xi32>,
      %get3A_1185 = arith.constant 816 : index
      %get3A_1186 = tpu.vector_load %arg10[%get3A_1185] {strides = array<i32>} : memref<1024xi32, #tpu.memory_space<vmem>>, vector<16xi32>,
      %get3A_1187 = vector.shape_cast %get3A_1186 : vector<16xi32> to vector<16xi32>
      %swap3A_1188 = arith.constant 48 : index
      %swap3A_1189 = tpu.vector_load %arg11[%swap3A_1188] {strides = array<i32>} : memref<128xi32, #tpu.memory_space<vmem>>, vector<16xi32>,
      %swap3A_1190 = vector.shape_cast %swap3A_1189 : vector<16xi32> to vector<16xi32>
      %swap3A_1191 = vector.shape_cast %get3A_1187 : vector<16xi32> to vector<16xi32>
      tpu.vector_store %arg11[%swap3A_1188], %swap3A_1191 {strides = array<i32>} : memref<128xi32, #tpu.memory_space<vmem>>, vector<16xi32>,
      %get3A_1192 = arith.constant 832 : index
      %get3A_1193 = tpu.vector_load %arg10[%get3A_1192] {strides = array<i32>} : memref<1024xi32, #tpu.memory_space<vmem>>, vector<16xi32>,
      %get3A_1194 = vector.shape_cast %get3A_1193 : vector<16xi32> to vector<16xi32>
      %swap3A_1195 = arith.constant 64 : index
      %swap3A_1196 = tpu.vector_load %arg11[%swap3A_1195] {strides = array<i32>} : memref<128xi32, #tpu.memory_space<vmem>>, vector<16xi32>,
      %swap3A_1197 = vector.shape_cast %swap3A_1196 : vector<16xi32> to vector<16xi32>
      %swap3A_1198 = vector.shape_cast %get3A_1194 : vector<16xi32> to vector<16xi32>
      tpu.vector_store %arg11[%swap3A_1195], %swap3A_1198 {strides = array<i32>} : memref<128xi32, #tpu.memory_space<vmem>>, vector<16xi32>,
      %get3A_1199 = arith.constant 848 : index
      %get3A_1200 = tpu.vector_load %arg10[%get3A_1199] {strides = array<i32>} : memref<1024xi32, #tpu.memory_space<vmem>>, vector<16xi32>,
      %get3A_1201 = vector.shape_cast %get3A_1200 : vector<16xi32> to vector<16xi32>
      %swap3A_1202 = arith.constant 80 : index
      %swap3A_1203 = tpu.vector_load %arg11[%swap3A_1202] {strides = array<i32>} : memref<128xi32, #tpu.memory_space<vmem>>, vector<16xi32>,
      %swap3A_1204 = vector.shape_cast %swap3A_1203 : vector<16xi32> to vector<16xi32>
      %swap3A_1205 = vector.shape_cast %get3A_1201 : vector<16xi32> to vector<16xi32>
      tpu.vector_store %arg11[%swap3A_1202], %swap3A_1205 {strides = array<i32>} : memref<128xi32, #tpu.memory_space<vmem>>, vector<16xi32>,
      %get3A_1206 = arith.constant 864 : index
      %get3A_1207 = tpu.vector_load %arg10[%get3A_1206] {strides = array<i32>} : memref<1024xi32, #tpu.memory_space<vmem>>, vector<16xi32>,
      %get3A_1208 = vector.shape_cast %get3A_1207 : vector<16xi32> to vector<16xi32>
      %swap3A_1209 = arith.constant 96 : index
      %swap3A_1210 = tpu.vector_load %arg11[%swap3A_1209] {strides = array<i32>} : memref<128xi32, #tpu.memory_space<vmem>>, vector<16xi32>,
      %swap3A_1211 = vector.shape_cast %swap3A_1210 : vector<16xi32> to vector<16xi32>
      %swap3A_1212 = vector.shape_cast %get3A_1208 : vector<16xi32> to vector<16xi32>
      tpu.vector_store %arg11[%swap3A_1209], %swap3A_1212 {strides = array<i32>} : memref<128xi32, #tpu.memory_space<vmem>>, vector<16xi32>,
      %get3A_1213 = arith.constant 880 : index
      %get3A_1214 = tpu.vector_load %arg10[%get3A_1213] {strides = array<i32>} : memref<1024xi32, #tpu.memory_space<vmem>>, vector<16xi32>,
      %get3A_1215 = vector.shape_cast %get3A_1214 : vector<16xi32> to vector<16xi32>
      %swap3A_1216 = arith.constant 112 : index
      %swap3A_1217 = tpu.vector_load %arg11[%swap3A_1216] {strides = array<i32>} : memref<128xi32, #tpu.memory_space<vmem>>, vector<16xi32>,
      %swap3A_1218 = vector.shape_cast %swap3A_1217 : vector<16xi32> to vector<16xi32>
      %swap3A_1219 = vector.shape_cast %get3A_1215 : vector<16xi32> to vector<16xi32>
      tpu.vector_store %arg11[%swap3A_1216], %swap3A_1219 {strides = array<i32>} : memref<128xi32, #tpu.memory_space<vmem>>, vector<16xi32>,
      %dma_start3A_1220 = arith.constant 768 : i32
      %dma_start3A_1221 = tpu.memref_slice %arg8[%dma_start3A_1220] : memref<1024xi32, #tpu.memory_space<vmem>> -> memref<128xi32, #tpu.memory_space<vmem>>
      %dma_start3A_1222 = arith.constant 0 : i32
      %dma_start3A_1223 = arith.constant 0 : i32
      %dma_start3A_1224 = tpu.memref_slice %arg2[%dma_start3A_1222, %dma_start3A_1223] : memref<100000x32xf32, #tpu.memory_space<hbm>> -> memref<100000x32xf32, #tpu.memory_space<hbm>>
      tpu.enqueue_indirect_dma source(%dma_start3A_1224 : memref<100000x32xf32, #tpu.memory_space<hbm>>) target(%arg13 : memref<128x32xf32, #tpu.memory_space<vmem>>) offsets(%dma_start3A_1221 : memref<128xi32, #tpu.memory_space<vmem>>) semaphore(%arg20 : memref<!tpu.dma_semaphore, #tpu.memory_space<semaphore_mem>>)
      %mul3A_1225 = arith.constant 2 : i32
      %mul3A_1226 = arith.muli %mul3A_1225, %scan3A_144 : i32
      %add3A_1227 = arith.constant 1 : i32
      %add3A_1228 = arith.addi %mul3A_1226, %add3A_1227 : i32
      %dma_wait3A_1229 = arith.constant 0 : i32
      %dma_wait3A_1230 = tpu.memref_slice %arg7[%dma_wait3A_1229] : memref<1024xi32, #tpu.memory_space<vmem>> -> memref<128xi32, #tpu.memory_space<vmem>>
      %dma_wait3A_1231 = arith.constant 0 : i32
      %dma_wait3A_1232 = arith.constant 0 : i32
      %dma_wait3A_1233 = tpu.memref_slice %arg2[%dma_wait3A_1231, %dma_wait3A_1232] : memref<100000x32xf32, #tpu.memory_space<hbm>> -> memref<100000x32xf32, #tpu.memory_space<hbm>>
      tpu.wait_indirect_dma semaphore(%arg20 : memref<!tpu.dma_semaphore, #tpu.memory_space<semaphore_mem>>) src(%dma_wait3A_1233 : memref<100000x32xf32, #tpu.memory_space<hbm>>) dst(%arg13 : memref<128x32xf32, #tpu.memory_space<vmem>>)
      %dma_start3A_1234 = arith.constant 0 : i32
      %dma_start3A_1235 = arith.constant 0 : i32
      %dma_start3A_1236 = tpu.memref_slice %arg15[%dma_start3A_1234, %dma_start3A_1235] : memref<50016x32xf32, #tpu.memory_space<vmem_shared>> -> memref<50016x32xf32, #tpu.memory_space<vmem_shared>>
      tpu.enqueue_indirect_dma source(%arg13 : memref<128x32xf32, #tpu.memory_space<vmem>>) target(%dma_start3A_1236 : memref<50016x32xf32, #tpu.memory_space<vmem_shared>>) offsets(%arg11 : memref<128xi32, #tpu.memory_space<vmem>>) semaphore(%arg22 : memref<!tpu.dma_semaphore, #tpu.memory_space<semaphore_mem>>) {add = true}
      %dma_wait3A_1237 = arith.constant 0 : i32
      %dma_wait3A_1238 = arith.constant 0 : i32
      %dma_wait3A_1239 = tpu.memref_slice %arg15[%dma_wait3A_1237, %dma_wait3A_1238] : memref<50016x32xf32, #tpu.memory_space<vmem_shared>> -> memref<50016x32xf32, #tpu.memory_space<vmem_shared>>
      tpu.wait_indirect_dma semaphore(%arg23 : memref<!tpu.dma_semaphore, #tpu.memory_space<semaphore_mem>>) src(%arg14 : memref<128x32xf32, #tpu.memory_space<vmem>>) dst(%dma_wait3A_1239 : memref<50016x32xf32, #tpu.memory_space<vmem_shared>>)
      %get3A_1240 = arith.constant 896 : index
      %get3A_1241 = tpu.vector_load %arg10[%get3A_1240] {strides = array<i32>} : memref<1024xi32, #tpu.memory_space<vmem>>, vector<16xi32>,
      %get3A_1242 = vector.shape_cast %get3A_1241 : vector<16xi32> to vector<16xi32>
      %swap3A_1243 = arith.constant 0 : index
      %swap3A_1244 = tpu.vector_load %arg12[%swap3A_1243] {strides = array<i32>} : memref<128xi32, #tpu.memory_space<vmem>>, vector<16xi32>,
      %swap3A_1245 = vector.shape_cast %swap3A_1244 : vector<16xi32> to vector<16xi32>
      %swap3A_1246 = vector.shape_cast %get3A_1242 : vector<16xi32> to vector<16xi32>
      tpu.vector_store %arg12[%swap3A_1243], %swap3A_1246 {strides = array<i32>} : memref<128xi32, #tpu.memory_space<vmem>>, vector<16xi32>,
      %get3A_1247 = arith.constant 912 : index
      %get3A_1248 = tpu.vector_load %arg10[%get3A_1247] {strides = array<i32>} : memref<1024xi32, #tpu.memory_space<vmem>>, vector<16xi32>,
      %get3A_1249 = vector.shape_cast %get3A_1248 : vector<16xi32> to vector<16xi32>
      %swap3A_1250 = arith.constant 16 : index
      %swap3A_1251 = tpu.vector_load %arg12[%swap3A_1250] {strides = array<i32>} : memref<128xi32, #tpu.memory_space<vmem>>, vector<16xi32>,
      %swap3A_1252 = vector.shape_cast %swap3A_1251 : vector<16xi32> to vector<16xi32>
      %swap3A_1253 = vector.shape_cast %get3A_1249 : vector<16xi32> to vector<16xi32>
      tpu.vector_store %arg12[%swap3A_1250], %swap3A_1253 {strides = array<i32>} : memref<128xi32, #tpu.memory_space<vmem>>, vector<16xi32>,
      %get3A_1254 = arith.constant 928 : index
      %get3A_1255 = tpu.vector_load %arg10[%get3A_1254] {strides = array<i32>} : memref<1024xi32, #tpu.memory_space<vmem>>, vector<16xi32>,
      %get3A_1256 = vector.shape_cast %get3A_1255 : vector<16xi32> to vector<16xi32>
      %swap3A_1257 = arith.constant 32 : index
      %swap3A_1258 = tpu.vector_load %arg12[%swap3A_1257] {strides = array<i32>} : memref<128xi32, #tpu.memory_space<vmem>>, vector<16xi32>,
      %swap3A_1259 = vector.shape_cast %swap3A_1258 : vector<16xi32> to vector<16xi32>
      %swap3A_1260 = vector.shape_cast %get3A_1256 : vector<16xi32> to vector<16xi32>
      tpu.vector_store %arg12[%swap3A_1257], %swap3A_1260 {strides = array<i32>} : memref<128xi32, #tpu.memory_space<vmem>>, vector<16xi32>,
      %get3A_1261 = arith.constant 944 : index
      %get3A_1262 = tpu.vector_load %arg10[%get3A_1261] {strides = array<i32>} : memref<1024xi32, #tpu.memory_space<vmem>>, vector<16xi32>,
      %get3A_1263 = vector.shape_cast %get3A_1262 : vector<16xi32> to vector<16xi32>
      %swap3A_1264 = arith.constant 48 : index
      %swap3A_1265 = tpu.vector_load %arg12[%swap3A_1264] {strides = array<i32>} : memref<128xi32, #tpu.memory_space<vmem>>, vector<16xi32>,
      %swap3A_1266 = vector.shape_cast %swap3A_1265 : vector<16xi32> to vector<16xi32>
      %swap3A_1267 = vector.shape_cast %get3A_1263 : vector<16xi32> to vector<16xi32>
      tpu.vector_store %arg12[%swap3A_1264], %swap3A_1267 {strides = array<i32>} : memref<128xi32, #tpu.memory_space<vmem>>, vector<16xi32>,
      %get3A_1268 = arith.constant 960 : index
      %get3A_1269 = tpu.vector_load %arg10[%get3A_1268] {strides = array<i32>} : memref<1024xi32, #tpu.memory_space<vmem>>, vector<16xi32>,
      %get3A_1270 = vector.shape_cast %get3A_1269 : vector<16xi32> to vector<16xi32>
      %swap3A_1271 = arith.constant 64 : index
      %swap3A_1272 = tpu.vector_load %arg12[%swap3A_1271] {strides = array<i32>} : memref<128xi32, #tpu.memory_space<vmem>>, vector<16xi32>,
      %swap3A_1273 = vector.shape_cast %swap3A_1272 : vector<16xi32> to vector<16xi32>
      %swap3A_1274 = vector.shape_cast %get3A_1270 : vector<16xi32> to vector<16xi32>
      tpu.vector_store %arg12[%swap3A_1271], %swap3A_1274 {strides = array<i32>} : memref<128xi32, #tpu.memory_space<vmem>>, vector<16xi32>,
      %get3A_1275 = arith.constant 976 : index
      %get3A_1276 = tpu.vector_load %arg10[%get3A_1275] {strides = array<i32>} : memref<1024xi32, #tpu.memory_space<vmem>>, vector<16xi32>,
      %get3A_1277 = vector.shape_cast %get3A_1276 : vector<16xi32> to vector<16xi32>
      %swap3A_1278 = arith.constant 80 : index
      %swap3A_1279 = tpu.vector_load %arg12[%swap3A_1278] {strides = array<i32>} : memref<128xi32, #tpu.memory_space<vmem>>, vector<16xi32>,
      %swap3A_1280 = vector.shape_cast %swap3A_1279 : vector<16xi32> to vector<16xi32>
      %swap3A_1281 = vector.shape_cast %get3A_1277 : vector<16xi32> to vector<16xi32>
      tpu.vector_store %arg12[%swap3A_1278], %swap3A_1281 {strides = array<i32>} : memref<128xi32, #tpu.memory_space<vmem>>, vector<16xi32>,
      %get3A_1282 = arith.constant 992 : index
      %get3A_1283 = tpu.vector_load %arg10[%get3A_1282] {strides = array<i32>} : memref<1024xi32, #tpu.memory_space<vmem>>, vector<16xi32>,
      %get3A_1284 = vector.shape_cast %get3A_1283 : vector<16xi32> to vector<16xi32>
      %swap3A_1285 = arith.constant 96 : index
      %swap3A_1286 = tpu.vector_load %arg12[%swap3A_1285] {strides = array<i32>} : memref<128xi32, #tpu.memory_space<vmem>>, vector<16xi32>,
      %swap3A_1287 = vector.shape_cast %swap3A_1286 : vector<16xi32> to vector<16xi32>
      %swap3A_1288 = vector.shape_cast %get3A_1284 : vector<16xi32> to vector<16xi32>
      tpu.vector_store %arg12[%swap3A_1285], %swap3A_1288 {strides = array<i32>} : memref<128xi32, #tpu.memory_space<vmem>>, vector<16xi32>,
      %get3A_1289 = arith.constant 1008 : index
      %get3A_1290 = tpu.vector_load %arg10[%get3A_1289] {strides = array<i32>} : memref<1024xi32, #tpu.memory_space<vmem>>, vector<16xi32>,
      %get3A_1291 = vector.shape_cast %get3A_1290 : vector<16xi32> to vector<16xi32>
      %swap3A_1292 = arith.constant 112 : index
      %swap3A_1293 = tpu.vector_load %arg12[%swap3A_1292] {strides = array<i32>} : memref<128xi32, #tpu.memory_space<vmem>>, vector<16xi32>,
      %swap3A_1294 = vector.shape_cast %swap3A_1293 : vector<16xi32> to vector<16xi32>
      %swap3A_1295 = vector.shape_cast %get3A_1291 : vector<16xi32> to vector<16xi32>
      tpu.vector_store %arg12[%swap3A_1292], %swap3A_1295 {strides = array<i32>} : memref<128xi32, #tpu.memory_space<vmem>>, vector<16xi32>,
      %dma_start3A_1296 = arith.constant 896 : i32
      %dma_start3A_1297 = tpu.memref_slice %arg8[%dma_start3A_1296] : memref<1024xi32, #tpu.memory_space<vmem>> -> memref<128xi32, #tpu.memory_space<vmem>>
      %dma_start3A_1298 = arith.constant 0 : i32
      %dma_start3A_1299 = arith.constant 0 : i32
      %dma_start3A_1300 = tpu.memref_slice %arg2[%dma_start3A_1298, %dma_start3A_1299] : memref<100000x32xf32, #tpu.memory_space<hbm>> -> memref<100000x32xf32, #tpu.memory_space<hbm>>
      tpu.enqueue_indirect_dma source(%dma_start3A_1300 : memref<100000x32xf32, #tpu.memory_space<hbm>>) target(%arg14 : memref<128x32xf32, #tpu.memory_space<vmem>>) offsets(%dma_start3A_1297 : memref<128xi32, #tpu.memory_space<vmem>>) semaphore(%arg21 : memref<!tpu.dma_semaphore, #tpu.memory_space<semaphore_mem>>)
      %mul3A_1301 = arith.constant 2 : i32
      %mul3A_1302 = arith.muli %mul3A_1301, %scan3A_144 : i32
      %add3A_1303 = arith.constant 1 : i32
      %add3A_1304 = arith.addi %mul3A_1302, %add3A_1303 : i32
      %dma_wait3A_1305 = arith.constant 0 : i32
      %dma_wait3A_1306 = tpu.memref_slice %arg7[%dma_wait3A_1305] : memref<1024xi32, #tpu.memory_space<vmem>> -> memref<128xi32, #tpu.memory_space<vmem>>
      %dma_wait3A_1307 = arith.constant 0 : i32
      %dma_wait3A_1308 = arith.constant 0 : i32
      %dma_wait3A_1309 = tpu.memref_slice %arg2[%dma_wait3A_1307, %dma_wait3A_1308] : memref<100000x32xf32, #tpu.memory_space<hbm>> -> memref<100000x32xf32, #tpu.memory_space<hbm>>
      tpu.wait_indirect_dma semaphore(%arg21 : memref<!tpu.dma_semaphore, #tpu.memory_space<semaphore_mem>>) src(%dma_wait3A_1309 : memref<100000x32xf32, #tpu.memory_space<hbm>>) dst(%arg14 : memref<128x32xf32, #tpu.memory_space<vmem>>)
      %dma_start3A_1310 = arith.constant 0 : i32
      %dma_start3A_1311 = arith.constant 0 : i32
      %dma_start3A_1312 = tpu.memref_slice %arg15[%dma_start3A_1310, %dma_start3A_1311] : memref<50016x32xf32, #tpu.memory_space<vmem_shared>> -> memref<50016x32xf32, #tpu.memory_space<vmem_shared>>
      tpu.enqueue_indirect_dma source(%arg14 : memref<128x32xf32, #tpu.memory_space<vmem>>) target(%dma_start3A_1312 : memref<50016x32xf32, #tpu.memory_space<vmem_shared>>) offsets(%arg12 : memref<128xi32, #tpu.memory_space<vmem>>) semaphore(%arg23 : memref<!tpu.dma_semaphore, #tpu.memory_space<semaphore_mem>>) {add = true}
      %dma_wait3A_1313 = tpu.memref_slice %arg3[%add3A] : memref<1642496xi32, #tpu.memory_space<hbm>> -> memref<1024xi32, #tpu.memory_space<hbm>>
      %dma_wait3A_1314 = tpu.memref_slice %arg3[%add3A] : memref<1642496xi32, #tpu.memory_space<hbm>> -> memref<1024xi32, #tpu.memory_space<hbm>>
      tpu.wait_dma2 semaphore(%arg16 : memref<!tpu.dma_semaphore, #tpu.memory_space<semaphore_mem>>) src(%dma_wait3A_1314 : memref<1024xi32, #tpu.memory_space<hbm>>) dst(%arg7 : memref<1024xi32, #tpu.memory_space<vmem>>)
      %dma_wait3A_1315 = tpu.memref_slice %arg4[%mul3A_4] : memref<821248xi32, #tpu.memory_space<hbm>> -> memref<1024xi32, #tpu.memory_space<hbm>>
      %dma_wait3A_1316 = tpu.memref_slice %arg4[%mul3A_4] : memref<821248xi32, #tpu.memory_space<hbm>> -> memref<1024xi32, #tpu.memory_space<hbm>>
      tpu.wait_dma2 semaphore(%arg18 : memref<!tpu.dma_semaphore, #tpu.memory_space<semaphore_mem>>) src(%dma_wait3A_1316 : memref<1024xi32, #tpu.memory_space<hbm>>) dst(%arg9 : memref<1024xi32, #tpu.memory_space<vmem>>)
      %dma_wait3A_1317 = arith.constant 0 : i32
      %dma_wait3A_1318 = arith.constant 0 : i32
      %dma_wait3A_1319 = tpu.memref_slice %arg15[%dma_wait3A_1317, %dma_wait3A_1318] : memref<50016x32xf32, #tpu.memory_space<vmem_shared>> -> memref<50016x32xf32, #tpu.memory_space<vmem_shared>>
      tpu.wait_indirect_dma semaphore(%arg22 : memref<!tpu.dma_semaphore, #tpu.memory_space<semaphore_mem>>) src(%arg13 : memref<128x32xf32, #tpu.memory_space<vmem>>) dst(%dma_wait3A_1319 : memref<50016x32xf32, #tpu.memory_space<vmem_shared>>)
      %get3A_1320 = arith.constant 0 : index
      %get3A_1321 = tpu.vector_load %arg9[%get3A_1320] {strides = array<i32>} : memref<1024xi32, #tpu.memory_space<vmem>>, vector<16xi32>,
      %get3A_1322 = vector.shape_cast %get3A_1321 : vector<16xi32> to vector<16xi32>
      %swap3A_1323 = arith.constant 0 : index
      %swap3A_1324 = tpu.vector_load %arg11[%swap3A_1323] {strides = array<i32>} : memref<128xi32, #tpu.memory_space<vmem>>, vector<16xi32>,
      %swap3A_1325 = vector.shape_cast %swap3A_1324 : vector<16xi32> to vector<16xi32>
      %swap3A_1326 = vector.shape_cast %get3A_1322 : vector<16xi32> to vector<16xi32>
      tpu.vector_store %arg11[%swap3A_1323], %swap3A_1326 {strides = array<i32>} : memref<128xi32, #tpu.memory_space<vmem>>, vector<16xi32>,
      %get3A_1327 = arith.constant 16 : index
      %get3A_1328 = tpu.vector_load %arg9[%get3A_1327] {strides = array<i32>} : memref<1024xi32, #tpu.memory_space<vmem>>, vector<16xi32>,
      %get3A_1329 = vector.shape_cast %get3A_1328 : vector<16xi32> to vector<16xi32>
      %swap3A_1330 = arith.constant 16 : index
      %swap3A_1331 = tpu.vector_load %arg11[%swap3A_1330] {strides = array<i32>} : memref<128xi32, #tpu.memory_space<vmem>>, vector<16xi32>,
      %swap3A_1332 = vector.shape_cast %swap3A_1331 : vector<16xi32> to vector<16xi32>
      %swap3A_1333 = vector.shape_cast %get3A_1329 : vector<16xi32> to vector<16xi32>
      tpu.vector_store %arg11[%swap3A_1330], %swap3A_1333 {strides = array<i32>} : memref<128xi32, #tpu.memory_space<vmem>>, vector<16xi32>,
      %get3A_1334 = arith.constant 32 : index
      %get3A_1335 = tpu.vector_load %arg9[%get3A_1334] {strides = array<i32>} : memref<1024xi32, #tpu.memory_space<vmem>>, vector<16xi32>,
      %get3A_1336 = vector.shape_cast %get3A_1335 : vector<16xi32> to vector<16xi32>
      %swap3A_1337 = arith.constant 32 : index
      %swap3A_1338 = tpu.vector_load %arg11[%swap3A_1337] {strides = array<i32>} : memref<128xi32, #tpu.memory_space<vmem>>, vector<16xi32>,
      %swap3A_1339 = vector.shape_cast %swap3A_1338 : vector<16xi32> to vector<16xi32>
      %swap3A_1340 = vector.shape_cast %get3A_1336 : vector<16xi32> to vector<16xi32>
      tpu.vector_store %arg11[%swap3A_1337], %swap3A_1340 {strides = array<i32>} : memref<128xi32, #tpu.memory_space<vmem>>, vector<16xi32>,
      %get3A_1341 = arith.constant 48 : index
      %get3A_1342 = tpu.vector_load %arg9[%get3A_1341] {strides = array<i32>} : memref<1024xi32, #tpu.memory_space<vmem>>, vector<16xi32>,
      %get3A_1343 = vector.shape_cast %get3A_1342 : vector<16xi32> to vector<16xi32>
      %swap3A_1344 = arith.constant 48 : index
      %swap3A_1345 = tpu.vector_load %arg11[%swap3A_1344] {strides = array<i32>} : memref<128xi32, #tpu.memory_space<vmem>>, vector<16xi32>,
      %swap3A_1346 = vector.shape_cast %swap3A_1345 : vector<16xi32> to vector<16xi32>
      %swap3A_1347 = vector.shape_cast %get3A_1343 : vector<16xi32> to vector<16xi32>
      tpu.vector_store %arg11[%swap3A_1344], %swap3A_1347 {strides = array<i32>} : memref<128xi32, #tpu.memory_space<vmem>>, vector<16xi32>,
      %get3A_1348 = arith.constant 64 : index
      %get3A_1349 = tpu.vector_load %arg9[%get3A_1348] {strides = array<i32>} : memref<1024xi32, #tpu.memory_space<vmem>>, vector<16xi32>,
      %get3A_1350 = vector.shape_cast %get3A_1349 : vector<16xi32> to vector<16xi32>
      %swap3A_1351 = arith.constant 64 : index
      %swap3A_1352 = tpu.vector_load %arg11[%swap3A_1351] {strides = array<i32>} : memref<128xi32, #tpu.memory_space<vmem>>, vector<16xi32>,
      %swap3A_1353 = vector.shape_cast %swap3A_1352 : vector<16xi32> to vector<16xi32>
      %swap3A_1354 = vector.shape_cast %get3A_1350 : vector<16xi32> to vector<16xi32>
      tpu.vector_store %arg11[%swap3A_1351], %swap3A_1354 {strides = array<i32>} : memref<128xi32, #tpu.memory_space<vmem>>, vector<16xi32>,
      %get3A_1355 = arith.constant 80 : index
      %get3A_1356 = tpu.vector_load %arg9[%get3A_1355] {strides = array<i32>} : memref<1024xi32, #tpu.memory_space<vmem>>, vector<16xi32>,
      %get3A_1357 = vector.shape_cast %get3A_1356 : vector<16xi32> to vector<16xi32>
      %swap3A_1358 = arith.constant 80 : index
      %swap3A_1359 = tpu.vector_load %arg11[%swap3A_1358] {strides = array<i32>} : memref<128xi32, #tpu.memory_space<vmem>>, vector<16xi32>,
      %swap3A_1360 = vector.shape_cast %swap3A_1359 : vector<16xi32> to vector<16xi32>
      %swap3A_1361 = vector.shape_cast %get3A_1357 : vector<16xi32> to vector<16xi32>
      tpu.vector_store %arg11[%swap3A_1358], %swap3A_1361 {strides = array<i32>} : memref<128xi32, #tpu.memory_space<vmem>>, vector<16xi32>,
      %get3A_1362 = arith.constant 96 : index
      %get3A_1363 = tpu.vector_load %arg9[%get3A_1362] {strides = array<i32>} : memref<1024xi32, #tpu.memory_space<vmem>>, vector<16xi32>,
      %get3A_1364 = vector.shape_cast %get3A_1363 : vector<16xi32> to vector<16xi32>
      %swap3A_1365 = arith.constant 96 : index
      %swap3A_1366 = tpu.vector_load %arg11[%swap3A_1365] {strides = array<i32>} : memref<128xi32, #tpu.memory_space<vmem>>, vector<16xi32>,
      %swap3A_1367 = vector.shape_cast %swap3A_1366 : vector<16xi32> to vector<16xi32>
      %swap3A_1368 = vector.shape_cast %get3A_1364 : vector<16xi32> to vector<16xi32>
      tpu.vector_store %arg11[%swap3A_1365], %swap3A_1368 {strides = array<i32>} : memref<128xi32, #tpu.memory_space<vmem>>, vector<16xi32>,
      %get3A_1369 = arith.constant 112 : index
      %get3A_1370 = tpu.vector_load %arg9[%get3A_1369] {strides = array<i32>} : memref<1024xi32, #tpu.memory_space<vmem>>, vector<16xi32>,
      %get3A_1371 = vector.shape_cast %get3A_1370 : vector<16xi32> to vector<16xi32>
      %swap3A_1372 = arith.constant 112 : index
      %swap3A_1373 = tpu.vector_load %arg11[%swap3A_1372] {strides = array<i32>} : memref<128xi32, #tpu.memory_space<vmem>>, vector<16xi32>,
      %swap3A_1374 = vector.shape_cast %swap3A_1373 : vector<16xi32> to vector<16xi32>
      %swap3A_1375 = vector.shape_cast %get3A_1371 : vector<16xi32> to vector<16xi32>
      tpu.vector_store %arg11[%swap3A_1372], %swap3A_1375 {strides = array<i32>} : memref<128xi32, #tpu.memory_space<vmem>>, vector<16xi32>,
      %add3A_1376 = arith.constant 2 : i32
      %add3A_1377 = arith.addi %add3A_1304, %add3A_1376 : i32
      %mul3A_1378 = arith.constant 1024 : i32
      %mul3A_1379 = arith.muli %add3A_1377, %mul3A_1378 : i32
      %add3A_1380 = arith.addi %add3A, %mul3A_1379 : i32
      %dma_start3A_1381 = tpu.memref_slice %arg3[%add3A_1380] : memref<1642496xi32, #tpu.memory_space<hbm>> -> memref<1024xi32, #tpu.memory_space<hbm>>
      %dma_start3A_1382 = tpu.memref_slice %arg3[%add3A_1380] : memref<1642496xi32, #tpu.memory_space<hbm>> -> memref<1024xi32, #tpu.memory_space<hbm>>
      tpu.enqueue_dma source(%dma_start3A_1382 : memref<1024xi32, #tpu.memory_space<hbm>>) target(%arg8 : memref<1024xi32, #tpu.memory_space<vmem>>) target_semaphore(%arg17 : memref<!tpu.dma_semaphore, #tpu.memory_space<semaphore_mem>>)
      %mul3A_1383 = arith.constant 1024 : i32
      %mul3A_1384 = arith.muli %add3A_1377, %mul3A_1383 : i32
      %add3A_1385 = arith.addi %mul3A_4, %mul3A_1384 : i32
      %dma_start3A_1386 = tpu.memref_slice %arg4[%add3A_1385] : memref<821248xi32, #tpu.memory_space<hbm>> -> memref<1024xi32, #tpu.memory_space<hbm>>
      %dma_start3A_1387 = tpu.memref_slice %arg4[%add3A_1385] : memref<821248xi32, #tpu.memory_space<hbm>> -> memref<1024xi32, #tpu.memory_space<hbm>>
      tpu.enqueue_dma source(%dma_start3A_1387 : memref<1024xi32, #tpu.memory_space<hbm>>) target(%arg10 : memref<1024xi32, #tpu.memory_space<vmem>>) target_semaphore(%arg19 : memref<!tpu.dma_semaphore, #tpu.memory_space<semaphore_mem>>)
      %dma_start3A_1388 = arith.constant 0 : i32
      %dma_start3A_1389 = tpu.memref_slice %arg7[%dma_start3A_1388] : memref<1024xi32, #tpu.memory_space<vmem>> -> memref<128xi32, #tpu.memory_space<vmem>>
      %dma_start3A_1390 = arith.constant 0 : i32
      %dma_start3A_1391 = arith.constant 0 : i32
      %dma_start3A_1392 = tpu.memref_slice %arg2[%dma_start3A_1390, %dma_start3A_1391] : memref<100000x32xf32, #tpu.memory_space<hbm>> -> memref<100000x32xf32, #tpu.memory_space<hbm>>
      tpu.enqueue_indirect_dma source(%dma_start3A_1392 : memref<100000x32xf32, #tpu.memory_space<hbm>>) target(%arg13 : memref<128x32xf32, #tpu.memory_space<vmem>>) offsets(%dma_start3A_1389 : memref<128xi32, #tpu.memory_space<vmem>>) semaphore(%arg20 : memref<!tpu.dma_semaphore, #tpu.memory_space<semaphore_mem>>)
    }
    %scan3A_124 = arith.constant 25 : i32
    %dma_wait3A_125 = arith.constant 0 : i32
    %dma_wait3A_126 = tpu.memref_slice %arg7[%dma_wait3A_125] : memref<1024xi32, #tpu.memory_space<vmem>> -> memref<128xi32, #tpu.memory_space<vmem>>
    %dma_wait3A_127 = arith.constant 0 : i32
    %dma_wait3A_128 = arith.constant 0 : i32
    %dma_wait3A_129 = tpu.memref_slice %arg2[%dma_wait3A_127, %dma_wait3A_128] : memref<100000x32xf32, #tpu.memory_space<hbm>> -> memref<100000x32xf32, #tpu.memory_space<hbm>>
    tpu.wait_indirect_dma semaphore(%arg20 : memref<!tpu.dma_semaphore, #tpu.memory_space<semaphore_mem>>) src(%dma_wait3A_129 : memref<100000x32xf32, #tpu.memory_space<hbm>>) dst(%arg13 : memref<128x32xf32, #tpu.memory_space<vmem>>)
    %dma_wait3A_130 = arith.constant 0 : i32
    %dma_wait3A_131 = arith.constant 0 : i32
    %dma_wait3A_132 = tpu.memref_slice %arg15[%dma_wait3A_130, %dma_wait3A_131] : memref<50016x32xf32, #tpu.memory_space<vmem_shared>> -> memref<50016x32xf32, #tpu.memory_space<vmem_shared>>
    tpu.wait_indirect_dma semaphore(%arg23 : memref<!tpu.dma_semaphore, #tpu.memory_space<semaphore_mem>>) src(%arg14 : memref<128x32xf32, #tpu.memory_space<vmem>>) dst(%dma_wait3A_132 : memref<50016x32xf32, #tpu.memory_space<vmem_shared>>)
    %dma_wait3A_133 = tpu.memref_slice %arg3[%add3A] : memref<1642496xi32, #tpu.memory_space<hbm>> -> memref<1024xi32, #tpu.memory_space<hbm>>
    %dma_wait3A_134 = tpu.memref_slice %arg3[%add3A] : memref<1642496xi32, #tpu.memory_space<hbm>> -> memref<1024xi32, #tpu.memory_space<hbm>>
    tpu.wait_dma2 semaphore(%arg17 : memref<!tpu.dma_semaphore, #tpu.memory_space<semaphore_mem>>) src(%dma_wait3A_134 : memref<1024xi32, #tpu.memory_space<hbm>>) dst(%arg8 : memref<1024xi32, #tpu.memory_space<vmem>>)
    %dma_wait3A_135 = tpu.memref_slice %arg4[%mul3A_4] : memref<821248xi32, #tpu.memory_space<hbm>> -> memref<1024xi32, #tpu.memory_space<hbm>>
    %dma_wait3A_136 = tpu.memref_slice %arg4[%mul3A_4] : memref<821248xi32, #tpu.memory_space<hbm>> -> memref<1024xi32, #tpu.memory_space<hbm>>
    tpu.wait_dma2 semaphore(%arg19 : memref<!tpu.dma_semaphore, #tpu.memory_space<semaphore_mem>>) src(%dma_wait3A_136 : memref<1024xi32, #tpu.memory_space<hbm>>) dst(%arg10 : memref<1024xi32, #tpu.memory_space<vmem>>)
    %barrier3A_137 = arith.constant 0 : index
    tpu.barrier barrier_id(%barrier3A_137)
    %lt3A = arith.constant 15 : i32
    %lt3A_138 = arith.cmpi slt, %arg1, %lt3A : i32
    %convert_element_type3A = arith.extui %lt3A_138 : i1 to i32
    %cond3A = arith.constant 0 : i32
    %cond3A_139 = arith.cmpi ne, %convert_element_type3A, %cond3A : i32
    scf.if %cond3A_139 {
      %mul3A_144 = arith.constant 3128 : i32
      %mul3A_145 = arith.muli %arg1, %mul3A_144 : i32
      %mul3A_146 = arith.constant 50000 : i32
      %mul3A_147 = arith.muli %arg0, %mul3A_146 : i32
      %mul3A_148 = arith.constant 3128 : i32
      %mul3A_149 = arith.muli %arg1, %mul3A_148 : i32
      %add3A_150 = arith.addi %mul3A_147, %mul3A_149 : i32
      "tpu.region"() ({
        %run_scoped3A = tpu.sem_alloc : memref<!tpu.dma_semaphore, #tpu.memory_space<semaphore_mem>>
        %dma_start3A_151 = arith.constant 0 : i32
        %dma_start3A_152 = tpu.memref_slice %arg6[%add3A_150, %dma_start3A_151] : memref<100000x32xf32, #tpu.memory_space<hbm>> -> memref<3128x32xf32, #tpu.memory_space<hbm>>
        %dma_start3A_153 = arith.constant 0 : i32
        %dma_start3A_154 = tpu.memref_slice %arg15[%mul3A_145, %dma_start3A_153] : memref<50016x32xf32, #tpu.memory_space<vmem_shared>> -> memref<3128x32xf32, #tpu.memory_space<vmem_shared>>
        tpu.enqueue_dma source(%dma_start3A_154 : memref<3128x32xf32, #tpu.memory_space<vmem_shared>>) target(%dma_start3A_152 : memref<3128x32xf32, #tpu.memory_space<hbm>>) target_semaphore(%run_scoped3A : memref<!tpu.dma_semaphore, #tpu.memory_space<semaphore_mem>>)
        %dma_wait3A_155 = arith.constant 0 : i32
        %dma_wait3A_156 = tpu.memref_slice %arg6[%add3A_150, %dma_wait3A_155] : memref<100000x32xf32, #tpu.memory_space<hbm>> -> memref<3128x32xf32, #tpu.memory_space<hbm>>
        %dma_wait3A_157 = arith.constant 0 : i32
        %dma_wait3A_158 = tpu.memref_slice %arg15[%mul3A_145, %dma_wait3A_157] : memref<50016x32xf32, #tpu.memory_space<vmem_shared>> -> memref<3128x32xf32, #tpu.memory_space<vmem_shared>>
        tpu.wait_dma2 semaphore(%run_scoped3A : memref<!tpu.dma_semaphore, #tpu.memory_space<semaphore_mem>>) src(%dma_wait3A_158 : memref<3128x32xf32, #tpu.memory_space<vmem_shared>>) dst(%dma_wait3A_156 : memref<3128x32xf32, #tpu.memory_space<hbm>>)
        tpu.yield
      }) : () -> ()
    } else {
    }
    %eq3A = arith.constant 15 : i32
    %eq3A_140 = arith.cmpi eq, %arg1, %eq3A : i32
    %convert_element_type3A_141 = arith.extui %eq3A_140 : i1 to i32
    %cond3A_142 = arith.constant 0 : i32
    %cond3A_143 = arith.cmpi ne, %convert_element_type3A_141, %cond3A_142 : i32
    scf.if %cond3A_143 {
      %mul3A_144 = arith.constant 50000 : i32
      %mul3A_145 = arith.muli %arg0, %mul3A_144 : i32
      %add3A_146 = arith.constant 46920 : i32
      %add3A_147 = arith.addi %mul3A_145, %add3A_146 : i32
      "tpu.region"() ({
        %run_scoped3A = tpu.sem_alloc : memref<!tpu.dma_semaphore, #tpu.memory_space<semaphore_mem>>
        %dma_start3A_148 = arith.constant 0 : i32
        %dma_start3A_149 = tpu.memref_slice %arg6[%add3A_147, %dma_start3A_148] : memref<100000x32xf32, #tpu.memory_space<hbm>> -> memref<3080x32xf32, #tpu.memory_space<hbm>>
        %dma_start3A_150 = arith.constant 46920 : i32
        %dma_start3A_151 = arith.constant 0 : i32
        %dma_start3A_152 = tpu.memref_slice %arg15[%dma_start3A_150, %dma_start3A_151] : memref<50016x32xf32, #tpu.memory_space<vmem_shared>> -> memref<3080x32xf32, #tpu.memory_space<vmem_shared>>
        tpu.enqueue_dma source(%dma_start3A_152 : memref<3080x32xf32, #tpu.memory_space<vmem_shared>>) target(%dma_start3A_149 : memref<3080x32xf32, #tpu.memory_space<hbm>>) target_semaphore(%run_scoped3A : memref<!tpu.dma_semaphore, #tpu.memory_space<semaphore_mem>>)
        %dma_wait3A_153 = arith.constant 0 : i32
        %dma_wait3A_154 = tpu.memref_slice %arg6[%add3A_147, %dma_wait3A_153] : memref<100000x32xf32, #tpu.memory_space<hbm>> -> memref<3080x32xf32, #tpu.memory_space<hbm>>
        %dma_wait3A_155 = arith.constant 46920 : i32
        %dma_wait3A_156 = arith.constant 0 : i32
        %dma_wait3A_157 = tpu.memref_slice %arg15[%dma_wait3A_155, %dma_wait3A_156] : memref<50016x32xf32, #tpu.memory_space<vmem_shared>> -> memref<3080x32xf32, #tpu.memory_space<vmem_shared>>
        tpu.wait_dma2 semaphore(%run_scoped3A : memref<!tpu.dma_semaphore, #tpu.memory_space<semaphore_mem>>) src(%dma_wait3A_157 : memref<3080x32xf32, #tpu.memory_space<vmem_shared>>) dst(%dma_wait3A_154 : memref<3080x32xf32, #tpu.memory_space<hbm>>)
        tpu.yield
      }) : () -> ()
    } else {
    }
    return
  }
}

module attributes {stable_mosaic.version = 14 : i64} {
  func.func @_matmul1_body(%arg0: i32, %arg1: memref<400x300xf32, #tpu.memory_space<vmem>>, %arg2: memref<300x64xf32, #tpu.memory_space<vmem>>, %arg3: memref<2x400x32xf32, #tpu.memory_space<vmem>>) attributes {dimension_semantics = [#tpu.dimension_semantics<arbitrary>], iteration_bounds = array<i64: 125>, scalar_prefetch = 0 : i64, scratch_operands = 0 : i64, tpu.core_type = #tpu.core_type<tc>, window_params = [{transform_indices = @transform_0, window_bounds = array<i64: 400, 300>}, {pipeline_mode = #tpu.pipeline_mode<synchronous>, transform_indices = @transform_1, window_bounds = array<i64: 300, 64>}, {transform_indices = @transform_2, window_bounds = array<i64: 2, 400, 32>}]} {
    %get3A = arith.constant 0 : index
    %get3A_0 = arith.constant 0 : index
    %get3A_1 = vector.load %arg1[%get3A, %get3A_0] : memref<400x300xf32, #tpu.memory_space<vmem>>, vector<400x300xf32>
    %get3A_2 = arith.constant 0 : index
    %get3A_3 = arith.constant 0 : index
    %get3A_4 = vector.load %arg2[%get3A_2, %get3A_3] : memref<300x64xf32, #tpu.memory_space<vmem>>, vector<300x64xf32>
    %dot_general3A = arith.constant dense<0.000000e+00> : vector<400x64xf32>
    %dot_general3A_5 = tpu.matmul %get3A_1, %get3A_4, %dot_general3A {dimension_numbers = #tpu.dot_dimension_numbers<[1], [0], [0], [1], [0, 0, 1, 1], [], []>, transpose_lhs_hint = false} : vector<400x300xf32>, vector<300x64xf32>, vector<400x64xf32> -> vector<400x64xf32>
    %slice3A = vector.extract_strided_slice %dot_general3A_5 {offsets = [0, 0], sizes = [400, 32], strides = [1, 1]} : vector<400x64xf32> to vector<400x32xf32>
    %swap3A = arith.constant 0 : index
    %swap3A_6 = arith.constant 0 : index
    %swap3A_7 = arith.constant 0 : index
    %swap3A_8 = vector.load %arg3[%swap3A, %swap3A_6, %swap3A_7] : memref<2x400x32xf32, #tpu.memory_space<vmem>>, vector<1x400x32xf32>
    %swap3A_9 = vector.shape_cast %swap3A_8 : vector<1x400x32xf32> to vector<400x32xf32>
    %swap3A_10 = vector.shape_cast %slice3A : vector<400x32xf32> to vector<1x400x32xf32>
    tpu.vector_store %arg3[%swap3A, %swap3A_6, %swap3A_7], %swap3A_10 {strides = array<i32>} : memref<2x400x32xf32, #tpu.memory_space<vmem>>, vector<1x400x32xf32>,
    %slice3A_11 = vector.extract_strided_slice %dot_general3A_5 {offsets = [0, 32], sizes = [400, 32], strides = [1, 1]} : vector<400x64xf32> to vector<400x32xf32>
    %swap3A_12 = arith.constant 1 : index
    %swap3A_13 = arith.constant 0 : index
    %swap3A_14 = arith.constant 0 : index
    %swap3A_15 = vector.load %arg3[%swap3A_12, %swap3A_13, %swap3A_14] : memref<2x400x32xf32, #tpu.memory_space<vmem>>, vector<1x400x32xf32>
    %swap3A_16 = vector.shape_cast %swap3A_15 : vector<1x400x32xf32> to vector<400x32xf32>
    %swap3A_17 = vector.shape_cast %slice3A_11 : vector<400x32xf32> to vector<1x400x32xf32>
    tpu.vector_store %arg3[%swap3A_12, %swap3A_13, %swap3A_14], %swap3A_17 {strides = array<i32>} : memref<2x400x32xf32, #tpu.memory_space<vmem>>, vector<1x400x32xf32>,
    return
  }
  func.func @transform_0(%arg0: i32) -> (i32, i32) {
    %c0_i32 = arith.constant 0 : i32
    %c0_i32_0 = arith.constant 0 : i32
    return %arg0, %c0_i32 : i32, i32
  }
  func.func @transform_1(%arg0: i32) -> (i32, i32) {
    %c0_i32 = arith.constant 0 : i32
    %c0_i32_0 = arith.constant 0 : i32
    %c0_i32_1 = arith.constant 0 : i32
    return %c0_i32, %c0_i32_0 : i32, i32
  }
  func.func @transform_2(%arg0: i32) -> (i32, i32, i32) {
    %c0_i32 = arith.constant 0 : i32
    %c0_i32_0 = arith.constant 0 : i32
    %c0_i32_1 = arith.constant 0 : i32
    return %c0_i32, %arg0, %c0_i32_0 : i32, i32, i32
  }
}

module attributes {stable_mosaic.version = 14 : i64} {
  func.func @_mid_body(%arg0: i32, %arg1: memref<2x400x32xf32, #tpu.memory_space<vmem>>, %arg2: memref<1x64xf32, #tpu.memory_space<vmem>>, %arg3: memref<64x64xf32, #tpu.memory_space<vmem>>, %arg4: memref<2x400x32xf32, #tpu.memory_space<vmem>>) attributes {dimension_semantics = [#tpu.dimension_semantics<arbitrary>], iteration_bounds = array<i64: 125>, scalar_prefetch = 0 : i64, scratch_operands = 0 : i64, tpu.core_type = #tpu.core_type<tc>, window_params = [{transform_indices = @transform_0, window_bounds = array<i64: 2, 400, 32>}, {pipeline_mode = #tpu.pipeline_mode<synchronous>, transform_indices = @transform_1, window_bounds = array<i64: 1, 64>}, {pipeline_mode = #tpu.pipeline_mode<synchronous>, transform_indices = @transform_2, window_bounds = array<i64: 64, 64>}, {transform_indices = @transform_3, window_bounds = array<i64: 2, 400, 32>}]} {
    %get3A = arith.constant 0 : index
    %get3A_0 = arith.constant 0 : index
    %get3A_1 = arith.constant 0 : index
    %get3A_2 = vector.load %arg1[%get3A, %get3A_0, %get3A_1] : memref<2x400x32xf32, #tpu.memory_space<vmem>>, vector<1x400x32xf32>
    %get3A_3 = vector.shape_cast %get3A_2 : vector<1x400x32xf32> to vector<400x32xf32>
    %get3A_4 = arith.constant 1 : index
    %get3A_5 = arith.constant 0 : index
    %get3A_6 = arith.constant 0 : index
    %get3A_7 = vector.load %arg1[%get3A_4, %get3A_5, %get3A_6] : memref<2x400x32xf32, #tpu.memory_space<vmem>>, vector<1x400x32xf32>
    %get3A_8 = vector.shape_cast %get3A_7 : vector<1x400x32xf32> to vector<400x32xf32>
    %concatenate3A = tpu.concatenate %get3A_3, %get3A_8 in 1 : vector<400x32xf32>, vector<400x32xf32> -> vector<400x64xf32>
    %get3A_9 = arith.constant 0 : index
    %get3A_10 = arith.constant 0 : index
    %get3A_11 = vector.load %arg2[%get3A_9, %get3A_10] : memref<1x64xf32, #tpu.memory_space<vmem>>, vector<1x64xf32>
    %add3A = vector.broadcast %get3A_11 : vector<1x64xf32> to vector<400x64xf32>
    %add3A_12 = arith.addf %concatenate3A, %add3A : vector<400x64xf32>
    %ge3A = arith.constant 0.000000e+00 : f32
    %ge3A_13 = vector.broadcast %ge3A : f32 to vector<400x64xf32>
    %ge3A_14 = arith.cmpf oge, %add3A_12, %ge3A_13 : vector<400x64xf32>
    %mul3A = arith.constant 2.000000e-01 : f32
    %mul3A_15 = vector.broadcast %mul3A : f32 to vector<400x64xf32>
    %mul3A_16 = arith.mulf %mul3A_15, %add3A_12 : vector<400x64xf32>
    %select_n3A = arith.select %ge3A_14, %add3A_12, %mul3A_16 : vector<400x64xi1>, vector<400x64xf32>
    %mul3A_17 = arith.mulf %select_n3A, %select_n3A : vector<400x64xf32>
    %reduce_sum3A = arith.constant dense<0.000000e+00> : vector<400xf32>
    %reduce_sum3A_18 = vector.multi_reduction <add>, %mul3A_17, %reduce_sum3A [1] : vector<400x64xf32> to vector<400xf32>
    %broadcast_in_dim3A = vector.shape_cast %reduce_sum3A_18 : vector<400xf32> to vector<400x1xf32>
    %sqrt3A = math.sqrt %broadcast_in_dim3A : vector<400x1xf32>
    %max3A = arith.constant 9.99999996E-13 : f32
    %max3A_19 = vector.broadcast %max3A : f32 to vector<400x1xf32>
    %max3A_20 = arith.maximumf %sqrt3A, %max3A_19 : vector<400x1xf32>
    %div3A = vector.broadcast %max3A_20 : vector<400x1xf32> to vector<400x64xf32>
    %div3A_21 = arith.divf %select_n3A, %div3A : vector<400x64xf32>
    %get3A_22 = arith.constant 0 : index
    %get3A_23 = arith.constant 0 : index
    %get3A_24 = vector.load %arg3[%get3A_22, %get3A_23] : memref<64x64xf32, #tpu.memory_space<vmem>>, vector<64x64xf32>
    %dot_general3A = arith.constant dense<0.000000e+00> : vector<400x64xf32>
    %dot_general3A_25 = tpu.matmul %div3A_21, %get3A_24, %dot_general3A {dimension_numbers = #tpu.dot_dimension_numbers<[1], [0], [0], [1], [0, 0, 1, 1], [], []>, transpose_lhs_hint = false} : vector<400x64xf32>, vector<64x64xf32>, vector<400x64xf32> -> vector<400x64xf32>
    %slice3A = vector.extract_strided_slice %dot_general3A_25 {offsets = [0, 0], sizes = [400, 32], strides = [1, 1]} : vector<400x64xf32> to vector<400x32xf32>
    %swap3A = arith.constant 0 : index
    %swap3A_26 = arith.constant 0 : index
    %swap3A_27 = arith.constant 0 : index
    %swap3A_28 = vector.load %arg4[%swap3A, %swap3A_26, %swap3A_27] : memref<2x400x32xf32, #tpu.memory_space<vmem>>, vector<1x400x32xf32>
    %swap3A_29 = vector.shape_cast %swap3A_28 : vector<1x400x32xf32> to vector<400x32xf32>
    %swap3A_30 = vector.shape_cast %slice3A : vector<400x32xf32> to vector<1x400x32xf32>
    tpu.vector_store %arg4[%swap3A, %swap3A_26, %swap3A_27], %swap3A_30 {strides = array<i32>} : memref<2x400x32xf32, #tpu.memory_space<vmem>>, vector<1x400x32xf32>,
    %slice3A_31 = vector.extract_strided_slice %dot_general3A_25 {offsets = [0, 32], sizes = [400, 32], strides = [1, 1]} : vector<400x64xf32> to vector<400x32xf32>
    %swap3A_32 = arith.constant 1 : index
    %swap3A_33 = arith.constant 0 : index
    %swap3A_34 = arith.constant 0 : index
    %swap3A_35 = vector.load %arg4[%swap3A_32, %swap3A_33, %swap3A_34] : memref<2x400x32xf32, #tpu.memory_space<vmem>>, vector<1x400x32xf32>
    %swap3A_36 = vector.shape_cast %swap3A_35 : vector<1x400x32xf32> to vector<400x32xf32>
    %swap3A_37 = vector.shape_cast %slice3A_31 : vector<400x32xf32> to vector<1x400x32xf32>
    tpu.vector_store %arg4[%swap3A_32, %swap3A_33, %swap3A_34], %swap3A_37 {strides = array<i32>} : memref<2x400x32xf32, #tpu.memory_space<vmem>>, vector<1x400x32xf32>,
    return
  }
  func.func @transform_0(%arg0: i32) -> (i32, i32, i32) {
    %c0_i32 = arith.constant 0 : i32
    %c0_i32_0 = arith.constant 0 : i32
    %c0_i32_1 = arith.constant 0 : i32
    return %c0_i32, %arg0, %c0_i32_0 : i32, i32, i32
  }
  func.func @transform_1(%arg0: i32) -> (i32, i32) {
    %c0_i32 = arith.constant 0 : i32
    %c0_i32_0 = arith.constant 0 : i32
    %c0_i32_1 = arith.constant 0 : i32
    return %c0_i32, %c0_i32_0 : i32, i32
  }
  func.func @transform_2(%arg0: i32) -> (i32, i32) {
    %c0_i32 = arith.constant 0 : i32
    %c0_i32_0 = arith.constant 0 : i32
    %c0_i32_1 = arith.constant 0 : i32
    return %c0_i32, %c0_i32_0 : i32, i32
  }
  func.func @transform_3(%arg0: i32) -> (i32, i32, i32) {
    %c0_i32 = arith.constant 0 : i32
    %c0_i32_0 = arith.constant 0 : i32
    %c0_i32_1 = arith.constant 0 : i32
    return %c0_i32, %arg0, %c0_i32_0 : i32, i32, i32
  }
}

module attributes {stable_mosaic.version = 14 : i64} {
  func.func @_final_body(%arg0: i32, %arg1: memref<2x1024x32xf32, #tpu.memory_space<vmem>>, %arg2: memref<1x64xf32, #tpu.memory_space<vmem>>, %arg3: memref<1024x64xf32, #tpu.memory_space<vmem>>) attributes {dimension_semantics = [#tpu.dimension_semantics<arbitrary>], iteration_bounds = array<i64: 1>, scalar_prefetch = 0 : i64, scratch_operands = 0 : i64, tpu.core_type = #tpu.core_type<tc>, window_params = [{pipeline_mode = #tpu.pipeline_mode<synchronous>, transform_indices = @transform_0, window_bounds = array<i64: 2, 1024, 32>}, {pipeline_mode = #tpu.pipeline_mode<synchronous>, transform_indices = @transform_1, window_bounds = array<i64: 1, 64>}, {pipeline_mode = #tpu.pipeline_mode<synchronous>, transform_indices = @transform_2, window_bounds = array<i64: 1024, 64>}]} {
    %get3A = arith.constant 0 : index
    %get3A_0 = arith.constant 0 : index
    %get3A_1 = arith.constant 0 : index
    %get3A_2 = vector.load %arg1[%get3A, %get3A_0, %get3A_1] : memref<2x1024x32xf32, #tpu.memory_space<vmem>>, vector<1x1024x32xf32>
    %get3A_3 = vector.shape_cast %get3A_2 : vector<1x1024x32xf32> to vector<1024x32xf32>
    %get3A_4 = arith.constant 1 : index
    %get3A_5 = arith.constant 0 : index
    %get3A_6 = arith.constant 0 : index
    %get3A_7 = vector.load %arg1[%get3A_4, %get3A_5, %get3A_6] : memref<2x1024x32xf32, #tpu.memory_space<vmem>>, vector<1x1024x32xf32>
    %get3A_8 = vector.shape_cast %get3A_7 : vector<1x1024x32xf32> to vector<1024x32xf32>
    %concatenate3A = tpu.concatenate %get3A_3, %get3A_8 in 1 : vector<1024x32xf32>, vector<1024x32xf32> -> vector<1024x64xf32>
    %get3A_9 = arith.constant 0 : index
    %get3A_10 = arith.constant 0 : index
    %get3A_11 = vector.load %arg2[%get3A_9, %get3A_10] : memref<1x64xf32, #tpu.memory_space<vmem>>, vector<1x64xf32>
    %add3A = vector.broadcast %get3A_11 : vector<1x64xf32> to vector<1024x64xf32>
    %add3A_12 = arith.addf %concatenate3A, %add3A : vector<1024x64xf32>
    %ge3A = arith.constant 0.000000e+00 : f32
    %ge3A_13 = vector.broadcast %ge3A : f32 to vector<1024x64xf32>
    %ge3A_14 = arith.cmpf oge, %add3A_12, %ge3A_13 : vector<1024x64xf32>
    %mul3A = arith.constant 2.000000e-01 : f32
    %mul3A_15 = vector.broadcast %mul3A : f32 to vector<1024x64xf32>
    %mul3A_16 = arith.mulf %mul3A_15, %add3A_12 : vector<1024x64xf32>
    %select_n3A = arith.select %ge3A_14, %add3A_12, %mul3A_16 : vector<1024x64xi1>, vector<1024x64xf32>
    %mul3A_17 = arith.mulf %select_n3A, %select_n3A : vector<1024x64xf32>
    %reduce_sum3A = arith.constant dense<0.000000e+00> : vector<1024xf32>
    %reduce_sum3A_18 = vector.multi_reduction <add>, %mul3A_17, %reduce_sum3A [1] : vector<1024x64xf32> to vector<1024xf32>
    %broadcast_in_dim3A = vector.shape_cast %reduce_sum3A_18 : vector<1024xf32> to vector<1024x1xf32>
    %sqrt3A = math.sqrt %broadcast_in_dim3A : vector<1024x1xf32>
    %max3A = arith.constant 9.99999996E-13 : f32
    %max3A_19 = vector.broadcast %max3A : f32 to vector<1024x1xf32>
    %max3A_20 = arith.maximumf %sqrt3A, %max3A_19 : vector<1024x1xf32>
    %div3A = vector.broadcast %max3A_20 : vector<1024x1xf32> to vector<1024x64xf32>
    %div3A_21 = arith.divf %select_n3A, %div3A : vector<1024x64xf32>
    %swap3A = arith.constant 0 : index
    %swap3A_22 = arith.constant 0 : index
    %swap3A_23 = vector.load %arg3[%swap3A, %swap3A_22] : memref<1024x64xf32, #tpu.memory_space<vmem>>, vector<1024x64xf32>
    tpu.vector_store %arg3[%swap3A, %swap3A_22], %div3A_21 {strides = array<i32>} : memref<1024x64xf32, #tpu.memory_space<vmem>>, vector<1024x64xf32>,
    return
  }
  func.func @transform_0(%arg0: i32) -> (i32, i32, i32) {
    %c0_i32 = arith.constant 0 : i32
    %c0_i32_0 = arith.constant 0 : i32
    %c0_i32_1 = arith.constant 0 : i32
    %c0_i32_2 = arith.constant 0 : i32
    return %c0_i32, %c0_i32_0, %c0_i32_1 : i32, i32, i32
  }
  func.func @transform_1(%arg0: i32) -> (i32, i32) {
    %c0_i32 = arith.constant 0 : i32
    %c0_i32_0 = arith.constant 0 : i32
    %c0_i32_1 = arith.constant 0 : i32
    return %c0_i32, %c0_i32_0 : i32, i32
  }
  func.func @transform_2(%arg0: i32) -> (i32, i32) {
    %c0_i32 = arith.constant 0 : i32
    %c0_i32_0 = arith.constant 0 : i32
    %c0_i32_1 = arith.constant 0 : i32
    return %c0_i32, %c0_i32_0 : i32, i32
  }
}

</mosaic_0001>

<sc_bundles>
// kernel: kernel.11.cloned.1.call-start
scs
__scs_entry_jumppad:
0x0: {  	(pc) =	sbr.rel $0x88, $3  }
0x1: {  	(tag) =	ssettag $0x0;
	lr =	simm.s32 $0x1  }
0x2: {  	[smem:$0x3F9A] =	sst lr;
	_ =	strace $0xD0000000  }
0x3: {  	_ = 	snop  }
0x4: {  	_ = 	snop  }
0x5: {  	_ = 	snop  }
0x6: {  	_ = 	snop  }
0x7: {  	_ = 	snop  }
__scs_overlays_trampoline_lowered:
0x8: {  	[smem:$0x3FA9] =	sst s0  }
0x9: {  	[smem:$0x3FAA] =	sst s1  }
0xa: {  	[smem:$0x3FAB] =	sst s2  }
0xb: {  	[smem:$0x3FAC] =	sst s3  }
0xc: {  	[smem:$0x3FAD] =	sst s4  }
0xd: {  	[smem:$0x3FAE] =	sst s5  }
0xe: {  	[smem:$0x3FAF] =	sst s6  }
0xf: {  	[smem:$0x3FB0] =	sst s7  }
0x10: {  	[smem:$0x3FB1] =	sst s8  }
0x11: {  	[smem:$0x3FB2] =	sst s9;
	s0 =	simm.s32 @!p0 $0x0  }
0x12: {  	s1 =	sld [smem:$0x3F98];
	s0 =	simm.s32 @p0 $0x1  }
0x13: {  	[smem:$0x3FB3] =	sst s0;
	s0 =	simm.s32 @!p1 $0x0  }
0x14: {  	s2 =	sld [smem:$0x3F97];
	s0 =	simm.s32 @p1 $0x1  }
0x15: {  	[smem:$0x3FB4] =	sst s0;
	s0 =	simm.s32 @!p2 $0x0  }
0x16: {  	s3 =	sld [smem:$0x3FDB];
	s0 =	simm.s32 @p2 $0x1  }
0x17: {  	s4 =	simm.s32 $0x1BF5;
	[smem:$0x3FB6] =	sst s0  }
0x18: {  	s0 =	sld [smem:$0x3F99];
	_ =	swait.ge [sflag:s4], $0x0  }
0x19: {  	s7 =	sld [smem:$0x3F9A]  }
0x1a: {  	s8 =	sadd.s32 $0xFFFFE003, lr  }
0x1b: {  	s9 =	sadd.s32 $0xFFFFFEF7, lr;
	s5 =	simm.s32 $0xFFFFFFFF;
	p2 =	slt.u32 s8, $0xFFFFF086  }
0x1c: {  	p1 =	slt.u32 s9, $0xF7A;
	s5 =	simm.s32 @!p2 $0x0  }
0x1d: {  	s5 =	simm.s32 @p1 $0x1;
	p0 =	seq.s32 s7, s2  }
0x1e: {  	s7 =	smul.u32 @!p0 $0xF7A, s2;
	p2 =	seq.s32 @!p0 s5, $0x0  }
0x1f: {  	s9 =	smul.u32 $0xF7A, s1;
	s8 =	simm.s32 @!p0 $0x1BF5;
	p2 =	por !p2, p0  }
0x20: {  	[sflag:s8] =	ssyncset.s32 @!p0 $0xFFFFF086;
	s6 =	sadd.s32 @!p0 s3, s7;
	s7 =	simm.s32 @!p0 $0x108  }
0x21: {  	s3 =	sadd.s32 s3, s9;
	s6 =	sadd.s32 @!p0 $0x88, s6;
	s7 =	simm.s32 @p2 $0x1082  }
0x22: {  	[simem:s7], [sflag:s8] =	dma.local @!p0 [hbm:s6], $0xF7A  }
0x23: {  	s9 =	sor.u32 $0xD0000000, s2;
	s6 =	simm.s32 $0x108;
	_ =	swait.ge @!p0 [sflag:s8], $0x0  }
0x24: {  	s3 =	sadd.s32 $0x88, s3;
	s6 =	simm.s32 @!p1 $0x1082;
	[sflag:s4] =	ssyncset.s32 $0xFFFFF086  }
0x25: {  	[simem:s6], [sflag:s4] =	dma.local [hbm:s3], $0xF7A  }
0x26: {  	[smem:$0x3F9A] =	sst s1;
	(tag) =	ssettag s2;
	_ =	strace s9  }
0x27: {  	s1 =	sld [smem:$0x3FAA]  }
0x28: {  	s2 =	sld [smem:$0x3FAB]  }
0x29: {  	s4 =	sld [smem:$0x3FAD]  }
0x2a: {  	p0 =	seq.s32 s5, $0x0;
	s5 =	sld [smem:$0x3FAE]  }
0x2b: {  	s6 =	sld [smem:$0x3FAF]  }
0x2c: {  	s7 =	sld [smem:$0x3FB0]  }
0x2d: {  	s3 =	simm.s32 $0x108;
	s8 =	sld [smem:$0x3FB1]  }
0x2e: {  	s3 =	simm.s32 @!p0 $0x1082;
	s9 =	sld [smem:$0x3FB2]  }
0x2f: {  	lr =	sadd.s32 s0, s3;
	s0 =	sld [smem:$0x3FA9]  }
0x30: {  	s3 =	sld [smem:$0x3FAC]  }
0x31: {  	[smem:$0x3FB5] =	sst s10  }
0x32: {  	s10 =	sld [smem:$0x3FB3];
	_ =	sdelay $0x3  }
0x33: {  	p0 =	seq.s32 s10, $0x1;
	s10 =	sld [smem:$0x3FB5];
	_ =	sdelay $0x3  }
0x34: {  	[smem:$0x3FB5] =	sst s10  }
0x35: {  	s10 =	sld [smem:$0x3FB4];
	_ =	sdelay $0x3  }
0x36: {  	p1 =	seq.s32 s10, $0x1;
	s10 =	sld [smem:$0x3FB5];
	_ =	sdelay $0x3  }
0x37: {  	[smem:$0x3FB5] =	sst s10  }
0x38: {  	s10 =	sld [smem:$0x3FB6]  }
0x39: {  	_ = 	snop;
	(pc) =	sbr.ind lr, $3  }
0x3a: {  	_ = 	snop  }
0x3b: {  	_ = 	snop  }
0x3c: {  	p2 =	seq.s32 s10, $0x1;
	s10 =	sld [smem:$0x3FB5]  }
0x3d: {  	_ =	shalt  }
0x3e: {  	_ =	shalt  }
0x3f: {  	_ =	shalt  }
0x40: {  	_ =	shalt  }
0x41: {  	_ =	shalt  }
0x42: {  	_ =	shalt  }
0x43: {  	_ =	shalt  }
0x44: {  	_ =	shalt  }
0x45: {  	_ =	shalt  }
0x46: {  	_ =	shalt  }
0x47: {  	_ =	shalt  }
0x48: {  	_ =	shalt  }
0x49: {  	_ =	shalt  }
0x4a: {  	_ =	shalt  }
0x4b: {  	_ =	shalt  }
0x4c: {  	_ =	shalt  }
0x4d: {  	_ =	shalt  }
0x4e: {  	_ =	shalt  }
0x4f: {  	_ =	shalt  }
0x50: {  	_ =	shalt  }
0x51: {  	_ =	shalt  }
0x52: {  	_ =	shalt  }
0x53: {  	_ =	shalt  }
0x54: {  	_ =	shalt  }
0x55: {  	_ =	shalt  }
0x56: {  	_ =	shalt  }
0x57: {  	_ =	shalt  }
0x58: {  	_ =	shalt  }
0x59: {  	_ =	shalt  }
0x5a: {  	_ =	shalt  }
0x5b: {  	_ =	shalt  }
0x5c: {  	_ =	shalt  }
0x5d: {  	_ =	shalt  }
0x5e: {  	_ =	shalt  }
0x5f: {  	_ =	shalt  }
0x60: {  	_ =	shalt  }
0x61: {  	_ =	shalt  }
0x62: {  	_ =	shalt  }
0x63: {  	_ =	shalt  }
0x64: {  	_ =	shalt  }
0x65: {  	_ =	shalt  }
0x66: {  	_ =	shalt  }
0x67: {  	_ =	shalt  }
0x68: {  	_ =	shalt  }
0x69: {  	_ =	shalt  }
0x6a: {  	_ =	shalt  }
0x6b: {  	_ =	shalt  }
0x6c: {  	_ =	shalt  }
0x6d: {  	_ =	shalt  }
0x6e: {  	_ =	shalt  }
0x6f: {  	_ =	shalt  }
0x70: {  	_ =	shalt  }
0x71: {  	_ =	shalt  }
0x72: {  	_ =	shalt  }
0x73: {  	_ =	shalt  }
0x74: {  	_ =	shalt  }
0x75: {  	_ =	shalt  }
0x76: {  	_ =	shalt  }
0x77: {  	_ =	shalt  }
0x78: {  	_ =	shalt  }
0x79: {  	_ =	shalt  }
0x7a: {  	_ =	shalt  }
0x7b: {  	_ =	shalt  }
0x7c: {  	_ =	shalt  }
0x7d: {  	_ =	shalt  }
0x7e: {  	_ =	shalt  }
0x7f: {  	_ =	shalt  }
0x80: {  	_ =	shalt  }
0x81: {  	_ =	shalt  }
0x82: {  	_ =	shalt  }
0x83: {  	_ =	shalt  }
0x84: {  	_ =	shalt  }
0x85: {  	_ =	shalt  }
0x86: {  	_ =	shalt  }
0x87: {  	_ =	shalt  }
.Lfunc_end0:
.L_simem_size_0:
called_computation.1_lowered:
.L_overlay_start_0:
0x88: {  	s2 =	sld [smem:$0x3FD9]  }
0x89: {  	s3 =	sld [smem:$0x3FFE];
	_ =	sdelay $0x1  }
0x8a: {  	s1 =	srdreg.scid  }
0x8b: {  	s0 =	sand.u32 $0x1, s1  }
0x8c: {  	s16 =	sshll.u32 s0, $0xA;
	s2 =	sadd.s32 s3, s2  }
0x8d: {  	s2 =	sadd.s32 s2, s16  }
0x8e: {  	[smem:$0x3FC1] =	sst s2  }
0x8f: {  	_ = 	snop  }
0x90: {  	(tm) =	ssettm $0x1  }
0x91: {  	s17 =	sld [smem:$0x3FFB];
	_ =	sdelay $0x3  }
0x92: {  	_ =	strace s17  }
0x93: {  	s2 =	sld [smem:$0x3FFC];
	_ =	sdelay $0x3  }
0x94: {  	_ =	strace s2  }
0x95: {  	s2 =	sld [smem:$0x3FFD];
	_ =	sdelay $0x3  }
0x96: {  	_ =	strace s2  }
0x97: {  	_ =	strace $0x8FFFFFFF  }
0x98: {  	s18 =	sld [smem:$0x3FDB];
	_ =	sdelay $0x1  }
0x99: {  	s19 =	simm.s32 $_scs_section_size  }
0x9a: {  	s4 =	simm.s32 $_size__tile_overlayer_lowered;
	s5 =	simm.s32 $_tile_overlayer_lowered  }
0x9b: {  	s22 =	simm.s32 $0x1BFF;
	s21 =	sshll.u32 s5, $0x1;
	s2 =	sadd.s32 s19, s18  }
0x9c: {  	s6 =	simm.s32 $0x0;
	s20 =	sshll.u32 s4, $0x1;
	s4 =	sadd.s32 s21, s2  }
0x9d: {  	[timem:s6], [sflag:s22] =	dma.local [hbm:s4], s20  }
0x9e: {  	_ =	swait.ge [sflag:s22], s20  }
0x9f: {  	s3 =	ssub.s32 $0x0, s20;
	[sflag:s22] =	ssyncset.done $0x0  }
0xa0: {  	[sflag:s22] =	ssyncadd.s32 s3;
	_ =	sdelay $0x1  }
0xa1: {  	s23 =	simm.s32 $0x1B8B  }
0xa2: {  	_ =	swait.ge [sflag:s23], $0x1  }
0xa3: {  	[sflag:s23] =	ssyncset.done $0x0  }
0xa4: {  	s25 =	simm.s32 $0x1B8E;
	s24 =	sld [smem:$0x3FFE];
	[sflag:s23] =	ssyncadd.s32 $0xFFFFFFFF  }
0xa5: {  	s26 =	simm.s32 $execute0_lowered;
	[smem:$0x3FD2] =	sst s25  }
0xa6: {  	s4 =	sshll.u32 s26, $0x1;
	_ =	strace $0x80000049;
	[dreg:$0x1] =	wrdreg $0xFFFFFFFF  }
0xa7: {  	s28 =	simm.s32 $_size_execute0_lowered;
	s2 =	sadd.s32 s2, s4;
	[dreg:$0x0] =	wrdreg $0x0  }
0xa8: {  	s4 =	sshll.u32 s28, $0x1;
	[dreg:$0x2] =	wrdreg s2  }
0xa9: {  	[dreg:$0x3] =	wrdreg s4  }
0xaa: {  	[dreg:$0x4] =	wrdreg $0xC0  }
0xab: {  	_ =	task [dreg:s6], $0x5FFFF  }
0xac: {  	[dreg:$0x1] =	wrdreg $0xFFFFFFFF  }
0xad: {  	[dreg:$0x0] =	wrdreg $0x60  }
0xae: {  	[dreg:$0x2] =	wrdreg s24  }
0xaf: {  	[dreg:$0x3] =	wrdreg $0x31000  }
0xb0: {  	[dreg:$0x4] =	wrdreg $0x9  }
0xb1: {  	_ =	task.clear_ibuf [dreg:s6], $0x5FFFF;
	_ =	strace $0x90000049  }
0xb2: {  	s29 =	simm.s32 $0x9;
	_ =	strace $0x8000004B  }
0xb3: {  	_ =	swait.ge [sflag:s29], $0x1  }
0xb4: {  	[sflag:s29] =	ssyncadd.s32 $0xFFFFFFFF  }
0xb5: {  	_ =	strace $0x9000004B  }
0xb6: {  	_ =	sfence  }
0xb7: {  	s30 =	sld [smem:$0x0];
	_ =	sdelay $0x2  }
0xb8: {  	s31 =	sshll.u32 s1, $0xD;
	s1 =	sshrl.u32 s1, $0x2  }
0xb9: {  	s3 =	sand.u32 $0x4000, s31;
	s1 =	sadd.s32 s1, s30  }
0xba: {  	s0 =	sor.u32 s3, s0;
	s1 =	sshll.u32 s1, $0x11  }
0xbb: {  	s0 =	sor.u32 s1, s0  }
0xbc: {  	s0 =	sadd.s32 $0x8F2B, s0  }
0xbd: {  	[sflag:s0] =	ssyncadd.remote.s32 $0x1  }
0xbe: {  	_ =	sfence.sel $0xFFFF  }
0xbf: {  	[dreg:$0x0] =	wrdreg $0xFFFFFFFF;
	(pc) =	sbr.abs _section_cstart, $3  }
0xc0: {  	[dreg:$0x1] =	wrdreg $0xFFFFFFFF  }
0xc1: {  	_ =	task.clear_ibuf [dreg:s6], $0x2FFFF;
	_ =	strace $0x9FFFFFFF  }
0xc2: {  	(tm) =	ssettm $0x7FFFFFFF  }
0xc3: {  	_ =	shalt  }
tec
execute0_lowered:
.L_overlay_start_1:
0x0: {  	(tag) =	ssettag $0x1  }
0x1: {  	s0 =	rddreg [dreg:$0x0]  }
0x2: {  	s1 =	rddreg [dreg:$0x1]  }
0x3: {  	s2 =	simm.s32 $0x0;
	s3 =	srdreg.scid;
	s15 =	stileid.u32  }
0x4: {  	s17 =	simm.s32 $0x200;
	s18 =	simm.s32 $0x280;
	s28 =	simm.s32 $0x3  }
0x5: {  	s29 =	simm.s32 $0x1100;
	s30 =	simm.s32 $0x5;
	s8 =	smul.u32 $0xC800, s15  }
0x6: {  	s31 =	simm.s32 $0x1000;
	[smem:$0x7FF] =	sst s2;
	s11 =	smul.u32 $0x61B00, s15  }
0x7: {  	s3 =	sand.u32 $0x1, s3;
	s4 =	sadd.s32 $0x1800, s0;
	s14 =	smul.u32 $0x30E0, s15  }
0x8: {  	s5 =	sadd.s32 $0x63400, s0;
	s9 =	sadd.s32 $0x95600, s0;
	s23 =	smul.u32 $0x61C00, s15  }
0x9: {  	s12 =	sadd.s32 $0xAE800, s0;
	s0 =	sadd.s32 $0xB1A00, s0;
	s25 =	smul.u32 $0x1900, s15  }
0xa: {  	s20 =	sshll.u32 s15, $0x6;
	p0 =	seq.s32 s15, $0xF;
	s6 =	smul.u32 $0xC8800, s3  }
0xb: {  	_ =	strace $0x8000004A;
	[dreg:$0x10] =	wrdreg s12;
	s22 =	smul.u32 $0x30D40, s3  }
0xc: {  	s7 =	ssub.s32 $0x2, s3;
	s3 =	smul.u32 $0x186A00, s3;
	[dreg:$0x7] =	wrdreg s17  }
0xd: {  	[dreg:$0x8] =	wrdreg s18;
	s17 =	simm.s32 $0x9;
	s18 =	simm.s32 $0x800  }
0xe: {  	s12 =	simm.s32 $0x700;
	s10 =	sshrl.u32 s7, $0x1;
	s19 =	sshrl.u32 s11, $0x2  }
0xf: {  	s10 =	ssub.s32 s7, s10;
	s6 =	sadd.s32 s8, s6;
	s21 =	sadd.s32 s19, s1  }
0x10: {  	s7 =	sor.u32 $0x1C09, s20;
	s8 =	sshrl.u32 s8, $0x3;
	s11 =	sadd.s32 s14, s22  }
0x11: {  	s3 =	sshrl.u32 s3, $0x3;
	s14 =	simm.s32 $0x180;
	s20 =	simm.s32 $0x300  }
0x12: {  	s22 =	simm.s32 $0x480;
	s13 =	sshrl.u32 s6, $0x3;
	[dreg:$0x6] =	wrdreg s14  }
0x13: {  	s16 =	sadd.s32 s9, s8;
	s8 =	sshrl.u32 s23, $0x2;
	[dreg:$0x9] =	wrdreg s20  }
0x14: {  	s11 =	sadd.s32 s0, s11;
	s26 =	sadd.s32 $0xC00, s6;
	[dreg:$0xb] =	wrdreg s22  }
0x15: {  	s9 =	sadd.s32 s25, s9;
	s0 =	sadd.s32 s0, s3;
	[dreg:$0x12] =	wrdreg s16  }
0x16: {  	s3 =	sadd.s32 $0x16E900, s1;
	s6 =	sadd.s32 $0x800, s6;
	[dreg:$0x15] =	wrdreg s11  }
0x17: {  	s19 =	sshrl.u32 s21, $0x3;
	s21 =	simm.s32 $0x380;
	[dreg:$0x3] =	wrdreg s9  }
0x18: {  	s23 =	simm.s32 $0x500;
	s20 =	simm.s32 $0xC00;
	[dreg:$0x18] =	wrdreg s6  }
0x19: {  	s25 =	simm.s32 $0x600;
	s22 =	simm.s32 $0x1080;
	[dreg:$0x19] =	wrdreg s19  }
0x1a: {  	s13 =	sadd.s32 s5, s13;
	s24 =	sadd.s32 $0x80, s16;
	[dreg:$0xa] =	wrdreg s21  }
0x1b: {  	s8 =	sadd.s32 s8, s1;
	s11 =	sshrl.u32 s26, $0x3;
	[dreg:$0xc] =	wrdreg s23  }
0x1c: {  	s0 =	sadd.s32 $0x2DD20, s0;
	s16 =	smax.u32 s10, $0x1;
	[dreg:$0xe] =	wrdreg s25  }
0x1d: {  	s19 =	simm.s32 $0x400;
	s21 =	simm.s32 $0x80;
	[dreg:$0x11] =	wrdreg s13  }
0x1e: {  	s26 =	simm.s32 $0x680;
	s23 =	simm.s32 $0x2100;
	[dreg:$0x14] =	wrdreg s24  }
0x1f: {  	s6 =	simm.s32 $0x7;
	s10 =	simm.s32 $0x2;
	[dreg:$0x16] =	wrdreg s0  }
0x20: {  	s13 =	sadd.s32 $0x80, s13;
	s11 =	sadd.s32 s11, s5;
	[dreg:$0x17] =	wrdreg s16  }
0x21: {  	s24 =	simm.s32 $0x580;
	[dreg:$0xf] =	wrdreg s26;
	s25 =	sshrl.u32 @!p0 s8, $0x3  }
0x22: {  	s26 =	simm.s32 $0x1;
	s0 =	simm.s32 $0x8;
	[dreg:$0x13] =	wrdreg s13  }
0x23: {  	s8 =	simm.s32 $0x780;
	[dreg:$0x4] =	wrdreg s11;
	s13 =	simm.s32 $0x100  }
0x24: {  	[dreg:$0xd] =	wrdreg s24;
	s24 =	sshrl.u32 @p0 s3, $0x3;
	s3 =	simm.s32 $0x6  }
0x25: {  	v0 =	vimm.s32 $0xC350;
	s11 =	simm.s32 $0x4;
	[dreg:$0x5] =	wrdreg s13;
	s13 =	simm.s32 $0x0  }
.LBB2_1:
0x26: {  	s9 =	rddreg [dreg:$0x10]  }
0x27: {  	s14 =	rddreg [dreg:$0x19]  }
0x28: {  	[spmem:s14], [sflag:s7] =	dma.local [hbm:s9], $0x30D8  }
0x29: {  	_ =	swait.ge [sflag:s17], $0x30D8  }
0x2a: {  	[sflag:s17] =	ssyncset.done $0x0  }
0x2b: {  	[sflag:s17] =	ssyncadd.s32 $0xFFFFCF28  }
0x2c: {  	[bflag:$0x0] =	sbarrier.arrive $0xFFFF  }
0x2d: {  	s16 =	rddreg [dreg:$0x11]  }
0x2e: {  	[tilespmem:s2], [sflag:$0x1] =	stream.linear.gather [hbm4b:s16+s2], $0x400, $0x38;
	[tilespmem:$0x1B7C0] =	vst v63  }
0x2f: {  	s14 =	rddreg [dreg:$0x12]  }
0x30: {  	[tilespmem:s18], [sflag:$0x3] =	stream.linear.gather [hbm4b:s14+s2], $0x400, $0x38;
	[tilespmem:$0x1B7C0] =	vst v63  }
0x31: {  	s15 =	rddreg [dreg:$0x13]  }
0x32: {  	[tilespmem:s19], [sflag:$0x2] =	stream.linear.gather [hbm4b:s15+s2], $0x400, $0x38;
	[tilespmem:$0x1B7C0] =	vst v63  }
0x33: {  	s16 =	rddreg [dreg:$0x14]  }
0x34: {  	[tilespmem:s20], [sflag:$0x4] =	stream.linear.gather [hbm4b:s16+s2], $0x400, $0x38;
	[tilespmem:$0x1B7C0] =	vst v63  }
0x35: {  	[tilespmem:$0x1080] =	vst v0  }
0x36: {  	[tilespmem:$0x1090] =	vst v0  }
0x37: {  	[tilespmem:$0x10A0] =	vst v0  }
0x38: {  	[tilespmem:$0x10B0] =	vst v0  }
0x39: {  	[tilespmem:$0x10C0] =	vst v0  }
0x3a: {  	[tilespmem:$0x10D0] =	vst v0  }
0x3b: {  	[tilespmem:$0x10E0] =	vst v0  }
0x3c: {  	[tilespmem:$0x10F0] =	vst v0  }
0x3d: {  	[spmem:s1] =	stream.indirect.scatter.add.f32 [tilespmem:s23], [sflag:$0x8], $0x20, s22, s21, $0xb8;
	[tilespmem:$0x1B7C0] =	vst v63  }
0x3e: {  	_ =	swait.ge [sflag:s26], $0x400  }
0x3f: {  	[sflag:s26] =	ssyncset.done $0x0  }
0x40: {  	[sflag:s26] =	ssyncadd.s32 $0xFFFFFC00  }
0x41: {  	_ =	swait.ge [sflag:s28], $0x400  }
0x42: {  	[sflag:s28] =	ssyncset.done $0x0  }
0x43: {  	[sflag:s28] =	ssyncadd.s32 $0xFFFFFC00  }
0x44: {  	v1 =	vld [tilespmem:$0x800]  }
0x45: {  	v2 =	vld [tilespmem:$0x810]  }
0x46: {  	v3 =	vld [tilespmem:$0x820]  }
0x47: {  	v4 =	vld [tilespmem:$0x830]  }
0x48: {  	v5 =	vld [tilespmem:$0x840]  }
0x49: {  	[tilespmem:$0x1000] =	vst v1;
	v1 =	vld [tilespmem:$0x850]  }
0x4a: {  	[tilespmem:$0x1010] =	vst v2;
	v2 =	vld [tilespmem:$0x860]  }
0x4b: {  	[tilespmem:$0x1020] =	vst v3;
	v3 =	vld [tilespmem:$0x870]  }
0x4c: {  	[tilespmem:$0x1030] =	vst v4  }
0x4d: {  	[tilespmem:$0x1040] =	vst v5  }
0x4e: {  	[tilespmem:$0x1050] =	vst v1  }
0x4f: {  	[tilespmem:$0x1060] =	vst v2  }
0x50: {  	s14 =	simm.s32 $0x0;
	s15 =	rddreg [dreg:$0x18];
	[tilespmem:$0x1070] =	vst v3  }
0x51: {  	[tilespmem:s29], [sflag:$0x5] =	stream.indirect.gather [hbm4b:s4+s21], $0x20, s2, s21, $0xb8;
	[tilespmem:$0x1B7C0] =	vst v63  }
.LBB2_2:
0x52: {  	_ =	swait.ge [sflag:s30], $0x1000  }
0x53: {  	[sflag:s30] =	ssyncset.done $0x0  }
0x54: {  	[sflag:s30] =	ssyncadd.s32 $0xFFFFF000  }
0x55: {  	[spmem:s1] =	stream.indirect.scatter.add.f32 [tilespmem:s29], [sflag:$0x7], $0x20, s31, s21, $0xb8;
	[tilespmem:$0x1B7C0] =	vst v63  }
0x56: {  	_ =	swait.ge [sflag:s0], $0x1000  }
0x57: {  	[sflag:s0] =	ssyncset.done $0x0  }
0x58: {  	[sflag:s0] =	ssyncadd.s32 $0xFFFFF000  }
0x59: {  	v1 =	vld [tilespmem:$0x880]  }
0x5a: {  	v2 =	vld [tilespmem:$0x890]  }
0x5b: {  	v3 =	vld [tilespmem:$0x8A0]  }
0x5c: {  	v4 =	vld [tilespmem:$0x8B0]  }
0x5d: {  	v5 =	vld [tilespmem:$0x8C0]  }
0x5e: {  	[tilespmem:$0x1080] =	vst v1;
	v1 =	vld [tilespmem:$0x8D0]  }
0x5f: {  	[tilespmem:$0x1090] =	vst v2;
	v2 =	vld [tilespmem:$0x8E0]  }
0x60: {  	[tilespmem:$0x10A0] =	vst v3;
	v3 =	vld [tilespmem:$0x8F0]  }
0x61: {  	[tilespmem:$0x10B0] =	vst v4  }
0x62: {  	[tilespmem:$0x10C0] =	vst v5  }
0x63: {  	[tilespmem:$0x10D0] =	vst v1  }
0x64: {  	[tilespmem:$0x10E0] =	vst v2  }
0x65: {  	[tilespmem:$0x10F0] =	vst v3  }
0x66: {  	[tilespmem:s23], [sflag:$0x6] =	stream.indirect.gather [hbm4b:s4+s21], $0x20, s21, s21, $0xb8;
	[tilespmem:$0x1B7C0] =	vst v63  }
0x67: {  	_ =	swait.ge [sflag:s3], $0x1000  }
0x68: {  	[sflag:s3] =	ssyncset.done $0x0  }
0x69: {  	[sflag:s3] =	ssyncadd.s32 $0xFFFFF000  }
0x6a: {  	[spmem:s1] =	stream.indirect.scatter.add.f32 [tilespmem:s23], [sflag:$0x8], $0x20, s22, s21, $0xb8;
	[tilespmem:$0x1B7C0] =	vst v63  }
0x6b: {  	_ =	swait.ge [sflag:s6], $0x1000  }
0x6c: {  	[sflag:s6] =	ssyncset.done $0x0  }
0x6d: {  	[sflag:s6] =	ssyncadd.s32 $0xFFFFF000  }
0x6e: {  	v1 =	vld [tilespmem:$0x900]  }
0x6f: {  	v2 =	vld [tilespmem:$0x910]  }
0x70: {  	v3 =	vld [tilespmem:$0x920]  }
0x71: {  	v34 =	vld [tilespmem:$0x930]  }
0x72: {  	v35 =	vld [tilespmem:$0x940]  }
0x73: {  	[tilespmem:$0x1000] =	vst v1;
	v1 =	vld [tilespmem:$0x950]  }
0x74: {  	[tilespmem:$0x1010] =	vst v2;
	v2 =	vld [tilespmem:$0x960]  }
0x75: {  	[tilespmem:$0x1020] =	vst v3;
	v3 =	vld [tilespmem:$0x970]  }
0x76: {  	[tilespmem:$0x1030] =	vst v34  }
0x77: {  	[tilespmem:$0x1040] =	vst v35  }
0x78: {  	[tilespmem:$0x1050] =	vst v1  }
0x79: {  	[tilespmem:$0x1060] =	vst v2  }
0x7a: {  	s16 =	rddreg [dreg:$0x5];
	[tilespmem:$0x1070] =	vst v3  }
0x7b: {  	[tilespmem:s29], [sflag:$0x5] =	stream.indirect.gather [hbm4b:s4+s21], $0x20, s16, s21, $0xb8;
	[tilespmem:$0x1B7C0] =	vst v63  }
0x7c: {  	_ =	swait.ge [sflag:s30], $0x1000  }
0x7d: {  	[sflag:s30] =	ssyncset.done $0x0  }
0x7e: {  	[sflag:s30] =	ssyncadd.s32 $0xFFFFF000  }
0x7f: {  	[spmem:s1] =	stream.indirect.scatter.add.f32 [tilespmem:s29], [sflag:$0x7], $0x20, s31, s21, $0xb8;
	[tilespmem:$0x1B7C0] =	vst v63  }
0x80: {  	_ =	swait.ge [sflag:s0], $0x1000  }
0x81: {  	[sflag:s0] =	ssyncset.done $0x0  }
0x82: {  	[sflag:s0] =	ssyncadd.s32 $0xFFFFF000  }
0x83: {  	v1 =	vld [tilespmem:$0x980]  }
0x84: {  	v2 =	vld [tilespmem:$0x990]  }
0x85: {  	v3 =	vld [tilespmem:$0x9A0]  }
0x86: {  	v36 =	vld [tilespmem:$0x9B0]  }
0x87: {  	v37 =	vld [tilespmem:$0x9C0]  }
0x88: {  	[tilespmem:$0x1080] =	vst v1;
	v1 =	vld [tilespmem:$0x9D0]  }
0x89: {  	[tilespmem:$0x1090] =	vst v2;
	v2 =	vld [tilespmem:$0x9E0]  }
0x8a: {  	[tilespmem:$0x10A0] =	vst v3;
	v3 =	vld [tilespmem:$0x9F0]  }
0x8b: {  	[tilespmem:$0x10B0] =	vst v36  }
0x8c: {  	[tilespmem:$0x10C0] =	vst v37  }
0x8d: {  	[tilespmem:$0x10D0] =	vst v1  }
0x8e: {  	[tilespmem:$0x10E0] =	vst v2  }
0x8f: {  	s9 =	rddreg [dreg:$0x6];
	[tilespmem:$0x10F0] =	vst v3  }
0x90: {  	[tilespmem:s23], [sflag:$0x6] =	stream.indirect.gather [hbm4b:s4+s21], $0x20, s9, s21, $0xb8;
	[tilespmem:$0x1B7C0] =	vst v63  }
0x91: {  	_ =	swait.ge [sflag:s3], $0x1000  }
0x92: {  	[sflag:s3] =	ssyncset.done $0x0  }
0x93: {  	[sflag:s3] =	ssyncadd.s32 $0xFFFFF000  }
0x94: {  	[spmem:s1] =	stream.indirect.scatter.add.f32 [tilespmem:s23], [sflag:$0x8], $0x20, s22, s21, $0xb8;
	[tilespmem:$0x1B7C0] =	vst v63  }
0x95: {  	_ =	swait.ge [sflag:s6], $0x1000  }
0x96: {  	[sflag:s6] =	ssyncset.done $0x0  }
0x97: {  	[sflag:s6] =	ssyncadd.s32 $0xFFFFF000  }
0x98: {  	v1 =	vld [tilespmem:$0xA00]  }
0x99: {  	v2 =	vld [tilespmem:$0xA10]  }
0x9a: {  	v3 =	vld [tilespmem:$0xA20]  }
0x9b: {  	v38 =	vld [tilespmem:$0xA30]  }
0x9c: {  	v39 =	vld [tilespmem:$0xA40]  }
0x9d: {  	[tilespmem:$0x1000] =	vst v1;
	v1 =	vld [tilespmem:$0xA50]  }
0x9e: {  	[tilespmem:$0x1010] =	vst v2;
	v2 =	vld [tilespmem:$0xA60]  }
0x9f: {  	[tilespmem:$0x1020] =	vst v3;
	v3 =	vld [tilespmem:$0xA70]  }
0xa0: {  	[tilespmem:$0x1030] =	vst v38  }
0xa1: {  	[tilespmem:$0x1040] =	vst v39  }
0xa2: {  	[tilespmem:$0x1050] =	vst v1  }
0xa3: {  	[tilespmem:$0x1060] =	vst v2  }
0xa4: {  	s9 =	rddreg [dreg:$0x7];
	[tilespmem:$0x1070] =	vst v3  }
0xa5: {  	[tilespmem:s29], [sflag:$0x5] =	stream.indirect.gather [hbm4b:s4+s21], $0x20, s9, s21, $0xb8;
	[tilespmem:$0x1B7C0] =	vst v63  }
0xa6: {  	_ =	swait.ge [sflag:s30], $0x1000  }
0xa7: {  	[sflag:s30] =	ssyncset.done $0x0  }
0xa8: {  	[sflag:s30] =	ssyncadd.s32 $0xFFFFF000  }
0xa9: {  	[spmem:s1] =	stream.indirect.scatter.add.f32 [tilespmem:s29], [sflag:$0x7], $0x20, s31, s21, $0xb8;
	[tilespmem:$0x1B7C0] =	vst v63  }
0xaa: {  	_ =	swait.ge [sflag:s0], $0x1000  }
0xab: {  	[sflag:s0] =	ssyncset.done $0x0  }
0xac: {  	[sflag:s0] =	ssyncadd.s32 $0xFFFFF000  }
0xad: {  	v1 =	vld [tilespmem:$0xA80]  }
0xae: {  	v2 =	vld [tilespmem:$0xA90]  }
0xaf: {  	v3 =	vld [tilespmem:$0xAA0]  }
0xb0: {  	v40 =	vld [tilespmem:$0xAB0]  }
0xb1: {  	v41 =	vld [tilespmem:$0xAC0]  }
0xb2: {  	[tilespmem:$0x1080] =	vst v1;
	v1 =	vld [tilespmem:$0xAD0]  }
0xb3: {  	[tilespmem:$0x1090] =	vst v2;
	v2 =	vld [tilespmem:$0xAE0]  }
0xb4: {  	[tilespmem:$0x10A0] =	vst v3;
	v3 =	vld [tilespmem:$0xAF0]  }
0xb5: {  	[tilespmem:$0x10B0] =	vst v40  }
0xb6: {  	[tilespmem:$0x10C0] =	vst v41  }
0xb7: {  	[tilespmem:$0x10D0] =	vst v1  }
0xb8: {  	[tilespmem:$0x10E0] =	vst v2  }
0xb9: {  	s9 =	rddreg [dreg:$0x8];
	[tilespmem:$0x10F0] =	vst v3  }
0xba: {  	[tilespmem:s23], [sflag:$0x6] =	stream.indirect.gather [hbm4b:s4+s21], $0x20, s9, s21, $0xb8;
	[tilespmem:$0x1B7C0] =	vst v63  }
0xbb: {  	_ =	swait.ge [sflag:s3], $0x1000  }
0xbc: {  	[sflag:s3] =	ssyncset.done $0x0  }
0xbd: {  	[sflag:s3] =	ssyncadd.s32 $0xFFFFF000  }
0xbe: {  	[spmem:s1] =	stream.indirect.scatter.add.f32 [tilespmem:s23], [sflag:$0x8], $0x20, s22, s21, $0xb8;
	[tilespmem:$0x1B7C0] =	vst v63  }
0xbf: {  	_ =	swait.ge [sflag:s6], $0x1000  }
0xc0: {  	[sflag:s6] =	ssyncset.done $0x0  }
0xc1: {  	[sflag:s6] =	ssyncadd.s32 $0xFFFFF000  }
0xc2: {  	v1 =	vld [tilespmem:$0xB00]  }
0xc3: {  	v2 =	vld [tilespmem:$0xB10]  }
0xc4: {  	v3 =	vld [tilespmem:$0xB20]  }
0xc5: {  	v42 =	vld [tilespmem:$0xB30]  }
0xc6: {  	v43 =	vld [tilespmem:$0xB40]  }
0xc7: {  	[tilespmem:$0x1000] =	vst v1;
	v1 =	vld [tilespmem:$0xB50]  }
0xc8: {  	[tilespmem:$0x1010] =	vst v2;
	v2 =	vld [tilespmem:$0xB60]  }
0xc9: {  	[tilespmem:$0x1020] =	vst v3;
	v3 =	vld [tilespmem:$0xB70]  }
0xca: {  	[tilespmem:$0x1030] =	vst v42  }
0xcb: {  	[tilespmem:$0x1040] =	vst v43  }
0xcc: {  	[tilespmem:$0x1050] =	vst v1  }
0xcd: {  	[tilespmem:$0x1060] =	vst v2  }
0xce: {  	s9 =	rddreg [dreg:$0x9];
	[tilespmem:$0x1070] =	vst v3  }
0xcf: {  	[tilespmem:s29], [sflag:$0x5] =	stream.indirect.gather [hbm4b:s4+s21], $0x20, s9, s21, $0xb8;
	[tilespmem:$0x1B7C0] =	vst v63  }
0xd0: {  	_ =	swait.ge [sflag:s30], $0x1000  }
0xd1: {  	[sflag:s30] =	ssyncset.done $0x0  }
0xd2: {  	[sflag:s30] =	ssyncadd.s32 $0xFFFFF000  }
0xd3: {  	[spmem:s1] =	stream.indirect.scatter.add.f32 [tilespmem:s29], [sflag:$0x7], $0x20, s31, s21, $0xb8;
	[tilespmem:$0x1B7C0] =	vst v63  }
0xd4: {  	_ =	swait.ge [sflag:s0], $0x1000  }
0xd5: {  	[sflag:s0] =	ssyncset.done $0x0  }
0xd6: {  	[sflag:s0] =	ssyncadd.s32 $0xFFFFF000  }
0xd7: {  	v1 =	vld [tilespmem:$0xB80]  }
0xd8: {  	v2 =	vld [tilespmem:$0xB90]  }
0xd9: {  	v3 =	vld [tilespmem:$0xBA0]  }
0xda: {  	v44 =	vld [tilespmem:$0xBB0]  }
0xdb: {  	v45 =	vld [tilespmem:$0xBC0]  }
0xdc: {  	[tilespmem:$0x1080] =	vst v1;
	v1 =	vld [tilespmem:$0xBD0]  }
0xdd: {  	[tilespmem:$0x1090] =	vst v2;
	v2 =	vld [tilespmem:$0xBE0]  }
0xde: {  	[tilespmem:$0x10A0] =	vst v3;
	v3 =	vld [tilespmem:$0xBF0]  }
0xdf: {  	[tilespmem:$0x10B0] =	vst v44  }
0xe0: {  	[tilespmem:$0x10C0] =	vst v45  }
0xe1: {  	[tilespmem:$0x10D0] =	vst v1  }
0xe2: {  	[tilespmem:$0x10E0] =	vst v2  }
0xe3: {  	s9 =	rddreg [dreg:$0xa];
	[tilespmem:$0x10F0] =	vst v3  }
0xe4: {  	[tilespmem:s23], [sflag:$0x6] =	stream.indirect.gather [hbm4b:s4+s21], $0x20, s9, s21, $0xb8;
	[tilespmem:$0x1B7C0] =	vst v63  }
0xe5: {  	_ =	swait.ge [sflag:s3], $0x1000  }
0xe6: {  	[sflag:s3] =	ssyncset.done $0x0  }
0xe7: {  	[sflag:s3] =	ssyncadd.s32 $0xFFFFF000  }
0xe8: {  	[spmem:s1] =	stream.indirect.scatter.add.f32 [tilespmem:s23], [sflag:$0x8], $0x20, s22, s21, $0xb8;
	[tilespmem:$0x1B7C0] =	vst v63  }
0xe9: {  	_ =	swait.ge [sflag:s10], $0x400  }
0xea: {  	[sflag:s10] =	ssyncset.done $0x0  }
0xeb: {  	[sflag:s10] =	ssyncadd.s32 $0xFFFFFC00  }
0xec: {  	_ =	swait.ge [sflag:s11], $0x400  }
0xed: {  	[sflag:s11] =	ssyncset.done $0x0  }
0xee: {  	[sflag:s11] =	ssyncadd.s32 $0xFFFFFC00  }
0xef: {  	_ =	swait.ge [sflag:s6], $0x1000  }
0xf0: {  	[sflag:s6] =	ssyncset.done $0x0  }
0xf1: {  	[sflag:s6] =	ssyncadd.s32 $0xFFFFF000  }
0xf2: {  	v1 =	vld [tilespmem:$0xC00]  }
0xf3: {  	v2 =	vld [tilespmem:$0xC10]  }
0xf4: {  	v3 =	vld [tilespmem:$0xC20]  }
0xf5: {  	v46 =	vld [tilespmem:$0xC30]  }
0xf6: {  	v47 =	vld [tilespmem:$0xC40]  }
0xf7: {  	[tilespmem:$0x1000] =	vst v1;
	v1 =	vld [tilespmem:$0xC50]  }
0xf8: {  	[tilespmem:$0x1010] =	vst v2;
	v2 =	vld [tilespmem:$0xC60]  }
0xf9: {  	[tilespmem:$0x1020] =	vst v3;
	v3 =	vld [tilespmem:$0xC70]  }
0xfa: {  	[tilespmem:$0x1030] =	vst v46  }
0xfb: {  	[tilespmem:$0x1040] =	vst v47  }
0xfc: {  	[tilespmem:$0x1050] =	vst v1  }
0xfd: {  	s16 =	sshrl.u32 s15, $0x3;
	[tilespmem:$0x1060] =	vst v2  }
0xfe: {  	s16 =	sadd.s32 s5, s16;
	s9 =	rddreg [dreg:$0x3];
	[tilespmem:$0x1070] =	vst v3  }
0xff: {  	[tilespmem:s2], [sflag:$0x1] =	stream.linear.gather [hbm4b:s16+s2], $0x400, $0x38;
	[tilespmem:$0x1B7C0] =	vst v63  }
0x100: {  	s16 =	sadd.s32 s14, s9  }
0x101: {  	s9 =	sadd.s32 $0x100, s16  }
0x102: {  	[tilespmem:s18], [sflag:$0x3] =	stream.linear.gather [hbm4b:s9+s2], $0x400, $0x38;
	[tilespmem:$0x1B7C0] =	vst v63  }
0x103: {  	_ = 	snop  }
0x104: {  	[tilespmem:s29], [sflag:$0x5] =	stream.indirect.gather [hbm4b:s4+s21], $0x20, s19, s21, $0xb8;
	[tilespmem:$0x1B7C0] =	vst v63  }
0x105: {  	_ =	swait.ge [sflag:s30], $0x1000  }
0x106: {  	[sflag:s30] =	ssyncset.done $0x0  }
0x107: {  	[sflag:s30] =	ssyncadd.s32 $0xFFFFF000  }
0x108: {  	[spmem:s1] =	stream.indirect.scatter.add.f32 [tilespmem:s29], [sflag:$0x7], $0x20, s31, s21, $0xb8;
	[tilespmem:$0x1B7C0] =	vst v63  }
0x109: {  	_ =	swait.ge [sflag:s0], $0x1000  }
0x10a: {  	[sflag:s0] =	ssyncset.done $0x0  }
0x10b: {  	[sflag:s0] =	ssyncadd.s32 $0xFFFFF000  }
0x10c: {  	v1 =	vld [tilespmem:$0xC80]  }
0x10d: {  	v2 =	vld [tilespmem:$0xC90]  }
0x10e: {  	v3 =	vld [tilespmem:$0xCA0]  }
0x10f: {  	v48 =	vld [tilespmem:$0xCB0]  }
0x110: {  	v49 =	vld [tilespmem:$0xCC0]  }
0x111: {  	[tilespmem:$0x1080] =	vst v1;
	v1 =	vld [tilespmem:$0xCD0]  }
0x112: {  	[tilespmem:$0x1090] =	vst v2;
	v2 =	vld [tilespmem:$0xCE0]  }
0x113: {  	[tilespmem:$0x10A0] =	vst v3;
	v3 =	vld [tilespmem:$0xCF0]  }
0x114: {  	[tilespmem:$0x10B0] =	vst v48  }
0x115: {  	[tilespmem:$0x10C0] =	vst v49  }
0x116: {  	[tilespmem:$0x10D0] =	vst v1  }
0x117: {  	[tilespmem:$0x10E0] =	vst v2  }
0x118: {  	s9 =	rddreg [dreg:$0xb];
	[tilespmem:$0x10F0] =	vst v3  }
0x119: {  	[tilespmem:s23], [sflag:$0x6] =	stream.indirect.gather [hbm4b:s4+s21], $0x20, s9, s21, $0xb8;
	[tilespmem:$0x1B7C0] =	vst v63  }
0x11a: {  	_ =	swait.ge [sflag:s3], $0x1000  }
0x11b: {  	[sflag:s3] =	ssyncset.done $0x0  }
0x11c: {  	[sflag:s3] =	ssyncadd.s32 $0xFFFFF000  }
0x11d: {  	[spmem:s1] =	stream.indirect.scatter.add.f32 [tilespmem:s23], [sflag:$0x8], $0x20, s22, s21, $0xb8;
	[tilespmem:$0x1B7C0] =	vst v63  }
0x11e: {  	_ =	swait.ge [sflag:s6], $0x1000  }
0x11f: {  	[sflag:s6] =	ssyncset.done $0x0  }
0x120: {  	[sflag:s6] =	ssyncadd.s32 $0xFFFFF000  }
0x121: {  	v1 =	vld [tilespmem:$0xD00]  }
0x122: {  	v2 =	vld [tilespmem:$0xD10]  }
0x123: {  	v3 =	vld [tilespmem:$0xD20]  }
0x124: {  	v50 =	vld [tilespmem:$0xD30]  }
0x125: {  	v51 =	vld [tilespmem:$0xD40]  }
0x126: {  	[tilespmem:$0x1000] =	vst v1;
	v1 =	vld [tilespmem:$0xD50]  }
0x127: {  	[tilespmem:$0x1010] =	vst v2;
	v2 =	vld [tilespmem:$0xD60]  }
0x128: {  	[tilespmem:$0x1020] =	vst v3;
	v3 =	vld [tilespmem:$0xD70]  }
0x129: {  	[tilespmem:$0x1030] =	vst v50  }
0x12a: {  	[tilespmem:$0x1040] =	vst v51  }
0x12b: {  	[tilespmem:$0x1050] =	vst v1  }
0x12c: {  	[tilespmem:$0x1060] =	vst v2  }
0x12d: {  	s9 =	rddreg [dreg:$0xc];
	[tilespmem:$0x1070] =	vst v3  }
0x12e: {  	[tilespmem:s29], [sflag:$0x5] =	stream.indirect.gather [hbm4b:s4+s21], $0x20, s9, s21, $0xb8;
	[tilespmem:$0x1B7C0] =	vst v63  }
0x12f: {  	_ =	swait.ge [sflag:s30], $0x1000  }
0x130: {  	[sflag:s30] =	ssyncset.done $0x0  }
0x131: {  	[sflag:s30] =	ssyncadd.s32 $0xFFFFF000  }
0x132: {  	[spmem:s1] =	stream.indirect.scatter.add.f32 [tilespmem:s29], [sflag:$0x7], $0x20, s31, s21, $0xb8;
	[tilespmem:$0x1B7C0] =	vst v63  }
0x133: {  	_ =	swait.ge [sflag:s0], $0x1000  }
0x134: {  	[sflag:s0] =	ssyncset.done $0x0  }
0x135: {  	[sflag:s0] =	ssyncadd.s32 $0xFFFFF000  }
0x136: {  	v1 =	vld [tilespmem:$0xD80]  }
0x137: {  	v2 =	vld [tilespmem:$0xD90]  }
0x138: {  	v3 =	vld [tilespmem:$0xDA0]  }
0x139: {  	v52 =	vld [tilespmem:$0xDB0]  }
0x13a: {  	v53 =	vld [tilespmem:$0xDC0]  }
0x13b: {  	[tilespmem:$0x1080] =	vst v1;
	v1 =	vld [tilespmem:$0xDD0]  }
0x13c: {  	[tilespmem:$0x1090] =	vst v2;
	v2 =	vld [tilespmem:$0xDE0]  }
0x13d: {  	[tilespmem:$0x10A0] =	vst v3;
	v3 =	vld [tilespmem:$0xDF0]  }
0x13e: {  	[tilespmem:$0x10B0] =	vst v52  }
0x13f: {  	[tilespmem:$0x10C0] =	vst v53  }
0x140: {  	[tilespmem:$0x10D0] =	vst v1  }
0x141: {  	[tilespmem:$0x10E0] =	vst v2  }
0x142: {  	s9 =	rddreg [dreg:$0xd];
	[tilespmem:$0x10F0] =	vst v3  }
0x143: {  	[tilespmem:s23], [sflag:$0x6] =	stream.indirect.gather [hbm4b:s4+s21], $0x20, s9, s21, $0xb8;
	[tilespmem:$0x1B7C0] =	vst v63  }
0x144: {  	_ =	swait.ge [sflag:s3], $0x1000  }
0x145: {  	[sflag:s3] =	ssyncset.done $0x0  }
0x146: {  	[sflag:s3] =	ssyncadd.s32 $0xFFFFF000  }
0x147: {  	[spmem:s1] =	stream.indirect.scatter.add.f32 [tilespmem:s23], [sflag:$0x8], $0x20, s22, s21, $0xb8;
	[tilespmem:$0x1B7C0] =	vst v63  }
0x148: {  	_ =	swait.ge [sflag:s6], $0x1000  }
0x149: {  	[sflag:s6] =	ssyncset.done $0x0  }
0x14a: {  	[sflag:s6] =	ssyncadd.s32 $0xFFFFF000  }
0x14b: {  	v1 =	vld [tilespmem:$0xE00]  }
0x14c: {  	v2 =	vld [tilespmem:$0xE10]  }
0x14d: {  	v3 =	vld [tilespmem:$0xE20]  }
0x14e: {  	v54 =	vld [tilespmem:$0xE30]  }
0x14f: {  	v55 =	vld [tilespmem:$0xE40]  }
0x150: {  	[tilespmem:$0x1000] =	vst v1;
	v1 =	vld [tilespmem:$0xE50]  }
0x151: {  	[tilespmem:$0x1010] =	vst v2;
	v2 =	vld [tilespmem:$0xE60]  }
0x152: {  	[tilespmem:$0x1020] =	vst v3;
	v3 =	vld [tilespmem:$0xE70]  }
0x153: {  	[tilespmem:$0x1030] =	vst v54  }
0x154: {  	[tilespmem:$0x1040] =	vst v55  }
0x155: {  	[tilespmem:$0x1050] =	vst v1  }
0x156: {  	[tilespmem:$0x1060] =	vst v2  }
0x157: {  	s9 =	rddreg [dreg:$0xe];
	[tilespmem:$0x1070] =	vst v3  }
0x158: {  	[tilespmem:s29], [sflag:$0x5] =	stream.indirect.gather [hbm4b:s4+s21], $0x20, s9, s21, $0xb8;
	[tilespmem:$0x1B7C0] =	vst v63  }
0x159: {  	_ =	swait.ge [sflag:s30], $0x1000  }
0x15a: {  	[sflag:s30] =	ssyncset.done $0x0  }
0x15b: {  	[sflag:s30] =	ssyncadd.s32 $0xFFFFF000  }
0x15c: {  	[spmem:s1] =	stream.indirect.scatter.add.f32 [tilespmem:s29], [sflag:$0x7], $0x20, s31, s21, $0xb8;
	[tilespmem:$0x1B7C0] =	vst v63  }
0x15d: {  	_ =	swait.ge [sflag:s0], $0x1000  }
0x15e: {  	[sflag:s0] =	ssyncset.done $0x0  }
0x15f: {  	[sflag:s0] =	ssyncadd.s32 $0xFFFFF000  }
0x160: {  	v1 =	vld [tilespmem:$0xE80]  }
0x161: {  	v2 =	vld [tilespmem:$0xE90]  }
0x162: {  	v3 =	vld [tilespmem:$0xEA0]  }
0x163: {  	v56 =	vld [tilespmem:$0xEB0]  }
0x164: {  	v57 =	vld [tilespmem:$0xEC0]  }
0x165: {  	[tilespmem:$0x1080] =	vst v1;
	v1 =	vld [tilespmem:$0xED0]  }
0x166: {  	[tilespmem:$0x1090] =	vst v2;
	v2 =	vld [tilespmem:$0xEE0]  }
0x167: {  	[tilespmem:$0x10A0] =	vst v3;
	v3 =	vld [tilespmem:$0xEF0]  }
0x168: {  	[tilespmem:$0x10B0] =	vst v56  }
0x169: {  	[tilespmem:$0x10C0] =	vst v57  }
0x16a: {  	[tilespmem:$0x10D0] =	vst v1  }
0x16b: {  	[tilespmem:$0x10E0] =	vst v2  }
0x16c: {  	s9 =	rddreg [dreg:$0xf];
	[tilespmem:$0x10F0] =	vst v3  }
0x16d: {  	[tilespmem:s23], [sflag:$0x6] =	stream.indirect.gather [hbm4b:s4+s21], $0x20, s9, s21, $0xb8;
	[tilespmem:$0x1B7C0] =	vst v63  }
0x16e: {  	_ =	swait.ge [sflag:s3], $0x1000  }
0x16f: {  	[sflag:s3] =	ssyncset.done $0x0  }
0x170: {  	[sflag:s3] =	ssyncadd.s32 $0xFFFFF000  }
0x171: {  	[spmem:s1] =	stream.indirect.scatter.add.f32 [tilespmem:s23], [sflag:$0x8], $0x20, s22, s21, $0xb8;
	[tilespmem:$0x1B7C0] =	vst v63  }
0x172: {  	_ =	swait.ge [sflag:s6], $0x1000  }
0x173: {  	[sflag:s6] =	ssyncset.done $0x0  }
0x174: {  	[sflag:s6] =	ssyncadd.s32 $0xFFFFF000  }
0x175: {  	v1 =	vld [tilespmem:$0xF00]  }
0x176: {  	v2 =	vld [tilespmem:$0xF10]  }
0x177: {  	v3 =	vld [tilespmem:$0xF20]  }
0x178: {  	v58 =	vld [tilespmem:$0xF30]  }
0x179: {  	v59 =	vld [tilespmem:$0xF40]  }
0x17a: {  	[tilespmem:$0x1000] =	vst v1;
	v1 =	vld [tilespmem:$0xF50]  }
0x17b: {  	[tilespmem:$0x1010] =	vst v2;
	v2 =	vld [tilespmem:$0xF60]  }
0x17c: {  	[tilespmem:$0x1020] =	vst v3;
	v3 =	vld [tilespmem:$0xF70]  }
0x17d: {  	[tilespmem:$0x1030] =	vst v58  }
0x17e: {  	[tilespmem:$0x1040] =	vst v59  }
0x17f: {  	[tilespmem:$0x1050] =	vst v1  }
0x180: {  	[tilespmem:$0x1060] =	vst v2  }
0x181: {  	[tilespmem:$0x1070] =	vst v3  }
0x182: {  	[tilespmem:s29], [sflag:$0x5] =	stream.indirect.gather [hbm4b:s4+s21], $0x20, s12, s21, $0xb8;
	[tilespmem:$0x1B7C0] =	vst v63  }
0x183: {  	_ =	swait.ge [sflag:s30], $0x1000  }
0x184: {  	[sflag:s30] =	ssyncset.done $0x0  }
0x185: {  	[sflag:s30] =	ssyncadd.s32 $0xFFFFF000  }
0x186: {  	[spmem:s1] =	stream.indirect.scatter.add.f32 [tilespmem:s29], [sflag:$0x7], $0x20, s31, s21, $0xb8;
	[tilespmem:$0x1B7C0] =	vst v63  }
0x187: {  	_ =	swait.ge [sflag:s0], $0x1000  }
0x188: {  	[sflag:s0] =	ssyncset.done $0x0  }
0x189: {  	[sflag:s0] =	ssyncadd.s32 $0xFFFFF000  }
0x18a: {  	v1 =	vld [tilespmem:$0xF80]  }
0x18b: {  	v2 =	vld [tilespmem:$0xF90]  }
0x18c: {  	v3 =	vld [tilespmem:$0xFA0]  }
0x18d: {  	v60 =	vld [tilespmem:$0xFB0]  }
0x18e: {  	v61 =	vld [tilespmem:$0xFC0]  }
0x18f: {  	[tilespmem:$0x1080] =	vst v1;
	v1 =	vld [tilespmem:$0xFD0]  }
0x190: {  	[tilespmem:$0x1090] =	vst v2;
	v2 =	vld [tilespmem:$0xFE0]  }
0x191: {  	[tilespmem:$0x10A0] =	vst v3;
	v3 =	vld [tilespmem:$0xFF0]  }
0x192: {  	[tilespmem:$0x10B0] =	vst v60  }
0x193: {  	[tilespmem:$0x10C0] =	vst v61  }
0x194: {  	[tilespmem:$0x10D0] =	vst v1  }
0x195: {  	[tilespmem:$0x10E0] =	vst v2  }
0x196: {  	[tilespmem:$0x10F0] =	vst v3  }
0x197: {  	[tilespmem:s23], [sflag:$0x6] =	stream.indirect.gather [hbm4b:s4+s21], $0x20, s8, s21, $0xb8;
	[tilespmem:$0x1B7C0] =	vst v63  }
0x198: {  	_ =	swait.ge [sflag:s3], $0x1000  }
0x199: {  	[sflag:s3] =	ssyncset.done $0x0  }
0x19a: {  	[sflag:s3] =	ssyncadd.s32 $0xFFFFF000  }
0x19b: {  	[spmem:s1] =	stream.indirect.scatter.add.f32 [tilespmem:s23], [sflag:$0x8], $0x20, s22, s21, $0xb8;
	[tilespmem:$0x1B7C0] =	vst v63  }
0x19c: {  	_ =	swait.ge [sflag:s26], $0x400  }
0x19d: {  	[sflag:s26] =	ssyncset.done $0x0  }
0x19e: {  	[sflag:s26] =	ssyncadd.s32 $0xFFFFFC00  }
0x19f: {  	_ =	swait.ge [sflag:s28], $0x400  }
0x1a0: {  	[sflag:s28] =	ssyncset.done $0x0  }
0x1a1: {  	[sflag:s28] =	ssyncadd.s32 $0xFFFFFC00  }
0x1a2: {  	_ =	swait.ge [sflag:s6], $0x1000  }
0x1a3: {  	[sflag:s6] =	ssyncset.done $0x0  }
0x1a4: {  	[sflag:s6] =	ssyncadd.s32 $0xFFFFF000  }
0x1a5: {  	v1 =	vld [tilespmem:$0x800]  }
0x1a6: {  	v2 =	vld [tilespmem:$0x810]  }
0x1a7: {  	v3 =	vld [tilespmem:$0x820]  }
0x1a8: {  	v62 =	vld [tilespmem:$0x830]  }
0x1a9: {  	v63 =	vld [tilespmem:$0x840]  }
0x1aa: {  	[tilespmem:$0x1000] =	vst v1;
	v1 =	vld [tilespmem:$0x850]  }
0x1ab: {  	[tilespmem:$0x1010] =	vst v2;
	v2 =	vld [tilespmem:$0x860]  }
0x1ac: {  	[tilespmem:$0x1020] =	vst v3;
	v3 =	vld [tilespmem:$0x870]  }
0x1ad: {  	[tilespmem:$0x1030] =	vst v62  }
0x1ae: {  	[tilespmem:$0x1040] =	vst v63  }
0x1af: {  	[tilespmem:$0x1050] =	vst v1  }
0x1b0: {  	s9 =	rddreg [dreg:$0x4];
	[tilespmem:$0x1060] =	vst v2  }
0x1b1: {  	p1 =	sne.s32 s14, $0x1800;
	s9 =	sadd.s32 s14, s9;
	[tilespmem:$0x1070] =	vst v3  }
0x1b2: {  	[tilespmem:s19], [sflag:$0x2] =	stream.linear.gather [hbm4b:s9+s2], $0x400, $0x38;
	[tilespmem:$0x1B7C0] =	vst v63  }
.Ltmp0:
0x1b3: {  	_ = 	snop;
	(pc) =	sbr.rel @p1 .LBB2_2-.Ltmp0, $4  }
0x1b4: {  	s16 =	sadd.s32 $0x180, s16  }
0x1b5: {  	[tilespmem:s20], [sflag:$0x4] =	stream.linear.gather [hbm4b:s16+s2], $0x400, $0x38;
	[tilespmem:$0x1B7C0] =	vst v63  }
0x1b6: {  	s15 =	sadd.s32 $0x800, s15;
	s14 =	sadd.s32 $0x100, s14  }
0x1b7: {  	[tilespmem:s29], [sflag:$0x5] =	stream.indirect.gather [hbm4b:s4+s21], $0x20, s2, s21, $0xb8;
	[tilespmem:$0x1B7C0] =	vst v63  }
0x1b8: {  	_ =	swait.ge [sflag:s30], $0x1000  }
0x1b9: {  	[sflag:s30] =	ssyncset.done $0x0  }
0x1ba: {  	[sflag:s30] =	ssyncadd.s32 $0xFFFFF000  }
0x1bb: {  	_ =	swait.ge [sflag:s0], $0x1000  }
0x1bc: {  	[sflag:s0] =	ssyncset.done $0x0  }
0x1bd: {  	[sflag:s0] =	ssyncadd.s32 $0xFFFFF000  }
0x1be: {  	_ =	swait.ge [sflag:s10], $0x400  }
0x1bf: {  	[sflag:s10] =	ssyncset.done $0x0  }
0x1c0: {  	[sflag:s10] =	ssyncadd.s32 $0xFFFFFC00  }
0x1c1: {  	_ =	swait.ge [sflag:s11], $0x400  }
0x1c2: {  	[sflag:s11] =	ssyncset.done $0x0  }
0x1c3: {  	[sflag:s11] =	ssyncadd.s32 $0xFFFFFC00  }
0x1c4: {  	[bflag:$0x0] =	sbarrier.arrive $0xFFFF  }
0x1c5: {  	s9 =	rddreg [dreg:$0x16]  }
0x1c6: {  	[hbm:s9], [sflag:s7] =	dma.local @p0 [spmem:s24], $0x3020  }
0x1c7: {  	s9 =	simm.s32 @p0 $0x9  }
0x1c8: {  	_ =	swait.ge @p0 [sflag:s9], $0x3020  }
0x1c9: {  	[sflag:s9] =	ssyncset.done @p0 $0x0  }
0x1ca: {  	[sflag:s9] =	ssyncadd.s32 @p0 $0xFFFFCFE0;
	s9 =	rddreg [dreg:$0x15]  }
0x1cb: {  	[hbm:s9], [sflag:s7] =	dma.local @!p0 [spmem:s25], $0x30E0  }
0x1cc: {  	s9 =	simm.s32 @!p0 $0x9  }
0x1cd: {  	_ =	swait.ge @!p0 [sflag:s9], $0x30E0  }
0x1ce: {  	s13 =	sadd.s32 $0x1, s13;
	s14 =	rddreg [dreg:$0x17]  }
0x1cf: {  	p1 =	sne.s32 s13, s14  }
.Ltmp1:
0x1d0: {  	_ = 	snop;
	(pc) =	sbr.rel @p1 .LBB2_1-.Ltmp1, $3  }
0x1d1: {  	_ =	sdelay $0x1  }
0x1d2: {  	[sflag:s9] =	ssyncset.done @!p0 $0x0  }
0x1d3: {  	[sflag:s9] =	ssyncadd.s32 @!p0 $0xFFFFCF20  }
0x1d4: {  	_ =	sfence.sel $0x180000  }
0x1d5: {  	[bflag:$0x0] =	sbarrier.arrive $0xFFFF  }
0x1d6: {  	_ =	strace $0x9000004A  }
0x1d7: {  	s0 =	stileid.u32;
	[bflag:$0x2] =	sbarrier.arrive $0xFFFF  }
0x1d8: {  	p0 =	sne.s32 s0, $0x0;
	s0 =	rddreg [dreg:$0x2]  }
0x1d9: {  	s0 =	sadd.s32 @!p0 $0x100000, s0  }
0x1da: {  	[sflag:s0] =	ssyncadd.tile.s32 @!p0 $0x1;
	_ =	shalt  }
.Lfunc_end2:
_tile_overlayer_lowered:
.L_overlay_start_2:
0x1db: {  	(tag) =	ssettag $0x2  }
0x1dc: {  	s0 =	rddreg [dreg:$0x0];
	s2 =	stileid.u32  }
0x1dd: {  	s1 =	rddreg [dreg:$0x1];
	p0 =	sne.s32 s2, $0x0  }
0x1de: {  	s3 =	rddreg [dreg:$0x2];
	[bflag:$0x3] =	sbarrier.arrive $0xFFFF;
	s2 =	simm.s32 @!p0 $0x1C09  }
0x1df: {  	[timem:s3], [sflag:s2] =	dma.local @!p0 [hbm:s0], s1  }
0x1e0: {  	s0 =	simm.s32 @!p0 $0x9  }
0x1e1: {  	_ =	swait.ge @!p0 [sflag:s0], s1  }
0x1e2: {  	s1 =	ssub.s32 @!p0 $0x0, s1;
	[sflag:s0] =	ssyncset.done @!p0 $0x0  }
0x1e3: {  	[sflag:s0] =	ssyncadd.s32 @!p0 s1  }
0x1e4: {  	[bflag:$0x3] =	sbarrier.arrive $0xFFFF  }
0x1e5: {  	_ =	shalt  }

// kernel: kernel.14.cloned.1.call-start
scs
__scs_entry_jumppad:
0x0: {  	(pc) =	sbr.rel $0x88, $3  }
0x1: {  	(tag) =	ssettag $0x0;
	lr =	simm.s32 $0x1  }
0x2: {  	[smem:$0x3F9A] =	sst lr;
	_ =	strace $0xD0000000  }
0x3: {  	_ = 	snop  }
0x4: {  	_ = 	snop  }
0x5: {  	_ = 	snop  }
0x6: {  	_ = 	snop  }
0x7: {  	_ = 	snop  }
__scs_overlays_trampoline_lowered:
0x8: {  	[smem:$0x3FA9] =	sst s0  }
0x9: {  	[smem:$0x3FAA] =	sst s1  }
0xa: {  	[smem:$0x3FAB] =	sst s2  }
0xb: {  	[smem:$0x3FAC] =	sst s3  }
0xc: {  	[smem:$0x3FAD] =	sst s4  }
0xd: {  	[smem:$0x3FAE] =	sst s5  }
0xe: {  	[smem:$0x3FAF] =	sst s6  }
0xf: {  	[smem:$0x3FB0] =	sst s7  }
0x10: {  	[smem:$0x3FB1] =	sst s8  }
0x11: {  	[smem:$0x3FB2] =	sst s9;
	s0 =	simm.s32 @!p0 $0x0  }
0x12: {  	s1 =	sld [smem:$0x3F98];
	s0 =	simm.s32 @p0 $0x1  }
0x13: {  	[smem:$0x3FB3] =	sst s0;
	s0 =	simm.s32 @!p1 $0x0  }
0x14: {  	s2 =	sld [smem:$0x3F97];
	s0 =	simm.s32 @p1 $0x1  }
0x15: {  	[smem:$0x3FB4] =	sst s0;
	s0 =	simm.s32 @!p2 $0x0  }
0x16: {  	s3 =	sld [smem:$0x3FDB];
	s0 =	simm.s32 @p2 $0x1  }
0x17: {  	s4 =	simm.s32 $0x1BF5;
	[smem:$0x3FB6] =	sst s0  }
0x18: {  	s0 =	sld [smem:$0x3F99];
	_ =	swait.ge [sflag:s4], $0x0  }
0x19: {  	s7 =	sld [smem:$0x3F9A]  }
0x1a: {  	s8 =	sadd.s32 $0xFFFFE003, lr  }
0x1b: {  	s9 =	sadd.s32 $0xFFFFFEF7, lr;
	s5 =	simm.s32 $0xFFFFFFFF;
	p2 =	slt.u32 s8, $0xFFFFF086  }
0x1c: {  	p1 =	slt.u32 s9, $0xF7A;
	s5 =	simm.s32 @!p2 $0x0  }
0x1d: {  	s5 =	simm.s32 @p1 $0x1;
	p0 =	seq.s32 s7, s2  }
0x1e: {  	s7 =	smul.u32 @!p0 $0xF7A, s2;
	p2 =	seq.s32 @!p0 s5, $0x0  }
0x1f: {  	s9 =	smul.u32 $0xF7A, s1;
	s8 =	simm.s32 @!p0 $0x1BF5;
	p2 =	por !p2, p0  }
0x20: {  	[sflag:s8] =	ssyncset.s32 @!p0 $0xFFFFF086;
	s6 =	sadd.s32 @!p0 s3, s7;
	s7 =	simm.s32 @!p0 $0x108  }
0x21: {  	s3 =	sadd.s32 s3, s9;
	s6 =	sadd.s32 @!p0 $0x88, s6;
	s7 =	simm.s32 @p2 $0x1082  }
0x22: {  	[simem:s7], [sflag:s8] =	dma.local @!p0 [hbm:s6], $0xF7A  }
0x23: {  	s9 =	sor.u32 $0xD0000000, s2;
	s6 =	simm.s32 $0x108;
	_ =	swait.ge @!p0 [sflag:s8], $0x0  }
0x24: {  	s3 =	sadd.s32 $0x88, s3;
	s6 =	simm.s32 @!p1 $0x1082;
	[sflag:s4] =	ssyncset.s32 $0xFFFFF086  }
0x25: {  	[simem:s6], [sflag:s4] =	dma.local [hbm:s3], $0xF7A  }
0x26: {  	[smem:$0x3F9A] =	sst s1;
	(tag) =	ssettag s2;
	_ =	strace s9  }
0x27: {  	s1 =	sld [smem:$0x3FAA]  }
0x28: {  	s2 =	sld [smem:$0x3FAB]  }
0x29: {  	s4 =	sld [smem:$0x3FAD]  }
0x2a: {  	p0 =	seq.s32 s5, $0x0;
	s5 =	sld [smem:$0x3FAE]  }
0x2b: {  	s6 =	sld [smem:$0x3FAF]  }
0x2c: {  	s7 =	sld [smem:$0x3FB0]  }
0x2d: {  	s3 =	simm.s32 $0x108;
	s8 =	sld [smem:$0x3FB1]  }
0x2e: {  	s3 =	simm.s32 @!p0 $0x1082;
	s9 =	sld [smem:$0x3FB2]  }
0x2f: {  	lr =	sadd.s32 s0, s3;
	s0 =	sld [smem:$0x3FA9]  }
0x30: {  	s3 =	sld [smem:$0x3FAC]  }
0x31: {  	[smem:$0x3FB5] =	sst s10  }
0x32: {  	s10 =	sld [smem:$0x3FB3];
	_ =	sdelay $0x3  }
0x33: {  	p0 =	seq.s32 s10, $0x1;
	s10 =	sld [smem:$0x3FB5];
	_ =	sdelay $0x3  }
0x34: {  	[smem:$0x3FB5] =	sst s10  }
0x35: {  	s10 =	sld [smem:$0x3FB4];
	_ =	sdelay $0x3  }
0x36: {  	p1 =	seq.s32 s10, $0x1;
	s10 =	sld [smem:$0x3FB5];
	_ =	sdelay $0x3  }
0x37: {  	[smem:$0x3FB5] =	sst s10  }
0x38: {  	s10 =	sld [smem:$0x3FB6]  }
0x39: {  	_ = 	snop;
	(pc) =	sbr.ind lr, $3  }
0x3a: {  	_ = 	snop  }
0x3b: {  	_ = 	snop  }
0x3c: {  	p2 =	seq.s32 s10, $0x1;
	s10 =	sld [smem:$0x3FB5]  }
0x3d: {  	_ =	shalt  }
0x3e: {  	_ =	shalt  }
0x3f: {  	_ =	shalt  }
0x40: {  	_ =	shalt  }
0x41: {  	_ =	shalt  }
0x42: {  	_ =	shalt  }
0x43: {  	_ =	shalt  }
0x44: {  	_ =	shalt  }
0x45: {  	_ =	shalt  }
0x46: {  	_ =	shalt  }
0x47: {  	_ =	shalt  }
0x48: {  	_ =	shalt  }
0x49: {  	_ =	shalt  }
0x4a: {  	_ =	shalt  }
0x4b: {  	_ =	shalt  }
0x4c: {  	_ =	shalt  }
0x4d: {  	_ =	shalt  }
0x4e: {  	_ =	shalt  }
0x4f: {  	_ =	shalt  }
0x50: {  	_ =	shalt  }
0x51: {  	_ =	shalt  }
0x52: {  	_ =	shalt  }
0x53: {  	_ =	shalt  }
0x54: {  	_ =	shalt  }
0x55: {  	_ =	shalt  }
0x56: {  	_ =	shalt  }
0x57: {  	_ =	shalt  }
0x58: {  	_ =	shalt  }
0x59: {  	_ =	shalt  }
0x5a: {  	_ =	shalt  }
0x5b: {  	_ =	shalt  }
0x5c: {  	_ =	shalt  }
0x5d: {  	_ =	shalt  }
0x5e: {  	_ =	shalt  }
0x5f: {  	_ =	shalt  }
0x60: {  	_ =	shalt  }
0x61: {  	_ =	shalt  }
0x62: {  	_ =	shalt  }
0x63: {  	_ =	shalt  }
0x64: {  	_ =	shalt  }
0x65: {  	_ =	shalt  }
0x66: {  	_ =	shalt  }
0x67: {  	_ =	shalt  }
0x68: {  	_ =	shalt  }
0x69: {  	_ =	shalt  }
0x6a: {  	_ =	shalt  }
0x6b: {  	_ =	shalt  }
0x6c: {  	_ =	shalt  }
0x6d: {  	_ =	shalt  }
0x6e: {  	_ =	shalt  }
0x6f: {  	_ =	shalt  }
0x70: {  	_ =	shalt  }
0x71: {  	_ =	shalt  }
0x72: {  	_ =	shalt  }
0x73: {  	_ =	shalt  }
0x74: {  	_ =	shalt  }
0x75: {  	_ =	shalt  }
0x76: {  	_ =	shalt  }
0x77: {  	_ =	shalt  }
0x78: {  	_ =	shalt  }
0x79: {  	_ =	shalt  }
0x7a: {  	_ =	shalt  }
0x7b: {  	_ =	shalt  }
0x7c: {  	_ =	shalt  }
0x7d: {  	_ =	shalt  }
0x7e: {  	_ =	shalt  }
0x7f: {  	_ =	shalt  }
0x80: {  	_ =	shalt  }
0x81: {  	_ =	shalt  }
0x82: {  	_ =	shalt  }
0x83: {  	_ =	shalt  }
0x84: {  	_ =	shalt  }
0x85: {  	_ =	shalt  }
0x86: {  	_ =	shalt  }
0x87: {  	_ =	shalt  }
.Lfunc_end0:
.L_simem_size_0:
called_computation.2_lowered:
.L_overlay_start_0:
0x88: {  	s2 =	sld [smem:$0x3FD9]  }
0x89: {  	s3 =	sld [smem:$0x3FFE];
	_ =	sdelay $0x1  }
0x8a: {  	s1 =	srdreg.scid  }
0x8b: {  	s0 =	sand.u32 $0x1, s1  }
0x8c: {  	s17 =	sshll.u32 s0, $0xA;
	s2 =	sadd.s32 s3, s2  }
0x8d: {  	s2 =	sadd.s32 s2, s17  }
0x8e: {  	[smem:$0x3FC1] =	sst s2  }
0x8f: {  	_ = 	snop  }
0x90: {  	s2 =	sld [smem:$0x3FD0];
	(tm) =	ssettm $0x1  }
0x91: {  	s18 =	sld [smem:$0x3FFB];
	_ =	sdelay $0x3  }
0x92: {  	_ =	strace s18  }
0x93: {  	s3 =	sld [smem:$0x3FFC];
	_ =	sdelay $0x3  }
0x94: {  	_ =	strace s3  }
0x95: {  	s3 =	sld [smem:$0x3FFD];
	_ =	sdelay $0x3  }
0x96: {  	_ =	strace s3  }
0x97: {  	_ =	strace $0x8FFFFFFF  }
0x98: {  	s19 =	sld [smem:$0x3FDB];
	_ =	sdelay $0x1  }
0x99: {  	s4 =	simm.s32 $_scs_section_size  }
0x9a: {  	s5 =	simm.s32 $_size__tile_overlayer_lowered;
	s6 =	simm.s32 $_tile_overlayer_lowered  }
0x9b: {  	s22 =	simm.s32 $0x1BFF;
	s21 =	sshll.u32 s6, $0x1;
	s3 =	sadd.s32 s4, s19  }
0x9c: {  	s7 =	simm.s32 $0x0;
	s20 =	sshll.u32 s5, $0x1;
	s5 =	sadd.s32 s21, s3  }
0x9d: {  	[timem:s7], [sflag:s22] =	dma.local [hbm:s5], s20  }
0x9e: {  	_ =	swait.ge [sflag:s22], s20  }
0x9f: {  	s4 =	ssub.s32 $0x0, s20;
	[sflag:s22] =	ssyncset.done $0x0  }
0xa0: {  	[sflag:s22] =	ssyncadd.s32 s4;
	_ =	sdelay $0x1  }
0xa1: {  	s23 =	simm.s32 $0x1B8B  }
0xa2: {  	_ =	swait.ge [sflag:s23], $0x1  }
0xa3: {  	[sflag:s23] =	ssyncset.done $0x0  }
0xa4: {  	s25 =	simm.s32 $0x1B8E;
	s24 =	sld [smem:$0x3FFE];
	[sflag:s23] =	ssyncadd.s32 $0xFFFFFFFF  }
0xa5: {  	s26 =	simm.s32 $execute0_lowered;
	[smem:$0x3FD2] =	sst s25  }
0xa6: {  	s5 =	sshll.u32 s26, $0x1;
	_ =	strace $0x8000004C;
	[dreg:$0x1] =	wrdreg $0xFFFFFFFF  }
0xa7: {  	s28 =	simm.s32 $_size_execute0_lowered;
	s3 =	sadd.s32 s3, s5;
	[dreg:$0x0] =	wrdreg $0x0  }
0xa8: {  	s5 =	sshll.u32 s28, $0x1;
	[dreg:$0x2] =	wrdreg s3  }
0xa9: {  	[dreg:$0x3] =	wrdreg s5  }
0xaa: {  	[dreg:$0x4] =	wrdreg $0xC0  }
0xab: {  	_ =	task [dreg:s7], $0x5FFFF  }
0xac: {  	[dreg:$0x1] =	wrdreg $0xFFFFFFFF  }
0xad: {  	[dreg:$0x0] =	wrdreg $0x60  }
0xae: {  	[dreg:$0x2] =	wrdreg s24  }
0xaf: {  	[dreg:$0x3] =	wrdreg s2  }
0xb0: {  	[dreg:$0x4] =	wrdreg $0x9  }
0xb1: {  	_ =	task.clear_ibuf [dreg:s7], $0x5FFFF;
	_ =	strace $0x9000004C  }
0xb2: {  	s29 =	simm.s32 $0x9;
	_ =	strace $0x8000004E  }
0xb3: {  	_ =	swait.ge [sflag:s29], $0x1  }
0xb4: {  	[sflag:s29] =	ssyncadd.s32 $0xFFFFFFFF  }
0xb5: {  	_ =	strace $0x9000004E  }
0xb6: {  	_ =	sfence  }
0xb7: {  	s30 =	sld [smem:$0x0];
	_ =	sdelay $0x2  }
0xb8: {  	s31 =	sshll.u32 s1, $0xD;
	s1 =	sshrl.u32 s1, $0x2  }
0xb9: {  	s3 =	sand.u32 $0x4000, s31;
	s1 =	sadd.s32 s1, s30  }
0xba: {  	s0 =	sor.u32 s3, s0;
	s1 =	sshll.u32 s1, $0x11  }
0xbb: {  	s0 =	sor.u32 s1, s0  }
0xbc: {  	s0 =	sadd.s32 $0x8F2B, s0  }
0xbd: {  	[sflag:s0] =	ssyncadd.remote.s32 $0x1  }
0xbe: {  	_ =	sfence.sel $0xFFFF  }
0xbf: {  	[dreg:$0x0] =	wrdreg $0xFFFFFFFF;
	(pc) =	sbr.abs _section_cstart, $3  }
0xc0: {  	[dreg:$0x1] =	wrdreg $0xFFFFFFFF  }
0xc1: {  	_ =	task.clear_ibuf [dreg:s7], $0x2FFFF;
	_ =	strace $0x9FFFFFFF  }
0xc2: {  	(tm) =	ssettm $0x7FFFFFFF  }
0xc3: {  	_ =	shalt  }
tec
execute0_lowered:
.L_overlay_start_1:
0x0: {  	(tag) =	ssettag $0x1  }
0x1: {  	s5 =	rddreg [dreg:$0x0]  }
0x2: {  	s8 =	rddreg [dreg:$0x1];
	s1 =	stileid.u32  }
0x3: {  	s0 =	rddreg [dreg:$0x2];
	s2 =	simm.s32 $0x0;
	s3 =	sshll.u32 s1, $0x3  }
0x4: {  	[smem:$0x7FF] =	sst s2;
	s3 =	sadd.s32 s3, s5  }
0x5: {  	_ =	strace $0x8000004D;
	s4 =	sadd.s32 $0x113600, s3;
	s3 =	simm.s32 $0x2  }
0x6: {  	[tilespmem:s2], [sflag:$0x2] =	stream.linear.gather [hbm4b:s4+s2], $0x40, $0x38;
	[tilespmem:$0x840] =	vst v63  }
0x7: {  	_ =	swait.ge [sflag:s3], $0x40  }
0x8: {  	[sflag:s3] =	ssyncset.done $0x0  }
0x9: {  	[sflag:s3] =	ssyncadd.s32 $0xFFFFFFC0  }
0xa: {  	s6 =	srdreg.scid;
	v1 =	vld [tilespmem:$0x30]  }
0xb: {  	s9 =	sand.u32 $0x1, s6;
	v2 =	vld [tilespmem:$0x20]  }
0xc: {  	s6 =	smul.u32 $0xC350, s9;
	v3 =	vld [tilespmem:$0x0]  }
0xd: {  	v4 =	vld [tilespmem:$0x10]  }
0xe: {  	s31 =	ssub.s32 $0x2, s9;
	v0 =	vmov s6  }
0xf: {  	s7 =	sshrl.u32 s31, $0x1;
	v1 =	vadd.s32 v0, v1  }
0x10: {  	s10 =	ssub.s32 s31, s7;
	v2 =	vadd.s32 v0, v2;
	[tilespmem:$0x30] =	vst v1  }
0x11: {  	s10 =	smax.u32 s10, $0x1;
	v1 =	vadd.s32 v0, v3;
	[tilespmem:$0x20] =	vst v2  }
0x12: {  	s5 =	sadd.s32 $0xB1A00, s5;
	p0 =	sne.s32 s10, $0x1;
	[tilespmem:$0x0] =	vst v1;
	v1 =	vadd.s32 v0, v4  }
.Ltmp0:
0x13: {  	s6 =	simm.s32 $0x40;
	s7 =	simm.s32 $0x1;
	[tilespmem:$0x10] =	vst v1;
	(pc) =	sbr.rel @!p0 .LBB2_2-.Ltmp0, $4  }
0x14: {  	[tilespmem:s6], [sflag:$0x1] =	stream.indirect.gather [hbm4b:s5+s6], $0x20, s2, s6, $0xb8;
	[tilespmem:$0x840] =	vst v63  }
0x15: {  	s11 =	sshll.u32 s1, $0x8;
	_ =	swait.ge [sflag:s7], $0x800  }
0x16: {  	s8 =	sadd.s32 s8, s11;
	s9 =	sshll.u32 s9, $0xC;
	[sflag:s7] =	ssyncset.done $0x0  }
0x17: {  	s8 =	sadd.s32 s9, s8;
	s9 =	sadd.s32 $0xFFFFFFFF, s10;
	[sflag:s7] =	ssyncadd.s32 $0xFFFFF800  }
.LBB2_1:
0x18: {  	[hbm4b:s8+s2] =	stream.linear.scatter [tilespmem:s6], [sflag:$0x2], $0x800, $0x38;
	[tilespmem:$0x840] =	vst v63  }
0x19: {  	p0 =	sne.s32 s9, $0x1;
	s9 =	sadd.s32 $0xFFFFFFFF, s9;
	_ =	swait.ge [sflag:s3], $0x800  }
0x1a: {  	[sflag:s3] =	ssyncset.done $0x0  }
0x1b: {  	[sflag:s3] =	ssyncadd.s32 $0xFFFFF800  }
0x1c: {  	[tilespmem:s2], [sflag:$0x2] =	stream.linear.gather [hbm4b:s4+s2], $0x40, $0x38;
	[tilespmem:$0x840] =	vst v63  }
0x1d: {  	_ =	swait.ge [sflag:s3], $0x40  }
0x1e: {  	[sflag:s3] =	ssyncset.done $0x0  }
0x1f: {  	[sflag:s3] =	ssyncadd.s32 $0xFFFFFFC0  }
0x20: {  	v1 =	vld [tilespmem:$0x30]  }
0x21: {  	v2 =	vld [tilespmem:$0x20]  }
0x22: {  	v3 =	vld [tilespmem:$0x0]  }
0x23: {  	v4 =	vld [tilespmem:$0x10];
	_ =	sdelay $0x1  }
0x24: {  	v1 =	vadd.s32 v0, v1  }
0x25: {  	v2 =	vadd.s32 v0, v2;
	[tilespmem:$0x30] =	vst v1  }
0x26: {  	v1 =	vadd.s32 v0, v3;
	[tilespmem:$0x20] =	vst v2  }
0x27: {  	[tilespmem:$0x0] =	vst v1;
	v1 =	vadd.s32 v0, v4  }
.Ltmp1:
0x28: {  	[tilespmem:$0x10] =	vst v1;
	(pc) =	sbr.rel @p0 .LBB2_1-.Ltmp1, $4  }
0x29: {  	[tilespmem:s6], [sflag:$0x1] =	stream.indirect.gather [hbm4b:s5+s6], $0x20, s2, s6, $0xb8;
	[tilespmem:$0x840] =	vst v63  }
0x2a: {  	_ =	swait.ge [sflag:s7], $0x800  }
0x2b: {  	[sflag:s7] =	ssyncset.done $0x0  }
0x2c: {  	[sflag:s7] =	ssyncadd.s32 $0xFFFFF800  }
.LBB2_2:
0x2d: {  	[hbm4b:s8+s2] =	stream.linear.scatter [tilespmem:s6], [sflag:$0x2], $0x800, $0x38;
	[tilespmem:$0x840] =	vst v63  }
0x2e: {  	_ =	swait.ge [sflag:s3], $0x800  }
0x2f: {  	[sflag:s3] =	ssyncset.done $0x0  }
0x30: {  	[sflag:s3] =	ssyncadd.s32 $0xFFFFF800  }
0x31: {  	_ =	sfence.sel $0x180000  }
0x32: {  	[bflag:$0x0] =	sbarrier.arrive $0xFFFF  }
0x33: {  	p0 =	sne.s32 s1, $0x0;
	_ =	strace $0x9000004D  }
0x34: {  	s0 =	sadd.s32 @!p0 $0x100000, s0;
	[bflag:$0x2] =	sbarrier.arrive $0xFFFF  }
0x35: {  	[sflag:s0] =	ssyncadd.tile.s32 @!p0 $0x1;
	_ =	shalt  }
.Lfunc_end2:
_tile_overlayer_lowered:
.L_overlay_start_2:
0x36: {  	(tag) =	ssettag $0x2  }
0x37: {  	s0 =	rddreg [dreg:$0x0];
	s2 =	stileid.u32  }
0x38: {  	s1 =	rddreg [dreg:$0x1];
	p0 =	sne.s32 s2, $0x0  }
0x39: {  	s3 =	rddreg [dreg:$0x2];
	[bflag:$0x3] =	sbarrier.arrive $0xFFFF;
	s2 =	simm.s32 @!p0 $0x1C02  }
0x3a: {  	[timem:s3], [sflag:s2] =	dma.local @!p0 [hbm:s0], s1  }
0x3b: {  	s0 =	simm.s32 @!p0 $0x2  }
0x3c: {  	_ =	swait.ge @!p0 [sflag:s0], s1  }
0x3d: {  	s1 =	ssub.s32 @!p0 $0x0, s1;
	[sflag:s0] =	ssyncset.done @!p0 $0x0  }
0x3e: {  	[sflag:s0] =	ssyncadd.s32 @!p0 s1  }
0x3f: {  	[bflag:$0x3] =	sbarrier.arrive $0xFFFF  }
0x40: {  	_ =	shalt  }

// kernel: kernel.8.cloned.1.call-start
scs
__scs_entry_jumppad:
0x0: {  	(pc) =	sbr.rel $0x88, $3  }
0x1: {  	(tag) =	ssettag $0x0;
	lr =	simm.s32 $0x1  }
0x2: {  	[smem:$0x3F9A] =	sst lr;
	_ =	strace $0xD0000000  }
0x3: {  	_ = 	snop  }
0x4: {  	_ = 	snop  }
0x5: {  	_ = 	snop  }
0x6: {  	_ = 	snop  }
0x7: {  	_ = 	snop  }
__scs_overlays_trampoline_lowered:
0x8: {  	[smem:$0x3FA9] =	sst s0  }
0x9: {  	[smem:$0x3FAA] =	sst s1  }
0xa: {  	[smem:$0x3FAB] =	sst s2  }
0xb: {  	[smem:$0x3FAC] =	sst s3  }
0xc: {  	[smem:$0x3FAD] =	sst s4  }
0xd: {  	[smem:$0x3FAE] =	sst s5  }
0xe: {  	[smem:$0x3FAF] =	sst s6  }
0xf: {  	[smem:$0x3FB0] =	sst s7  }
0x10: {  	[smem:$0x3FB1] =	sst s8  }
0x11: {  	[smem:$0x3FB2] =	sst s9;
	s0 =	simm.s32 @!p0 $0x0  }
0x12: {  	s1 =	sld [smem:$0x3F98];
	s0 =	simm.s32 @p0 $0x1  }
0x13: {  	[smem:$0x3FB3] =	sst s0;
	s0 =	simm.s32 @!p1 $0x0  }
0x14: {  	s2 =	sld [smem:$0x3F97];
	s0 =	simm.s32 @p1 $0x1  }
0x15: {  	[smem:$0x3FB4] =	sst s0;
	s0 =	simm.s32 @!p2 $0x0  }
0x16: {  	s3 =	sld [smem:$0x3FDB];
	s0 =	simm.s32 @p2 $0x1  }
0x17: {  	s4 =	simm.s32 $0x1BF5;
	[smem:$0x3FB6] =	sst s0  }
0x18: {  	s0 =	sld [smem:$0x3F99];
	_ =	swait.ge [sflag:s4], $0x0  }
0x19: {  	s7 =	sld [smem:$0x3F9A]  }
0x1a: {  	s8 =	sadd.s32 $0xFFFFE003, lr  }
0x1b: {  	s9 =	sadd.s32 $0xFFFFFEF7, lr;
	s5 =	simm.s32 $0xFFFFFFFF;
	p2 =	slt.u32 s8, $0xFFFFF086  }
0x1c: {  	p1 =	slt.u32 s9, $0xF7A;
	s5 =	simm.s32 @!p2 $0x0  }
0x1d: {  	s5 =	simm.s32 @p1 $0x1;
	p0 =	seq.s32 s7, s2  }
0x1e: {  	s7 =	smul.u32 @!p0 $0xF7A, s2;
	p2 =	seq.s32 @!p0 s5, $0x0  }
0x1f: {  	s9 =	smul.u32 $0xF7A, s1;
	s8 =	simm.s32 @!p0 $0x1BF5;
	p2 =	por !p2, p0  }
0x20: {  	[sflag:s8] =	ssyncset.s32 @!p0 $0xFFFFF086;
	s6 =	sadd.s32 @!p0 s3, s7;
	s7 =	simm.s32 @!p0 $0x108  }
0x21: {  	s3 =	sadd.s32 s3, s9;
	s6 =	sadd.s32 @!p0 $0x88, s6;
	s7 =	simm.s32 @p2 $0x1082  }
0x22: {  	[simem:s7], [sflag:s8] =	dma.local @!p0 [hbm:s6], $0xF7A  }
0x23: {  	s9 =	sor.u32 $0xD0000000, s2;
	s6 =	simm.s32 $0x108;
	_ =	swait.ge @!p0 [sflag:s8], $0x0  }
0x24: {  	s3 =	sadd.s32 $0x88, s3;
	s6 =	simm.s32 @!p1 $0x1082;
	[sflag:s4] =	ssyncset.s32 $0xFFFFF086  }
0x25: {  	[simem:s6], [sflag:s4] =	dma.local [hbm:s3], $0xF7A  }
0x26: {  	[smem:$0x3F9A] =	sst s1;
	(tag) =	ssettag s2;
	_ =	strace s9  }
0x27: {  	s1 =	sld [smem:$0x3FAA]  }
0x28: {  	s2 =	sld [smem:$0x3FAB]  }
0x29: {  	s4 =	sld [smem:$0x3FAD]  }
0x2a: {  	p0 =	seq.s32 s5, $0x0;
	s5 =	sld [smem:$0x3FAE]  }
0x2b: {  	s6 =	sld [smem:$0x3FAF]  }
0x2c: {  	s7 =	sld [smem:$0x3FB0]  }
0x2d: {  	s3 =	simm.s32 $0x108;
	s8 =	sld [smem:$0x3FB1]  }
0x2e: {  	s3 =	simm.s32 @!p0 $0x1082;
	s9 =	sld [smem:$0x3FB2]  }
0x2f: {  	lr =	sadd.s32 s0, s3;
	s0 =	sld [smem:$0x3FA9]  }
0x30: {  	s3 =	sld [smem:$0x3FAC]  }
0x31: {  	[smem:$0x3FB5] =	sst s10  }
0x32: {  	s10 =	sld [smem:$0x3FB3];
	_ =	sdelay $0x3  }
0x33: {  	p0 =	seq.s32 s10, $0x1;
	s10 =	sld [smem:$0x3FB5];
	_ =	sdelay $0x3  }
0x34: {  	[smem:$0x3FB5] =	sst s10  }
0x35: {  	s10 =	sld [smem:$0x3FB4];
	_ =	sdelay $0x3  }
0x36: {  	p1 =	seq.s32 s10, $0x1;
	s10 =	sld [smem:$0x3FB5];
	_ =	sdelay $0x3  }
0x37: {  	[smem:$0x3FB5] =	sst s10  }
0x38: {  	s10 =	sld [smem:$0x3FB6]  }
0x39: {  	_ = 	snop;
	(pc) =	sbr.ind lr, $3  }
0x3a: {  	_ = 	snop  }
0x3b: {  	_ = 	snop  }
0x3c: {  	p2 =	seq.s32 s10, $0x1;
	s10 =	sld [smem:$0x3FB5]  }
0x3d: {  	_ =	shalt  }
0x3e: {  	_ =	shalt  }
0x3f: {  	_ =	shalt  }
0x40: {  	_ =	shalt  }
0x41: {  	_ =	shalt  }
0x42: {  	_ =	shalt  }
0x43: {  	_ =	shalt  }
0x44: {  	_ =	shalt  }
0x45: {  	_ =	shalt  }
0x46: {  	_ =	shalt  }
0x47: {  	_ =	shalt  }
0x48: {  	_ =	shalt  }
0x49: {  	_ =	shalt  }
0x4a: {  	_ =	shalt  }
0x4b: {  	_ =	shalt  }
0x4c: {  	_ =	shalt  }
0x4d: {  	_ =	shalt  }
0x4e: {  	_ =	shalt  }
0x4f: {  	_ =	shalt  }
0x50: {  	_ =	shalt  }
0x51: {  	_ =	shalt  }
0x52: {  	_ =	shalt  }
0x53: {  	_ =	shalt  }
0x54: {  	_ =	shalt  }
0x55: {  	_ =	shalt  }
0x56: {  	_ =	shalt  }
0x57: {  	_ =	shalt  }
0x58: {  	_ =	shalt  }
0x59: {  	_ =	shalt  }
0x5a: {  	_ =	shalt  }
0x5b: {  	_ =	shalt  }
0x5c: {  	_ =	shalt  }
0x5d: {  	_ =	shalt  }
0x5e: {  	_ =	shalt  }
0x5f: {  	_ =	shalt  }
0x60: {  	_ =	shalt  }
0x61: {  	_ =	shalt  }
0x62: {  	_ =	shalt  }
0x63: {  	_ =	shalt  }
0x64: {  	_ =	shalt  }
0x65: {  	_ =	shalt  }
0x66: {  	_ =	shalt  }
0x67: {  	_ =	shalt  }
0x68: {  	_ =	shalt  }
0x69: {  	_ =	shalt  }
0x6a: {  	_ =	shalt  }
0x6b: {  	_ =	shalt  }
0x6c: {  	_ =	shalt  }
0x6d: {  	_ =	shalt  }
0x6e: {  	_ =	shalt  }
0x6f: {  	_ =	shalt  }
0x70: {  	_ =	shalt  }
0x71: {  	_ =	shalt  }
0x72: {  	_ =	shalt  }
0x73: {  	_ =	shalt  }
0x74: {  	_ =	shalt  }
0x75: {  	_ =	shalt  }
0x76: {  	_ =	shalt  }
0x77: {  	_ =	shalt  }
0x78: {  	_ =	shalt  }
0x79: {  	_ =	shalt  }
0x7a: {  	_ =	shalt  }
0x7b: {  	_ =	shalt  }
0x7c: {  	_ =	shalt  }
0x7d: {  	_ =	shalt  }
0x7e: {  	_ =	shalt  }
0x7f: {  	_ =	shalt  }
0x80: {  	_ =	shalt  }
0x81: {  	_ =	shalt  }
0x82: {  	_ =	shalt  }
0x83: {  	_ =	shalt  }
0x84: {  	_ =	shalt  }
0x85: {  	_ =	shalt  }
0x86: {  	_ =	shalt  }
0x87: {  	_ =	shalt  }
.Lfunc_end0:
.L_simem_size_0:
called_computation_lowered:
.L_overlay_start_0:
0x88: {  	s2 =	sld [smem:$0x3FD9]  }
0x89: {  	s3 =	sld [smem:$0x3FFE];
	_ =	sdelay $0x1  }
0x8a: {  	s1 =	srdreg.scid  }
0x8b: {  	s0 =	sand.u32 $0x1, s1  }
0x8c: {  	s16 =	sshll.u32 s0, $0xA;
	s2 =	sadd.s32 s3, s2  }
0x8d: {  	s2 =	sadd.s32 s2, s16  }
0x8e: {  	[smem:$0x3FC1] =	sst s2  }
0x8f: {  	_ = 	snop  }
0x90: {  	(tm) =	ssettm $0x1  }
0x91: {  	s17 =	sld [smem:$0x3FFB];
	_ =	sdelay $0x3  }
0x92: {  	_ =	strace s17  }
0x93: {  	s2 =	sld [smem:$0x3FFC];
	_ =	sdelay $0x3  }
0x94: {  	_ =	strace s2  }
0x95: {  	s2 =	sld [smem:$0x3FFD];
	_ =	sdelay $0x3  }
0x96: {  	_ =	strace s2  }
0x97: {  	_ =	strace $0x8FFFFFFF  }
0x98: {  	s18 =	sld [smem:$0x3FDB];
	_ =	sdelay $0x1  }
0x99: {  	s19 =	simm.s32 $_scs_section_size  }
0x9a: {  	s4 =	simm.s32 $_size__tile_overlayer_lowered;
	s5 =	simm.s32 $_tile_overlayer_lowered  }
0x9b: {  	s22 =	simm.s32 $0x1BFF;
	s21 =	sshll.u32 s5, $0x1;
	s2 =	sadd.s32 s19, s18  }
0x9c: {  	s6 =	simm.s32 $0x0;
	s20 =	sshll.u32 s4, $0x1;
	s4 =	sadd.s32 s21, s2  }
0x9d: {  	[timem:s6], [sflag:s22] =	dma.local [hbm:s4], s20  }
0x9e: {  	_ =	swait.ge [sflag:s22], s20  }
0x9f: {  	s3 =	ssub.s32 $0x0, s20;
	[sflag:s22] =	ssyncset.done $0x0  }
0xa0: {  	[sflag:s22] =	ssyncadd.s32 s3;
	_ =	sdelay $0x1  }
0xa1: {  	s23 =	simm.s32 $0x1B8B  }
0xa2: {  	_ =	swait.ge [sflag:s23], $0x1  }
0xa3: {  	[sflag:s23] =	ssyncset.done $0x0  }
0xa4: {  	s25 =	simm.s32 $0x1B8E;
	s24 =	sld [smem:$0x3FFE];
	[sflag:s23] =	ssyncadd.s32 $0xFFFFFFFF  }
0xa5: {  	s26 =	simm.s32 $execute0_lowered;
	[smem:$0x3FD2] =	sst s25  }
0xa6: {  	s4 =	sshll.u32 s26, $0x1;
	_ =	strace $0x80000046;
	[dreg:$0x1] =	wrdreg $0xFFFFFFFF  }
0xa7: {  	s28 =	simm.s32 $_size_execute0_lowered;
	s2 =	sadd.s32 s2, s4;
	[dreg:$0x0] =	wrdreg $0x0  }
0xa8: {  	s4 =	sshll.u32 s28, $0x1;
	[dreg:$0x2] =	wrdreg s2  }
0xa9: {  	[dreg:$0x3] =	wrdreg s4  }
0xaa: {  	[dreg:$0x4] =	wrdreg $0xC0  }
0xab: {  	_ =	task [dreg:s6], $0x5FFFF  }
0xac: {  	[dreg:$0x1] =	wrdreg $0xFFFFFFFF  }
0xad: {  	[dreg:$0x0] =	wrdreg $0x60  }
0xae: {  	[dreg:$0x2] =	wrdreg s24  }
0xaf: {  	[dreg:$0x3] =	wrdreg $0x31000  }
0xb0: {  	[dreg:$0x4] =	wrdreg $0x9  }
0xb1: {  	_ =	task.clear_ibuf [dreg:s6], $0x5FFFF;
	_ =	strace $0x90000046  }
0xb2: {  	s29 =	simm.s32 $0x9;
	_ =	strace $0x80000048  }
0xb3: {  	_ =	swait.ge [sflag:s29], $0x1  }
0xb4: {  	[sflag:s29] =	ssyncadd.s32 $0xFFFFFFFF  }
0xb5: {  	_ =	strace $0x90000048  }
0xb6: {  	_ =	sfence  }
0xb7: {  	s30 =	sld [smem:$0x0];
	_ =	sdelay $0x2  }
0xb8: {  	s31 =	sshll.u32 s1, $0xD;
	s1 =	sshrl.u32 s1, $0x2  }
0xb9: {  	s3 =	sand.u32 $0x4000, s31;
	s1 =	sadd.s32 s1, s30  }
0xba: {  	s0 =	sor.u32 s3, s0;
	s1 =	sshll.u32 s1, $0x11  }
0xbb: {  	s0 =	sor.u32 s1, s0  }
0xbc: {  	s0 =	sadd.s32 $0x8F2B, s0  }
0xbd: {  	[sflag:s0] =	ssyncadd.remote.s32 $0x1  }
0xbe: {  	_ =	sfence.sel $0xFFFF  }
0xbf: {  	[dreg:$0x0] =	wrdreg $0xFFFFFFFF;
	(pc) =	sbr.abs _section_cstart, $3  }
0xc0: {  	[dreg:$0x1] =	wrdreg $0xFFFFFFFF  }
0xc1: {  	_ =	task.clear_ibuf [dreg:s6], $0x2FFFF;
	_ =	strace $0x9FFFFFFF  }
0xc2: {  	(tm) =	ssettm $0x7FFFFFFF  }
0xc3: {  	_ =	shalt  }
tec
execute0_lowered:
.L_overlay_start_1:
0x0: {  	(tag) =	ssettag $0x1  }
0x1: {  	s0 =	rddreg [dreg:$0x0]  }
0x2: {  	s1 =	rddreg [dreg:$0x1]  }
0x3: {  	s2 =	simm.s32 $0x0;
	s3 =	srdreg.scid;
	s15 =	stileid.u32  }
0x4: {  	s17 =	simm.s32 $0x200;
	s18 =	simm.s32 $0x280;
	s28 =	simm.s32 $0x3  }
0x5: {  	s29 =	simm.s32 $0x1100;
	s30 =	simm.s32 $0x5;
	s8 =	smul.u32 $0xC800, s15  }
0x6: {  	s31 =	simm.s32 $0x1000;
	[smem:$0x7FF] =	sst s2;
	s11 =	smul.u32 $0x61B00, s15  }
0x7: {  	s3 =	sand.u32 $0x1, s3;
	s4 =	sadd.s32 $0x1800, s0;
	s14 =	smul.u32 $0x30E0, s15  }
0x8: {  	s5 =	sadd.s32 $0x63400, s0;
	s9 =	sadd.s32 $0x95600, s0;
	s23 =	smul.u32 $0x61C00, s15  }
0x9: {  	s12 =	sadd.s32 $0xAE800, s0;
	s0 =	sadd.s32 $0xB1A00, s0;
	s25 =	smul.u32 $0x1900, s15  }
0xa: {  	s20 =	sshll.u32 s15, $0x6;
	p0 =	seq.s32 s15, $0xF;
	s6 =	smul.u32 $0xC8800, s3  }
0xb: {  	_ =	strace $0x80000047;
	[dreg:$0x10] =	wrdreg s12;
	s22 =	smul.u32 $0x30D40, s3  }
0xc: {  	s7 =	ssub.s32 $0x2, s3;
	s3 =	smul.u32 $0x186A00, s3;
	[dreg:$0x7] =	wrdreg s17  }
0xd: {  	[dreg:$0x8] =	wrdreg s18;
	s17 =	simm.s32 $0x9;
	s18 =	simm.s32 $0x800  }
0xe: {  	s12 =	simm.s32 $0x700;
	s10 =	sshrl.u32 s7, $0x1;
	s19 =	sshrl.u32 s11, $0x2  }
0xf: {  	s10 =	ssub.s32 s7, s10;
	s6 =	sadd.s32 s8, s6;
	s21 =	sadd.s32 s19, s1  }
0x10: {  	s7 =	sor.u32 $0x1C09, s20;
	s8 =	sshrl.u32 s8, $0x3;
	s11 =	sadd.s32 s14, s22  }
0x11: {  	s3 =	sshrl.u32 s3, $0x3;
	s14 =	simm.s32 $0x180;
	s20 =	simm.s32 $0x300  }
0x12: {  	s22 =	simm.s32 $0x480;
	s13 =	sshrl.u32 s6, $0x3;
	[dreg:$0x6] =	wrdreg s14  }
0x13: {  	s16 =	sadd.s32 s9, s8;
	s8 =	sshrl.u32 s23, $0x2;
	[dreg:$0x9] =	wrdreg s20  }
0x14: {  	s11 =	sadd.s32 s0, s11;
	s26 =	sadd.s32 $0xC00, s6;
	[dreg:$0xb] =	wrdreg s22  }
0x15: {  	s9 =	sadd.s32 s25, s9;
	s0 =	sadd.s32 s0, s3;
	[dreg:$0x12] =	wrdreg s16  }
0x16: {  	s3 =	sadd.s32 $0x16E900, s1;
	s6 =	sadd.s32 $0x800, s6;
	[dreg:$0x15] =	wrdreg s11  }
0x17: {  	s19 =	sshrl.u32 s21, $0x3;
	s21 =	simm.s32 $0x380;
	[dreg:$0x3] =	wrdreg s9  }
0x18: {  	s23 =	simm.s32 $0x500;
	s20 =	simm.s32 $0xC00;
	[dreg:$0x18] =	wrdreg s6  }
0x19: {  	s25 =	simm.s32 $0x600;
	s22 =	simm.s32 $0x1080;
	[dreg:$0x19] =	wrdreg s19  }
0x1a: {  	s13 =	sadd.s32 s5, s13;
	s24 =	sadd.s32 $0x80, s16;
	[dreg:$0xa] =	wrdreg s21  }
0x1b: {  	s8 =	sadd.s32 s8, s1;
	s11 =	sshrl.u32 s26, $0x3;
	[dreg:$0xc] =	wrdreg s23  }
0x1c: {  	s0 =	sadd.s32 $0x2DD20, s0;
	s16 =	smax.u32 s10, $0x1;
	[dreg:$0xe] =	wrdreg s25  }
0x1d: {  	s19 =	simm.s32 $0x400;
	s21 =	simm.s32 $0x80;
	[dreg:$0x11] =	wrdreg s13  }
0x1e: {  	s26 =	simm.s32 $0x680;
	s23 =	simm.s32 $0x2100;
	[dreg:$0x14] =	wrdreg s24  }
0x1f: {  	s6 =	simm.s32 $0x7;
	s10 =	simm.s32 $0x2;
	[dreg:$0x16] =	wrdreg s0  }
0x20: {  	s13 =	sadd.s32 $0x80, s13;
	s11 =	sadd.s32 s11, s5;
	[dreg:$0x17] =	wrdreg s16  }
0x21: {  	s24 =	simm.s32 $0x580;
	[dreg:$0xf] =	wrdreg s26;
	s25 =	sshrl.u32 @!p0 s8, $0x3  }
0x22: {  	s26 =	simm.s32 $0x1;
	s0 =	simm.s32 $0x8;
	[dreg:$0x13] =	wrdreg s13  }
0x23: {  	s8 =	simm.s32 $0x780;
	[dreg:$0x4] =	wrdreg s11;
	s13 =	simm.s32 $0x100  }
0x24: {  	[dreg:$0xd] =	wrdreg s24;
	s24 =	sshrl.u32 @p0 s3, $0x3;
	s3 =	simm.s32 $0x6  }
0x25: {  	v0 =	vimm.s32 $0xC350;
	s11 =	simm.s32 $0x4;
	[dreg:$0x5] =	wrdreg s13;
	s13 =	simm.s32 $0x0  }
.LBB2_1:
0x26: {  	s9 =	rddreg [dreg:$0x10]  }
0x27: {  	s14 =	rddreg [dreg:$0x19]  }
0x28: {  	[spmem:s14], [sflag:s7] =	dma.local [hbm:s9], $0x30D8  }
0x29: {  	_ =	swait.ge [sflag:s17], $0x30D8  }
0x2a: {  	[sflag:s17] =	ssyncset.done $0x0  }
0x2b: {  	[sflag:s17] =	ssyncadd.s32 $0xFFFFCF28  }
0x2c: {  	[bflag:$0x0] =	sbarrier.arrive $0xFFFF  }
0x2d: {  	s16 =	rddreg [dreg:$0x11]  }
0x2e: {  	[tilespmem:s2], [sflag:$0x1] =	stream.linear.gather [hbm4b:s16+s2], $0x400, $0x38;
	[tilespmem:$0x1B7C0] =	vst v63  }
0x2f: {  	s14 =	rddreg [dreg:$0x12]  }
0x30: {  	[tilespmem:s18], [sflag:$0x3] =	stream.linear.gather [hbm4b:s14+s2], $0x400, $0x38;
	[tilespmem:$0x1B7C0] =	vst v63  }
0x31: {  	s15 =	rddreg [dreg:$0x13]  }
0x32: {  	[tilespmem:s19], [sflag:$0x2] =	stream.linear.gather [hbm4b:s15+s2], $0x400, $0x38;
	[tilespmem:$0x1B7C0] =	vst v63  }
0x33: {  	s16 =	rddreg [dreg:$0x14]  }
0x34: {  	[tilespmem:s20], [sflag:$0x4] =	stream.linear.gather [hbm4b:s16+s2], $0x400, $0x38;
	[tilespmem:$0x1B7C0] =	vst v63  }
0x35: {  	[tilespmem:$0x1080] =	vst v0  }
0x36: {  	[tilespmem:$0x1090] =	vst v0  }
0x37: {  	[tilespmem:$0x10A0] =	vst v0  }
0x38: {  	[tilespmem:$0x10B0] =	vst v0  }
0x39: {  	[tilespmem:$0x10C0] =	vst v0  }
0x3a: {  	[tilespmem:$0x10D0] =	vst v0  }
0x3b: {  	[tilespmem:$0x10E0] =	vst v0  }
0x3c: {  	[tilespmem:$0x10F0] =	vst v0  }
0x3d: {  	[spmem:s1] =	stream.indirect.scatter.add.f32 [tilespmem:s23], [sflag:$0x8], $0x20, s22, s21, $0xb8;
	[tilespmem:$0x1B7C0] =	vst v63  }
0x3e: {  	_ =	swait.ge [sflag:s26], $0x400  }
0x3f: {  	[sflag:s26] =	ssyncset.done $0x0  }
0x40: {  	[sflag:s26] =	ssyncadd.s32 $0xFFFFFC00  }
0x41: {  	_ =	swait.ge [sflag:s28], $0x400  }
0x42: {  	[sflag:s28] =	ssyncset.done $0x0  }
0x43: {  	[sflag:s28] =	ssyncadd.s32 $0xFFFFFC00  }
0x44: {  	v1 =	vld [tilespmem:$0x800]  }
0x45: {  	v2 =	vld [tilespmem:$0x810]  }
0x46: {  	v3 =	vld [tilespmem:$0x820]  }
0x47: {  	v4 =	vld [tilespmem:$0x830]  }
0x48: {  	v5 =	vld [tilespmem:$0x840]  }
0x49: {  	[tilespmem:$0x1000] =	vst v1;
	v1 =	vld [tilespmem:$0x850]  }
0x4a: {  	[tilespmem:$0x1010] =	vst v2;
	v2 =	vld [tilespmem:$0x860]  }
0x4b: {  	[tilespmem:$0x1020] =	vst v3;
	v3 =	vld [tilespmem:$0x870]  }
0x4c: {  	[tilespmem:$0x1030] =	vst v4  }
0x4d: {  	[tilespmem:$0x1040] =	vst v5  }
0x4e: {  	[tilespmem:$0x1050] =	vst v1  }
0x4f: {  	[tilespmem:$0x1060] =	vst v2  }
0x50: {  	s14 =	simm.s32 $0x0;
	s15 =	rddreg [dreg:$0x18];
	[tilespmem:$0x1070] =	vst v3  }
0x51: {  	[tilespmem:s29], [sflag:$0x5] =	stream.indirect.gather [hbm4b:s4+s21], $0x20, s2, s21, $0xb8;
	[tilespmem:$0x1B7C0] =	vst v63  }
.LBB2_2:
0x52: {  	_ =	swait.ge [sflag:s30], $0x1000  }
0x53: {  	[sflag:s30] =	ssyncset.done $0x0  }
0x54: {  	[sflag:s30] =	ssyncadd.s32 $0xFFFFF000  }
0x55: {  	[spmem:s1] =	stream.indirect.scatter.add.f32 [tilespmem:s29], [sflag:$0x7], $0x20, s31, s21, $0xb8;
	[tilespmem:$0x1B7C0] =	vst v63  }
0x56: {  	_ =	swait.ge [sflag:s0], $0x1000  }
0x57: {  	[sflag:s0] =	ssyncset.done $0x0  }
0x58: {  	[sflag:s0] =	ssyncadd.s32 $0xFFFFF000  }
0x59: {  	v1 =	vld [tilespmem:$0x880]  }
0x5a: {  	v2 =	vld [tilespmem:$0x890]  }
0x5b: {  	v3 =	vld [tilespmem:$0x8A0]  }
0x5c: {  	v4 =	vld [tilespmem:$0x8B0]  }
0x5d: {  	v5 =	vld [tilespmem:$0x8C0]  }
0x5e: {  	[tilespmem:$0x1080] =	vst v1;
	v1 =	vld [tilespmem:$0x8D0]  }
0x5f: {  	[tilespmem:$0x1090] =	vst v2;
	v2 =	vld [tilespmem:$0x8E0]  }
0x60: {  	[tilespmem:$0x10A0] =	vst v3;
	v3 =	vld [tilespmem:$0x8F0]  }
0x61: {  	[tilespmem:$0x10B0] =	vst v4  }
0x62: {  	[tilespmem:$0x10C0] =	vst v5  }
0x63: {  	[tilespmem:$0x10D0] =	vst v1  }
0x64: {  	[tilespmem:$0x10E0] =	vst v2  }
0x65: {  	[tilespmem:$0x10F0] =	vst v3  }
0x66: {  	[tilespmem:s23], [sflag:$0x6] =	stream.indirect.gather [hbm4b:s4+s21], $0x20, s21, s21, $0xb8;
	[tilespmem:$0x1B7C0] =	vst v63  }
0x67: {  	_ =	swait.ge [sflag:s3], $0x1000  }
0x68: {  	[sflag:s3] =	ssyncset.done $0x0  }
0x69: {  	[sflag:s3] =	ssyncadd.s32 $0xFFFFF000  }
0x6a: {  	[spmem:s1] =	stream.indirect.scatter.add.f32 [tilespmem:s23], [sflag:$0x8], $0x20, s22, s21, $0xb8;
	[tilespmem:$0x1B7C0] =	vst v63  }
0x6b: {  	_ =	swait.ge [sflag:s6], $0x1000  }
0x6c: {  	[sflag:s6] =	ssyncset.done $0x0  }
0x6d: {  	[sflag:s6] =	ssyncadd.s32 $0xFFFFF000  }
0x6e: {  	v1 =	vld [tilespmem:$0x900]  }
0x6f: {  	v2 =	vld [tilespmem:$0x910]  }
0x70: {  	v3 =	vld [tilespmem:$0x920]  }
0x71: {  	v34 =	vld [tilespmem:$0x930]  }
0x72: {  	v35 =	vld [tilespmem:$0x940]  }
0x73: {  	[tilespmem:$0x1000] =	vst v1;
	v1 =	vld [tilespmem:$0x950]  }
0x74: {  	[tilespmem:$0x1010] =	vst v2;
	v2 =	vld [tilespmem:$0x960]  }
0x75: {  	[tilespmem:$0x1020] =	vst v3;
	v3 =	vld [tilespmem:$0x970]  }
0x76: {  	[tilespmem:$0x1030] =	vst v34  }
0x77: {  	[tilespmem:$0x1040] =	vst v35  }
0x78: {  	[tilespmem:$0x1050] =	vst v1  }
0x79: {  	[tilespmem:$0x1060] =	vst v2  }
0x7a: {  	s16 =	rddreg [dreg:$0x5];
	[tilespmem:$0x1070] =	vst v3  }
0x7b: {  	[tilespmem:s29], [sflag:$0x5] =	stream.indirect.gather [hbm4b:s4+s21], $0x20, s16, s21, $0xb8;
	[tilespmem:$0x1B7C0] =	vst v63  }
0x7c: {  	_ =	swait.ge [sflag:s30], $0x1000  }
0x7d: {  	[sflag:s30] =	ssyncset.done $0x0  }
0x7e: {  	[sflag:s30] =	ssyncadd.s32 $0xFFFFF000  }
0x7f: {  	[spmem:s1] =	stream.indirect.scatter.add.f32 [tilespmem:s29], [sflag:$0x7], $0x20, s31, s21, $0xb8;
	[tilespmem:$0x1B7C0] =	vst v63  }
0x80: {  	_ =	swait.ge [sflag:s0], $0x1000  }
0x81: {  	[sflag:s0] =	ssyncset.done $0x0  }
0x82: {  	[sflag:s0] =	ssyncadd.s32 $0xFFFFF000  }
0x83: {  	v1 =	vld [tilespmem:$0x980]  }
0x84: {  	v2 =	vld [tilespmem:$0x990]  }
0x85: {  	v3 =	vld [tilespmem:$0x9A0]  }
0x86: {  	v36 =	vld [tilespmem:$0x9B0]  }
0x87: {  	v37 =	vld [tilespmem:$0x9C0]  }
0x88: {  	[tilespmem:$0x1080] =	vst v1;
	v1 =	vld [tilespmem:$0x9D0]  }
0x89: {  	[tilespmem:$0x1090] =	vst v2;
	v2 =	vld [tilespmem:$0x9E0]  }
0x8a: {  	[tilespmem:$0x10A0] =	vst v3;
	v3 =	vld [tilespmem:$0x9F0]  }
0x8b: {  	[tilespmem:$0x10B0] =	vst v36  }
0x8c: {  	[tilespmem:$0x10C0] =	vst v37  }
0x8d: {  	[tilespmem:$0x10D0] =	vst v1  }
0x8e: {  	[tilespmem:$0x10E0] =	vst v2  }
0x8f: {  	s9 =	rddreg [dreg:$0x6];
	[tilespmem:$0x10F0] =	vst v3  }
0x90: {  	[tilespmem:s23], [sflag:$0x6] =	stream.indirect.gather [hbm4b:s4+s21], $0x20, s9, s21, $0xb8;
	[tilespmem:$0x1B7C0] =	vst v63  }
0x91: {  	_ =	swait.ge [sflag:s3], $0x1000  }
0x92: {  	[sflag:s3] =	ssyncset.done $0x0  }
0x93: {  	[sflag:s3] =	ssyncadd.s32 $0xFFFFF000  }
0x94: {  	[spmem:s1] =	stream.indirect.scatter.add.f32 [tilespmem:s23], [sflag:$0x8], $0x20, s22, s21, $0xb8;
	[tilespmem:$0x1B7C0] =	vst v63  }
0x95: {  	_ =	swait.ge [sflag:s6], $0x1000  }
0x96: {  	[sflag:s6] =	ssyncset.done $0x0  }
0x97: {  	[sflag:s6] =	ssyncadd.s32 $0xFFFFF000  }
0x98: {  	v1 =	vld [tilespmem:$0xA00]  }
0x99: {  	v2 =	vld [tilespmem:$0xA10]  }
0x9a: {  	v3 =	vld [tilespmem:$0xA20]  }
0x9b: {  	v38 =	vld [tilespmem:$0xA30]  }
0x9c: {  	v39 =	vld [tilespmem:$0xA40]  }
0x9d: {  	[tilespmem:$0x1000] =	vst v1;
	v1 =	vld [tilespmem:$0xA50]  }
0x9e: {  	[tilespmem:$0x1010] =	vst v2;
	v2 =	vld [tilespmem:$0xA60]  }
0x9f: {  	[tilespmem:$0x1020] =	vst v3;
	v3 =	vld [tilespmem:$0xA70]  }
0xa0: {  	[tilespmem:$0x1030] =	vst v38  }
0xa1: {  	[tilespmem:$0x1040] =	vst v39  }
0xa2: {  	[tilespmem:$0x1050] =	vst v1  }
0xa3: {  	[tilespmem:$0x1060] =	vst v2  }
0xa4: {  	s9 =	rddreg [dreg:$0x7];
	[tilespmem:$0x1070] =	vst v3  }
0xa5: {  	[tilespmem:s29], [sflag:$0x5] =	stream.indirect.gather [hbm4b:s4+s21], $0x20, s9, s21, $0xb8;
	[tilespmem:$0x1B7C0] =	vst v63  }
0xa6: {  	_ =	swait.ge [sflag:s30], $0x1000  }
0xa7: {  	[sflag:s30] =	ssyncset.done $0x0  }
0xa8: {  	[sflag:s30] =	ssyncadd.s32 $0xFFFFF000  }
0xa9: {  	[spmem:s1] =	stream.indirect.scatter.add.f32 [tilespmem:s29], [sflag:$0x7], $0x20, s31, s21, $0xb8;
	[tilespmem:$0x1B7C0] =	vst v63  }
0xaa: {  	_ =	swait.ge [sflag:s0], $0x1000  }
0xab: {  	[sflag:s0] =	ssyncset.done $0x0  }
0xac: {  	[sflag:s0] =	ssyncadd.s32 $0xFFFFF000  }
0xad: {  	v1 =	vld [tilespmem:$0xA80]  }
0xae: {  	v2 =	vld [tilespmem:$0xA90]  }
0xaf: {  	v3 =	vld [tilespmem:$0xAA0]  }
0xb0: {  	v40 =	vld [tilespmem:$0xAB0]  }
0xb1: {  	v41 =	vld [tilespmem:$0xAC0]  }
0xb2: {  	[tilespmem:$0x1080] =	vst v1;
	v1 =	vld [tilespmem:$0xAD0]  }
0xb3: {  	[tilespmem:$0x1090] =	vst v2;
	v2 =	vld [tilespmem:$0xAE0]  }
0xb4: {  	[tilespmem:$0x10A0] =	vst v3;
	v3 =	vld [tilespmem:$0xAF0]  }
0xb5: {  	[tilespmem:$0x10B0] =	vst v40  }
0xb6: {  	[tilespmem:$0x10C0] =	vst v41  }
0xb7: {  	[tilespmem:$0x10D0] =	vst v1  }
0xb8: {  	[tilespmem:$0x10E0] =	vst v2  }
0xb9: {  	s9 =	rddreg [dreg:$0x8];
	[tilespmem:$0x10F0] =	vst v3  }
0xba: {  	[tilespmem:s23], [sflag:$0x6] =	stream.indirect.gather [hbm4b:s4+s21], $0x20, s9, s21, $0xb8;
	[tilespmem:$0x1B7C0] =	vst v63  }
0xbb: {  	_ =	swait.ge [sflag:s3], $0x1000  }
0xbc: {  	[sflag:s3] =	ssyncset.done $0x0  }
0xbd: {  	[sflag:s3] =	ssyncadd.s32 $0xFFFFF000  }
0xbe: {  	[spmem:s1] =	stream.indirect.scatter.add.f32 [tilespmem:s23], [sflag:$0x8], $0x20, s22, s21, $0xb8;
	[tilespmem:$0x1B7C0] =	vst v63  }
0xbf: {  	_ =	swait.ge [sflag:s6], $0x1000  }
0xc0: {  	[sflag:s6] =	ssyncset.done $0x0  }
0xc1: {  	[sflag:s6] =	ssyncadd.s32 $0xFFFFF000  }
0xc2: {  	v1 =	vld [tilespmem:$0xB00]  }
0xc3: {  	v2 =	vld [tilespmem:$0xB10]  }
0xc4: {  	v3 =	vld [tilespmem:$0xB20]  }
0xc5: {  	v42 =	vld [tilespmem:$0xB30]  }
0xc6: {  	v43 =	vld [tilespmem:$0xB40]  }
0xc7: {  	[tilespmem:$0x1000] =	vst v1;
	v1 =	vld [tilespmem:$0xB50]  }
0xc8: {  	[tilespmem:$0x1010] =	vst v2;
	v2 =	vld [tilespmem:$0xB60]  }
0xc9: {  	[tilespmem:$0x1020] =	vst v3;
	v3 =	vld [tilespmem:$0xB70]  }
0xca: {  	[tilespmem:$0x1030] =	vst v42  }
0xcb: {  	[tilespmem:$0x1040] =	vst v43  }
0xcc: {  	[tilespmem:$0x1050] =	vst v1  }
0xcd: {  	[tilespmem:$0x1060] =	vst v2  }
0xce: {  	s9 =	rddreg [dreg:$0x9];
	[tilespmem:$0x1070] =	vst v3  }
0xcf: {  	[tilespmem:s29], [sflag:$0x5] =	stream.indirect.gather [hbm4b:s4+s21], $0x20, s9, s21, $0xb8;
	[tilespmem:$0x1B7C0] =	vst v63  }
0xd0: {  	_ =	swait.ge [sflag:s30], $0x1000  }
0xd1: {  	[sflag:s30] =	ssyncset.done $0x0  }
0xd2: {  	[sflag:s30] =	ssyncadd.s32 $0xFFFFF000  }
0xd3: {  	[spmem:s1] =	stream.indirect.scatter.add.f32 [tilespmem:s29], [sflag:$0x7], $0x20, s31, s21, $0xb8;
	[tilespmem:$0x1B7C0] =	vst v63  }
0xd4: {  	_ =	swait.ge [sflag:s0], $0x1000  }
0xd5: {  	[sflag:s0] =	ssyncset.done $0x0  }
0xd6: {  	[sflag:s0] =	ssyncadd.s32 $0xFFFFF000  }
0xd7: {  	v1 =	vld [tilespmem:$0xB80]  }
0xd8: {  	v2 =	vld [tilespmem:$0xB90]  }
0xd9: {  	v3 =	vld [tilespmem:$0xBA0]  }
0xda: {  	v44 =	vld [tilespmem:$0xBB0]  }
0xdb: {  	v45 =	vld [tilespmem:$0xBC0]  }
0xdc: {  	[tilespmem:$0x1080] =	vst v1;
	v1 =	vld [tilespmem:$0xBD0]  }
0xdd: {  	[tilespmem:$0x1090] =	vst v2;
	v2 =	vld [tilespmem:$0xBE0]  }
0xde: {  	[tilespmem:$0x10A0] =	vst v3;
	v3 =	vld [tilespmem:$0xBF0]  }
0xdf: {  	[tilespmem:$0x10B0] =	vst v44  }
0xe0: {  	[tilespmem:$0x10C0] =	vst v45  }
0xe1: {  	[tilespmem:$0x10D0] =	vst v1  }
0xe2: {  	[tilespmem:$0x10E0] =	vst v2  }
0xe3: {  	s9 =	rddreg [dreg:$0xa];
	[tilespmem:$0x10F0] =	vst v3  }
0xe4: {  	[tilespmem:s23], [sflag:$0x6] =	stream.indirect.gather [hbm4b:s4+s21], $0x20, s9, s21, $0xb8;
	[tilespmem:$0x1B7C0] =	vst v63  }
0xe5: {  	_ =	swait.ge [sflag:s3], $0x1000  }
0xe6: {  	[sflag:s3] =	ssyncset.done $0x0  }
0xe7: {  	[sflag:s3] =	ssyncadd.s32 $0xFFFFF000  }
0xe8: {  	[spmem:s1] =	stream.indirect.scatter.add.f32 [tilespmem:s23], [sflag:$0x8], $0x20, s22, s21, $0xb8;
	[tilespmem:$0x1B7C0] =	vst v63  }
0xe9: {  	_ =	swait.ge [sflag:s10], $0x400  }
0xea: {  	[sflag:s10] =	ssyncset.done $0x0  }
0xeb: {  	[sflag:s10] =	ssyncadd.s32 $0xFFFFFC00  }
0xec: {  	_ =	swait.ge [sflag:s11], $0x400  }
0xed: {  	[sflag:s11] =	ssyncset.done $0x0  }
0xee: {  	[sflag:s11] =	ssyncadd.s32 $0xFFFFFC00  }
0xef: {  	_ =	swait.ge [sflag:s6], $0x1000  }
0xf0: {  	[sflag:s6] =	ssyncset.done $0x0  }
0xf1: {  	[sflag:s6] =	ssyncadd.s32 $0xFFFFF000  }
0xf2: {  	v1 =	vld [tilespmem:$0xC00]  }
0xf3: {  	v2 =	vld [tilespmem:$0xC10]  }
0xf4: {  	v3 =	vld [tilespmem:$0xC20]  }
0xf5: {  	v46 =	vld [tilespmem:$0xC30]  }
0xf6: {  	v47 =	vld [tilespmem:$0xC40]  }
0xf7: {  	[tilespmem:$0x1000] =	vst v1;
	v1 =	vld [tilespmem:$0xC50]  }
0xf8: {  	[tilespmem:$0x1010] =	vst v2;
	v2 =	vld [tilespmem:$0xC60]  }
0xf9: {  	[tilespmem:$0x1020] =	vst v3;
	v3 =	vld [tilespmem:$0xC70]  }
0xfa: {  	[tilespmem:$0x1030] =	vst v46  }
0xfb: {  	[tilespmem:$0x1040] =	vst v47  }
0xfc: {  	[tilespmem:$0x1050] =	vst v1  }
0xfd: {  	s16 =	sshrl.u32 s15, $0x3;
	[tilespmem:$0x1060] =	vst v2  }
0xfe: {  	s16 =	sadd.s32 s5, s16;
	s9 =	rddreg [dreg:$0x3];
	[tilespmem:$0x1070] =	vst v3  }
0xff: {  	[tilespmem:s2], [sflag:$0x1] =	stream.linear.gather [hbm4b:s16+s2], $0x400, $0x38;
	[tilespmem:$0x1B7C0] =	vst v63  }
0x100: {  	s16 =	sadd.s32 s14, s9  }
0x101: {  	s9 =	sadd.s32 $0x100, s16  }
0x102: {  	[tilespmem:s18], [sflag:$0x3] =	stream.linear.gather [hbm4b:s9+s2], $0x400, $0x38;
	[tilespmem:$0x1B7C0] =	vst v63  }
0x103: {  	_ = 	snop  }
0x104: {  	[tilespmem:s29], [sflag:$0x5] =	stream.indirect.gather [hbm4b:s4+s21], $0x20, s19, s21, $0xb8;
	[tilespmem:$0x1B7C0] =	vst v63  }
0x105: {  	_ =	swait.ge [sflag:s30], $0x1000  }
0x106: {  	[sflag:s30] =	ssyncset.done $0x0  }
0x107: {  	[sflag:s30] =	ssyncadd.s32 $0xFFFFF000  }
0x108: {  	[spmem:s1] =	stream.indirect.scatter.add.f32 [tilespmem:s29], [sflag:$0x7], $0x20, s31, s21, $0xb8;
	[tilespmem:$0x1B7C0] =	vst v63  }
0x109: {  	_ =	swait.ge [sflag:s0], $0x1000  }
0x10a: {  	[sflag:s0] =	ssyncset.done $0x0  }
0x10b: {  	[sflag:s0] =	ssyncadd.s32 $0xFFFFF000  }
0x10c: {  	v1 =	vld [tilespmem:$0xC80]  }
0x10d: {  	v2 =	vld [tilespmem:$0xC90]  }
0x10e: {  	v3 =	vld [tilespmem:$0xCA0]  }
0x10f: {  	v48 =	vld [tilespmem:$0xCB0]  }
0x110: {  	v49 =	vld [tilespmem:$0xCC0]  }
0x111: {  	[tilespmem:$0x1080] =	vst v1;
	v1 =	vld [tilespmem:$0xCD0]  }
0x112: {  	[tilespmem:$0x1090] =	vst v2;
	v2 =	vld [tilespmem:$0xCE0]  }
0x113: {  	[tilespmem:$0x10A0] =	vst v3;
	v3 =	vld [tilespmem:$0xCF0]  }
0x114: {  	[tilespmem:$0x10B0] =	vst v48  }
0x115: {  	[tilespmem:$0x10C0] =	vst v49  }
0x116: {  	[tilespmem:$0x10D0] =	vst v1  }
0x117: {  	[tilespmem:$0x10E0] =	vst v2  }
0x118: {  	s9 =	rddreg [dreg:$0xb];
	[tilespmem:$0x10F0] =	vst v3  }
0x119: {  	[tilespmem:s23], [sflag:$0x6] =	stream.indirect.gather [hbm4b:s4+s21], $0x20, s9, s21, $0xb8;
	[tilespmem:$0x1B7C0] =	vst v63  }
0x11a: {  	_ =	swait.ge [sflag:s3], $0x1000  }
0x11b: {  	[sflag:s3] =	ssyncset.done $0x0  }
0x11c: {  	[sflag:s3] =	ssyncadd.s32 $0xFFFFF000  }
0x11d: {  	[spmem:s1] =	stream.indirect.scatter.add.f32 [tilespmem:s23], [sflag:$0x8], $0x20, s22, s21, $0xb8;
	[tilespmem:$0x1B7C0] =	vst v63  }
0x11e: {  	_ =	swait.ge [sflag:s6], $0x1000  }
0x11f: {  	[sflag:s6] =	ssyncset.done $0x0  }
0x120: {  	[sflag:s6] =	ssyncadd.s32 $0xFFFFF000  }
0x121: {  	v1 =	vld [tilespmem:$0xD00]  }
0x122: {  	v2 =	vld [tilespmem:$0xD10]  }
0x123: {  	v3 =	vld [tilespmem:$0xD20]  }
0x124: {  	v50 =	vld [tilespmem:$0xD30]  }
0x125: {  	v51 =	vld [tilespmem:$0xD40]  }
0x126: {  	[tilespmem:$0x1000] =	vst v1;
	v1 =	vld [tilespmem:$0xD50]  }
0x127: {  	[tilespmem:$0x1010] =	vst v2;
	v2 =	vld [tilespmem:$0xD60]  }
0x128: {  	[tilespmem:$0x1020] =	vst v3;
	v3 =	vld [tilespmem:$0xD70]  }
0x129: {  	[tilespmem:$0x1030] =	vst v50  }
0x12a: {  	[tilespmem:$0x1040] =	vst v51  }
0x12b: {  	[tilespmem:$0x1050] =	vst v1  }
0x12c: {  	[tilespmem:$0x1060] =	vst v2  }
0x12d: {  	s9 =	rddreg [dreg:$0xc];
	[tilespmem:$0x1070] =	vst v3  }
0x12e: {  	[tilespmem:s29], [sflag:$0x5] =	stream.indirect.gather [hbm4b:s4+s21], $0x20, s9, s21, $0xb8;
	[tilespmem:$0x1B7C0] =	vst v63  }
0x12f: {  	_ =	swait.ge [sflag:s30], $0x1000  }
0x130: {  	[sflag:s30] =	ssyncset.done $0x0  }
0x131: {  	[sflag:s30] =	ssyncadd.s32 $0xFFFFF000  }
0x132: {  	[spmem:s1] =	stream.indirect.scatter.add.f32 [tilespmem:s29], [sflag:$0x7], $0x20, s31, s21, $0xb8;
	[tilespmem:$0x1B7C0] =	vst v63  }
0x133: {  	_ =	swait.ge [sflag:s0], $0x1000  }
0x134: {  	[sflag:s0] =	ssyncset.done $0x0  }
0x135: {  	[sflag:s0] =	ssyncadd.s32 $0xFFFFF000  }
0x136: {  	v1 =	vld [tilespmem:$0xD80]  }
0x137: {  	v2 =	vld [tilespmem:$0xD90]  }
0x138: {  	v3 =	vld [tilespmem:$0xDA0]  }
0x139: {  	v52 =	vld [tilespmem:$0xDB0]  }
0x13a: {  	v53 =	vld [tilespmem:$0xDC0]  }
0x13b: {  	[tilespmem:$0x1080] =	vst v1;
	v1 =	vld [tilespmem:$0xDD0]  }
0x13c: {  	[tilespmem:$0x1090] =	vst v2;
	v2 =	vld [tilespmem:$0xDE0]  }
0x13d: {  	[tilespmem:$0x10A0] =	vst v3;
	v3 =	vld [tilespmem:$0xDF0]  }
0x13e: {  	[tilespmem:$0x10B0] =	vst v52  }
0x13f: {  	[tilespmem:$0x10C0] =	vst v53  }
0x140: {  	[tilespmem:$0x10D0] =	vst v1  }
0x141: {  	[tilespmem:$0x10E0] =	vst v2  }
0x142: {  	s9 =	rddreg [dreg:$0xd];
	[tilespmem:$0x10F0] =	vst v3  }
0x143: {  	[tilespmem:s23], [sflag:$0x6] =	stream.indirect.gather [hbm4b:s4+s21], $0x20, s9, s21, $0xb8;
	[tilespmem:$0x1B7C0] =	vst v63  }
0x144: {  	_ =	swait.ge [sflag:s3], $0x1000  }
0x145: {  	[sflag:s3] =	ssyncset.done $0x0  }
0x146: {  	[sflag:s3] =	ssyncadd.s32 $0xFFFFF000  }
0x147: {  	[spmem:s1] =	stream.indirect.scatter.add.f32 [tilespmem:s23], [sflag:$0x8], $0x20, s22, s21, $0xb8;
	[tilespmem:$0x1B7C0] =	vst v63  }
0x148: {  	_ =	swait.ge [sflag:s6], $0x1000  }
0x149: {  	[sflag:s6] =	ssyncset.done $0x0  }
0x14a: {  	[sflag:s6] =	ssyncadd.s32 $0xFFFFF000  }
0x14b: {  	v1 =	vld [tilespmem:$0xE00]  }
0x14c: {  	v2 =	vld [tilespmem:$0xE10]  }
0x14d: {  	v3 =	vld [tilespmem:$0xE20]  }
0x14e: {  	v54 =	vld [tilespmem:$0xE30]  }
0x14f: {  	v55 =	vld [tilespmem:$0xE40]  }
0x150: {  	[tilespmem:$0x1000] =	vst v1;
	v1 =	vld [tilespmem:$0xE50]  }
0x151: {  	[tilespmem:$0x1010] =	vst v2;
	v2 =	vld [tilespmem:$0xE60]  }
0x152: {  	[tilespmem:$0x1020] =	vst v3;
	v3 =	vld [tilespmem:$0xE70]  }
0x153: {  	[tilespmem:$0x1030] =	vst v54  }
0x154: {  	[tilespmem:$0x1040] =	vst v55  }
0x155: {  	[tilespmem:$0x1050] =	vst v1  }
0x156: {  	[tilespmem:$0x1060] =	vst v2  }
0x157: {  	s9 =	rddreg [dreg:$0xe];
	[tilespmem:$0x1070] =	vst v3  }
0x158: {  	[tilespmem:s29], [sflag:$0x5] =	stream.indirect.gather [hbm4b:s4+s21], $0x20, s9, s21, $0xb8;
	[tilespmem:$0x1B7C0] =	vst v63  }
0x159: {  	_ =	swait.ge [sflag:s30], $0x1000  }
0x15a: {  	[sflag:s30] =	ssyncset.done $0x0  }
0x15b: {  	[sflag:s30] =	ssyncadd.s32 $0xFFFFF000  }
0x15c: {  	[spmem:s1] =	stream.indirect.scatter.add.f32 [tilespmem:s29], [sflag:$0x7], $0x20, s31, s21, $0xb8;
	[tilespmem:$0x1B7C0] =	vst v63  }
0x15d: {  	_ =	swait.ge [sflag:s0], $0x1000  }
0x15e: {  	[sflag:s0] =	ssyncset.done $0x0  }
0x15f: {  	[sflag:s0] =	ssyncadd.s32 $0xFFFFF000  }
0x160: {  	v1 =	vld [tilespmem:$0xE80]  }
0x161: {  	v2 =	vld [tilespmem:$0xE90]  }
0x162: {  	v3 =	vld [tilespmem:$0xEA0]  }
0x163: {  	v56 =	vld [tilespmem:$0xEB0]  }
0x164: {  	v57 =	vld [tilespmem:$0xEC0]  }
0x165: {  	[tilespmem:$0x1080] =	vst v1;
	v1 =	vld [tilespmem:$0xED0]  }
0x166: {  	[tilespmem:$0x1090] =	vst v2;
	v2 =	vld [tilespmem:$0xEE0]  }
0x167: {  	[tilespmem:$0x10A0] =	vst v3;
	v3 =	vld [tilespmem:$0xEF0]  }
0x168: {  	[tilespmem:$0x10B0] =	vst v56  }
0x169: {  	[tilespmem:$0x10C0] =	vst v57  }
0x16a: {  	[tilespmem:$0x10D0] =	vst v1  }
0x16b: {  	[tilespmem:$0x10E0] =	vst v2  }
0x16c: {  	s9 =	rddreg [dreg:$0xf];
	[tilespmem:$0x10F0] =	vst v3  }
0x16d: {  	[tilespmem:s23], [sflag:$0x6] =	stream.indirect.gather [hbm4b:s4+s21], $0x20, s9, s21, $0xb8;
	[tilespmem:$0x1B7C0] =	vst v63  }
0x16e: {  	_ =	swait.ge [sflag:s3], $0x1000  }
0x16f: {  	[sflag:s3] =	ssyncset.done $0x0  }
0x170: {  	[sflag:s3] =	ssyncadd.s32 $0xFFFFF000  }
0x171: {  	[spmem:s1] =	stream.indirect.scatter.add.f32 [tilespmem:s23], [sflag:$0x8], $0x20, s22, s21, $0xb8;
	[tilespmem:$0x1B7C0] =	vst v63  }
0x172: {  	_ =	swait.ge [sflag:s6], $0x1000  }
0x173: {  	[sflag:s6] =	ssyncset.done $0x0  }
0x174: {  	[sflag:s6] =	ssyncadd.s32 $0xFFFFF000  }
0x175: {  	v1 =	vld [tilespmem:$0xF00]  }
0x176: {  	v2 =	vld [tilespmem:$0xF10]  }
0x177: {  	v3 =	vld [tilespmem:$0xF20]  }
0x178: {  	v58 =	vld [tilespmem:$0xF30]  }
0x179: {  	v59 =	vld [tilespmem:$0xF40]  }
0x17a: {  	[tilespmem:$0x1000] =	vst v1;
	v1 =	vld [tilespmem:$0xF50]  }
0x17b: {  	[tilespmem:$0x1010] =	vst v2;
	v2 =	vld [tilespmem:$0xF60]  }
0x17c: {  	[tilespmem:$0x1020] =	vst v3;
	v3 =	vld [tilespmem:$0xF70]  }
0x17d: {  	[tilespmem:$0x1030] =	vst v58  }
0x17e: {  	[tilespmem:$0x1040] =	vst v59  }
0x17f: {  	[tilespmem:$0x1050] =	vst v1  }
0x180: {  	[tilespmem:$0x1060] =	vst v2  }
0x181: {  	[tilespmem:$0x1070] =	vst v3  }
0x182: {  	[tilespmem:s29], [sflag:$0x5] =	stream.indirect.gather [hbm4b:s4+s21], $0x20, s12, s21, $0xb8;
	[tilespmem:$0x1B7C0] =	vst v63  }
0x183: {  	_ =	swait.ge [sflag:s30], $0x1000  }
0x184: {  	[sflag:s30] =	ssyncset.done $0x0  }
0x185: {  	[sflag:s30] =	ssyncadd.s32 $0xFFFFF000  }
0x186: {  	[spmem:s1] =	stream.indirect.scatter.add.f32 [tilespmem:s29], [sflag:$0x7], $0x20, s31, s21, $0xb8;
	[tilespmem:$0x1B7C0] =	vst v63  }
0x187: {  	_ =	swait.ge [sflag:s0], $0x1000  }
0x188: {  	[sflag:s0] =	ssyncset.done $0x0  }
0x189: {  	[sflag:s0] =	ssyncadd.s32 $0xFFFFF000  }
0x18a: {  	v1 =	vld [tilespmem:$0xF80]  }
0x18b: {  	v2 =	vld [tilespmem:$0xF90]  }
0x18c: {  	v3 =	vld [tilespmem:$0xFA0]  }
0x18d: {  	v60 =	vld [tilespmem:$0xFB0]  }
0x18e: {  	v61 =	vld [tilespmem:$0xFC0]  }
0x18f: {  	[tilespmem:$0x1080] =	vst v1;
	v1 =	vld [tilespmem:$0xFD0]  }
0x190: {  	[tilespmem:$0x1090] =	vst v2;
	v2 =	vld [tilespmem:$0xFE0]  }
0x191: {  	[tilespmem:$0x10A0] =	vst v3;
	v3 =	vld [tilespmem:$0xFF0]  }
0x192: {  	[tilespmem:$0x10B0] =	vst v60  }
0x193: {  	[tilespmem:$0x10C0] =	vst v61  }
0x194: {  	[tilespmem:$0x10D0] =	vst v1  }
0x195: {  	[tilespmem:$0x10E0] =	vst v2  }
0x196: {  	[tilespmem:$0x10F0] =	vst v3  }
0x197: {  	[tilespmem:s23], [sflag:$0x6] =	stream.indirect.gather [hbm4b:s4+s21], $0x20, s8, s21, $0xb8;
	[tilespmem:$0x1B7C0] =	vst v63  }
0x198: {  	_ =	swait.ge [sflag:s3], $0x1000  }
0x199: {  	[sflag:s3] =	ssyncset.done $0x0  }
0x19a: {  	[sflag:s3] =	ssyncadd.s32 $0xFFFFF000  }
0x19b: {  	[spmem:s1] =	stream.indirect.scatter.add.f32 [tilespmem:s23], [sflag:$0x8], $0x20, s22, s21, $0xb8;
	[tilespmem:$0x1B7C0] =	vst v63  }
0x19c: {  	_ =	swait.ge [sflag:s26], $0x400  }
0x19d: {  	[sflag:s26] =	ssyncset.done $0x0  }
0x19e: {  	[sflag:s26] =	ssyncadd.s32 $0xFFFFFC00  }
0x19f: {  	_ =	swait.ge [sflag:s28], $0x400  }
0x1a0: {  	[sflag:s28] =	ssyncset.done $0x0  }
0x1a1: {  	[sflag:s28] =	ssyncadd.s32 $0xFFFFFC00  }
0x1a2: {  	_ =	swait.ge [sflag:s6], $0x1000  }
0x1a3: {  	[sflag:s6] =	ssyncset.done $0x0  }
0x1a4: {  	[sflag:s6] =	ssyncadd.s32 $0xFFFFF000  }
0x1a5: {  	v1 =	vld [tilespmem:$0x800]  }
0x1a6: {  	v2 =	vld [tilespmem:$0x810]  }
0x1a7: {  	v3 =	vld [tilespmem:$0x820]  }
0x1a8: {  	v62 =	vld [tilespmem:$0x830]  }
0x1a9: {  	v63 =	vld [tilespmem:$0x840]  }
0x1aa: {  	[tilespmem:$0x1000] =	vst v1;
	v1 =	vld [tilespmem:$0x850]  }
0x1ab: {  	[tilespmem:$0x1010] =	vst v2;
	v2 =	vld [tilespmem:$0x860]  }
0x1ac: {  	[tilespmem:$0x1020] =	vst v3;
	v3 =	vld [tilespmem:$0x870]  }
0x1ad: {  	[tilespmem:$0x1030] =	vst v62  }
0x1ae: {  	[tilespmem:$0x1040] =	vst v63  }
0x1af: {  	[tilespmem:$0x1050] =	vst v1  }
0x1b0: {  	s9 =	rddreg [dreg:$0x4];
	[tilespmem:$0x1060] =	vst v2  }
0x1b1: {  	p1 =	sne.s32 s14, $0x1800;
	s9 =	sadd.s32 s14, s9;
	[tilespmem:$0x1070] =	vst v3  }
0x1b2: {  	[tilespmem:s19], [sflag:$0x2] =	stream.linear.gather [hbm4b:s9+s2], $0x400, $0x38;
	[tilespmem:$0x1B7C0] =	vst v63  }
.Ltmp0:
0x1b3: {  	_ = 	snop;
	(pc) =	sbr.rel @p1 .LBB2_2-.Ltmp0, $4  }
0x1b4: {  	s16 =	sadd.s32 $0x180, s16  }
0x1b5: {  	[tilespmem:s20], [sflag:$0x4] =	stream.linear.gather [hbm4b:s16+s2], $0x400, $0x38;
	[tilespmem:$0x1B7C0] =	vst v63  }
0x1b6: {  	s15 =	sadd.s32 $0x800, s15;
	s14 =	sadd.s32 $0x100, s14  }
0x1b7: {  	[tilespmem:s29], [sflag:$0x5] =	stream.indirect.gather [hbm4b:s4+s21], $0x20, s2, s21, $0xb8;
	[tilespmem:$0x1B7C0] =	vst v63  }
0x1b8: {  	_ =	swait.ge [sflag:s30], $0x1000  }
0x1b9: {  	[sflag:s30] =	ssyncset.done $0x0  }
0x1ba: {  	[sflag:s30] =	ssyncadd.s32 $0xFFFFF000  }
0x1bb: {  	_ =	swait.ge [sflag:s0], $0x1000  }
0x1bc: {  	[sflag:s0] =	ssyncset.done $0x0  }
0x1bd: {  	[sflag:s0] =	ssyncadd.s32 $0xFFFFF000  }
0x1be: {  	_ =	swait.ge [sflag:s10], $0x400  }
0x1bf: {  	[sflag:s10] =	ssyncset.done $0x0  }
0x1c0: {  	[sflag:s10] =	ssyncadd.s32 $0xFFFFFC00  }
0x1c1: {  	_ =	swait.ge [sflag:s11], $0x400  }
0x1c2: {  	[sflag:s11] =	ssyncset.done $0x0  }
0x1c3: {  	[sflag:s11] =	ssyncadd.s32 $0xFFFFFC00  }
0x1c4: {  	[bflag:$0x0] =	sbarrier.arrive $0xFFFF  }
0x1c5: {  	s9 =	rddreg [dreg:$0x16]  }
0x1c6: {  	[hbm:s9], [sflag:s7] =	dma.local @p0 [spmem:s24], $0x3020  }
0x1c7: {  	s9 =	simm.s32 @p0 $0x9  }
0x1c8: {  	_ =	swait.ge @p0 [sflag:s9], $0x3020  }
0x1c9: {  	[sflag:s9] =	ssyncset.done @p0 $0x0  }
0x1ca: {  	[sflag:s9] =	ssyncadd.s32 @p0 $0xFFFFCFE0;
	s9 =	rddreg [dreg:$0x15]  }
0x1cb: {  	[hbm:s9], [sflag:s7] =	dma.local @!p0 [spmem:s25], $0x30E0  }
0x1cc: {  	s9 =	simm.s32 @!p0 $0x9  }
0x1cd: {  	_ =	swait.ge @!p0 [sflag:s9], $0x30E0  }
0x1ce: {  	s13 =	sadd.s32 $0x1, s13;
	s14 =	rddreg [dreg:$0x17]  }
0x1cf: {  	p1 =	sne.s32 s13, s14  }
.Ltmp1:
0x1d0: {  	_ = 	snop;
	(pc) =	sbr.rel @p1 .LBB2_1-.Ltmp1, $3  }
0x1d1: {  	_ =	sdelay $0x1  }
0x1d2: {  	[sflag:s9] =	ssyncset.done @!p0 $0x0  }
0x1d3: {  	[sflag:s9] =	ssyncadd.s32 @!p0 $0xFFFFCF20  }
0x1d4: {  	_ =	sfence.sel $0x180000  }
0x1d5: {  	[bflag:$0x0] =	sbarrier.arrive $0xFFFF  }
0x1d6: {  	_ =	strace $0x90000047  }
0x1d7: {  	s0 =	stileid.u32;
	[bflag:$0x2] =	sbarrier.arrive $0xFFFF  }
0x1d8: {  	p0 =	sne.s32 s0, $0x0;
	s0 =	rddreg [dreg:$0x2]  }
0x1d9: {  	s0 =	sadd.s32 @!p0 $0x100000, s0  }
0x1da: {  	[sflag:s0] =	ssyncadd.tile.s32 @!p0 $0x1;
	_ =	shalt  }
.Lfunc_end2:
_tile_overlayer_lowered:
.L_overlay_start_2:
0x1db: {  	(tag) =	ssettag $0x2  }
0x1dc: {  	s0 =	rddreg [dreg:$0x0];
	s2 =	stileid.u32  }
0x1dd: {  	s1 =	rddreg [dreg:$0x1];
	p0 =	sne.s32 s2, $0x0  }
0x1de: {  	s3 =	rddreg [dreg:$0x2];
	[bflag:$0x3] =	sbarrier.arrive $0xFFFF;
	s2 =	simm.s32 @!p0 $0x1C09  }
0x1df: {  	[timem:s3], [sflag:s2] =	dma.local @!p0 [hbm:s0], s1  }
0x1e0: {  	s0 =	simm.s32 @!p0 $0x9  }
0x1e1: {  	_ =	swait.ge @!p0 [sflag:s0], s1  }
0x1e2: {  	s1 =	ssub.s32 @!p0 $0x0, s1;
	[sflag:s0] =	ssyncset.done @!p0 $0x0  }
0x1e3: {  	[sflag:s0] =	ssyncadd.s32 @!p0 s1  }
0x1e4: {  	[bflag:$0x3] =	sbarrier.arrive $0xFFFF  }
0x1e5: {  	_ =	shalt  }

</sc_bundles>
